<compile_context>
chip_gen: v7x
topology: tpu7x:2x2x1
jax: 0.10.2.dev20260603
libtpu: 0.0.44.dev20260713+nightly
codegen_flags: <defaults>
</compile_context>

<pallas_src>
import jax
import jax.numpy as jnp
from jax import lax
from jax.experimental import pallas as pl
from jax.experimental.pallas import tpu as pltpu
from jax.experimental.pallas import tpu_sc as plsc

_UNITS = 768
_SCALE = _UNITS ** 0.5
_N = 4
_T = 8192
_NC = 2
_NS = 16
_NW = _NC * _NS
_ROWS_PER_W = _T // _NW
_CROWS = 64
_NCHUNK = _ROWS_PER_W // _CROWS
_LPR = _UNITS // 16


def _sc_body(table_hbm, out_hbm, buf0, buf1, rsem0, rsem1, wsem0, wsem1):
    wid = lax.axis_index("s") * _NC + lax.axis_index("c")
    base = wid * _ROWS_PER_W
    bufs = (buf0, buf1)
    rsems = (rsem0, rsem1)
    wsems = (wsem0, wsem1)

    def make_scale(buf):
        def scale_row(r, _):
            for c in range(_LPR):
                sl = pl.ds(c * 16, 16)
                buf[r, sl] = buf[r, sl] * _SCALE
            return 0
        return scale_row

    reads = {}
    writes = {}
    reads[0] = pltpu.async_copy(
        table_hbm.at[pl.ds(base, _CROWS), :], bufs[0], rsems[0])
    for g in range(_NCHUNK):
        b = g & 1
        nb = (g + 1) & 1
        if g + 1 < _NCHUNK:
            for c in writes.pop(g - 1, ()):
                c.wait()
            row0 = base + (g + 1) * _CROWS
            reads[g + 1] = pltpu.async_copy(
                table_hbm.at[pl.ds(row0, _CROWS), :], bufs[nb], rsems[nb])
        reads.pop(g).wait()
        lax.fori_loop(0, _CROWS, make_scale(bufs[b]), 0)
        row0 = base + g * _CROWS
        writes[g] = [
            pltpu.async_copy(
                bufs[b], out_hbm.at[n, pl.ds(row0, _CROWS), :], wsems[b])
            for n in range(_N)
        ]
    for g in sorted(writes):
        for c in writes[g]:
            c.wait()


def kernel(inputs, table):
    n, t = inputs.shape
    units = table.shape[1]
    mesh = plsc.VectorSubcoreMesh(core_axis_name="c", subcore_axis_name="s")
    run = pl.kernel(
        _sc_body,
        out_type=jax.ShapeDtypeStruct((n, t, units), table.dtype),
        mesh=mesh,
        scratch_types=[
            pltpu.VMEM((_CROWS, _UNITS), jnp.float32),
            pltpu.VMEM((_CROWS, _UNITS), jnp.float32),
            pltpu.SemaphoreType.DMA,
            pltpu.SemaphoreType.DMA,
            pltpu.SemaphoreType.DMA,
            pltpu.SemaphoreType.DMA,
        ],
    )
    return run(table)

# --- scband reference (transcript-rebuilt; emitter-appended) ---
"""Pipeline reference for scband-positional-encoding-46385646797392 (READ-ONLY COPY).

The authoritative reference and input builder live on the scoring server;
editing this copy changes nothing except your own understanding.
"""

import jax, jax.numpy as jnp
import numpy as np

UNITS = 768
ZERO_PAD = True
SCALE = True
N, T = 4, 8192


def _build_table(T, units, zero_pad):
    pos = np.arange(T, dtype=np.float64)[:, None]
    i = np.arange(units, dtype=np.float64)[None, :]
    enc = pos / np.power(10000.0, 2.0 * i / units)
    enc[:, 0::2] = np.sin(enc[:, 0::2])
    enc[:, 1::2] = np.cos(enc[:, 1::2])
    table = jnp.asarray(enc, dtype=jnp.float32)
    if zero_pad:
        table = jnp.concatenate([jnp.zeros((1, units), dtype=jnp.float32), table[1:, :]], axis=0)
    return table


def setup_inputs(seed: int = 0) -> dict:
    key = jax.random.key(seed)
    inputs = jax.random.randint(key, (N, T), 0, 32000, dtype=jnp.int32)
    table = _build_table(T, UNITS, ZERO_PAD)
    return {"inputs": inputs, "table": table}


def reference(inputs, table):
    n, t = inputs.shape
    # position indices: tile(range(T), [N, 1]) -- content of `inputs` only provides shape
    position_ind = jnp.tile(jnp.arange(t, dtype=jnp.int32)[None, :], (n, 1))
    # embedding lookup (gather)
    outputs = jnp.take(table, position_ind, axis=0)
    if SCALE:
        outputs = outputs * (UNITS ** 0.5)
    return outputs

if __name__ == "__main__":
    import jax
    _d = setup_inputs()
    print(jax.jit(kernel)(*tuple(_d.values())))

</pallas_src>

<mosaic_0001>
#map = affine_map<(d0, d1) -> (0, 0)>
#map1 = affine_map<(d0, d1) -> (0, 0, 0)>
module attributes {stable_mosaic.version = 14 : i64} {
  func.func @_sc_body(%arg0: i32, %arg1: i32, %arg2: memref<8192x768xf32, #tpu.memory_space<hbm>>, %arg3: memref<4x8192x768xf32, #tpu.memory_space<hbm>>, %arg4: memref<64x768xf32, #tpu.memory_space<vmem>>, %arg5: memref<64x768xf32, #tpu.memory_space<vmem>>, %arg6: memref<!tpu.dma_semaphore, #tpu.memory_space<semaphore_mem>>, %arg7: memref<!tpu.dma_semaphore, #tpu.memory_space<semaphore_mem>>, %arg8: memref<!tpu.dma_semaphore, #tpu.memory_space<semaphore_mem>>, %arg9: memref<!tpu.dma_semaphore, #tpu.memory_space<semaphore_mem>>) attributes {dimension_semantics = [#tpu.dimension_semantics<core_parallel>, #tpu.dimension_semantics<subcore_parallel>], iteration_bounds = array<i64: 2, 16>, scalar_prefetch = 0 : i64, scratch_operands = 6 : i64, tpu.core_type = #tpu.core_type<sc_vector_subcore>, window_params = [{transform_indices = #map}, {transform_indices = #map1}]} {
    %mul3A = arith.constant 2 : i32
    %mul3A_0 = arith.muli %arg1, %mul3A : i32
    %add3A = arith.addi %mul3A_0, %arg0 : i32
    %mul3A_1 = arith.constant 256 : i32
    %mul3A_2 = arith.muli %add3A, %mul3A_1 : i32
    %dma_start3A = arith.constant 0 : i32
    %dma_start3A_3 = tpu.memref_slice %arg2[%mul3A_2, %dma_start3A] : memref<8192x768xf32, #tpu.memory_space<hbm>> -> memref<64x768xf32, #tpu.memory_space<hbm>>
    %dma_start3A_4 = arith.constant 0 : i32
    %dma_start3A_5 = tpu.memref_slice %arg2[%mul3A_2, %dma_start3A_4] : memref<8192x768xf32, #tpu.memory_space<hbm>> -> memref<64x768xf32, #tpu.memory_space<hbm>>
    tpu.enqueue_dma source(%dma_start3A_5 : memref<64x768xf32, #tpu.memory_space<hbm>>) target(%arg4 : memref<64x768xf32, #tpu.memory_space<vmem>>) target_semaphore(%arg6 : memref<!tpu.dma_semaphore, #tpu.memory_space<semaphore_mem>>)
    %add3A_6 = arith.constant 64 : i32
    %add3A_7 = arith.addi %mul3A_2, %add3A_6 : i32
    %dma_start3A_8 = arith.constant 0 : i32
    %dma_start3A_9 = tpu.memref_slice %arg2[%add3A_7, %dma_start3A_8] : memref<8192x768xf32, #tpu.memory_space<hbm>> -> memref<64x768xf32, #tpu.memory_space<hbm>>
    %dma_start3A_10 = arith.constant 0 : i32
    %dma_start3A_11 = tpu.memref_slice %arg2[%add3A_7, %dma_start3A_10] : memref<8192x768xf32, #tpu.memory_space<hbm>> -> memref<64x768xf32, #tpu.memory_space<hbm>>
    tpu.enqueue_dma source(%dma_start3A_11 : memref<64x768xf32, #tpu.memory_space<hbm>>) target(%arg5 : memref<64x768xf32, #tpu.memory_space<vmem>>) target_semaphore(%arg7 : memref<!tpu.dma_semaphore, #tpu.memory_space<semaphore_mem>>)
    %dma_wait3A = arith.constant 0 : i32
    %dma_wait3A_12 = tpu.memref_slice %arg2[%mul3A_2, %dma_wait3A] : memref<8192x768xf32, #tpu.memory_space<hbm>> -> memref<64x768xf32, #tpu.memory_space<hbm>>
    %dma_wait3A_13 = arith.constant 0 : i32
    %dma_wait3A_14 = tpu.memref_slice %arg2[%mul3A_2, %dma_wait3A_13] : memref<8192x768xf32, #tpu.memory_space<hbm>> -> memref<64x768xf32, #tpu.memory_space<hbm>>
    tpu.wait_dma2 semaphore(%arg6 : memref<!tpu.dma_semaphore, #tpu.memory_space<semaphore_mem>>) src(%dma_wait3A_14 : memref<64x768xf32, #tpu.memory_space<hbm>>) dst(%arg4 : memref<64x768xf32, #tpu.memory_space<vmem>>)
    %scan3A = arith.constant 0 : i32
    %scan3A_15 = arith.constant 0 : i32
    %scan3A_16 = arith.constant 64 : i32
    %scan3A_17 = arith.addi %scan3A_15, %scan3A_16 : i32
    %scan3A_18 = arith.constant 1 : i32
    %scan3A_19 = scf.for %scan3A_298 = %scan3A_15 to %scan3A_17 step %scan3A_18 iter_args(%scan3A_299 = %scan3A) -> (i32)  : i32 {
      %get3A = arith.index_cast %scan3A_298 : i32 to index
      %get3A_300 = arith.constant 0 : index
      %get3A_301 = tpu.vector_load %arg4[%get3A, %get3A_300] {strides = array<i32>} : memref<64x768xf32, #tpu.memory_space<vmem>>, vector<1x16xf32>,
      %get3A_302 = vector.shape_cast %get3A_301 : vector<1x16xf32> to vector<16xf32>
      %mul3A_303 = arith.constant 27.7128124 : f32
      %mul3A_304 = vector.broadcast %mul3A_303 : f32 to vector<16xf32>
      %mul3A_305 = arith.mulf %get3A_302, %mul3A_304 : vector<16xf32>
      %swap3A = arith.index_cast %scan3A_298 : i32 to index
      %swap3A_306 = arith.constant 0 : index
      %swap3A_307 = tpu.vector_load %arg4[%swap3A, %swap3A_306] {strides = array<i32>} : memref<64x768xf32, #tpu.memory_space<vmem>>, vector<1x16xf32>,
      %swap3A_308 = vector.shape_cast %swap3A_307 : vector<1x16xf32> to vector<16xf32>
      %swap3A_309 = vector.shape_cast %mul3A_305 : vector<16xf32> to vector<1x16xf32>
      tpu.vector_store %arg4[%swap3A, %swap3A_306], %swap3A_309 {strides = array<i32>} : memref<64x768xf32, #tpu.memory_space<vmem>>, vector<1x16xf32>,
      %get3A_310 = arith.index_cast %scan3A_298 : i32 to index
      %get3A_311 = arith.constant 16 : index
      %get3A_312 = tpu.vector_load %arg4[%get3A_310, %get3A_311] {strides = array<i32>} : memref<64x768xf32, #tpu.memory_space<vmem>>, vector<1x16xf32>,
      %get3A_313 = vector.shape_cast %get3A_312 : vector<1x16xf32> to vector<16xf32>
      %mul3A_314 = arith.constant 27.7128124 : f32
      %mul3A_315 = vector.broadcast %mul3A_314 : f32 to vector<16xf32>
      %mul3A_316 = arith.mulf %get3A_313, %mul3A_315 : vector<16xf32>
      %swap3A_317 = arith.index_cast %scan3A_298 : i32 to index
      %swap3A_318 = arith.constant 16 : index
      %swap3A_319 = tpu.vector_load %arg4[%swap3A_317, %swap3A_318] {strides = array<i32>} : memref<64x768xf32, #tpu.memory_space<vmem>>, vector<1x16xf32>,
      %swap3A_320 = vector.shape_cast %swap3A_319 : vector<1x16xf32> to vector<16xf32>
      %swap3A_321 = vector.shape_cast %mul3A_316 : vector<16xf32> to vector<1x16xf32>
      tpu.vector_store %arg4[%swap3A_317, %swap3A_318], %swap3A_321 {strides = array<i32>} : memref<64x768xf32, #tpu.memory_space<vmem>>, vector<1x16xf32>,
      %get3A_322 = arith.index_cast %scan3A_298 : i32 to index
      %get3A_323 = arith.constant 32 : index
      %get3A_324 = tpu.vector_load %arg4[%get3A_322, %get3A_323] {strides = array<i32>} : memref<64x768xf32, #tpu.memory_space<vmem>>, vector<1x16xf32>,
      %get3A_325 = vector.shape_cast %get3A_324 : vector<1x16xf32> to vector<16xf32>
      %mul3A_326 = arith.constant 27.7128124 : f32
      %mul3A_327 = vector.broadcast %mul3A_326 : f32 to vector<16xf32>
      %mul3A_328 = arith.mulf %get3A_325, %mul3A_327 : vector<16xf32>
      %swap3A_329 = arith.index_cast %scan3A_298 : i32 to index
      %swap3A_330 = arith.constant 32 : index
      %swap3A_331 = tpu.vector_load %arg4[%swap3A_329, %swap3A_330] {strides = array<i32>} : memref<64x768xf32, #tpu.memory_space<vmem>>, vector<1x16xf32>,
      %swap3A_332 = vector.shape_cast %swap3A_331 : vector<1x16xf32> to vector<16xf32>
      %swap3A_333 = vector.shape_cast %mul3A_328 : vector<16xf32> to vector<1x16xf32>
      tpu.vector_store %arg4[%swap3A_329, %swap3A_330], %swap3A_333 {strides = array<i32>} : memref<64x768xf32, #tpu.memory_space<vmem>>, vector<1x16xf32>,
      %get3A_334 = arith.index_cast %scan3A_298 : i32 to index
      %get3A_335 = arith.constant 48 : index
      %get3A_336 = tpu.vector_load %arg4[%get3A_334, %get3A_335] {strides = array<i32>} : memref<64x768xf32, #tpu.memory_space<vmem>>, vector<1x16xf32>,
      %get3A_337 = vector.shape_cast %get3A_336 : vector<1x16xf32> to vector<16xf32>
      %mul3A_338 = arith.constant 27.7128124 : f32
      %mul3A_339 = vector.broadcast %mul3A_338 : f32 to vector<16xf32>
      %mul3A_340 = arith.mulf %get3A_337, %mul3A_339 : vector<16xf32>
      %swap3A_341 = arith.index_cast %scan3A_298 : i32 to index
      %swap3A_342 = arith.constant 48 : index
      %swap3A_343 = tpu.vector_load %arg4[%swap3A_341, %swap3A_342] {strides = array<i32>} : memref<64x768xf32, #tpu.memory_space<vmem>>, vector<1x16xf32>,
      %swap3A_344 = vector.shape_cast %swap3A_343 : vector<1x16xf32> to vector<16xf32>
      %swap3A_345 = vector.shape_cast %mul3A_340 : vector<16xf32> to vector<1x16xf32>
      tpu.vector_store %arg4[%swap3A_341, %swap3A_342], %swap3A_345 {strides = array<i32>} : memref<64x768xf32, #tpu.memory_space<vmem>>, vector<1x16xf32>,
      %get3A_346 = arith.index_cast %scan3A_298 : i32 to index
      %get3A_347 = arith.constant 64 : index
      %get3A_348 = tpu.vector_load %arg4[%get3A_346, %get3A_347] {strides = array<i32>} : memref<64x768xf32, #tpu.memory_space<vmem>>, vector<1x16xf32>,
      %get3A_349 = vector.shape_cast %get3A_348 : vector<1x16xf32> to vector<16xf32>
      %mul3A_350 = arith.constant 27.7128124 : f32
      %mul3A_351 = vector.broadcast %mul3A_350 : f32 to vector<16xf32>
      %mul3A_352 = arith.mulf %get3A_349, %mul3A_351 : vector<16xf32>
      %swap3A_353 = arith.index_cast %scan3A_298 : i32 to index
      %swap3A_354 = arith.constant 64 : index
      %swap3A_355 = tpu.vector_load %arg4[%swap3A_353, %swap3A_354] {strides = array<i32>} : memref<64x768xf32, #tpu.memory_space<vmem>>, vector<1x16xf32>,
      %swap3A_356 = vector.shape_cast %swap3A_355 : vector<1x16xf32> to vector<16xf32>
      %swap3A_357 = vector.shape_cast %mul3A_352 : vector<16xf32> to vector<1x16xf32>
      tpu.vector_store %arg4[%swap3A_353, %swap3A_354], %swap3A_357 {strides = array<i32>} : memref<64x768xf32, #tpu.memory_space<vmem>>, vector<1x16xf32>,
      %get3A_358 = arith.index_cast %scan3A_298 : i32 to index
      %get3A_359 = arith.constant 80 : index
      %get3A_360 = tpu.vector_load %arg4[%get3A_358, %get3A_359] {strides = array<i32>} : memref<64x768xf32, #tpu.memory_space<vmem>>, vector<1x16xf32>,
      %get3A_361 = vector.shape_cast %get3A_360 : vector<1x16xf32> to vector<16xf32>
      %mul3A_362 = arith.constant 27.7128124 : f32
      %mul3A_363 = vector.broadcast %mul3A_362 : f32 to vector<16xf32>
      %mul3A_364 = arith.mulf %get3A_361, %mul3A_363 : vector<16xf32>
      %swap3A_365 = arith.index_cast %scan3A_298 : i32 to index
      %swap3A_366 = arith.constant 80 : index
      %swap3A_367 = tpu.vector_load %arg4[%swap3A_365, %swap3A_366] {strides = array<i32>} : memref<64x768xf32, #tpu.memory_space<vmem>>, vector<1x16xf32>,
      %swap3A_368 = vector.shape_cast %swap3A_367 : vector<1x16xf32> to vector<16xf32>
      %swap3A_369 = vector.shape_cast %mul3A_364 : vector<16xf32> to vector<1x16xf32>
      tpu.vector_store %arg4[%swap3A_365, %swap3A_366], %swap3A_369 {strides = array<i32>} : memref<64x768xf32, #tpu.memory_space<vmem>>, vector<1x16xf32>,
      %get3A_370 = arith.index_cast %scan3A_298 : i32 to index
      %get3A_371 = arith.constant 96 : index
      %get3A_372 = tpu.vector_load %arg4[%get3A_370, %get3A_371] {strides = array<i32>} : memref<64x768xf32, #tpu.memory_space<vmem>>, vector<1x16xf32>,
      %get3A_373 = vector.shape_cast %get3A_372 : vector<1x16xf32> to vector<16xf32>
      %mul3A_374 = arith.constant 27.7128124 : f32
      %mul3A_375 = vector.broadcast %mul3A_374 : f32 to vector<16xf32>
      %mul3A_376 = arith.mulf %get3A_373, %mul3A_375 : vector<16xf32>
      %swap3A_377 = arith.index_cast %scan3A_298 : i32 to index
      %swap3A_378 = arith.constant 96 : index
      %swap3A_379 = tpu.vector_load %arg4[%swap3A_377, %swap3A_378] {strides = array<i32>} : memref<64x768xf32, #tpu.memory_space<vmem>>, vector<1x16xf32>,
      %swap3A_380 = vector.shape_cast %swap3A_379 : vector<1x16xf32> to vector<16xf32>
      %swap3A_381 = vector.shape_cast %mul3A_376 : vector<16xf32> to vector<1x16xf32>
      tpu.vector_store %arg4[%swap3A_377, %swap3A_378], %swap3A_381 {strides = array<i32>} : memref<64x768xf32, #tpu.memory_space<vmem>>, vector<1x16xf32>,
      %get3A_382 = arith.index_cast %scan3A_298 : i32 to index
      %get3A_383 = arith.constant 112 : index
      %get3A_384 = tpu.vector_load %arg4[%get3A_382, %get3A_383] {strides = array<i32>} : memref<64x768xf32, #tpu.memory_space<vmem>>, vector<1x16xf32>,
      %get3A_385 = vector.shape_cast %get3A_384 : vector<1x16xf32> to vector<16xf32>
      %mul3A_386 = arith.constant 27.7128124 : f32
      %mul3A_387 = vector.broadcast %mul3A_386 : f32 to vector<16xf32>
      %mul3A_388 = arith.mulf %get3A_385, %mul3A_387 : vector<16xf32>
      %swap3A_389 = arith.index_cast %scan3A_298 : i32 to index
      %swap3A_390 = arith.constant 112 : index
      %swap3A_391 = tpu.vector_load %arg4[%swap3A_389, %swap3A_390] {strides = array<i32>} : memref<64x768xf32, #tpu.memory_space<vmem>>, vector<1x16xf32>,
      %swap3A_392 = vector.shape_cast %swap3A_391 : vector<1x16xf32> to vector<16xf32>
      %swap3A_393 = vector.shape_cast %mul3A_388 : vector<16xf32> to vector<1x16xf32>
      tpu.vector_store %arg4[%swap3A_389, %swap3A_390], %swap3A_393 {strides = array<i32>} : memref<64x768xf32, #tpu.memory_space<vmem>>, vector<1x16xf32>,
      %get3A_394 = arith.index_cast %scan3A_298 : i32 to index
      %get3A_395 = arith.constant 128 : index
      %get3A_396 = tpu.vector_load %arg4[%get3A_394, %get3A_395] {strides = array<i32>} : memref<64x768xf32, #tpu.memory_space<vmem>>, vector<1x16xf32>,
      %get3A_397 = vector.shape_cast %get3A_396 : vector<1x16xf32> to vector<16xf32>
      %mul3A_398 = arith.constant 27.7128124 : f32
      %mul3A_399 = vector.broadcast %mul3A_398 : f32 to vector<16xf32>
      %mul3A_400 = arith.mulf %get3A_397, %mul3A_399 : vector<16xf32>
      %swap3A_401 = arith.index_cast %scan3A_298 : i32 to index
      %swap3A_402 = arith.constant 128 : index
      %swap3A_403 = tpu.vector_load %arg4[%swap3A_401, %swap3A_402] {strides = array<i32>} : memref<64x768xf32, #tpu.memory_space<vmem>>, vector<1x16xf32>,
      %swap3A_404 = vector.shape_cast %swap3A_403 : vector<1x16xf32> to vector<16xf32>
      %swap3A_405 = vector.shape_cast %mul3A_400 : vector<16xf32> to vector<1x16xf32>
      tpu.vector_store %arg4[%swap3A_401, %swap3A_402], %swap3A_405 {strides = array<i32>} : memref<64x768xf32, #tpu.memory_space<vmem>>, vector<1x16xf32>,
      %get3A_406 = arith.index_cast %scan3A_298 : i32 to index
      %get3A_407 = arith.constant 144 : index
      %get3A_408 = tpu.vector_load %arg4[%get3A_406, %get3A_407] {strides = array<i32>} : memref<64x768xf32, #tpu.memory_space<vmem>>, vector<1x16xf32>,
      %get3A_409 = vector.shape_cast %get3A_408 : vector<1x16xf32> to vector<16xf32>
      %mul3A_410 = arith.constant 27.7128124 : f32
      %mul3A_411 = vector.broadcast %mul3A_410 : f32 to vector<16xf32>
      %mul3A_412 = arith.mulf %get3A_409, %mul3A_411 : vector<16xf32>
      %swap3A_413 = arith.index_cast %scan3A_298 : i32 to index
      %swap3A_414 = arith.constant 144 : index
      %swap3A_415 = tpu.vector_load %arg4[%swap3A_413, %swap3A_414] {strides = array<i32>} : memref<64x768xf32, #tpu.memory_space<vmem>>, vector<1x16xf32>,
      %swap3A_416 = vector.shape_cast %swap3A_415 : vector<1x16xf32> to vector<16xf32>
      %swap3A_417 = vector.shape_cast %mul3A_412 : vector<16xf32> to vector<1x16xf32>
      tpu.vector_store %arg4[%swap3A_413, %swap3A_414], %swap3A_417 {strides = array<i32>} : memref<64x768xf32, #tpu.memory_space<vmem>>, vector<1x16xf32>,
      %get3A_418 = arith.index_cast %scan3A_298 : i32 to index
      %get3A_419 = arith.constant 160 : index
      %get3A_420 = tpu.vector_load %arg4[%get3A_418, %get3A_419] {strides = array<i32>} : memref<64x768xf32, #tpu.memory_space<vmem>>, vector<1x16xf32>,
      %get3A_421 = vector.shape_cast %get3A_420 : vector<1x16xf32> to vector<16xf32>
      %mul3A_422 = arith.constant 27.7128124 : f32
      %mul3A_423 = vector.broadcast %mul3A_422 : f32 to vector<16xf32>
      %mul3A_424 = arith.mulf %get3A_421, %mul3A_423 : vector<16xf32>
      %swap3A_425 = arith.index_cast %scan3A_298 : i32 to index
      %swap3A_426 = arith.constant 160 : index
      %swap3A_427 = tpu.vector_load %arg4[%swap3A_425, %swap3A_426] {strides = array<i32>} : memref<64x768xf32, #tpu.memory_space<vmem>>, vector<1x16xf32>,
      %swap3A_428 = vector.shape_cast %swap3A_427 : vector<1x16xf32> to vector<16xf32>
      %swap3A_429 = vector.shape_cast %mul3A_424 : vector<16xf32> to vector<1x16xf32>
      tpu.vector_store %arg4[%swap3A_425, %swap3A_426], %swap3A_429 {strides = array<i32>} : memref<64x768xf32, #tpu.memory_space<vmem>>, vector<1x16xf32>,
      %get3A_430 = arith.index_cast %scan3A_298 : i32 to index
      %get3A_431 = arith.constant 176 : index
      %get3A_432 = tpu.vector_load %arg4[%get3A_430, %get3A_431] {strides = array<i32>} : memref<64x768xf32, #tpu.memory_space<vmem>>, vector<1x16xf32>,
      %get3A_433 = vector.shape_cast %get3A_432 : vector<1x16xf32> to vector<16xf32>
      %mul3A_434 = arith.constant 27.7128124 : f32
      %mul3A_435 = vector.broadcast %mul3A_434 : f32 to vector<16xf32>
      %mul3A_436 = arith.mulf %get3A_433, %mul3A_435 : vector<16xf32>
      %swap3A_437 = arith.index_cast %scan3A_298 : i32 to index
      %swap3A_438 = arith.constant 176 : index
      %swap3A_439 = tpu.vector_load %arg4[%swap3A_437, %swap3A_438] {strides = array<i32>} : memref<64x768xf32, #tpu.memory_space<vmem>>, vector<1x16xf32>,
      %swap3A_440 = vector.shape_cast %swap3A_439 : vector<1x16xf32> to vector<16xf32>
      %swap3A_441 = vector.shape_cast %mul3A_436 : vector<16xf32> to vector<1x16xf32>
      tpu.vector_store %arg4[%swap3A_437, %swap3A_438], %swap3A_441 {strides = array<i32>} : memref<64x768xf32, #tpu.memory_space<vmem>>, vector<1x16xf32>,
      %get3A_442 = arith.index_cast %scan3A_298 : i32 to index
      %get3A_443 = arith.constant 192 : index
      %get3A_444 = tpu.vector_load %arg4[%get3A_442, %get3A_443] {strides = array<i32>} : memref<64x768xf32, #tpu.memory_space<vmem>>, vector<1x16xf32>,
      %get3A_445 = vector.shape_cast %get3A_444 : vector<1x16xf32> to vector<16xf32>
      %mul3A_446 = arith.constant 27.7128124 : f32
      %mul3A_447 = vector.broadcast %mul3A_446 : f32 to vector<16xf32>
      %mul3A_448 = arith.mulf %get3A_445, %mul3A_447 : vector<16xf32>
      %swap3A_449 = arith.index_cast %scan3A_298 : i32 to index
      %swap3A_450 = arith.constant 192 : index
      %swap3A_451 = tpu.vector_load %arg4[%swap3A_449, %swap3A_450] {strides = array<i32>} : memref<64x768xf32, #tpu.memory_space<vmem>>, vector<1x16xf32>,
      %swap3A_452 = vector.shape_cast %swap3A_451 : vector<1x16xf32> to vector<16xf32>
      %swap3A_453 = vector.shape_cast %mul3A_448 : vector<16xf32> to vector<1x16xf32>
      tpu.vector_store %arg4[%swap3A_449, %swap3A_450], %swap3A_453 {strides = array<i32>} : memref<64x768xf32, #tpu.memory_space<vmem>>, vector<1x16xf32>,
      %get3A_454 = arith.index_cast %scan3A_298 : i32 to index
      %get3A_455 = arith.constant 208 : index
      %get3A_456 = tpu.vector_load %arg4[%get3A_454, %get3A_455] {strides = array<i32>} : memref<64x768xf32, #tpu.memory_space<vmem>>, vector<1x16xf32>,
      %get3A_457 = vector.shape_cast %get3A_456 : vector<1x16xf32> to vector<16xf32>
      %mul3A_458 = arith.constant 27.7128124 : f32
      %mul3A_459 = vector.broadcast %mul3A_458 : f32 to vector<16xf32>
      %mul3A_460 = arith.mulf %get3A_457, %mul3A_459 : vector<16xf32>
      %swap3A_461 = arith.index_cast %scan3A_298 : i32 to index
      %swap3A_462 = arith.constant 208 : index
      %swap3A_463 = tpu.vector_load %arg4[%swap3A_461, %swap3A_462] {strides = array<i32>} : memref<64x768xf32, #tpu.memory_space<vmem>>, vector<1x16xf32>,
      %swap3A_464 = vector.shape_cast %swap3A_463 : vector<1x16xf32> to vector<16xf32>
      %swap3A_465 = vector.shape_cast %mul3A_460 : vector<16xf32> to vector<1x16xf32>
      tpu.vector_store %arg4[%swap3A_461, %swap3A_462], %swap3A_465 {strides = array<i32>} : memref<64x768xf32, #tpu.memory_space<vmem>>, vector<1x16xf32>,
      %get3A_466 = arith.index_cast %scan3A_298 : i32 to index
      %get3A_467 = arith.constant 224 : index
      %get3A_468 = tpu.vector_load %arg4[%get3A_466, %get3A_467] {strides = array<i32>} : memref<64x768xf32, #tpu.memory_space<vmem>>, vector<1x16xf32>,
      %get3A_469 = vector.shape_cast %get3A_468 : vector<1x16xf32> to vector<16xf32>
      %mul3A_470 = arith.constant 27.7128124 : f32
      %mul3A_471 = vector.broadcast %mul3A_470 : f32 to vector<16xf32>
      %mul3A_472 = arith.mulf %get3A_469, %mul3A_471 : vector<16xf32>
      %swap3A_473 = arith.index_cast %scan3A_298 : i32 to index
      %swap3A_474 = arith.constant 224 : index
      %swap3A_475 = tpu.vector_load %arg4[%swap3A_473, %swap3A_474] {strides = array<i32>} : memref<64x768xf32, #tpu.memory_space<vmem>>, vector<1x16xf32>,
      %swap3A_476 = vector.shape_cast %swap3A_475 : vector<1x16xf32> to vector<16xf32>
      %swap3A_477 = vector.shape_cast %mul3A_472 : vector<16xf32> to vector<1x16xf32>
      tpu.vector_store %arg4[%swap3A_473, %swap3A_474], %swap3A_477 {strides = array<i32>} : memref<64x768xf32, #tpu.memory_space<vmem>>, vector<1x16xf32>,
      %get3A_478 = arith.index_cast %scan3A_298 : i32 to index
      %get3A_479 = arith.constant 240 : index
      %get3A_480 = tpu.vector_load %arg4[%get3A_478, %get3A_479] {strides = array<i32>} : memref<64x768xf32, #tpu.memory_space<vmem>>, vector<1x16xf32>,
      %get3A_481 = vector.shape_cast %get3A_480 : vector<1x16xf32> to vector<16xf32>
      %mul3A_482 = arith.constant 27.7128124 : f32
      %mul3A_483 = vector.broadcast %mul3A_482 : f32 to vector<16xf32>
      %mul3A_484 = arith.mulf %get3A_481, %mul3A_483 : vector<16xf32>
      %swap3A_485 = arith.index_cast %scan3A_298 : i32 to index
      %swap3A_486 = arith.constant 240 : index
      %swap3A_487 = tpu.vector_load %arg4[%swap3A_485, %swap3A_486] {strides = array<i32>} : memref<64x768xf32, #tpu.memory_space<vmem>>, vector<1x16xf32>,
      %swap3A_488 = vector.shape_cast %swap3A_487 : vector<1x16xf32> to vector<16xf32>
      %swap3A_489 = vector.shape_cast %mul3A_484 : vector<16xf32> to vector<1x16xf32>
      tpu.vector_store %arg4[%swap3A_485, %swap3A_486], %swap3A_489 {strides = array<i32>} : memref<64x768xf32, #tpu.memory_space<vmem>>, vector<1x16xf32>,
      %get3A_490 = arith.index_cast %scan3A_298 : i32 to index
      %get3A_491 = arith.constant 256 : index
      %get3A_492 = tpu.vector_load %arg4[%get3A_490, %get3A_491] {strides = array<i32>} : memref<64x768xf32, #tpu.memory_space<vmem>>, vector<1x16xf32>,
      %get3A_493 = vector.shape_cast %get3A_492 : vector<1x16xf32> to vector<16xf32>
      %mul3A_494 = arith.constant 27.7128124 : f32
      %mul3A_495 = vector.broadcast %mul3A_494 : f32 to vector<16xf32>
      %mul3A_496 = arith.mulf %get3A_493, %mul3A_495 : vector<16xf32>
      %swap3A_497 = arith.index_cast %scan3A_298 : i32 to index
      %swap3A_498 = arith.constant 256 : index
      %swap3A_499 = tpu.vector_load %arg4[%swap3A_497, %swap3A_498] {strides = array<i32>} : memref<64x768xf32, #tpu.memory_space<vmem>>, vector<1x16xf32>,
      %swap3A_500 = vector.shape_cast %swap3A_499 : vector<1x16xf32> to vector<16xf32>
      %swap3A_501 = vector.shape_cast %mul3A_496 : vector<16xf32> to vector<1x16xf32>
      tpu.vector_store %arg4[%swap3A_497, %swap3A_498], %swap3A_501 {strides = array<i32>} : memref<64x768xf32, #tpu.memory_space<vmem>>, vector<1x16xf32>,
      %get3A_502 = arith.index_cast %scan3A_298 : i32 to index
      %get3A_503 = arith.constant 272 : index
      %get3A_504 = tpu.vector_load %arg4[%get3A_502, %get3A_503] {strides = array<i32>} : memref<64x768xf32, #tpu.memory_space<vmem>>, vector<1x16xf32>,
      %get3A_505 = vector.shape_cast %get3A_504 : vector<1x16xf32> to vector<16xf32>
      %mul3A_506 = arith.constant 27.7128124 : f32
      %mul3A_507 = vector.broadcast %mul3A_506 : f32 to vector<16xf32>
      %mul3A_508 = arith.mulf %get3A_505, %mul3A_507 : vector<16xf32>
      %swap3A_509 = arith.index_cast %scan3A_298 : i32 to index
      %swap3A_510 = arith.constant 272 : index
      %swap3A_511 = tpu.vector_load %arg4[%swap3A_509, %swap3A_510] {strides = array<i32>} : memref<64x768xf32, #tpu.memory_space<vmem>>, vector<1x16xf32>,
      %swap3A_512 = vector.shape_cast %swap3A_511 : vector<1x16xf32> to vector<16xf32>
      %swap3A_513 = vector.shape_cast %mul3A_508 : vector<16xf32> to vector<1x16xf32>
      tpu.vector_store %arg4[%swap3A_509, %swap3A_510], %swap3A_513 {strides = array<i32>} : memref<64x768xf32, #tpu.memory_space<vmem>>, vector<1x16xf32>,
      %get3A_514 = arith.index_cast %scan3A_298 : i32 to index
      %get3A_515 = arith.constant 288 : index
      %get3A_516 = tpu.vector_load %arg4[%get3A_514, %get3A_515] {strides = array<i32>} : memref<64x768xf32, #tpu.memory_space<vmem>>, vector<1x16xf32>,
      %get3A_517 = vector.shape_cast %get3A_516 : vector<1x16xf32> to vector<16xf32>
      %mul3A_518 = arith.constant 27.7128124 : f32
      %mul3A_519 = vector.broadcast %mul3A_518 : f32 to vector<16xf32>
      %mul3A_520 = arith.mulf %get3A_517, %mul3A_519 : vector<16xf32>
      %swap3A_521 = arith.index_cast %scan3A_298 : i32 to index
      %swap3A_522 = arith.constant 288 : index
      %swap3A_523 = tpu.vector_load %arg4[%swap3A_521, %swap3A_522] {strides = array<i32>} : memref<64x768xf32, #tpu.memory_space<vmem>>, vector<1x16xf32>,
      %swap3A_524 = vector.shape_cast %swap3A_523 : vector<1x16xf32> to vector<16xf32>
      %swap3A_525 = vector.shape_cast %mul3A_520 : vector<16xf32> to vector<1x16xf32>
      tpu.vector_store %arg4[%swap3A_521, %swap3A_522], %swap3A_525 {strides = array<i32>} : memref<64x768xf32, #tpu.memory_space<vmem>>, vector<1x16xf32>,
      %get3A_526 = arith.index_cast %scan3A_298 : i32 to index
      %get3A_527 = arith.constant 304 : index
      %get3A_528 = tpu.vector_load %arg4[%get3A_526, %get3A_527] {strides = array<i32>} : memref<64x768xf32, #tpu.memory_space<vmem>>, vector<1x16xf32>,
      %get3A_529 = vector.shape_cast %get3A_528 : vector<1x16xf32> to vector<16xf32>
      %mul3A_530 = arith.constant 27.7128124 : f32
      %mul3A_531 = vector.broadcast %mul3A_530 : f32 to vector<16xf32>
      %mul3A_532 = arith.mulf %get3A_529, %mul3A_531 : vector<16xf32>
      %swap3A_533 = arith.index_cast %scan3A_298 : i32 to index
      %swap3A_534 = arith.constant 304 : index
      %swap3A_535 = tpu.vector_load %arg4[%swap3A_533, %swap3A_534] {strides = array<i32>} : memref<64x768xf32, #tpu.memory_space<vmem>>, vector<1x16xf32>,
      %swap3A_536 = vector.shape_cast %swap3A_535 : vector<1x16xf32> to vector<16xf32>
      %swap3A_537 = vector.shape_cast %mul3A_532 : vector<16xf32> to vector<1x16xf32>
      tpu.vector_store %arg4[%swap3A_533, %swap3A_534], %swap3A_537 {strides = array<i32>} : memref<64x768xf32, #tpu.memory_space<vmem>>, vector<1x16xf32>,
      %get3A_538 = arith.index_cast %scan3A_298 : i32 to index
      %get3A_539 = arith.constant 320 : index
      %get3A_540 = tpu.vector_load %arg4[%get3A_538, %get3A_539] {strides = array<i32>} : memref<64x768xf32, #tpu.memory_space<vmem>>, vector<1x16xf32>,
      %get3A_541 = vector.shape_cast %get3A_540 : vector<1x16xf32> to vector<16xf32>
      %mul3A_542 = arith.constant 27.7128124 : f32
      %mul3A_543 = vector.broadcast %mul3A_542 : f32 to vector<16xf32>
      %mul3A_544 = arith.mulf %get3A_541, %mul3A_543 : vector<16xf32>
      %swap3A_545 = arith.index_cast %scan3A_298 : i32 to index
      %swap3A_546 = arith.constant 320 : index
      %swap3A_547 = tpu.vector_load %arg4[%swap3A_545, %swap3A_546] {strides = array<i32>} : memref<64x768xf32, #tpu.memory_space<vmem>>, vector<1x16xf32>,
      %swap3A_548 = vector.shape_cast %swap3A_547 : vector<1x16xf32> to vector<16xf32>
      %swap3A_549 = vector.shape_cast %mul3A_544 : vector<16xf32> to vector<1x16xf32>
      tpu.vector_store %arg4[%swap3A_545, %swap3A_546], %swap3A_549 {strides = array<i32>} : memref<64x768xf32, #tpu.memory_space<vmem>>, vector<1x16xf32>,
      %get3A_550 = arith.index_cast %scan3A_298 : i32 to index
      %get3A_551 = arith.constant 336 : index
      %get3A_552 = tpu.vector_load %arg4[%get3A_550, %get3A_551] {strides = array<i32>} : memref<64x768xf32, #tpu.memory_space<vmem>>, vector<1x16xf32>,
      %get3A_553 = vector.shape_cast %get3A_552 : vector<1x16xf32> to vector<16xf32>
      %mul3A_554 = arith.constant 27.7128124 : f32
      %mul3A_555 = vector.broadcast %mul3A_554 : f32 to vector<16xf32>
      %mul3A_556 = arith.mulf %get3A_553, %mul3A_555 : vector<16xf32>
      %swap3A_557 = arith.index_cast %scan3A_298 : i32 to index
      %swap3A_558 = arith.constant 336 : index
      %swap3A_559 = tpu.vector_load %arg4[%swap3A_557, %swap3A_558] {strides = array<i32>} : memref<64x768xf32, #tpu.memory_space<vmem>>, vector<1x16xf32>,
      %swap3A_560 = vector.shape_cast %swap3A_559 : vector<1x16xf32> to vector<16xf32>
      %swap3A_561 = vector.shape_cast %mul3A_556 : vector<16xf32> to vector<1x16xf32>
      tpu.vector_store %arg4[%swap3A_557, %swap3A_558], %swap3A_561 {strides = array<i32>} : memref<64x768xf32, #tpu.memory_space<vmem>>, vector<1x16xf32>,
      %get3A_562 = arith.index_cast %scan3A_298 : i32 to index
      %get3A_563 = arith.constant 352 : index
      %get3A_564 = tpu.vector_load %arg4[%get3A_562, %get3A_563] {strides = array<i32>} : memref<64x768xf32, #tpu.memory_space<vmem>>, vector<1x16xf32>,
      %get3A_565 = vector.shape_cast %get3A_564 : vector<1x16xf32> to vector<16xf32>
      %mul3A_566 = arith.constant 27.7128124 : f32
      %mul3A_567 = vector.broadcast %mul3A_566 : f32 to vector<16xf32>
      %mul3A_568 = arith.mulf %get3A_565, %mul3A_567 : vector<16xf32>
      %swap3A_569 = arith.index_cast %scan3A_298 : i32 to index
      %swap3A_570 = arith.constant 352 : index
      %swap3A_571 = tpu.vector_load %arg4[%swap3A_569, %swap3A_570] {strides = array<i32>} : memref<64x768xf32, #tpu.memory_space<vmem>>, vector<1x16xf32>,
      %swap3A_572 = vector.shape_cast %swap3A_571 : vector<1x16xf32> to vector<16xf32>
      %swap3A_573 = vector.shape_cast %mul3A_568 : vector<16xf32> to vector<1x16xf32>
      tpu.vector_store %arg4[%swap3A_569, %swap3A_570], %swap3A_573 {strides = array<i32>} : memref<64x768xf32, #tpu.memory_space<vmem>>, vector<1x16xf32>,
      %get3A_574 = arith.index_cast %scan3A_298 : i32 to index
      %get3A_575 = arith.constant 368 : index
      %get3A_576 = tpu.vector_load %arg4[%get3A_574, %get3A_575] {strides = array<i32>} : memref<64x768xf32, #tpu.memory_space<vmem>>, vector<1x16xf32>,
      %get3A_577 = vector.shape_cast %get3A_576 : vector<1x16xf32> to vector<16xf32>
      %mul3A_578 = arith.constant 27.7128124 : f32
      %mul3A_579 = vector.broadcast %mul3A_578 : f32 to vector<16xf32>
      %mul3A_580 = arith.mulf %get3A_577, %mul3A_579 : vector<16xf32>
      %swap3A_581 = arith.index_cast %scan3A_298 : i32 to index
      %swap3A_582 = arith.constant 368 : index
      %swap3A_583 = tpu.vector_load %arg4[%swap3A_581, %swap3A_582] {strides = array<i32>} : memref<64x768xf32, #tpu.memory_space<vmem>>, vector<1x16xf32>,
      %swap3A_584 = vector.shape_cast %swap3A_583 : vector<1x16xf32> to vector<16xf32>
      %swap3A_585 = vector.shape_cast %mul3A_580 : vector<16xf32> to vector<1x16xf32>
      tpu.vector_store %arg4[%swap3A_581, %swap3A_582], %swap3A_585 {strides = array<i32>} : memref<64x768xf32, #tpu.memory_space<vmem>>, vector<1x16xf32>,
      %get3A_586 = arith.index_cast %scan3A_298 : i32 to index
      %get3A_587 = arith.constant 384 : index
      %get3A_588 = tpu.vector_load %arg4[%get3A_586, %get3A_587] {strides = array<i32>} : memref<64x768xf32, #tpu.memory_space<vmem>>, vector<1x16xf32>,
      %get3A_589 = vector.shape_cast %get3A_588 : vector<1x16xf32> to vector<16xf32>
      %mul3A_590 = arith.constant 27.7128124 : f32
      %mul3A_591 = vector.broadcast %mul3A_590 : f32 to vector<16xf32>
      %mul3A_592 = arith.mulf %get3A_589, %mul3A_591 : vector<16xf32>
      %swap3A_593 = arith.index_cast %scan3A_298 : i32 to index
      %swap3A_594 = arith.constant 384 : index
      %swap3A_595 = tpu.vector_load %arg4[%swap3A_593, %swap3A_594] {strides = array<i32>} : memref<64x768xf32, #tpu.memory_space<vmem>>, vector<1x16xf32>,
      %swap3A_596 = vector.shape_cast %swap3A_595 : vector<1x16xf32> to vector<16xf32>
      %swap3A_597 = vector.shape_cast %mul3A_592 : vector<16xf32> to vector<1x16xf32>
      tpu.vector_store %arg4[%swap3A_593, %swap3A_594], %swap3A_597 {strides = array<i32>} : memref<64x768xf32, #tpu.memory_space<vmem>>, vector<1x16xf32>,
      %get3A_598 = arith.index_cast %scan3A_298 : i32 to index
      %get3A_599 = arith.constant 400 : index
      %get3A_600 = tpu.vector_load %arg4[%get3A_598, %get3A_599] {strides = array<i32>} : memref<64x768xf32, #tpu.memory_space<vmem>>, vector<1x16xf32>,
      %get3A_601 = vector.shape_cast %get3A_600 : vector<1x16xf32> to vector<16xf32>
      %mul3A_602 = arith.constant 27.7128124 : f32
      %mul3A_603 = vector.broadcast %mul3A_602 : f32 to vector<16xf32>
      %mul3A_604 = arith.mulf %get3A_601, %mul3A_603 : vector<16xf32>
      %swap3A_605 = arith.index_cast %scan3A_298 : i32 to index
      %swap3A_606 = arith.constant 400 : index
      %swap3A_607 = tpu.vector_load %arg4[%swap3A_605, %swap3A_606] {strides = array<i32>} : memref<64x768xf32, #tpu.memory_space<vmem>>, vector<1x16xf32>,
      %swap3A_608 = vector.shape_cast %swap3A_607 : vector<1x16xf32> to vector<16xf32>
      %swap3A_609 = vector.shape_cast %mul3A_604 : vector<16xf32> to vector<1x16xf32>
      tpu.vector_store %arg4[%swap3A_605, %swap3A_606], %swap3A_609 {strides = array<i32>} : memref<64x768xf32, #tpu.memory_space<vmem>>, vector<1x16xf32>,
      %get3A_610 = arith.index_cast %scan3A_298 : i32 to index
      %get3A_611 = arith.constant 416 : index
      %get3A_612 = tpu.vector_load %arg4[%get3A_610, %get3A_611] {strides = array<i32>} : memref<64x768xf32, #tpu.memory_space<vmem>>, vector<1x16xf32>,
      %get3A_613 = vector.shape_cast %get3A_612 : vector<1x16xf32> to vector<16xf32>
      %mul3A_614 = arith.constant 27.7128124 : f32
      %mul3A_615 = vector.broadcast %mul3A_614 : f32 to vector<16xf32>
      %mul3A_616 = arith.mulf %get3A_613, %mul3A_615 : vector<16xf32>
      %swap3A_617 = arith.index_cast %scan3A_298 : i32 to index
      %swap3A_618 = arith.constant 416 : index
      %swap3A_619 = tpu.vector_load %arg4[%swap3A_617, %swap3A_618] {strides = array<i32>} : memref<64x768xf32, #tpu.memory_space<vmem>>, vector<1x16xf32>,
      %swap3A_620 = vector.shape_cast %swap3A_619 : vector<1x16xf32> to vector<16xf32>
      %swap3A_621 = vector.shape_cast %mul3A_616 : vector<16xf32> to vector<1x16xf32>
      tpu.vector_store %arg4[%swap3A_617, %swap3A_618], %swap3A_621 {strides = array<i32>} : memref<64x768xf32, #tpu.memory_space<vmem>>, vector<1x16xf32>,
      %get3A_622 = arith.index_cast %scan3A_298 : i32 to index
      %get3A_623 = arith.constant 432 : index
      %get3A_624 = tpu.vector_load %arg4[%get3A_622, %get3A_623] {strides = array<i32>} : memref<64x768xf32, #tpu.memory_space<vmem>>, vector<1x16xf32>,
      %get3A_625 = vector.shape_cast %get3A_624 : vector<1x16xf32> to vector<16xf32>
      %mul3A_626 = arith.constant 27.7128124 : f32
      %mul3A_627 = vector.broadcast %mul3A_626 : f32 to vector<16xf32>
      %mul3A_628 = arith.mulf %get3A_625, %mul3A_627 : vector<16xf32>
      %swap3A_629 = arith.index_cast %scan3A_298 : i32 to index
      %swap3A_630 = arith.constant 432 : index
      %swap3A_631 = tpu.vector_load %arg4[%swap3A_629, %swap3A_630] {strides = array<i32>} : memref<64x768xf32, #tpu.memory_space<vmem>>, vector<1x16xf32>,
      %swap3A_632 = vector.shape_cast %swap3A_631 : vector<1x16xf32> to vector<16xf32>
      %swap3A_633 = vector.shape_cast %mul3A_628 : vector<16xf32> to vector<1x16xf32>
      tpu.vector_store %arg4[%swap3A_629, %swap3A_630], %swap3A_633 {strides = array<i32>} : memref<64x768xf32, #tpu.memory_space<vmem>>, vector<1x16xf32>,
      %get3A_634 = arith.index_cast %scan3A_298 : i32 to index
      %get3A_635 = arith.constant 448 : index
      %get3A_636 = tpu.vector_load %arg4[%get3A_634, %get3A_635] {strides = array<i32>} : memref<64x768xf32, #tpu.memory_space<vmem>>, vector<1x16xf32>,
      %get3A_637 = vector.shape_cast %get3A_636 : vector<1x16xf32> to vector<16xf32>
      %mul3A_638 = arith.constant 27.7128124 : f32
      %mul3A_639 = vector.broadcast %mul3A_638 : f32 to vector<16xf32>
      %mul3A_640 = arith.mulf %get3A_637, %mul3A_639 : vector<16xf32>
      %swap3A_641 = arith.index_cast %scan3A_298 : i32 to index
      %swap3A_642 = arith.constant 448 : index
      %swap3A_643 = tpu.vector_load %arg4[%swap3A_641, %swap3A_642] {strides = array<i32>} : memref<64x768xf32, #tpu.memory_space<vmem>>, vector<1x16xf32>,
      %swap3A_644 = vector.shape_cast %swap3A_643 : vector<1x16xf32> to vector<16xf32>
      %swap3A_645 = vector.shape_cast %mul3A_640 : vector<16xf32> to vector<1x16xf32>
      tpu.vector_store %arg4[%swap3A_641, %swap3A_642], %swap3A_645 {strides = array<i32>} : memref<64x768xf32, #tpu.memory_space<vmem>>, vector<1x16xf32>,
      %get3A_646 = arith.index_cast %scan3A_298 : i32 to index
      %get3A_647 = arith.constant 464 : index
      %get3A_648 = tpu.vector_load %arg4[%get3A_646, %get3A_647] {strides = array<i32>} : memref<64x768xf32, #tpu.memory_space<vmem>>, vector<1x16xf32>,
      %get3A_649 = vector.shape_cast %get3A_648 : vector<1x16xf32> to vector<16xf32>
      %mul3A_650 = arith.constant 27.7128124 : f32
      %mul3A_651 = vector.broadcast %mul3A_650 : f32 to vector<16xf32>
      %mul3A_652 = arith.mulf %get3A_649, %mul3A_651 : vector<16xf32>
      %swap3A_653 = arith.index_cast %scan3A_298 : i32 to index
      %swap3A_654 = arith.constant 464 : index
      %swap3A_655 = tpu.vector_load %arg4[%swap3A_653, %swap3A_654] {strides = array<i32>} : memref<64x768xf32, #tpu.memory_space<vmem>>, vector<1x16xf32>,
      %swap3A_656 = vector.shape_cast %swap3A_655 : vector<1x16xf32> to vector<16xf32>
      %swap3A_657 = vector.shape_cast %mul3A_652 : vector<16xf32> to vector<1x16xf32>
      tpu.vector_store %arg4[%swap3A_653, %swap3A_654], %swap3A_657 {strides = array<i32>} : memref<64x768xf32, #tpu.memory_space<vmem>>, vector<1x16xf32>,
      %get3A_658 = arith.index_cast %scan3A_298 : i32 to index
      %get3A_659 = arith.constant 480 : index
      %get3A_660 = tpu.vector_load %arg4[%get3A_658, %get3A_659] {strides = array<i32>} : memref<64x768xf32, #tpu.memory_space<vmem>>, vector<1x16xf32>,
      %get3A_661 = vector.shape_cast %get3A_660 : vector<1x16xf32> to vector<16xf32>
      %mul3A_662 = arith.constant 27.7128124 : f32
      %mul3A_663 = vector.broadcast %mul3A_662 : f32 to vector<16xf32>
      %mul3A_664 = arith.mulf %get3A_661, %mul3A_663 : vector<16xf32>
      %swap3A_665 = arith.index_cast %scan3A_298 : i32 to index
      %swap3A_666 = arith.constant 480 : index
      %swap3A_667 = tpu.vector_load %arg4[%swap3A_665, %swap3A_666] {strides = array<i32>} : memref<64x768xf32, #tpu.memory_space<vmem>>, vector<1x16xf32>,
      %swap3A_668 = vector.shape_cast %swap3A_667 : vector<1x16xf32> to vector<16xf32>
      %swap3A_669 = vector.shape_cast %mul3A_664 : vector<16xf32> to vector<1x16xf32>
      tpu.vector_store %arg4[%swap3A_665, %swap3A_666], %swap3A_669 {strides = array<i32>} : memref<64x768xf32, #tpu.memory_space<vmem>>, vector<1x16xf32>,
      %get3A_670 = arith.index_cast %scan3A_298 : i32 to index
      %get3A_671 = arith.constant 496 : index
      %get3A_672 = tpu.vector_load %arg4[%get3A_670, %get3A_671] {strides = array<i32>} : memref<64x768xf32, #tpu.memory_space<vmem>>, vector<1x16xf32>,
      %get3A_673 = vector.shape_cast %get3A_672 : vector<1x16xf32> to vector<16xf32>
      %mul3A_674 = arith.constant 27.7128124 : f32
      %mul3A_675 = vector.broadcast %mul3A_674 : f32 to vector<16xf32>
      %mul3A_676 = arith.mulf %get3A_673, %mul3A_675 : vector<16xf32>
      %swap3A_677 = arith.index_cast %scan3A_298 : i32 to index
      %swap3A_678 = arith.constant 496 : index
      %swap3A_679 = tpu.vector_load %arg4[%swap3A_677, %swap3A_678] {strides = array<i32>} : memref<64x768xf32, #tpu.memory_space<vmem>>, vector<1x16xf32>,
      %swap3A_680 = vector.shape_cast %swap3A_679 : vector<1x16xf32> to vector<16xf32>
      %swap3A_681 = vector.shape_cast %mul3A_676 : vector<16xf32> to vector<1x16xf32>
      tpu.vector_store %arg4[%swap3A_677, %swap3A_678], %swap3A_681 {strides = array<i32>} : memref<64x768xf32, #tpu.memory_space<vmem>>, vector<1x16xf32>,
      %get3A_682 = arith.index_cast %scan3A_298 : i32 to index
      %get3A_683 = arith.constant 512 : index
      %get3A_684 = tpu.vector_load %arg4[%get3A_682, %get3A_683] {strides = array<i32>} : memref<64x768xf32, #tpu.memory_space<vmem>>, vector<1x16xf32>,
      %get3A_685 = vector.shape_cast %get3A_684 : vector<1x16xf32> to vector<16xf32>
      %mul3A_686 = arith.constant 27.7128124 : f32
      %mul3A_687 = vector.broadcast %mul3A_686 : f32 to vector<16xf32>
      %mul3A_688 = arith.mulf %get3A_685, %mul3A_687 : vector<16xf32>
      %swap3A_689 = arith.index_cast %scan3A_298 : i32 to index
      %swap3A_690 = arith.constant 512 : index
      %swap3A_691 = tpu.vector_load %arg4[%swap3A_689, %swap3A_690] {strides = array<i32>} : memref<64x768xf32, #tpu.memory_space<vmem>>, vector<1x16xf32>,
      %swap3A_692 = vector.shape_cast %swap3A_691 : vector<1x16xf32> to vector<16xf32>
      %swap3A_693 = vector.shape_cast %mul3A_688 : vector<16xf32> to vector<1x16xf32>
      tpu.vector_store %arg4[%swap3A_689, %swap3A_690], %swap3A_693 {strides = array<i32>} : memref<64x768xf32, #tpu.memory_space<vmem>>, vector<1x16xf32>,
      %get3A_694 = arith.index_cast %scan3A_298 : i32 to index
      %get3A_695 = arith.constant 528 : index
      %get3A_696 = tpu.vector_load %arg4[%get3A_694, %get3A_695] {strides = array<i32>} : memref<64x768xf32, #tpu.memory_space<vmem>>, vector<1x16xf32>,
      %get3A_697 = vector.shape_cast %get3A_696 : vector<1x16xf32> to vector<16xf32>
      %mul3A_698 = arith.constant 27.7128124 : f32
      %mul3A_699 = vector.broadcast %mul3A_698 : f32 to vector<16xf32>
      %mul3A_700 = arith.mulf %get3A_697, %mul3A_699 : vector<16xf32>
      %swap3A_701 = arith.index_cast %scan3A_298 : i32 to index
      %swap3A_702 = arith.constant 528 : index
      %swap3A_703 = tpu.vector_load %arg4[%swap3A_701, %swap3A_702] {strides = array<i32>} : memref<64x768xf32, #tpu.memory_space<vmem>>, vector<1x16xf32>,
      %swap3A_704 = vector.shape_cast %swap3A_703 : vector<1x16xf32> to vector<16xf32>
      %swap3A_705 = vector.shape_cast %mul3A_700 : vector<16xf32> to vector<1x16xf32>
      tpu.vector_store %arg4[%swap3A_701, %swap3A_702], %swap3A_705 {strides = array<i32>} : memref<64x768xf32, #tpu.memory_space<vmem>>, vector<1x16xf32>,
      %get3A_706 = arith.index_cast %scan3A_298 : i32 to index
      %get3A_707 = arith.constant 544 : index
      %get3A_708 = tpu.vector_load %arg4[%get3A_706, %get3A_707] {strides = array<i32>} : memref<64x768xf32, #tpu.memory_space<vmem>>, vector<1x16xf32>,
      %get3A_709 = vector.shape_cast %get3A_708 : vector<1x16xf32> to vector<16xf32>
      %mul3A_710 = arith.constant 27.7128124 : f32
      %mul3A_711 = vector.broadcast %mul3A_710 : f32 to vector<16xf32>
      %mul3A_712 = arith.mulf %get3A_709, %mul3A_711 : vector<16xf32>
      %swap3A_713 = arith.index_cast %scan3A_298 : i32 to index
      %swap3A_714 = arith.constant 544 : index
      %swap3A_715 = tpu.vector_load %arg4[%swap3A_713, %swap3A_714] {strides = array<i32>} : memref<64x768xf32, #tpu.memory_space<vmem>>, vector<1x16xf32>,
      %swap3A_716 = vector.shape_cast %swap3A_715 : vector<1x16xf32> to vector<16xf32>
      %swap3A_717 = vector.shape_cast %mul3A_712 : vector<16xf32> to vector<1x16xf32>
      tpu.vector_store %arg4[%swap3A_713, %swap3A_714], %swap3A_717 {strides = array<i32>} : memref<64x768xf32, #tpu.memory_space<vmem>>, vector<1x16xf32>,
      %get3A_718 = arith.index_cast %scan3A_298 : i32 to index
      %get3A_719 = arith.constant 560 : index
      %get3A_720 = tpu.vector_load %arg4[%get3A_718, %get3A_719] {strides = array<i32>} : memref<64x768xf32, #tpu.memory_space<vmem>>, vector<1x16xf32>,
      %get3A_721 = vector.shape_cast %get3A_720 : vector<1x16xf32> to vector<16xf32>
      %mul3A_722 = arith.constant 27.7128124 : f32
      %mul3A_723 = vector.broadcast %mul3A_722 : f32 to vector<16xf32>
      %mul3A_724 = arith.mulf %get3A_721, %mul3A_723 : vector<16xf32>
      %swap3A_725 = arith.index_cast %scan3A_298 : i32 to index
      %swap3A_726 = arith.constant 560 : index
      %swap3A_727 = tpu.vector_load %arg4[%swap3A_725, %swap3A_726] {strides = array<i32>} : memref<64x768xf32, #tpu.memory_space<vmem>>, vector<1x16xf32>,
      %swap3A_728 = vector.shape_cast %swap3A_727 : vector<1x16xf32> to vector<16xf32>
      %swap3A_729 = vector.shape_cast %mul3A_724 : vector<16xf32> to vector<1x16xf32>
      tpu.vector_store %arg4[%swap3A_725, %swap3A_726], %swap3A_729 {strides = array<i32>} : memref<64x768xf32, #tpu.memory_space<vmem>>, vector<1x16xf32>,
      %get3A_730 = arith.index_cast %scan3A_298 : i32 to index
      %get3A_731 = arith.constant 576 : index
      %get3A_732 = tpu.vector_load %arg4[%get3A_730, %get3A_731] {strides = array<i32>} : memref<64x768xf32, #tpu.memory_space<vmem>>, vector<1x16xf32>,
      %get3A_733 = vector.shape_cast %get3A_732 : vector<1x16xf32> to vector<16xf32>
      %mul3A_734 = arith.constant 27.7128124 : f32
      %mul3A_735 = vector.broadcast %mul3A_734 : f32 to vector<16xf32>
      %mul3A_736 = arith.mulf %get3A_733, %mul3A_735 : vector<16xf32>
      %swap3A_737 = arith.index_cast %scan3A_298 : i32 to index
      %swap3A_738 = arith.constant 576 : index
      %swap3A_739 = tpu.vector_load %arg4[%swap3A_737, %swap3A_738] {strides = array<i32>} : memref<64x768xf32, #tpu.memory_space<vmem>>, vector<1x16xf32>,
      %swap3A_740 = vector.shape_cast %swap3A_739 : vector<1x16xf32> to vector<16xf32>
      %swap3A_741 = vector.shape_cast %mul3A_736 : vector<16xf32> to vector<1x16xf32>
      tpu.vector_store %arg4[%swap3A_737, %swap3A_738], %swap3A_741 {strides = array<i32>} : memref<64x768xf32, #tpu.memory_space<vmem>>, vector<1x16xf32>,
      %get3A_742 = arith.index_cast %scan3A_298 : i32 to index
      %get3A_743 = arith.constant 592 : index
      %get3A_744 = tpu.vector_load %arg4[%get3A_742, %get3A_743] {strides = array<i32>} : memref<64x768xf32, #tpu.memory_space<vmem>>, vector<1x16xf32>,
      %get3A_745 = vector.shape_cast %get3A_744 : vector<1x16xf32> to vector<16xf32>
      %mul3A_746 = arith.constant 27.7128124 : f32
      %mul3A_747 = vector.broadcast %mul3A_746 : f32 to vector<16xf32>
      %mul3A_748 = arith.mulf %get3A_745, %mul3A_747 : vector<16xf32>
      %swap3A_749 = arith.index_cast %scan3A_298 : i32 to index
      %swap3A_750 = arith.constant 592 : index
      %swap3A_751 = tpu.vector_load %arg4[%swap3A_749, %swap3A_750] {strides = array<i32>} : memref<64x768xf32, #tpu.memory_space<vmem>>, vector<1x16xf32>,
      %swap3A_752 = vector.shape_cast %swap3A_751 : vector<1x16xf32> to vector<16xf32>
      %swap3A_753 = vector.shape_cast %mul3A_748 : vector<16xf32> to vector<1x16xf32>
      tpu.vector_store %arg4[%swap3A_749, %swap3A_750], %swap3A_753 {strides = array<i32>} : memref<64x768xf32, #tpu.memory_space<vmem>>, vector<1x16xf32>,
      %get3A_754 = arith.index_cast %scan3A_298 : i32 to index
      %get3A_755 = arith.constant 608 : index
      %get3A_756 = tpu.vector_load %arg4[%get3A_754, %get3A_755] {strides = array<i32>} : memref<64x768xf32, #tpu.memory_space<vmem>>, vector<1x16xf32>,
      %get3A_757 = vector.shape_cast %get3A_756 : vector<1x16xf32> to vector<16xf32>
      %mul3A_758 = arith.constant 27.7128124 : f32
      %mul3A_759 = vector.broadcast %mul3A_758 : f32 to vector<16xf32>
      %mul3A_760 = arith.mulf %get3A_757, %mul3A_759 : vector<16xf32>
      %swap3A_761 = arith.index_cast %scan3A_298 : i32 to index
      %swap3A_762 = arith.constant 608 : index
      %swap3A_763 = tpu.vector_load %arg4[%swap3A_761, %swap3A_762] {strides = array<i32>} : memref<64x768xf32, #tpu.memory_space<vmem>>, vector<1x16xf32>,
      %swap3A_764 = vector.shape_cast %swap3A_763 : vector<1x16xf32> to vector<16xf32>
      %swap3A_765 = vector.shape_cast %mul3A_760 : vector<16xf32> to vector<1x16xf32>
      tpu.vector_store %arg4[%swap3A_761, %swap3A_762], %swap3A_765 {strides = array<i32>} : memref<64x768xf32, #tpu.memory_space<vmem>>, vector<1x16xf32>,
      %get3A_766 = arith.index_cast %scan3A_298 : i32 to index
      %get3A_767 = arith.constant 624 : index
      %get3A_768 = tpu.vector_load %arg4[%get3A_766, %get3A_767] {strides = array<i32>} : memref<64x768xf32, #tpu.memory_space<vmem>>, vector<1x16xf32>,
      %get3A_769 = vector.shape_cast %get3A_768 : vector<1x16xf32> to vector<16xf32>
      %mul3A_770 = arith.constant 27.7128124 : f32
      %mul3A_771 = vector.broadcast %mul3A_770 : f32 to vector<16xf32>
      %mul3A_772 = arith.mulf %get3A_769, %mul3A_771 : vector<16xf32>
      %swap3A_773 = arith.index_cast %scan3A_298 : i32 to index
      %swap3A_774 = arith.constant 624 : index
      %swap3A_775 = tpu.vector_load %arg4[%swap3A_773, %swap3A_774] {strides = array<i32>} : memref<64x768xf32, #tpu.memory_space<vmem>>, vector<1x16xf32>,
      %swap3A_776 = vector.shape_cast %swap3A_775 : vector<1x16xf32> to vector<16xf32>
      %swap3A_777 = vector.shape_cast %mul3A_772 : vector<16xf32> to vector<1x16xf32>
      tpu.vector_store %arg4[%swap3A_773, %swap3A_774], %swap3A_777 {strides = array<i32>} : memref<64x768xf32, #tpu.memory_space<vmem>>, vector<1x16xf32>,
      %get3A_778 = arith.index_cast %scan3A_298 : i32 to index
      %get3A_779 = arith.constant 640 : index
      %get3A_780 = tpu.vector_load %arg4[%get3A_778, %get3A_779] {strides = array<i32>} : memref<64x768xf32, #tpu.memory_space<vmem>>, vector<1x16xf32>,
      %get3A_781 = vector.shape_cast %get3A_780 : vector<1x16xf32> to vector<16xf32>
      %mul3A_782 = arith.constant 27.7128124 : f32
      %mul3A_783 = vector.broadcast %mul3A_782 : f32 to vector<16xf32>
      %mul3A_784 = arith.mulf %get3A_781, %mul3A_783 : vector<16xf32>
      %swap3A_785 = arith.index_cast %scan3A_298 : i32 to index
      %swap3A_786 = arith.constant 640 : index
      %swap3A_787 = tpu.vector_load %arg4[%swap3A_785, %swap3A_786] {strides = array<i32>} : memref<64x768xf32, #tpu.memory_space<vmem>>, vector<1x16xf32>,
      %swap3A_788 = vector.shape_cast %swap3A_787 : vector<1x16xf32> to vector<16xf32>
      %swap3A_789 = vector.shape_cast %mul3A_784 : vector<16xf32> to vector<1x16xf32>
      tpu.vector_store %arg4[%swap3A_785, %swap3A_786], %swap3A_789 {strides = array<i32>} : memref<64x768xf32, #tpu.memory_space<vmem>>, vector<1x16xf32>,
      %get3A_790 = arith.index_cast %scan3A_298 : i32 to index
      %get3A_791 = arith.constant 656 : index
      %get3A_792 = tpu.vector_load %arg4[%get3A_790, %get3A_791] {strides = array<i32>} : memref<64x768xf32, #tpu.memory_space<vmem>>, vector<1x16xf32>,
      %get3A_793 = vector.shape_cast %get3A_792 : vector<1x16xf32> to vector<16xf32>
      %mul3A_794 = arith.constant 27.7128124 : f32
      %mul3A_795 = vector.broadcast %mul3A_794 : f32 to vector<16xf32>
      %mul3A_796 = arith.mulf %get3A_793, %mul3A_795 : vector<16xf32>
      %swap3A_797 = arith.index_cast %scan3A_298 : i32 to index
      %swap3A_798 = arith.constant 656 : index
      %swap3A_799 = tpu.vector_load %arg4[%swap3A_797, %swap3A_798] {strides = array<i32>} : memref<64x768xf32, #tpu.memory_space<vmem>>, vector<1x16xf32>,
      %swap3A_800 = vector.shape_cast %swap3A_799 : vector<1x16xf32> to vector<16xf32>
      %swap3A_801 = vector.shape_cast %mul3A_796 : vector<16xf32> to vector<1x16xf32>
      tpu.vector_store %arg4[%swap3A_797, %swap3A_798], %swap3A_801 {strides = array<i32>} : memref<64x768xf32, #tpu.memory_space<vmem>>, vector<1x16xf32>,
      %get3A_802 = arith.index_cast %scan3A_298 : i32 to index
      %get3A_803 = arith.constant 672 : index
      %get3A_804 = tpu.vector_load %arg4[%get3A_802, %get3A_803] {strides = array<i32>} : memref<64x768xf32, #tpu.memory_space<vmem>>, vector<1x16xf32>,
      %get3A_805 = vector.shape_cast %get3A_804 : vector<1x16xf32> to vector<16xf32>
      %mul3A_806 = arith.constant 27.7128124 : f32
      %mul3A_807 = vector.broadcast %mul3A_806 : f32 to vector<16xf32>
      %mul3A_808 = arith.mulf %get3A_805, %mul3A_807 : vector<16xf32>
      %swap3A_809 = arith.index_cast %scan3A_298 : i32 to index
      %swap3A_810 = arith.constant 672 : index
      %swap3A_811 = tpu.vector_load %arg4[%swap3A_809, %swap3A_810] {strides = array<i32>} : memref<64x768xf32, #tpu.memory_space<vmem>>, vector<1x16xf32>,
      %swap3A_812 = vector.shape_cast %swap3A_811 : vector<1x16xf32> to vector<16xf32>
      %swap3A_813 = vector.shape_cast %mul3A_808 : vector<16xf32> to vector<1x16xf32>
      tpu.vector_store %arg4[%swap3A_809, %swap3A_810], %swap3A_813 {strides = array<i32>} : memref<64x768xf32, #tpu.memory_space<vmem>>, vector<1x16xf32>,
      %get3A_814 = arith.index_cast %scan3A_298 : i32 to index
      %get3A_815 = arith.constant 688 : index
      %get3A_816 = tpu.vector_load %arg4[%get3A_814, %get3A_815] {strides = array<i32>} : memref<64x768xf32, #tpu.memory_space<vmem>>, vector<1x16xf32>,
      %get3A_817 = vector.shape_cast %get3A_816 : vector<1x16xf32> to vector<16xf32>
      %mul3A_818 = arith.constant 27.7128124 : f32
      %mul3A_819 = vector.broadcast %mul3A_818 : f32 to vector<16xf32>
      %mul3A_820 = arith.mulf %get3A_817, %mul3A_819 : vector<16xf32>
      %swap3A_821 = arith.index_cast %scan3A_298 : i32 to index
      %swap3A_822 = arith.constant 688 : index
      %swap3A_823 = tpu.vector_load %arg4[%swap3A_821, %swap3A_822] {strides = array<i32>} : memref<64x768xf32, #tpu.memory_space<vmem>>, vector<1x16xf32>,
      %swap3A_824 = vector.shape_cast %swap3A_823 : vector<1x16xf32> to vector<16xf32>
      %swap3A_825 = vector.shape_cast %mul3A_820 : vector<16xf32> to vector<1x16xf32>
      tpu.vector_store %arg4[%swap3A_821, %swap3A_822], %swap3A_825 {strides = array<i32>} : memref<64x768xf32, #tpu.memory_space<vmem>>, vector<1x16xf32>,
      %get3A_826 = arith.index_cast %scan3A_298 : i32 to index
      %get3A_827 = arith.constant 704 : index
      %get3A_828 = tpu.vector_load %arg4[%get3A_826, %get3A_827] {strides = array<i32>} : memref<64x768xf32, #tpu.memory_space<vmem>>, vector<1x16xf32>,
      %get3A_829 = vector.shape_cast %get3A_828 : vector<1x16xf32> to vector<16xf32>
      %mul3A_830 = arith.constant 27.7128124 : f32
      %mul3A_831 = vector.broadcast %mul3A_830 : f32 to vector<16xf32>
      %mul3A_832 = arith.mulf %get3A_829, %mul3A_831 : vector<16xf32>
      %swap3A_833 = arith.index_cast %scan3A_298 : i32 to index
      %swap3A_834 = arith.constant 704 : index
      %swap3A_835 = tpu.vector_load %arg4[%swap3A_833, %swap3A_834] {strides = array<i32>} : memref<64x768xf32, #tpu.memory_space<vmem>>, vector<1x16xf32>,
      %swap3A_836 = vector.shape_cast %swap3A_835 : vector<1x16xf32> to vector<16xf32>
      %swap3A_837 = vector.shape_cast %mul3A_832 : vector<16xf32> to vector<1x16xf32>
      tpu.vector_store %arg4[%swap3A_833, %swap3A_834], %swap3A_837 {strides = array<i32>} : memref<64x768xf32, #tpu.memory_space<vmem>>, vector<1x16xf32>,
      %get3A_838 = arith.index_cast %scan3A_298 : i32 to index
      %get3A_839 = arith.constant 720 : index
      %get3A_840 = tpu.vector_load %arg4[%get3A_838, %get3A_839] {strides = array<i32>} : memref<64x768xf32, #tpu.memory_space<vmem>>, vector<1x16xf32>,
      %get3A_841 = vector.shape_cast %get3A_840 : vector<1x16xf32> to vector<16xf32>
      %mul3A_842 = arith.constant 27.7128124 : f32
      %mul3A_843 = vector.broadcast %mul3A_842 : f32 to vector<16xf32>
      %mul3A_844 = arith.mulf %get3A_841, %mul3A_843 : vector<16xf32>
      %swap3A_845 = arith.index_cast %scan3A_298 : i32 to index
      %swap3A_846 = arith.constant 720 : index
      %swap3A_847 = tpu.vector_load %arg4[%swap3A_845, %swap3A_846] {strides = array<i32>} : memref<64x768xf32, #tpu.memory_space<vmem>>, vector<1x16xf32>,
      %swap3A_848 = vector.shape_cast %swap3A_847 : vector<1x16xf32> to vector<16xf32>
      %swap3A_849 = vector.shape_cast %mul3A_844 : vector<16xf32> to vector<1x16xf32>
      tpu.vector_store %arg4[%swap3A_845, %swap3A_846], %swap3A_849 {strides = array<i32>} : memref<64x768xf32, #tpu.memory_space<vmem>>, vector<1x16xf32>,
      %get3A_850 = arith.index_cast %scan3A_298 : i32 to index
      %get3A_851 = arith.constant 736 : index
      %get3A_852 = tpu.vector_load %arg4[%get3A_850, %get3A_851] {strides = array<i32>} : memref<64x768xf32, #tpu.memory_space<vmem>>, vector<1x16xf32>,
      %get3A_853 = vector.shape_cast %get3A_852 : vector<1x16xf32> to vector<16xf32>
      %mul3A_854 = arith.constant 27.7128124 : f32
      %mul3A_855 = vector.broadcast %mul3A_854 : f32 to vector<16xf32>
      %mul3A_856 = arith.mulf %get3A_853, %mul3A_855 : vector<16xf32>
      %swap3A_857 = arith.index_cast %scan3A_298 : i32 to index
      %swap3A_858 = arith.constant 736 : index
      %swap3A_859 = tpu.vector_load %arg4[%swap3A_857, %swap3A_858] {strides = array<i32>} : memref<64x768xf32, #tpu.memory_space<vmem>>, vector<1x16xf32>,
      %swap3A_860 = vector.shape_cast %swap3A_859 : vector<1x16xf32> to vector<16xf32>
      %swap3A_861 = vector.shape_cast %mul3A_856 : vector<16xf32> to vector<1x16xf32>
      tpu.vector_store %arg4[%swap3A_857, %swap3A_858], %swap3A_861 {strides = array<i32>} : memref<64x768xf32, #tpu.memory_space<vmem>>, vector<1x16xf32>,
      %get3A_862 = arith.index_cast %scan3A_298 : i32 to index
      %get3A_863 = arith.constant 752 : index
      %get3A_864 = tpu.vector_load %arg4[%get3A_862, %get3A_863] {strides = array<i32>} : memref<64x768xf32, #tpu.memory_space<vmem>>, vector<1x16xf32>,
      %get3A_865 = vector.shape_cast %get3A_864 : vector<1x16xf32> to vector<16xf32>
      %mul3A_866 = arith.constant 27.7128124 : f32
      %mul3A_867 = vector.broadcast %mul3A_866 : f32 to vector<16xf32>
      %mul3A_868 = arith.mulf %get3A_865, %mul3A_867 : vector<16xf32>
      %swap3A_869 = arith.index_cast %scan3A_298 : i32 to index
      %swap3A_870 = arith.constant 752 : index
      %swap3A_871 = tpu.vector_load %arg4[%swap3A_869, %swap3A_870] {strides = array<i32>} : memref<64x768xf32, #tpu.memory_space<vmem>>, vector<1x16xf32>,
      %swap3A_872 = vector.shape_cast %swap3A_871 : vector<1x16xf32> to vector<16xf32>
      %swap3A_873 = vector.shape_cast %mul3A_868 : vector<16xf32> to vector<1x16xf32>
      tpu.vector_store %arg4[%swap3A_869, %swap3A_870], %swap3A_873 {strides = array<i32>} : memref<64x768xf32, #tpu.memory_space<vmem>>, vector<1x16xf32>,
      %scan3A_874 = arith.constant 0 : i32
      scf.yield %scan3A_874 : i32
    }
    %scan3A_20 = arith.constant 64 : i32
    %add3A_21 = arith.constant 0 : i32
    %add3A_22 = arith.addi %mul3A_2, %add3A_21 : i32
    %dma_start3A_23 = arith.constant 0 : i32
    %dma_start3A_24 = arith.constant 0 : i32
    %dma_start3A_25 = tpu.memref_slice %arg3[%dma_start3A_23, %add3A_22, %dma_start3A_24] : memref<4x8192x768xf32, #tpu.memory_space<hbm>> -> memref<1x64x768xf32, #tpu.memory_space<hbm>>
    %dma_start3A_26 = tpu.memref_squeeze %dma_start3A_25 : memref<1x64x768xf32, #tpu.memory_space<hbm>> -> memref<64x768xf32, #tpu.memory_space<hbm>>
    %dma_start3A_27 = arith.constant 0 : i32
    %dma_start3A_28 = tpu.memref_slice %arg3[%dma_start3A_23, %add3A_22, %dma_start3A_27] : memref<4x8192x768xf32, #tpu.memory_space<hbm>> -> memref<1x64x768xf32, #tpu.memory_space<hbm>>
    %dma_start3A_29 = tpu.memref_squeeze %dma_start3A_28 : memref<1x64x768xf32, #tpu.memory_space<hbm>> -> memref<64x768xf32, #tpu.memory_space<hbm>>
    tpu.enqueue_dma source(%arg4 : memref<64x768xf32, #tpu.memory_space<vmem>>) target(%dma_start3A_29 : memref<64x768xf32, #tpu.memory_space<hbm>>) target_semaphore(%arg8 : memref<!tpu.dma_semaphore, #tpu.memory_space<semaphore_mem>>)
    %dma_start3A_30 = arith.constant 1 : i32
    %dma_start3A_31 = arith.constant 0 : i32
    %dma_start3A_32 = tpu.memref_slice %arg3[%dma_start3A_30, %add3A_22, %dma_start3A_31] : memref<4x8192x768xf32, #tpu.memory_space<hbm>> -> memref<1x64x768xf32, #tpu.memory_space<hbm>>
    %dma_start3A_33 = tpu.memref_squeeze %dma_start3A_32 : memref<1x64x768xf32, #tpu.memory_space<hbm>> -> memref<64x768xf32, #tpu.memory_space<hbm>>
    %dma_start3A_34 = arith.constant 0 : i32
    %dma_start3A_35 = tpu.memref_slice %arg3[%dma_start3A_30, %add3A_22, %dma_start3A_34] : memref<4x8192x768xf32, #tpu.memory_space<hbm>> -> memref<1x64x768xf32, #tpu.memory_space<hbm>>
    %dma_start3A_36 = tpu.memref_squeeze %dma_start3A_35 : memref<1x64x768xf32, #tpu.memory_space<hbm>> -> memref<64x768xf32, #tpu.memory_space<hbm>>
    tpu.enqueue_dma source(%arg4 : memref<64x768xf32, #tpu.memory_space<vmem>>) target(%dma_start3A_36 : memref<64x768xf32, #tpu.memory_space<hbm>>) target_semaphore(%arg8 : memref<!tpu.dma_semaphore, #tpu.memory_space<semaphore_mem>>)
    %dma_start3A_37 = arith.constant 2 : i32
    %dma_start3A_38 = arith.constant 0 : i32
    %dma_start3A_39 = tpu.memref_slice %arg3[%dma_start3A_37, %add3A_22, %dma_start3A_38] : memref<4x8192x768xf32, #tpu.memory_space<hbm>> -> memref<1x64x768xf32, #tpu.memory_space<hbm>>
    %dma_start3A_40 = tpu.memref_squeeze %dma_start3A_39 : memref<1x64x768xf32, #tpu.memory_space<hbm>> -> memref<64x768xf32, #tpu.memory_space<hbm>>
    %dma_start3A_41 = arith.constant 0 : i32
    %dma_start3A_42 = tpu.memref_slice %arg3[%dma_start3A_37, %add3A_22, %dma_start3A_41] : memref<4x8192x768xf32, #tpu.memory_space<hbm>> -> memref<1x64x768xf32, #tpu.memory_space<hbm>>
    %dma_start3A_43 = tpu.memref_squeeze %dma_start3A_42 : memref<1x64x768xf32, #tpu.memory_space<hbm>> -> memref<64x768xf32, #tpu.memory_space<hbm>>
    tpu.enqueue_dma source(%arg4 : memref<64x768xf32, #tpu.memory_space<vmem>>) target(%dma_start3A_43 : memref<64x768xf32, #tpu.memory_space<hbm>>) target_semaphore(%arg8 : memref<!tpu.dma_semaphore, #tpu.memory_space<semaphore_mem>>)
    %dma_start3A_44 = arith.constant 3 : i32
    %dma_start3A_45 = arith.constant 0 : i32
    %dma_start3A_46 = tpu.memref_slice %arg3[%dma_start3A_44, %add3A_22, %dma_start3A_45] : memref<4x8192x768xf32, #tpu.memory_space<hbm>> -> memref<1x64x768xf32, #tpu.memory_space<hbm>>
    %dma_start3A_47 = tpu.memref_squeeze %dma_start3A_46 : memref<1x64x768xf32, #tpu.memory_space<hbm>> -> memref<64x768xf32, #tpu.memory_space<hbm>>
    %dma_start3A_48 = arith.constant 0 : i32
    %dma_start3A_49 = tpu.memref_slice %arg3[%dma_start3A_44, %add3A_22, %dma_start3A_48] : memref<4x8192x768xf32, #tpu.memory_space<hbm>> -> memref<1x64x768xf32, #tpu.memory_space<hbm>>
    %dma_start3A_50 = tpu.memref_squeeze %dma_start3A_49 : memref<1x64x768xf32, #tpu.memory_space<hbm>> -> memref<64x768xf32, #tpu.memory_space<hbm>>
    tpu.enqueue_dma source(%arg4 : memref<64x768xf32, #tpu.memory_space<vmem>>) target(%dma_start3A_50 : memref<64x768xf32, #tpu.memory_space<hbm>>) target_semaphore(%arg8 : memref<!tpu.dma_semaphore, #tpu.memory_space<semaphore_mem>>)
    %dma_wait3A_51 = arith.constant 0 : i32
    %dma_wait3A_52 = arith.constant 0 : i32
    %dma_wait3A_53 = tpu.memref_slice %arg3[%dma_wait3A_51, %add3A_22, %dma_wait3A_52] : memref<4x8192x768xf32, #tpu.memory_space<hbm>> -> memref<1x64x768xf32, #tpu.memory_space<hbm>>
    %dma_wait3A_54 = tpu.memref_squeeze %dma_wait3A_53 : memref<1x64x768xf32, #tpu.memory_space<hbm>> -> memref<64x768xf32, #tpu.memory_space<hbm>>
    %dma_wait3A_55 = arith.constant 0 : i32
    %dma_wait3A_56 = tpu.memref_slice %arg3[%dma_wait3A_51, %add3A_22, %dma_wait3A_55] : memref<4x8192x768xf32, #tpu.memory_space<hbm>> -> memref<1x64x768xf32, #tpu.memory_space<hbm>>
    %dma_wait3A_57 = tpu.memref_squeeze %dma_wait3A_56 : memref<1x64x768xf32, #tpu.memory_space<hbm>> -> memref<64x768xf32, #tpu.memory_space<hbm>>
    tpu.wait_dma2 semaphore(%arg8 : memref<!tpu.dma_semaphore, #tpu.memory_space<semaphore_mem>>) src(%arg4 : memref<64x768xf32, #tpu.memory_space<vmem>>) dst(%dma_wait3A_57 : memref<64x768xf32, #tpu.memory_space<hbm>>)
    %dma_wait3A_58 = arith.constant 1 : i32
    %dma_wait3A_59 = arith.constant 0 : i32
    %dma_wait3A_60 = tpu.memref_slice %arg3[%dma_wait3A_58, %add3A_22, %dma_wait3A_59] : memref<4x8192x768xf32, #tpu.memory_space<hbm>> -> memref<1x64x768xf32, #tpu.memory_space<hbm>>
    %dma_wait3A_61 = tpu.memref_squeeze %dma_wait3A_60 : memref<1x64x768xf32, #tpu.memory_space<hbm>> -> memref<64x768xf32, #tpu.memory_space<hbm>>
    %dma_wait3A_62 = arith.constant 0 : i32
    %dma_wait3A_63 = tpu.memref_slice %arg3[%dma_wait3A_58, %add3A_22, %dma_wait3A_62] : memref<4x8192x768xf32, #tpu.memory_space<hbm>> -> memref<1x64x768xf32, #tpu.memory_space<hbm>>
    %dma_wait3A_64 = tpu.memref_squeeze %dma_wait3A_63 : memref<1x64x768xf32, #tpu.memory_space<hbm>> -> memref<64x768xf32, #tpu.memory_space<hbm>>
    tpu.wait_dma2 semaphore(%arg8 : memref<!tpu.dma_semaphore, #tpu.memory_space<semaphore_mem>>) src(%arg4 : memref<64x768xf32, #tpu.memory_space<vmem>>) dst(%dma_wait3A_64 : memref<64x768xf32, #tpu.memory_space<hbm>>)
    %dma_wait3A_65 = arith.constant 2 : i32
    %dma_wait3A_66 = arith.constant 0 : i32
    %dma_wait3A_67 = tpu.memref_slice %arg3[%dma_wait3A_65, %add3A_22, %dma_wait3A_66] : memref<4x8192x768xf32, #tpu.memory_space<hbm>> -> memref<1x64x768xf32, #tpu.memory_space<hbm>>
    %dma_wait3A_68 = tpu.memref_squeeze %dma_wait3A_67 : memref<1x64x768xf32, #tpu.memory_space<hbm>> -> memref<64x768xf32, #tpu.memory_space<hbm>>
    %dma_wait3A_69 = arith.constant 0 : i32
    %dma_wait3A_70 = tpu.memref_slice %arg3[%dma_wait3A_65, %add3A_22, %dma_wait3A_69] : memref<4x8192x768xf32, #tpu.memory_space<hbm>> -> memref<1x64x768xf32, #tpu.memory_space<hbm>>
    %dma_wait3A_71 = tpu.memref_squeeze %dma_wait3A_70 : memref<1x64x768xf32, #tpu.memory_space<hbm>> -> memref<64x768xf32, #tpu.memory_space<hbm>>
    tpu.wait_dma2 semaphore(%arg8 : memref<!tpu.dma_semaphore, #tpu.memory_space<semaphore_mem>>) src(%arg4 : memref<64x768xf32, #tpu.memory_space<vmem>>) dst(%dma_wait3A_71 : memref<64x768xf32, #tpu.memory_space<hbm>>)
    %dma_wait3A_72 = arith.constant 3 : i32
    %dma_wait3A_73 = arith.constant 0 : i32
    %dma_wait3A_74 = tpu.memref_slice %arg3[%dma_wait3A_72, %add3A_22, %dma_wait3A_73] : memref<4x8192x768xf32, #tpu.memory_space<hbm>> -> memref<1x64x768xf32, #tpu.memory_space<hbm>>
    %dma_wait3A_75 = tpu.memref_squeeze %dma_wait3A_74 : memref<1x64x768xf32, #tpu.memory_space<hbm>> -> memref<64x768xf32, #tpu.memory_space<hbm>>
    %dma_wait3A_76 = arith.constant 0 : i32
    %dma_wait3A_77 = tpu.memref_slice %arg3[%dma_wait3A_72, %add3A_22, %dma_wait3A_76] : memref<4x8192x768xf32, #tpu.memory_space<hbm>> -> memref<1x64x768xf32, #tpu.memory_space<hbm>>
    %dma_wait3A_78 = tpu.memref_squeeze %dma_wait3A_77 : memref<1x64x768xf32, #tpu.memory_space<hbm>> -> memref<64x768xf32, #tpu.memory_space<hbm>>
    tpu.wait_dma2 semaphore(%arg8 : memref<!tpu.dma_semaphore, #tpu.memory_space<semaphore_mem>>) src(%arg4 : memref<64x768xf32, #tpu.memory_space<vmem>>) dst(%dma_wait3A_78 : memref<64x768xf32, #tpu.memory_space<hbm>>)
    %add3A_79 = arith.constant 128 : i32
    %add3A_80 = arith.addi %mul3A_2, %add3A_79 : i32
    %dma_start3A_81 = arith.constant 0 : i32
    %dma_start3A_82 = tpu.memref_slice %arg2[%add3A_80, %dma_start3A_81] : memref<8192x768xf32, #tpu.memory_space<hbm>> -> memref<64x768xf32, #tpu.memory_space<hbm>>
    %dma_start3A_83 = arith.constant 0 : i32
    %dma_start3A_84 = tpu.memref_slice %arg2[%add3A_80, %dma_start3A_83] : memref<8192x768xf32, #tpu.memory_space<hbm>> -> memref<64x768xf32, #tpu.memory_space<hbm>>
    tpu.enqueue_dma source(%dma_start3A_84 : memref<64x768xf32, #tpu.memory_space<hbm>>) target(%arg4 : memref<64x768xf32, #tpu.memory_space<vmem>>) target_semaphore(%arg6 : memref<!tpu.dma_semaphore, #tpu.memory_space<semaphore_mem>>)
    %dma_wait3A_85 = arith.constant 0 : i32
    %dma_wait3A_86 = tpu.memref_slice %arg2[%add3A_7, %dma_wait3A_85] : memref<8192x768xf32, #tpu.memory_space<hbm>> -> memref<64x768xf32, #tpu.memory_space<hbm>>
    %dma_wait3A_87 = arith.constant 0 : i32
    %dma_wait3A_88 = tpu.memref_slice %arg2[%add3A_7, %dma_wait3A_87] : memref<8192x768xf32, #tpu.memory_space<hbm>> -> memref<64x768xf32, #tpu.memory_space<hbm>>
    tpu.wait_dma2 semaphore(%arg7 : memref<!tpu.dma_semaphore, #tpu.memory_space<semaphore_mem>>) src(%dma_wait3A_88 : memref<64x768xf32, #tpu.memory_space<hbm>>) dst(%arg5 : memref<64x768xf32, #tpu.memory_space<vmem>>)
    %scan3A_89 = arith.constant 0 : i32
    %scan3A_90 = arith.constant 0 : i32
    %scan3A_91 = arith.constant 64 : i32
    %scan3A_92 = arith.addi %scan3A_90, %scan3A_91 : i32
    %scan3A_93 = arith.constant 1 : i32
    %scan3A_94 = scf.for %scan3A_298 = %scan3A_90 to %scan3A_92 step %scan3A_93 iter_args(%scan3A_299 = %scan3A_89) -> (i32)  : i32 {
      %get3A = arith.index_cast %scan3A_298 : i32 to index
      %get3A_300 = arith.constant 0 : index
      %get3A_301 = tpu.vector_load %arg5[%get3A, %get3A_300] {strides = array<i32>} : memref<64x768xf32, #tpu.memory_space<vmem>>, vector<1x16xf32>,
      %get3A_302 = vector.shape_cast %get3A_301 : vector<1x16xf32> to vector<16xf32>
      %mul3A_303 = arith.constant 27.7128124 : f32
      %mul3A_304 = vector.broadcast %mul3A_303 : f32 to vector<16xf32>
      %mul3A_305 = arith.mulf %get3A_302, %mul3A_304 : vector<16xf32>
      %swap3A = arith.index_cast %scan3A_298 : i32 to index
      %swap3A_306 = arith.constant 0 : index
      %swap3A_307 = tpu.vector_load %arg5[%swap3A, %swap3A_306] {strides = array<i32>} : memref<64x768xf32, #tpu.memory_space<vmem>>, vector<1x16xf32>,
      %swap3A_308 = vector.shape_cast %swap3A_307 : vector<1x16xf32> to vector<16xf32>
      %swap3A_309 = vector.shape_cast %mul3A_305 : vector<16xf32> to vector<1x16xf32>
      tpu.vector_store %arg5[%swap3A, %swap3A_306], %swap3A_309 {strides = array<i32>} : memref<64x768xf32, #tpu.memory_space<vmem>>, vector<1x16xf32>,
      %get3A_310 = arith.index_cast %scan3A_298 : i32 to index
      %get3A_311 = arith.constant 16 : index
      %get3A_312 = tpu.vector_load %arg5[%get3A_310, %get3A_311] {strides = array<i32>} : memref<64x768xf32, #tpu.memory_space<vmem>>, vector<1x16xf32>,
      %get3A_313 = vector.shape_cast %get3A_312 : vector<1x16xf32> to vector<16xf32>
      %mul3A_314 = arith.constant 27.7128124 : f32
      %mul3A_315 = vector.broadcast %mul3A_314 : f32 to vector<16xf32>
      %mul3A_316 = arith.mulf %get3A_313, %mul3A_315 : vector<16xf32>
      %swap3A_317 = arith.index_cast %scan3A_298 : i32 to index
      %swap3A_318 = arith.constant 16 : index
      %swap3A_319 = tpu.vector_load %arg5[%swap3A_317, %swap3A_318] {strides = array<i32>} : memref<64x768xf32, #tpu.memory_space<vmem>>, vector<1x16xf32>,
      %swap3A_320 = vector.shape_cast %swap3A_319 : vector<1x16xf32> to vector<16xf32>
      %swap3A_321 = vector.shape_cast %mul3A_316 : vector<16xf32> to vector<1x16xf32>
      tpu.vector_store %arg5[%swap3A_317, %swap3A_318], %swap3A_321 {strides = array<i32>} : memref<64x768xf32, #tpu.memory_space<vmem>>, vector<1x16xf32>,
      %get3A_322 = arith.index_cast %scan3A_298 : i32 to index
      %get3A_323 = arith.constant 32 : index
      %get3A_324 = tpu.vector_load %arg5[%get3A_322, %get3A_323] {strides = array<i32>} : memref<64x768xf32, #tpu.memory_space<vmem>>, vector<1x16xf32>,
      %get3A_325 = vector.shape_cast %get3A_324 : vector<1x16xf32> to vector<16xf32>
      %mul3A_326 = arith.constant 27.7128124 : f32
      %mul3A_327 = vector.broadcast %mul3A_326 : f32 to vector<16xf32>
      %mul3A_328 = arith.mulf %get3A_325, %mul3A_327 : vector<16xf32>
      %swap3A_329 = arith.index_cast %scan3A_298 : i32 to index
      %swap3A_330 = arith.constant 32 : index
      %swap3A_331 = tpu.vector_load %arg5[%swap3A_329, %swap3A_330] {strides = array<i32>} : memref<64x768xf32, #tpu.memory_space<vmem>>, vector<1x16xf32>,
      %swap3A_332 = vector.shape_cast %swap3A_331 : vector<1x16xf32> to vector<16xf32>
      %swap3A_333 = vector.shape_cast %mul3A_328 : vector<16xf32> to vector<1x16xf32>
      tpu.vector_store %arg5[%swap3A_329, %swap3A_330], %swap3A_333 {strides = array<i32>} : memref<64x768xf32, #tpu.memory_space<vmem>>, vector<1x16xf32>,
      %get3A_334 = arith.index_cast %scan3A_298 : i32 to index
      %get3A_335 = arith.constant 48 : index
      %get3A_336 = tpu.vector_load %arg5[%get3A_334, %get3A_335] {strides = array<i32>} : memref<64x768xf32, #tpu.memory_space<vmem>>, vector<1x16xf32>,
      %get3A_337 = vector.shape_cast %get3A_336 : vector<1x16xf32> to vector<16xf32>
      %mul3A_338 = arith.constant 27.7128124 : f32
      %mul3A_339 = vector.broadcast %mul3A_338 : f32 to vector<16xf32>
      %mul3A_340 = arith.mulf %get3A_337, %mul3A_339 : vector<16xf32>
      %swap3A_341 = arith.index_cast %scan3A_298 : i32 to index
      %swap3A_342 = arith.constant 48 : index
      %swap3A_343 = tpu.vector_load %arg5[%swap3A_341, %swap3A_342] {strides = array<i32>} : memref<64x768xf32, #tpu.memory_space<vmem>>, vector<1x16xf32>,
      %swap3A_344 = vector.shape_cast %swap3A_343 : vector<1x16xf32> to vector<16xf32>
      %swap3A_345 = vector.shape_cast %mul3A_340 : vector<16xf32> to vector<1x16xf32>
      tpu.vector_store %arg5[%swap3A_341, %swap3A_342], %swap3A_345 {strides = array<i32>} : memref<64x768xf32, #tpu.memory_space<vmem>>, vector<1x16xf32>,
      %get3A_346 = arith.index_cast %scan3A_298 : i32 to index
      %get3A_347 = arith.constant 64 : index
      %get3A_348 = tpu.vector_load %arg5[%get3A_346, %get3A_347] {strides = array<i32>} : memref<64x768xf32, #tpu.memory_space<vmem>>, vector<1x16xf32>,
      %get3A_349 = vector.shape_cast %get3A_348 : vector<1x16xf32> to vector<16xf32>
      %mul3A_350 = arith.constant 27.7128124 : f32
      %mul3A_351 = vector.broadcast %mul3A_350 : f32 to vector<16xf32>
      %mul3A_352 = arith.mulf %get3A_349, %mul3A_351 : vector<16xf32>
      %swap3A_353 = arith.index_cast %scan3A_298 : i32 to index
      %swap3A_354 = arith.constant 64 : index
      %swap3A_355 = tpu.vector_load %arg5[%swap3A_353, %swap3A_354] {strides = array<i32>} : memref<64x768xf32, #tpu.memory_space<vmem>>, vector<1x16xf32>,
      %swap3A_356 = vector.shape_cast %swap3A_355 : vector<1x16xf32> to vector<16xf32>
      %swap3A_357 = vector.shape_cast %mul3A_352 : vector<16xf32> to vector<1x16xf32>
      tpu.vector_store %arg5[%swap3A_353, %swap3A_354], %swap3A_357 {strides = array<i32>} : memref<64x768xf32, #tpu.memory_space<vmem>>, vector<1x16xf32>,
      %get3A_358 = arith.index_cast %scan3A_298 : i32 to index
      %get3A_359 = arith.constant 80 : index
      %get3A_360 = tpu.vector_load %arg5[%get3A_358, %get3A_359] {strides = array<i32>} : memref<64x768xf32, #tpu.memory_space<vmem>>, vector<1x16xf32>,
      %get3A_361 = vector.shape_cast %get3A_360 : vector<1x16xf32> to vector<16xf32>
      %mul3A_362 = arith.constant 27.7128124 : f32
      %mul3A_363 = vector.broadcast %mul3A_362 : f32 to vector<16xf32>
      %mul3A_364 = arith.mulf %get3A_361, %mul3A_363 : vector<16xf32>
      %swap3A_365 = arith.index_cast %scan3A_298 : i32 to index
      %swap3A_366 = arith.constant 80 : index
      %swap3A_367 = tpu.vector_load %arg5[%swap3A_365, %swap3A_366] {strides = array<i32>} : memref<64x768xf32, #tpu.memory_space<vmem>>, vector<1x16xf32>,
      %swap3A_368 = vector.shape_cast %swap3A_367 : vector<1x16xf32> to vector<16xf32>
      %swap3A_369 = vector.shape_cast %mul3A_364 : vector<16xf32> to vector<1x16xf32>
      tpu.vector_store %arg5[%swap3A_365, %swap3A_366], %swap3A_369 {strides = array<i32>} : memref<64x768xf32, #tpu.memory_space<vmem>>, vector<1x16xf32>,
      %get3A_370 = arith.index_cast %scan3A_298 : i32 to index
      %get3A_371 = arith.constant 96 : index
      %get3A_372 = tpu.vector_load %arg5[%get3A_370, %get3A_371] {strides = array<i32>} : memref<64x768xf32, #tpu.memory_space<vmem>>, vector<1x16xf32>,
      %get3A_373 = vector.shape_cast %get3A_372 : vector<1x16xf32> to vector<16xf32>
      %mul3A_374 = arith.constant 27.7128124 : f32
      %mul3A_375 = vector.broadcast %mul3A_374 : f32 to vector<16xf32>
      %mul3A_376 = arith.mulf %get3A_373, %mul3A_375 : vector<16xf32>
      %swap3A_377 = arith.index_cast %scan3A_298 : i32 to index
      %swap3A_378 = arith.constant 96 : index
      %swap3A_379 = tpu.vector_load %arg5[%swap3A_377, %swap3A_378] {strides = array<i32>} : memref<64x768xf32, #tpu.memory_space<vmem>>, vector<1x16xf32>,
      %swap3A_380 = vector.shape_cast %swap3A_379 : vector<1x16xf32> to vector<16xf32>
      %swap3A_381 = vector.shape_cast %mul3A_376 : vector<16xf32> to vector<1x16xf32>
      tpu.vector_store %arg5[%swap3A_377, %swap3A_378], %swap3A_381 {strides = array<i32>} : memref<64x768xf32, #tpu.memory_space<vmem>>, vector<1x16xf32>,
      %get3A_382 = arith.index_cast %scan3A_298 : i32 to index
      %get3A_383 = arith.constant 112 : index
      %get3A_384 = tpu.vector_load %arg5[%get3A_382, %get3A_383] {strides = array<i32>} : memref<64x768xf32, #tpu.memory_space<vmem>>, vector<1x16xf32>,
      %get3A_385 = vector.shape_cast %get3A_384 : vector<1x16xf32> to vector<16xf32>
      %mul3A_386 = arith.constant 27.7128124 : f32
      %mul3A_387 = vector.broadcast %mul3A_386 : f32 to vector<16xf32>
      %mul3A_388 = arith.mulf %get3A_385, %mul3A_387 : vector<16xf32>
      %swap3A_389 = arith.index_cast %scan3A_298 : i32 to index
      %swap3A_390 = arith.constant 112 : index
      %swap3A_391 = tpu.vector_load %arg5[%swap3A_389, %swap3A_390] {strides = array<i32>} : memref<64x768xf32, #tpu.memory_space<vmem>>, vector<1x16xf32>,
      %swap3A_392 = vector.shape_cast %swap3A_391 : vector<1x16xf32> to vector<16xf32>
      %swap3A_393 = vector.shape_cast %mul3A_388 : vector<16xf32> to vector<1x16xf32>
      tpu.vector_store %arg5[%swap3A_389, %swap3A_390], %swap3A_393 {strides = array<i32>} : memref<64x768xf32, #tpu.memory_space<vmem>>, vector<1x16xf32>,
      %get3A_394 = arith.index_cast %scan3A_298 : i32 to index
      %get3A_395 = arith.constant 128 : index
      %get3A_396 = tpu.vector_load %arg5[%get3A_394, %get3A_395] {strides = array<i32>} : memref<64x768xf32, #tpu.memory_space<vmem>>, vector<1x16xf32>,
      %get3A_397 = vector.shape_cast %get3A_396 : vector<1x16xf32> to vector<16xf32>
      %mul3A_398 = arith.constant 27.7128124 : f32
      %mul3A_399 = vector.broadcast %mul3A_398 : f32 to vector<16xf32>
      %mul3A_400 = arith.mulf %get3A_397, %mul3A_399 : vector<16xf32>
      %swap3A_401 = arith.index_cast %scan3A_298 : i32 to index
      %swap3A_402 = arith.constant 128 : index
      %swap3A_403 = tpu.vector_load %arg5[%swap3A_401, %swap3A_402] {strides = array<i32>} : memref<64x768xf32, #tpu.memory_space<vmem>>, vector<1x16xf32>,
      %swap3A_404 = vector.shape_cast %swap3A_403 : vector<1x16xf32> to vector<16xf32>
      %swap3A_405 = vector.shape_cast %mul3A_400 : vector<16xf32> to vector<1x16xf32>
      tpu.vector_store %arg5[%swap3A_401, %swap3A_402], %swap3A_405 {strides = array<i32>} : memref<64x768xf32, #tpu.memory_space<vmem>>, vector<1x16xf32>,
      %get3A_406 = arith.index_cast %scan3A_298 : i32 to index
      %get3A_407 = arith.constant 144 : index
      %get3A_408 = tpu.vector_load %arg5[%get3A_406, %get3A_407] {strides = array<i32>} : memref<64x768xf32, #tpu.memory_space<vmem>>, vector<1x16xf32>,
      %get3A_409 = vector.shape_cast %get3A_408 : vector<1x16xf32> to vector<16xf32>
      %mul3A_410 = arith.constant 27.7128124 : f32
      %mul3A_411 = vector.broadcast %mul3A_410 : f32 to vector<16xf32>
      %mul3A_412 = arith.mulf %get3A_409, %mul3A_411 : vector<16xf32>
      %swap3A_413 = arith.index_cast %scan3A_298 : i32 to index
      %swap3A_414 = arith.constant 144 : index
      %swap3A_415 = tpu.vector_load %arg5[%swap3A_413, %swap3A_414] {strides = array<i32>} : memref<64x768xf32, #tpu.memory_space<vmem>>, vector<1x16xf32>,
      %swap3A_416 = vector.shape_cast %swap3A_415 : vector<1x16xf32> to vector<16xf32>
      %swap3A_417 = vector.shape_cast %mul3A_412 : vector<16xf32> to vector<1x16xf32>
      tpu.vector_store %arg5[%swap3A_413, %swap3A_414], %swap3A_417 {strides = array<i32>} : memref<64x768xf32, #tpu.memory_space<vmem>>, vector<1x16xf32>,
      %get3A_418 = arith.index_cast %scan3A_298 : i32 to index
      %get3A_419 = arith.constant 160 : index
      %get3A_420 = tpu.vector_load %arg5[%get3A_418, %get3A_419] {strides = array<i32>} : memref<64x768xf32, #tpu.memory_space<vmem>>, vector<1x16xf32>,
      %get3A_421 = vector.shape_cast %get3A_420 : vector<1x16xf32> to vector<16xf32>
      %mul3A_422 = arith.constant 27.7128124 : f32
      %mul3A_423 = vector.broadcast %mul3A_422 : f32 to vector<16xf32>
      %mul3A_424 = arith.mulf %get3A_421, %mul3A_423 : vector<16xf32>
      %swap3A_425 = arith.index_cast %scan3A_298 : i32 to index
      %swap3A_426 = arith.constant 160 : index
      %swap3A_427 = tpu.vector_load %arg5[%swap3A_425, %swap3A_426] {strides = array<i32>} : memref<64x768xf32, #tpu.memory_space<vmem>>, vector<1x16xf32>,
      %swap3A_428 = vector.shape_cast %swap3A_427 : vector<1x16xf32> to vector<16xf32>
      %swap3A_429 = vector.shape_cast %mul3A_424 : vector<16xf32> to vector<1x16xf32>
      tpu.vector_store %arg5[%swap3A_425, %swap3A_426], %swap3A_429 {strides = array<i32>} : memref<64x768xf32, #tpu.memory_space<vmem>>, vector<1x16xf32>,
      %get3A_430 = arith.index_cast %scan3A_298 : i32 to index
      %get3A_431 = arith.constant 176 : index
      %get3A_432 = tpu.vector_load %arg5[%get3A_430, %get3A_431] {strides = array<i32>} : memref<64x768xf32, #tpu.memory_space<vmem>>, vector<1x16xf32>,
      %get3A_433 = vector.shape_cast %get3A_432 : vector<1x16xf32> to vector<16xf32>
      %mul3A_434 = arith.constant 27.7128124 : f32
      %mul3A_435 = vector.broadcast %mul3A_434 : f32 to vector<16xf32>
      %mul3A_436 = arith.mulf %get3A_433, %mul3A_435 : vector<16xf32>
      %swap3A_437 = arith.index_cast %scan3A_298 : i32 to index
      %swap3A_438 = arith.constant 176 : index
      %swap3A_439 = tpu.vector_load %arg5[%swap3A_437, %swap3A_438] {strides = array<i32>} : memref<64x768xf32, #tpu.memory_space<vmem>>, vector<1x16xf32>,
      %swap3A_440 = vector.shape_cast %swap3A_439 : vector<1x16xf32> to vector<16xf32>
      %swap3A_441 = vector.shape_cast %mul3A_436 : vector<16xf32> to vector<1x16xf32>
      tpu.vector_store %arg5[%swap3A_437, %swap3A_438], %swap3A_441 {strides = array<i32>} : memref<64x768xf32, #tpu.memory_space<vmem>>, vector<1x16xf32>,
      %get3A_442 = arith.index_cast %scan3A_298 : i32 to index
      %get3A_443 = arith.constant 192 : index
      %get3A_444 = tpu.vector_load %arg5[%get3A_442, %get3A_443] {strides = array<i32>} : memref<64x768xf32, #tpu.memory_space<vmem>>, vector<1x16xf32>,
      %get3A_445 = vector.shape_cast %get3A_444 : vector<1x16xf32> to vector<16xf32>
      %mul3A_446 = arith.constant 27.7128124 : f32
      %mul3A_447 = vector.broadcast %mul3A_446 : f32 to vector<16xf32>
      %mul3A_448 = arith.mulf %get3A_445, %mul3A_447 : vector<16xf32>
      %swap3A_449 = arith.index_cast %scan3A_298 : i32 to index
      %swap3A_450 = arith.constant 192 : index
      %swap3A_451 = tpu.vector_load %arg5[%swap3A_449, %swap3A_450] {strides = array<i32>} : memref<64x768xf32, #tpu.memory_space<vmem>>, vector<1x16xf32>,
      %swap3A_452 = vector.shape_cast %swap3A_451 : vector<1x16xf32> to vector<16xf32>
      %swap3A_453 = vector.shape_cast %mul3A_448 : vector<16xf32> to vector<1x16xf32>
      tpu.vector_store %arg5[%swap3A_449, %swap3A_450], %swap3A_453 {strides = array<i32>} : memref<64x768xf32, #tpu.memory_space<vmem>>, vector<1x16xf32>,
      %get3A_454 = arith.index_cast %scan3A_298 : i32 to index
      %get3A_455 = arith.constant 208 : index
      %get3A_456 = tpu.vector_load %arg5[%get3A_454, %get3A_455] {strides = array<i32>} : memref<64x768xf32, #tpu.memory_space<vmem>>, vector<1x16xf32>,
      %get3A_457 = vector.shape_cast %get3A_456 : vector<1x16xf32> to vector<16xf32>
      %mul3A_458 = arith.constant 27.7128124 : f32
      %mul3A_459 = vector.broadcast %mul3A_458 : f32 to vector<16xf32>
      %mul3A_460 = arith.mulf %get3A_457, %mul3A_459 : vector<16xf32>
      %swap3A_461 = arith.index_cast %scan3A_298 : i32 to index
      %swap3A_462 = arith.constant 208 : index
      %swap3A_463 = tpu.vector_load %arg5[%swap3A_461, %swap3A_462] {strides = array<i32>} : memref<64x768xf32, #tpu.memory_space<vmem>>, vector<1x16xf32>,
      %swap3A_464 = vector.shape_cast %swap3A_463 : vector<1x16xf32> to vector<16xf32>
      %swap3A_465 = vector.shape_cast %mul3A_460 : vector<16xf32> to vector<1x16xf32>
      tpu.vector_store %arg5[%swap3A_461, %swap3A_462], %swap3A_465 {strides = array<i32>} : memref<64x768xf32, #tpu.memory_space<vmem>>, vector<1x16xf32>,
      %get3A_466 = arith.index_cast %scan3A_298 : i32 to index
      %get3A_467 = arith.constant 224 : index
      %get3A_468 = tpu.vector_load %arg5[%get3A_466, %get3A_467] {strides = array<i32>} : memref<64x768xf32, #tpu.memory_space<vmem>>, vector<1x16xf32>,
      %get3A_469 = vector.shape_cast %get3A_468 : vector<1x16xf32> to vector<16xf32>
      %mul3A_470 = arith.constant 27.7128124 : f32
      %mul3A_471 = vector.broadcast %mul3A_470 : f32 to vector<16xf32>
      %mul3A_472 = arith.mulf %get3A_469, %mul3A_471 : vector<16xf32>
      %swap3A_473 = arith.index_cast %scan3A_298 : i32 to index
      %swap3A_474 = arith.constant 224 : index
      %swap3A_475 = tpu.vector_load %arg5[%swap3A_473, %swap3A_474] {strides = array<i32>} : memref<64x768xf32, #tpu.memory_space<vmem>>, vector<1x16xf32>,
      %swap3A_476 = vector.shape_cast %swap3A_475 : vector<1x16xf32> to vector<16xf32>
      %swap3A_477 = vector.shape_cast %mul3A_472 : vector<16xf32> to vector<1x16xf32>
      tpu.vector_store %arg5[%swap3A_473, %swap3A_474], %swap3A_477 {strides = array<i32>} : memref<64x768xf32, #tpu.memory_space<vmem>>, vector<1x16xf32>,
      %get3A_478 = arith.index_cast %scan3A_298 : i32 to index
      %get3A_479 = arith.constant 240 : index
      %get3A_480 = tpu.vector_load %arg5[%get3A_478, %get3A_479] {strides = array<i32>} : memref<64x768xf32, #tpu.memory_space<vmem>>, vector<1x16xf32>,
      %get3A_481 = vector.shape_cast %get3A_480 : vector<1x16xf32> to vector<16xf32>
      %mul3A_482 = arith.constant 27.7128124 : f32
      %mul3A_483 = vector.broadcast %mul3A_482 : f32 to vector<16xf32>
      %mul3A_484 = arith.mulf %get3A_481, %mul3A_483 : vector<16xf32>
      %swap3A_485 = arith.index_cast %scan3A_298 : i32 to index
      %swap3A_486 = arith.constant 240 : index
      %swap3A_487 = tpu.vector_load %arg5[%swap3A_485, %swap3A_486] {strides = array<i32>} : memref<64x768xf32, #tpu.memory_space<vmem>>, vector<1x16xf32>,
      %swap3A_488 = vector.shape_cast %swap3A_487 : vector<1x16xf32> to vector<16xf32>
      %swap3A_489 = vector.shape_cast %mul3A_484 : vector<16xf32> to vector<1x16xf32>
      tpu.vector_store %arg5[%swap3A_485, %swap3A_486], %swap3A_489 {strides = array<i32>} : memref<64x768xf32, #tpu.memory_space<vmem>>, vector<1x16xf32>,
      %get3A_490 = arith.index_cast %scan3A_298 : i32 to index
      %get3A_491 = arith.constant 256 : index
      %get3A_492 = tpu.vector_load %arg5[%get3A_490, %get3A_491] {strides = array<i32>} : memref<64x768xf32, #tpu.memory_space<vmem>>, vector<1x16xf32>,
      %get3A_493 = vector.shape_cast %get3A_492 : vector<1x16xf32> to vector<16xf32>
      %mul3A_494 = arith.constant 27.7128124 : f32
      %mul3A_495 = vector.broadcast %mul3A_494 : f32 to vector<16xf32>
      %mul3A_496 = arith.mulf %get3A_493, %mul3A_495 : vector<16xf32>
      %swap3A_497 = arith.index_cast %scan3A_298 : i32 to index
      %swap3A_498 = arith.constant 256 : index
      %swap3A_499 = tpu.vector_load %arg5[%swap3A_497, %swap3A_498] {strides = array<i32>} : memref<64x768xf32, #tpu.memory_space<vmem>>, vector<1x16xf32>,
      %swap3A_500 = vector.shape_cast %swap3A_499 : vector<1x16xf32> to vector<16xf32>
      %swap3A_501 = vector.shape_cast %mul3A_496 : vector<16xf32> to vector<1x16xf32>
      tpu.vector_store %arg5[%swap3A_497, %swap3A_498], %swap3A_501 {strides = array<i32>} : memref<64x768xf32, #tpu.memory_space<vmem>>, vector<1x16xf32>,
      %get3A_502 = arith.index_cast %scan3A_298 : i32 to index
      %get3A_503 = arith.constant 272 : index
      %get3A_504 = tpu.vector_load %arg5[%get3A_502, %get3A_503] {strides = array<i32>} : memref<64x768xf32, #tpu.memory_space<vmem>>, vector<1x16xf32>,
      %get3A_505 = vector.shape_cast %get3A_504 : vector<1x16xf32> to vector<16xf32>
      %mul3A_506 = arith.constant 27.7128124 : f32
      %mul3A_507 = vector.broadcast %mul3A_506 : f32 to vector<16xf32>
      %mul3A_508 = arith.mulf %get3A_505, %mul3A_507 : vector<16xf32>
      %swap3A_509 = arith.index_cast %scan3A_298 : i32 to index
      %swap3A_510 = arith.constant 272 : index
      %swap3A_511 = tpu.vector_load %arg5[%swap3A_509, %swap3A_510] {strides = array<i32>} : memref<64x768xf32, #tpu.memory_space<vmem>>, vector<1x16xf32>,
      %swap3A_512 = vector.shape_cast %swap3A_511 : vector<1x16xf32> to vector<16xf32>
      %swap3A_513 = vector.shape_cast %mul3A_508 : vector<16xf32> to vector<1x16xf32>
      tpu.vector_store %arg5[%swap3A_509, %swap3A_510], %swap3A_513 {strides = array<i32>} : memref<64x768xf32, #tpu.memory_space<vmem>>, vector<1x16xf32>,
      %get3A_514 = arith.index_cast %scan3A_298 : i32 to index
      %get3A_515 = arith.constant 288 : index
      %get3A_516 = tpu.vector_load %arg5[%get3A_514, %get3A_515] {strides = array<i32>} : memref<64x768xf32, #tpu.memory_space<vmem>>, vector<1x16xf32>,
      %get3A_517 = vector.shape_cast %get3A_516 : vector<1x16xf32> to vector<16xf32>
      %mul3A_518 = arith.constant 27.7128124 : f32
      %mul3A_519 = vector.broadcast %mul3A_518 : f32 to vector<16xf32>
      %mul3A_520 = arith.mulf %get3A_517, %mul3A_519 : vector<16xf32>
      %swap3A_521 = arith.index_cast %scan3A_298 : i32 to index
      %swap3A_522 = arith.constant 288 : index
      %swap3A_523 = tpu.vector_load %arg5[%swap3A_521, %swap3A_522] {strides = array<i32>} : memref<64x768xf32, #tpu.memory_space<vmem>>, vector<1x16xf32>,
      %swap3A_524 = vector.shape_cast %swap3A_523 : vector<1x16xf32> to vector<16xf32>
      %swap3A_525 = vector.shape_cast %mul3A_520 : vector<16xf32> to vector<1x16xf32>
      tpu.vector_store %arg5[%swap3A_521, %swap3A_522], %swap3A_525 {strides = array<i32>} : memref<64x768xf32, #tpu.memory_space<vmem>>, vector<1x16xf32>,
      %get3A_526 = arith.index_cast %scan3A_298 : i32 to index
      %get3A_527 = arith.constant 304 : index
      %get3A_528 = tpu.vector_load %arg5[%get3A_526, %get3A_527] {strides = array<i32>} : memref<64x768xf32, #tpu.memory_space<vmem>>, vector<1x16xf32>,
      %get3A_529 = vector.shape_cast %get3A_528 : vector<1x16xf32> to vector<16xf32>
      %mul3A_530 = arith.constant 27.7128124 : f32
      %mul3A_531 = vector.broadcast %mul3A_530 : f32 to vector<16xf32>
      %mul3A_532 = arith.mulf %get3A_529, %mul3A_531 : vector<16xf32>
      %swap3A_533 = arith.index_cast %scan3A_298 : i32 to index
      %swap3A_534 = arith.constant 304 : index
      %swap3A_535 = tpu.vector_load %arg5[%swap3A_533, %swap3A_534] {strides = array<i32>} : memref<64x768xf32, #tpu.memory_space<vmem>>, vector<1x16xf32>,
      %swap3A_536 = vector.shape_cast %swap3A_535 : vector<1x16xf32> to vector<16xf32>
      %swap3A_537 = vector.shape_cast %mul3A_532 : vector<16xf32> to vector<1x16xf32>
      tpu.vector_store %arg5[%swap3A_533, %swap3A_534], %swap3A_537 {strides = array<i32>} : memref<64x768xf32, #tpu.memory_space<vmem>>, vector<1x16xf32>,
      %get3A_538 = arith.index_cast %scan3A_298 : i32 to index
      %get3A_539 = arith.constant 320 : index
      %get3A_540 = tpu.vector_load %arg5[%get3A_538, %get3A_539] {strides = array<i32>} : memref<64x768xf32, #tpu.memory_space<vmem>>, vector<1x16xf32>,
      %get3A_541 = vector.shape_cast %get3A_540 : vector<1x16xf32> to vector<16xf32>
      %mul3A_542 = arith.constant 27.7128124 : f32
      %mul3A_543 = vector.broadcast %mul3A_542 : f32 to vector<16xf32>
      %mul3A_544 = arith.mulf %get3A_541, %mul3A_543 : vector<16xf32>
      %swap3A_545 = arith.index_cast %scan3A_298 : i32 to index
      %swap3A_546 = arith.constant 320 : index
      %swap3A_547 = tpu.vector_load %arg5[%swap3A_545, %swap3A_546] {strides = array<i32>} : memref<64x768xf32, #tpu.memory_space<vmem>>, vector<1x16xf32>,
      %swap3A_548 = vector.shape_cast %swap3A_547 : vector<1x16xf32> to vector<16xf32>
      %swap3A_549 = vector.shape_cast %mul3A_544 : vector<16xf32> to vector<1x16xf32>
      tpu.vector_store %arg5[%swap3A_545, %swap3A_546], %swap3A_549 {strides = array<i32>} : memref<64x768xf32, #tpu.memory_space<vmem>>, vector<1x16xf32>,
      %get3A_550 = arith.index_cast %scan3A_298 : i32 to index
      %get3A_551 = arith.constant 336 : index
      %get3A_552 = tpu.vector_load %arg5[%get3A_550, %get3A_551] {strides = array<i32>} : memref<64x768xf32, #tpu.memory_space<vmem>>, vector<1x16xf32>,
      %get3A_553 = vector.shape_cast %get3A_552 : vector<1x16xf32> to vector<16xf32>
      %mul3A_554 = arith.constant 27.7128124 : f32
      %mul3A_555 = vector.broadcast %mul3A_554 : f32 to vector<16xf32>
      %mul3A_556 = arith.mulf %get3A_553, %mul3A_555 : vector<16xf32>
      %swap3A_557 = arith.index_cast %scan3A_298 : i32 to index
      %swap3A_558 = arith.constant 336 : index
      %swap3A_559 = tpu.vector_load %arg5[%swap3A_557, %swap3A_558] {strides = array<i32>} : memref<64x768xf32, #tpu.memory_space<vmem>>, vector<1x16xf32>,
      %swap3A_560 = vector.shape_cast %swap3A_559 : vector<1x16xf32> to vector<16xf32>
      %swap3A_561 = vector.shape_cast %mul3A_556 : vector<16xf32> to vector<1x16xf32>
      tpu.vector_store %arg5[%swap3A_557, %swap3A_558], %swap3A_561 {strides = array<i32>} : memref<64x768xf32, #tpu.memory_space<vmem>>, vector<1x16xf32>,
      %get3A_562 = arith.index_cast %scan3A_298 : i32 to index
      %get3A_563 = arith.constant 352 : index
      %get3A_564 = tpu.vector_load %arg5[%get3A_562, %get3A_563] {strides = array<i32>} : memref<64x768xf32, #tpu.memory_space<vmem>>, vector<1x16xf32>,
      %get3A_565 = vector.shape_cast %get3A_564 : vector<1x16xf32> to vector<16xf32>
      %mul3A_566 = arith.constant 27.7128124 : f32
      %mul3A_567 = vector.broadcast %mul3A_566 : f32 to vector<16xf32>
      %mul3A_568 = arith.mulf %get3A_565, %mul3A_567 : vector<16xf32>
      %swap3A_569 = arith.index_cast %scan3A_298 : i32 to index
      %swap3A_570 = arith.constant 352 : index
      %swap3A_571 = tpu.vector_load %arg5[%swap3A_569, %swap3A_570] {strides = array<i32>} : memref<64x768xf32, #tpu.memory_space<vmem>>, vector<1x16xf32>,
      %swap3A_572 = vector.shape_cast %swap3A_571 : vector<1x16xf32> to vector<16xf32>
      %swap3A_573 = vector.shape_cast %mul3A_568 : vector<16xf32> to vector<1x16xf32>
      tpu.vector_store %arg5[%swap3A_569, %swap3A_570], %swap3A_573 {strides = array<i32>} : memref<64x768xf32, #tpu.memory_space<vmem>>, vector<1x16xf32>,
      %get3A_574 = arith.index_cast %scan3A_298 : i32 to index
      %get3A_575 = arith.constant 368 : index
      %get3A_576 = tpu.vector_load %arg5[%get3A_574, %get3A_575] {strides = array<i32>} : memref<64x768xf32, #tpu.memory_space<vmem>>, vector<1x16xf32>,
      %get3A_577 = vector.shape_cast %get3A_576 : vector<1x16xf32> to vector<16xf32>
      %mul3A_578 = arith.constant 27.7128124 : f32
      %mul3A_579 = vector.broadcast %mul3A_578 : f32 to vector<16xf32>
      %mul3A_580 = arith.mulf %get3A_577, %mul3A_579 : vector<16xf32>
      %swap3A_581 = arith.index_cast %scan3A_298 : i32 to index
      %swap3A_582 = arith.constant 368 : index
      %swap3A_583 = tpu.vector_load %arg5[%swap3A_581, %swap3A_582] {strides = array<i32>} : memref<64x768xf32, #tpu.memory_space<vmem>>, vector<1x16xf32>,
      %swap3A_584 = vector.shape_cast %swap3A_583 : vector<1x16xf32> to vector<16xf32>
      %swap3A_585 = vector.shape_cast %mul3A_580 : vector<16xf32> to vector<1x16xf32>
      tpu.vector_store %arg5[%swap3A_581, %swap3A_582], %swap3A_585 {strides = array<i32>} : memref<64x768xf32, #tpu.memory_space<vmem>>, vector<1x16xf32>,
      %get3A_586 = arith.index_cast %scan3A_298 : i32 to index
      %get3A_587 = arith.constant 384 : index
      %get3A_588 = tpu.vector_load %arg5[%get3A_586, %get3A_587] {strides = array<i32>} : memref<64x768xf32, #tpu.memory_space<vmem>>, vector<1x16xf32>,
      %get3A_589 = vector.shape_cast %get3A_588 : vector<1x16xf32> to vector<16xf32>
      %mul3A_590 = arith.constant 27.7128124 : f32
      %mul3A_591 = vector.broadcast %mul3A_590 : f32 to vector<16xf32>
      %mul3A_592 = arith.mulf %get3A_589, %mul3A_591 : vector<16xf32>
      %swap3A_593 = arith.index_cast %scan3A_298 : i32 to index
      %swap3A_594 = arith.constant 384 : index
      %swap3A_595 = tpu.vector_load %arg5[%swap3A_593, %swap3A_594] {strides = array<i32>} : memref<64x768xf32, #tpu.memory_space<vmem>>, vector<1x16xf32>,
      %swap3A_596 = vector.shape_cast %swap3A_595 : vector<1x16xf32> to vector<16xf32>
      %swap3A_597 = vector.shape_cast %mul3A_592 : vector<16xf32> to vector<1x16xf32>
      tpu.vector_store %arg5[%swap3A_593, %swap3A_594], %swap3A_597 {strides = array<i32>} : memref<64x768xf32, #tpu.memory_space<vmem>>, vector<1x16xf32>,
      %get3A_598 = arith.index_cast %scan3A_298 : i32 to index
      %get3A_599 = arith.constant 400 : index
      %get3A_600 = tpu.vector_load %arg5[%get3A_598, %get3A_599] {strides = array<i32>} : memref<64x768xf32, #tpu.memory_space<vmem>>, vector<1x16xf32>,
      %get3A_601 = vector.shape_cast %get3A_600 : vector<1x16xf32> to vector<16xf32>
      %mul3A_602 = arith.constant 27.7128124 : f32
      %mul3A_603 = vector.broadcast %mul3A_602 : f32 to vector<16xf32>
      %mul3A_604 = arith.mulf %get3A_601, %mul3A_603 : vector<16xf32>
      %swap3A_605 = arith.index_cast %scan3A_298 : i32 to index
      %swap3A_606 = arith.constant 400 : index
      %swap3A_607 = tpu.vector_load %arg5[%swap3A_605, %swap3A_606] {strides = array<i32>} : memref<64x768xf32, #tpu.memory_space<vmem>>, vector<1x16xf32>,
      %swap3A_608 = vector.shape_cast %swap3A_607 : vector<1x16xf32> to vector<16xf32>
      %swap3A_609 = vector.shape_cast %mul3A_604 : vector<16xf32> to vector<1x16xf32>
      tpu.vector_store %arg5[%swap3A_605, %swap3A_606], %swap3A_609 {strides = array<i32>} : memref<64x768xf32, #tpu.memory_space<vmem>>, vector<1x16xf32>,
      %get3A_610 = arith.index_cast %scan3A_298 : i32 to index
      %get3A_611 = arith.constant 416 : index
      %get3A_612 = tpu.vector_load %arg5[%get3A_610, %get3A_611] {strides = array<i32>} : memref<64x768xf32, #tpu.memory_space<vmem>>, vector<1x16xf32>,
      %get3A_613 = vector.shape_cast %get3A_612 : vector<1x16xf32> to vector<16xf32>
      %mul3A_614 = arith.constant 27.7128124 : f32
      %mul3A_615 = vector.broadcast %mul3A_614 : f32 to vector<16xf32>
      %mul3A_616 = arith.mulf %get3A_613, %mul3A_615 : vector<16xf32>
      %swap3A_617 = arith.index_cast %scan3A_298 : i32 to index
      %swap3A_618 = arith.constant 416 : index
      %swap3A_619 = tpu.vector_load %arg5[%swap3A_617, %swap3A_618] {strides = array<i32>} : memref<64x768xf32, #tpu.memory_space<vmem>>, vector<1x16xf32>,
      %swap3A_620 = vector.shape_cast %swap3A_619 : vector<1x16xf32> to vector<16xf32>
      %swap3A_621 = vector.shape_cast %mul3A_616 : vector<16xf32> to vector<1x16xf32>
      tpu.vector_store %arg5[%swap3A_617, %swap3A_618], %swap3A_621 {strides = array<i32>} : memref<64x768xf32, #tpu.memory_space<vmem>>, vector<1x16xf32>,
      %get3A_622 = arith.index_cast %scan3A_298 : i32 to index
      %get3A_623 = arith.constant 432 : index
      %get3A_624 = tpu.vector_load %arg5[%get3A_622, %get3A_623] {strides = array<i32>} : memref<64x768xf32, #tpu.memory_space<vmem>>, vector<1x16xf32>,
      %get3A_625 = vector.shape_cast %get3A_624 : vector<1x16xf32> to vector<16xf32>
      %mul3A_626 = arith.constant 27.7128124 : f32
      %mul3A_627 = vector.broadcast %mul3A_626 : f32 to vector<16xf32>
      %mul3A_628 = arith.mulf %get3A_625, %mul3A_627 : vector<16xf32>
      %swap3A_629 = arith.index_cast %scan3A_298 : i32 to index
      %swap3A_630 = arith.constant 432 : index
      %swap3A_631 = tpu.vector_load %arg5[%swap3A_629, %swap3A_630] {strides = array<i32>} : memref<64x768xf32, #tpu.memory_space<vmem>>, vector<1x16xf32>,
      %swap3A_632 = vector.shape_cast %swap3A_631 : vector<1x16xf32> to vector<16xf32>
      %swap3A_633 = vector.shape_cast %mul3A_628 : vector<16xf32> to vector<1x16xf32>
      tpu.vector_store %arg5[%swap3A_629, %swap3A_630], %swap3A_633 {strides = array<i32>} : memref<64x768xf32, #tpu.memory_space<vmem>>, vector<1x16xf32>,
      %get3A_634 = arith.index_cast %scan3A_298 : i32 to index
      %get3A_635 = arith.constant 448 : index
      %get3A_636 = tpu.vector_load %arg5[%get3A_634, %get3A_635] {strides = array<i32>} : memref<64x768xf32, #tpu.memory_space<vmem>>, vector<1x16xf32>,
      %get3A_637 = vector.shape_cast %get3A_636 : vector<1x16xf32> to vector<16xf32>
      %mul3A_638 = arith.constant 27.7128124 : f32
      %mul3A_639 = vector.broadcast %mul3A_638 : f32 to vector<16xf32>
      %mul3A_640 = arith.mulf %get3A_637, %mul3A_639 : vector<16xf32>
      %swap3A_641 = arith.index_cast %scan3A_298 : i32 to index
      %swap3A_642 = arith.constant 448 : index
      %swap3A_643 = tpu.vector_load %arg5[%swap3A_641, %swap3A_642] {strides = array<i32>} : memref<64x768xf32, #tpu.memory_space<vmem>>, vector<1x16xf32>,
      %swap3A_644 = vector.shape_cast %swap3A_643 : vector<1x16xf32> to vector<16xf32>
      %swap3A_645 = vector.shape_cast %mul3A_640 : vector<16xf32> to vector<1x16xf32>
      tpu.vector_store %arg5[%swap3A_641, %swap3A_642], %swap3A_645 {strides = array<i32>} : memref<64x768xf32, #tpu.memory_space<vmem>>, vector<1x16xf32>,
      %get3A_646 = arith.index_cast %scan3A_298 : i32 to index
      %get3A_647 = arith.constant 464 : index
      %get3A_648 = tpu.vector_load %arg5[%get3A_646, %get3A_647] {strides = array<i32>} : memref<64x768xf32, #tpu.memory_space<vmem>>, vector<1x16xf32>,
      %get3A_649 = vector.shape_cast %get3A_648 : vector<1x16xf32> to vector<16xf32>
      %mul3A_650 = arith.constant 27.7128124 : f32
      %mul3A_651 = vector.broadcast %mul3A_650 : f32 to vector<16xf32>
      %mul3A_652 = arith.mulf %get3A_649, %mul3A_651 : vector<16xf32>
      %swap3A_653 = arith.index_cast %scan3A_298 : i32 to index
      %swap3A_654 = arith.constant 464 : index
      %swap3A_655 = tpu.vector_load %arg5[%swap3A_653, %swap3A_654] {strides = array<i32>} : memref<64x768xf32, #tpu.memory_space<vmem>>, vector<1x16xf32>,
      %swap3A_656 = vector.shape_cast %swap3A_655 : vector<1x16xf32> to vector<16xf32>
      %swap3A_657 = vector.shape_cast %mul3A_652 : vector<16xf32> to vector<1x16xf32>
      tpu.vector_store %arg5[%swap3A_653, %swap3A_654], %swap3A_657 {strides = array<i32>} : memref<64x768xf32, #tpu.memory_space<vmem>>, vector<1x16xf32>,
      %get3A_658 = arith.index_cast %scan3A_298 : i32 to index
      %get3A_659 = arith.constant 480 : index
      %get3A_660 = tpu.vector_load %arg5[%get3A_658, %get3A_659] {strides = array<i32>} : memref<64x768xf32, #tpu.memory_space<vmem>>, vector<1x16xf32>,
      %get3A_661 = vector.shape_cast %get3A_660 : vector<1x16xf32> to vector<16xf32>
      %mul3A_662 = arith.constant 27.7128124 : f32
      %mul3A_663 = vector.broadcast %mul3A_662 : f32 to vector<16xf32>
      %mul3A_664 = arith.mulf %get3A_661, %mul3A_663 : vector<16xf32>
      %swap3A_665 = arith.index_cast %scan3A_298 : i32 to index
      %swap3A_666 = arith.constant 480 : index
      %swap3A_667 = tpu.vector_load %arg5[%swap3A_665, %swap3A_666] {strides = array<i32>} : memref<64x768xf32, #tpu.memory_space<vmem>>, vector<1x16xf32>,
      %swap3A_668 = vector.shape_cast %swap3A_667 : vector<1x16xf32> to vector<16xf32>
      %swap3A_669 = vector.shape_cast %mul3A_664 : vector<16xf32> to vector<1x16xf32>
      tpu.vector_store %arg5[%swap3A_665, %swap3A_666], %swap3A_669 {strides = array<i32>} : memref<64x768xf32, #tpu.memory_space<vmem>>, vector<1x16xf32>,
      %get3A_670 = arith.index_cast %scan3A_298 : i32 to index
      %get3A_671 = arith.constant 496 : index
      %get3A_672 = tpu.vector_load %arg5[%get3A_670, %get3A_671] {strides = array<i32>} : memref<64x768xf32, #tpu.memory_space<vmem>>, vector<1x16xf32>,
      %get3A_673 = vector.shape_cast %get3A_672 : vector<1x16xf32> to vector<16xf32>
      %mul3A_674 = arith.constant 27.7128124 : f32
      %mul3A_675 = vector.broadcast %mul3A_674 : f32 to vector<16xf32>
      %mul3A_676 = arith.mulf %get3A_673, %mul3A_675 : vector<16xf32>
      %swap3A_677 = arith.index_cast %scan3A_298 : i32 to index
      %swap3A_678 = arith.constant 496 : index
      %swap3A_679 = tpu.vector_load %arg5[%swap3A_677, %swap3A_678] {strides = array<i32>} : memref<64x768xf32, #tpu.memory_space<vmem>>, vector<1x16xf32>,
      %swap3A_680 = vector.shape_cast %swap3A_679 : vector<1x16xf32> to vector<16xf32>
      %swap3A_681 = vector.shape_cast %mul3A_676 : vector<16xf32> to vector<1x16xf32>
      tpu.vector_store %arg5[%swap3A_677, %swap3A_678], %swap3A_681 {strides = array<i32>} : memref<64x768xf32, #tpu.memory_space<vmem>>, vector<1x16xf32>,
      %get3A_682 = arith.index_cast %scan3A_298 : i32 to index
      %get3A_683 = arith.constant 512 : index
      %get3A_684 = tpu.vector_load %arg5[%get3A_682, %get3A_683] {strides = array<i32>} : memref<64x768xf32, #tpu.memory_space<vmem>>, vector<1x16xf32>,
      %get3A_685 = vector.shape_cast %get3A_684 : vector<1x16xf32> to vector<16xf32>
      %mul3A_686 = arith.constant 27.7128124 : f32
      %mul3A_687 = vector.broadcast %mul3A_686 : f32 to vector<16xf32>
      %mul3A_688 = arith.mulf %get3A_685, %mul3A_687 : vector<16xf32>
      %swap3A_689 = arith.index_cast %scan3A_298 : i32 to index
      %swap3A_690 = arith.constant 512 : index
      %swap3A_691 = tpu.vector_load %arg5[%swap3A_689, %swap3A_690] {strides = array<i32>} : memref<64x768xf32, #tpu.memory_space<vmem>>, vector<1x16xf32>,
      %swap3A_692 = vector.shape_cast %swap3A_691 : vector<1x16xf32> to vector<16xf32>
      %swap3A_693 = vector.shape_cast %mul3A_688 : vector<16xf32> to vector<1x16xf32>
      tpu.vector_store %arg5[%swap3A_689, %swap3A_690], %swap3A_693 {strides = array<i32>} : memref<64x768xf32, #tpu.memory_space<vmem>>, vector<1x16xf32>,
      %get3A_694 = arith.index_cast %scan3A_298 : i32 to index
      %get3A_695 = arith.constant 528 : index
      %get3A_696 = tpu.vector_load %arg5[%get3A_694, %get3A_695] {strides = array<i32>} : memref<64x768xf32, #tpu.memory_space<vmem>>, vector<1x16xf32>,
      %get3A_697 = vector.shape_cast %get3A_696 : vector<1x16xf32> to vector<16xf32>
      %mul3A_698 = arith.constant 27.7128124 : f32
      %mul3A_699 = vector.broadcast %mul3A_698 : f32 to vector<16xf32>
      %mul3A_700 = arith.mulf %get3A_697, %mul3A_699 : vector<16xf32>
      %swap3A_701 = arith.index_cast %scan3A_298 : i32 to index
      %swap3A_702 = arith.constant 528 : index
      %swap3A_703 = tpu.vector_load %arg5[%swap3A_701, %swap3A_702] {strides = array<i32>} : memref<64x768xf32, #tpu.memory_space<vmem>>, vector<1x16xf32>,
      %swap3A_704 = vector.shape_cast %swap3A_703 : vector<1x16xf32> to vector<16xf32>
      %swap3A_705 = vector.shape_cast %mul3A_700 : vector<16xf32> to vector<1x16xf32>
      tpu.vector_store %arg5[%swap3A_701, %swap3A_702], %swap3A_705 {strides = array<i32>} : memref<64x768xf32, #tpu.memory_space<vmem>>, vector<1x16xf32>,
      %get3A_706 = arith.index_cast %scan3A_298 : i32 to index
      %get3A_707 = arith.constant 544 : index
      %get3A_708 = tpu.vector_load %arg5[%get3A_706, %get3A_707] {strides = array<i32>} : memref<64x768xf32, #tpu.memory_space<vmem>>, vector<1x16xf32>,
      %get3A_709 = vector.shape_cast %get3A_708 : vector<1x16xf32> to vector<16xf32>
      %mul3A_710 = arith.constant 27.7128124 : f32
      %mul3A_711 = vector.broadcast %mul3A_710 : f32 to vector<16xf32>
      %mul3A_712 = arith.mulf %get3A_709, %mul3A_711 : vector<16xf32>
      %swap3A_713 = arith.index_cast %scan3A_298 : i32 to index
      %swap3A_714 = arith.constant 544 : index
      %swap3A_715 = tpu.vector_load %arg5[%swap3A_713, %swap3A_714] {strides = array<i32>} : memref<64x768xf32, #tpu.memory_space<vmem>>, vector<1x16xf32>,
      %swap3A_716 = vector.shape_cast %swap3A_715 : vector<1x16xf32> to vector<16xf32>
      %swap3A_717 = vector.shape_cast %mul3A_712 : vector<16xf32> to vector<1x16xf32>
      tpu.vector_store %arg5[%swap3A_713, %swap3A_714], %swap3A_717 {strides = array<i32>} : memref<64x768xf32, #tpu.memory_space<vmem>>, vector<1x16xf32>,
      %get3A_718 = arith.index_cast %scan3A_298 : i32 to index
      %get3A_719 = arith.constant 560 : index
      %get3A_720 = tpu.vector_load %arg5[%get3A_718, %get3A_719] {strides = array<i32>} : memref<64x768xf32, #tpu.memory_space<vmem>>, vector<1x16xf32>,
      %get3A_721 = vector.shape_cast %get3A_720 : vector<1x16xf32> to vector<16xf32>
      %mul3A_722 = arith.constant 27.7128124 : f32
      %mul3A_723 = vector.broadcast %mul3A_722 : f32 to vector<16xf32>
      %mul3A_724 = arith.mulf %get3A_721, %mul3A_723 : vector<16xf32>
      %swap3A_725 = arith.index_cast %scan3A_298 : i32 to index
      %swap3A_726 = arith.constant 560 : index
      %swap3A_727 = tpu.vector_load %arg5[%swap3A_725, %swap3A_726] {strides = array<i32>} : memref<64x768xf32, #tpu.memory_space<vmem>>, vector<1x16xf32>,
      %swap3A_728 = vector.shape_cast %swap3A_727 : vector<1x16xf32> to vector<16xf32>
      %swap3A_729 = vector.shape_cast %mul3A_724 : vector<16xf32> to vector<1x16xf32>
      tpu.vector_store %arg5[%swap3A_725, %swap3A_726], %swap3A_729 {strides = array<i32>} : memref<64x768xf32, #tpu.memory_space<vmem>>, vector<1x16xf32>,
      %get3A_730 = arith.index_cast %scan3A_298 : i32 to index
      %get3A_731 = arith.constant 576 : index
      %get3A_732 = tpu.vector_load %arg5[%get3A_730, %get3A_731] {strides = array<i32>} : memref<64x768xf32, #tpu.memory_space<vmem>>, vector<1x16xf32>,
      %get3A_733 = vector.shape_cast %get3A_732 : vector<1x16xf32> to vector<16xf32>
      %mul3A_734 = arith.constant 27.7128124 : f32
      %mul3A_735 = vector.broadcast %mul3A_734 : f32 to vector<16xf32>
      %mul3A_736 = arith.mulf %get3A_733, %mul3A_735 : vector<16xf32>
      %swap3A_737 = arith.index_cast %scan3A_298 : i32 to index
      %swap3A_738 = arith.constant 576 : index
      %swap3A_739 = tpu.vector_load %arg5[%swap3A_737, %swap3A_738] {strides = array<i32>} : memref<64x768xf32, #tpu.memory_space<vmem>>, vector<1x16xf32>,
      %swap3A_740 = vector.shape_cast %swap3A_739 : vector<1x16xf32> to vector<16xf32>
      %swap3A_741 = vector.shape_cast %mul3A_736 : vector<16xf32> to vector<1x16xf32>
      tpu.vector_store %arg5[%swap3A_737, %swap3A_738], %swap3A_741 {strides = array<i32>} : memref<64x768xf32, #tpu.memory_space<vmem>>, vector<1x16xf32>,
      %get3A_742 = arith.index_cast %scan3A_298 : i32 to index
      %get3A_743 = arith.constant 592 : index
      %get3A_744 = tpu.vector_load %arg5[%get3A_742, %get3A_743] {strides = array<i32>} : memref<64x768xf32, #tpu.memory_space<vmem>>, vector<1x16xf32>,
      %get3A_745 = vector.shape_cast %get3A_744 : vector<1x16xf32> to vector<16xf32>
      %mul3A_746 = arith.constant 27.7128124 : f32
      %mul3A_747 = vector.broadcast %mul3A_746 : f32 to vector<16xf32>
      %mul3A_748 = arith.mulf %get3A_745, %mul3A_747 : vector<16xf32>
      %swap3A_749 = arith.index_cast %scan3A_298 : i32 to index
      %swap3A_750 = arith.constant 592 : index
      %swap3A_751 = tpu.vector_load %arg5[%swap3A_749, %swap3A_750] {strides = array<i32>} : memref<64x768xf32, #tpu.memory_space<vmem>>, vector<1x16xf32>,
      %swap3A_752 = vector.shape_cast %swap3A_751 : vector<1x16xf32> to vector<16xf32>
      %swap3A_753 = vector.shape_cast %mul3A_748 : vector<16xf32> to vector<1x16xf32>
      tpu.vector_store %arg5[%swap3A_749, %swap3A_750], %swap3A_753 {strides = array<i32>} : memref<64x768xf32, #tpu.memory_space<vmem>>, vector<1x16xf32>,
      %get3A_754 = arith.index_cast %scan3A_298 : i32 to index
      %get3A_755 = arith.constant 608 : index
      %get3A_756 = tpu.vector_load %arg5[%get3A_754, %get3A_755] {strides = array<i32>} : memref<64x768xf32, #tpu.memory_space<vmem>>, vector<1x16xf32>,
      %get3A_757 = vector.shape_cast %get3A_756 : vector<1x16xf32> to vector<16xf32>
      %mul3A_758 = arith.constant 27.7128124 : f32
      %mul3A_759 = vector.broadcast %mul3A_758 : f32 to vector<16xf32>
      %mul3A_760 = arith.mulf %get3A_757, %mul3A_759 : vector<16xf32>
      %swap3A_761 = arith.index_cast %scan3A_298 : i32 to index
      %swap3A_762 = arith.constant 608 : index
      %swap3A_763 = tpu.vector_load %arg5[%swap3A_761, %swap3A_762] {strides = array<i32>} : memref<64x768xf32, #tpu.memory_space<vmem>>, vector<1x16xf32>,
      %swap3A_764 = vector.shape_cast %swap3A_763 : vector<1x16xf32> to vector<16xf32>
      %swap3A_765 = vector.shape_cast %mul3A_760 : vector<16xf32> to vector<1x16xf32>
      tpu.vector_store %arg5[%swap3A_761, %swap3A_762], %swap3A_765 {strides = array<i32>} : memref<64x768xf32, #tpu.memory_space<vmem>>, vector<1x16xf32>,
      %get3A_766 = arith.index_cast %scan3A_298 : i32 to index
      %get3A_767 = arith.constant 624 : index
      %get3A_768 = tpu.vector_load %arg5[%get3A_766, %get3A_767] {strides = array<i32>} : memref<64x768xf32, #tpu.memory_space<vmem>>, vector<1x16xf32>,
      %get3A_769 = vector.shape_cast %get3A_768 : vector<1x16xf32> to vector<16xf32>
      %mul3A_770 = arith.constant 27.7128124 : f32
      %mul3A_771 = vector.broadcast %mul3A_770 : f32 to vector<16xf32>
      %mul3A_772 = arith.mulf %get3A_769, %mul3A_771 : vector<16xf32>
      %swap3A_773 = arith.index_cast %scan3A_298 : i32 to index
      %swap3A_774 = arith.constant 624 : index
      %swap3A_775 = tpu.vector_load %arg5[%swap3A_773, %swap3A_774] {strides = array<i32>} : memref<64x768xf32, #tpu.memory_space<vmem>>, vector<1x16xf32>,
      %swap3A_776 = vector.shape_cast %swap3A_775 : vector<1x16xf32> to vector<16xf32>
      %swap3A_777 = vector.shape_cast %mul3A_772 : vector<16xf32> to vector<1x16xf32>
      tpu.vector_store %arg5[%swap3A_773, %swap3A_774], %swap3A_777 {strides = array<i32>} : memref<64x768xf32, #tpu.memory_space<vmem>>, vector<1x16xf32>,
      %get3A_778 = arith.index_cast %scan3A_298 : i32 to index
      %get3A_779 = arith.constant 640 : index
      %get3A_780 = tpu.vector_load %arg5[%get3A_778, %get3A_779] {strides = array<i32>} : memref<64x768xf32, #tpu.memory_space<vmem>>, vector<1x16xf32>,
      %get3A_781 = vector.shape_cast %get3A_780 : vector<1x16xf32> to vector<16xf32>
      %mul3A_782 = arith.constant 27.7128124 : f32
      %mul3A_783 = vector.broadcast %mul3A_782 : f32 to vector<16xf32>
      %mul3A_784 = arith.mulf %get3A_781, %mul3A_783 : vector<16xf32>
      %swap3A_785 = arith.index_cast %scan3A_298 : i32 to index
      %swap3A_786 = arith.constant 640 : index
      %swap3A_787 = tpu.vector_load %arg5[%swap3A_785, %swap3A_786] {strides = array<i32>} : memref<64x768xf32, #tpu.memory_space<vmem>>, vector<1x16xf32>,
      %swap3A_788 = vector.shape_cast %swap3A_787 : vector<1x16xf32> to vector<16xf32>
      %swap3A_789 = vector.shape_cast %mul3A_784 : vector<16xf32> to vector<1x16xf32>
      tpu.vector_store %arg5[%swap3A_785, %swap3A_786], %swap3A_789 {strides = array<i32>} : memref<64x768xf32, #tpu.memory_space<vmem>>, vector<1x16xf32>,
      %get3A_790 = arith.index_cast %scan3A_298 : i32 to index
      %get3A_791 = arith.constant 656 : index
      %get3A_792 = tpu.vector_load %arg5[%get3A_790, %get3A_791] {strides = array<i32>} : memref<64x768xf32, #tpu.memory_space<vmem>>, vector<1x16xf32>,
      %get3A_793 = vector.shape_cast %get3A_792 : vector<1x16xf32> to vector<16xf32>
      %mul3A_794 = arith.constant 27.7128124 : f32
      %mul3A_795 = vector.broadcast %mul3A_794 : f32 to vector<16xf32>
      %mul3A_796 = arith.mulf %get3A_793, %mul3A_795 : vector<16xf32>
      %swap3A_797 = arith.index_cast %scan3A_298 : i32 to index
      %swap3A_798 = arith.constant 656 : index
      %swap3A_799 = tpu.vector_load %arg5[%swap3A_797, %swap3A_798] {strides = array<i32>} : memref<64x768xf32, #tpu.memory_space<vmem>>, vector<1x16xf32>,
      %swap3A_800 = vector.shape_cast %swap3A_799 : vector<1x16xf32> to vector<16xf32>
      %swap3A_801 = vector.shape_cast %mul3A_796 : vector<16xf32> to vector<1x16xf32>
      tpu.vector_store %arg5[%swap3A_797, %swap3A_798], %swap3A_801 {strides = array<i32>} : memref<64x768xf32, #tpu.memory_space<vmem>>, vector<1x16xf32>,
      %get3A_802 = arith.index_cast %scan3A_298 : i32 to index
      %get3A_803 = arith.constant 672 : index
      %get3A_804 = tpu.vector_load %arg5[%get3A_802, %get3A_803] {strides = array<i32>} : memref<64x768xf32, #tpu.memory_space<vmem>>, vector<1x16xf32>,
      %get3A_805 = vector.shape_cast %get3A_804 : vector<1x16xf32> to vector<16xf32>
      %mul3A_806 = arith.constant 27.7128124 : f32
      %mul3A_807 = vector.broadcast %mul3A_806 : f32 to vector<16xf32>
      %mul3A_808 = arith.mulf %get3A_805, %mul3A_807 : vector<16xf32>
      %swap3A_809 = arith.index_cast %scan3A_298 : i32 to index
      %swap3A_810 = arith.constant 672 : index
      %swap3A_811 = tpu.vector_load %arg5[%swap3A_809, %swap3A_810] {strides = array<i32>} : memref<64x768xf32, #tpu.memory_space<vmem>>, vector<1x16xf32>,
      %swap3A_812 = vector.shape_cast %swap3A_811 : vector<1x16xf32> to vector<16xf32>
      %swap3A_813 = vector.shape_cast %mul3A_808 : vector<16xf32> to vector<1x16xf32>
      tpu.vector_store %arg5[%swap3A_809, %swap3A_810], %swap3A_813 {strides = array<i32>} : memref<64x768xf32, #tpu.memory_space<vmem>>, vector<1x16xf32>,
      %get3A_814 = arith.index_cast %scan3A_298 : i32 to index
      %get3A_815 = arith.constant 688 : index
      %get3A_816 = tpu.vector_load %arg5[%get3A_814, %get3A_815] {strides = array<i32>} : memref<64x768xf32, #tpu.memory_space<vmem>>, vector<1x16xf32>,
      %get3A_817 = vector.shape_cast %get3A_816 : vector<1x16xf32> to vector<16xf32>
      %mul3A_818 = arith.constant 27.7128124 : f32
      %mul3A_819 = vector.broadcast %mul3A_818 : f32 to vector<16xf32>
      %mul3A_820 = arith.mulf %get3A_817, %mul3A_819 : vector<16xf32>
      %swap3A_821 = arith.index_cast %scan3A_298 : i32 to index
      %swap3A_822 = arith.constant 688 : index
      %swap3A_823 = tpu.vector_load %arg5[%swap3A_821, %swap3A_822] {strides = array<i32>} : memref<64x768xf32, #tpu.memory_space<vmem>>, vector<1x16xf32>,
      %swap3A_824 = vector.shape_cast %swap3A_823 : vector<1x16xf32> to vector<16xf32>
      %swap3A_825 = vector.shape_cast %mul3A_820 : vector<16xf32> to vector<1x16xf32>
      tpu.vector_store %arg5[%swap3A_821, %swap3A_822], %swap3A_825 {strides = array<i32>} : memref<64x768xf32, #tpu.memory_space<vmem>>, vector<1x16xf32>,
      %get3A_826 = arith.index_cast %scan3A_298 : i32 to index
      %get3A_827 = arith.constant 704 : index
      %get3A_828 = tpu.vector_load %arg5[%get3A_826, %get3A_827] {strides = array<i32>} : memref<64x768xf32, #tpu.memory_space<vmem>>, vector<1x16xf32>,
      %get3A_829 = vector.shape_cast %get3A_828 : vector<1x16xf32> to vector<16xf32>
      %mul3A_830 = arith.constant 27.7128124 : f32
      %mul3A_831 = vector.broadcast %mul3A_830 : f32 to vector<16xf32>
      %mul3A_832 = arith.mulf %get3A_829, %mul3A_831 : vector<16xf32>
      %swap3A_833 = arith.index_cast %scan3A_298 : i32 to index
      %swap3A_834 = arith.constant 704 : index
      %swap3A_835 = tpu.vector_load %arg5[%swap3A_833, %swap3A_834] {strides = array<i32>} : memref<64x768xf32, #tpu.memory_space<vmem>>, vector<1x16xf32>,
      %swap3A_836 = vector.shape_cast %swap3A_835 : vector<1x16xf32> to vector<16xf32>
      %swap3A_837 = vector.shape_cast %mul3A_832 : vector<16xf32> to vector<1x16xf32>
      tpu.vector_store %arg5[%swap3A_833, %swap3A_834], %swap3A_837 {strides = array<i32>} : memref<64x768xf32, #tpu.memory_space<vmem>>, vector<1x16xf32>,
      %get3A_838 = arith.index_cast %scan3A_298 : i32 to index
      %get3A_839 = arith.constant 720 : index
      %get3A_840 = tpu.vector_load %arg5[%get3A_838, %get3A_839] {strides = array<i32>} : memref<64x768xf32, #tpu.memory_space<vmem>>, vector<1x16xf32>,
      %get3A_841 = vector.shape_cast %get3A_840 : vector<1x16xf32> to vector<16xf32>
      %mul3A_842 = arith.constant 27.7128124 : f32
      %mul3A_843 = vector.broadcast %mul3A_842 : f32 to vector<16xf32>
      %mul3A_844 = arith.mulf %get3A_841, %mul3A_843 : vector<16xf32>
      %swap3A_845 = arith.index_cast %scan3A_298 : i32 to index
      %swap3A_846 = arith.constant 720 : index
      %swap3A_847 = tpu.vector_load %arg5[%swap3A_845, %swap3A_846] {strides = array<i32>} : memref<64x768xf32, #tpu.memory_space<vmem>>, vector<1x16xf32>,
      %swap3A_848 = vector.shape_cast %swap3A_847 : vector<1x16xf32> to vector<16xf32>
      %swap3A_849 = vector.shape_cast %mul3A_844 : vector<16xf32> to vector<1x16xf32>
      tpu.vector_store %arg5[%swap3A_845, %swap3A_846], %swap3A_849 {strides = array<i32>} : memref<64x768xf32, #tpu.memory_space<vmem>>, vector<1x16xf32>,
      %get3A_850 = arith.index_cast %scan3A_298 : i32 to index
      %get3A_851 = arith.constant 736 : index
      %get3A_852 = tpu.vector_load %arg5[%get3A_850, %get3A_851] {strides = array<i32>} : memref<64x768xf32, #tpu.memory_space<vmem>>, vector<1x16xf32>,
      %get3A_853 = vector.shape_cast %get3A_852 : vector<1x16xf32> to vector<16xf32>
      %mul3A_854 = arith.constant 27.7128124 : f32
      %mul3A_855 = vector.broadcast %mul3A_854 : f32 to vector<16xf32>
      %mul3A_856 = arith.mulf %get3A_853, %mul3A_855 : vector<16xf32>
      %swap3A_857 = arith.index_cast %scan3A_298 : i32 to index
      %swap3A_858 = arith.constant 736 : index
      %swap3A_859 = tpu.vector_load %arg5[%swap3A_857, %swap3A_858] {strides = array<i32>} : memref<64x768xf32, #tpu.memory_space<vmem>>, vector<1x16xf32>,
      %swap3A_860 = vector.shape_cast %swap3A_859 : vector<1x16xf32> to vector<16xf32>
      %swap3A_861 = vector.shape_cast %mul3A_856 : vector<16xf32> to vector<1x16xf32>
      tpu.vector_store %arg5[%swap3A_857, %swap3A_858], %swap3A_861 {strides = array<i32>} : memref<64x768xf32, #tpu.memory_space<vmem>>, vector<1x16xf32>,
      %get3A_862 = arith.index_cast %scan3A_298 : i32 to index
      %get3A_863 = arith.constant 752 : index
      %get3A_864 = tpu.vector_load %arg5[%get3A_862, %get3A_863] {strides = array<i32>} : memref<64x768xf32, #tpu.memory_space<vmem>>, vector<1x16xf32>,
      %get3A_865 = vector.shape_cast %get3A_864 : vector<1x16xf32> to vector<16xf32>
      %mul3A_866 = arith.constant 27.7128124 : f32
      %mul3A_867 = vector.broadcast %mul3A_866 : f32 to vector<16xf32>
      %mul3A_868 = arith.mulf %get3A_865, %mul3A_867 : vector<16xf32>
      %swap3A_869 = arith.index_cast %scan3A_298 : i32 to index
      %swap3A_870 = arith.constant 752 : index
      %swap3A_871 = tpu.vector_load %arg5[%swap3A_869, %swap3A_870] {strides = array<i32>} : memref<64x768xf32, #tpu.memory_space<vmem>>, vector<1x16xf32>,
      %swap3A_872 = vector.shape_cast %swap3A_871 : vector<1x16xf32> to vector<16xf32>
      %swap3A_873 = vector.shape_cast %mul3A_868 : vector<16xf32> to vector<1x16xf32>
      tpu.vector_store %arg5[%swap3A_869, %swap3A_870], %swap3A_873 {strides = array<i32>} : memref<64x768xf32, #tpu.memory_space<vmem>>, vector<1x16xf32>,
      %scan3A_874 = arith.constant 0 : i32
      scf.yield %scan3A_874 : i32
    }
    %scan3A_95 = arith.constant 64 : i32
    %add3A_96 = arith.constant 64 : i32
    %add3A_97 = arith.addi %mul3A_2, %add3A_96 : i32
    %dma_start3A_98 = arith.constant 0 : i32
    %dma_start3A_99 = arith.constant 0 : i32
    %dma_start3A_100 = tpu.memref_slice %arg3[%dma_start3A_98, %add3A_97, %dma_start3A_99] : memref<4x8192x768xf32, #tpu.memory_space<hbm>> -> memref<1x64x768xf32, #tpu.memory_space<hbm>>
    %dma_start3A_101 = tpu.memref_squeeze %dma_start3A_100 : memref<1x64x768xf32, #tpu.memory_space<hbm>> -> memref<64x768xf32, #tpu.memory_space<hbm>>
    %dma_start3A_102 = arith.constant 0 : i32
    %dma_start3A_103 = tpu.memref_slice %arg3[%dma_start3A_98, %add3A_97, %dma_start3A_102] : memref<4x8192x768xf32, #tpu.memory_space<hbm>> -> memref<1x64x768xf32, #tpu.memory_space<hbm>>
    %dma_start3A_104 = tpu.memref_squeeze %dma_start3A_103 : memref<1x64x768xf32, #tpu.memory_space<hbm>> -> memref<64x768xf32, #tpu.memory_space<hbm>>
    tpu.enqueue_dma source(%arg5 : memref<64x768xf32, #tpu.memory_space<vmem>>) target(%dma_start3A_104 : memref<64x768xf32, #tpu.memory_space<hbm>>) target_semaphore(%arg9 : memref<!tpu.dma_semaphore, #tpu.memory_space<semaphore_mem>>)
    %dma_start3A_105 = arith.constant 1 : i32
    %dma_start3A_106 = arith.constant 0 : i32
    %dma_start3A_107 = tpu.memref_slice %arg3[%dma_start3A_105, %add3A_97, %dma_start3A_106] : memref<4x8192x768xf32, #tpu.memory_space<hbm>> -> memref<1x64x768xf32, #tpu.memory_space<hbm>>
    %dma_start3A_108 = tpu.memref_squeeze %dma_start3A_107 : memref<1x64x768xf32, #tpu.memory_space<hbm>> -> memref<64x768xf32, #tpu.memory_space<hbm>>
    %dma_start3A_109 = arith.constant 0 : i32
    %dma_start3A_110 = tpu.memref_slice %arg3[%dma_start3A_105, %add3A_97, %dma_start3A_109] : memref<4x8192x768xf32, #tpu.memory_space<hbm>> -> memref<1x64x768xf32, #tpu.memory_space<hbm>>
    %dma_start3A_111 = tpu.memref_squeeze %dma_start3A_110 : memref<1x64x768xf32, #tpu.memory_space<hbm>> -> memref<64x768xf32, #tpu.memory_space<hbm>>
    tpu.enqueue_dma source(%arg5 : memref<64x768xf32, #tpu.memory_space<vmem>>) target(%dma_start3A_111 : memref<64x768xf32, #tpu.memory_space<hbm>>) target_semaphore(%arg9 : memref<!tpu.dma_semaphore, #tpu.memory_space<semaphore_mem>>)
    %dma_start3A_112 = arith.constant 2 : i32
    %dma_start3A_113 = arith.constant 0 : i32
    %dma_start3A_114 = tpu.memref_slice %arg3[%dma_start3A_112, %add3A_97, %dma_start3A_113] : memref<4x8192x768xf32, #tpu.memory_space<hbm>> -> memref<1x64x768xf32, #tpu.memory_space<hbm>>
    %dma_start3A_115 = tpu.memref_squeeze %dma_start3A_114 : memref<1x64x768xf32, #tpu.memory_space<hbm>> -> memref<64x768xf32, #tpu.memory_space<hbm>>
    %dma_start3A_116 = arith.constant 0 : i32
    %dma_start3A_117 = tpu.memref_slice %arg3[%dma_start3A_112, %add3A_97, %dma_start3A_116] : memref<4x8192x768xf32, #tpu.memory_space<hbm>> -> memref<1x64x768xf32, #tpu.memory_space<hbm>>
    %dma_start3A_118 = tpu.memref_squeeze %dma_start3A_117 : memref<1x64x768xf32, #tpu.memory_space<hbm>> -> memref<64x768xf32, #tpu.memory_space<hbm>>
    tpu.enqueue_dma source(%arg5 : memref<64x768xf32, #tpu.memory_space<vmem>>) target(%dma_start3A_118 : memref<64x768xf32, #tpu.memory_space<hbm>>) target_semaphore(%arg9 : memref<!tpu.dma_semaphore, #tpu.memory_space<semaphore_mem>>)
    %dma_start3A_119 = arith.constant 3 : i32
    %dma_start3A_120 = arith.constant 0 : i32
    %dma_start3A_121 = tpu.memref_slice %arg3[%dma_start3A_119, %add3A_97, %dma_start3A_120] : memref<4x8192x768xf32, #tpu.memory_space<hbm>> -> memref<1x64x768xf32, #tpu.memory_space<hbm>>
    %dma_start3A_122 = tpu.memref_squeeze %dma_start3A_121 : memref<1x64x768xf32, #tpu.memory_space<hbm>> -> memref<64x768xf32, #tpu.memory_space<hbm>>
    %dma_start3A_123 = arith.constant 0 : i32
    %dma_start3A_124 = tpu.memref_slice %arg3[%dma_start3A_119, %add3A_97, %dma_start3A_123] : memref<4x8192x768xf32, #tpu.memory_space<hbm>> -> memref<1x64x768xf32, #tpu.memory_space<hbm>>
    %dma_start3A_125 = tpu.memref_squeeze %dma_start3A_124 : memref<1x64x768xf32, #tpu.memory_space<hbm>> -> memref<64x768xf32, #tpu.memory_space<hbm>>
    tpu.enqueue_dma source(%arg5 : memref<64x768xf32, #tpu.memory_space<vmem>>) target(%dma_start3A_125 : memref<64x768xf32, #tpu.memory_space<hbm>>) target_semaphore(%arg9 : memref<!tpu.dma_semaphore, #tpu.memory_space<semaphore_mem>>)
    %dma_wait3A_126 = arith.constant 0 : i32
    %dma_wait3A_127 = arith.constant 0 : i32
    %dma_wait3A_128 = tpu.memref_slice %arg3[%dma_wait3A_126, %add3A_97, %dma_wait3A_127] : memref<4x8192x768xf32, #tpu.memory_space<hbm>> -> memref<1x64x768xf32, #tpu.memory_space<hbm>>
    %dma_wait3A_129 = tpu.memref_squeeze %dma_wait3A_128 : memref<1x64x768xf32, #tpu.memory_space<hbm>> -> memref<64x768xf32, #tpu.memory_space<hbm>>
    %dma_wait3A_130 = arith.constant 0 : i32
    %dma_wait3A_131 = tpu.memref_slice %arg3[%dma_wait3A_126, %add3A_97, %dma_wait3A_130] : memref<4x8192x768xf32, #tpu.memory_space<hbm>> -> memref<1x64x768xf32, #tpu.memory_space<hbm>>
    %dma_wait3A_132 = tpu.memref_squeeze %dma_wait3A_131 : memref<1x64x768xf32, #tpu.memory_space<hbm>> -> memref<64x768xf32, #tpu.memory_space<hbm>>
    tpu.wait_dma2 semaphore(%arg9 : memref<!tpu.dma_semaphore, #tpu.memory_space<semaphore_mem>>) src(%arg5 : memref<64x768xf32, #tpu.memory_space<vmem>>) dst(%dma_wait3A_132 : memref<64x768xf32, #tpu.memory_space<hbm>>)
    %dma_wait3A_133 = arith.constant 1 : i32
    %dma_wait3A_134 = arith.constant 0 : i32
    %dma_wait3A_135 = tpu.memref_slice %arg3[%dma_wait3A_133, %add3A_97, %dma_wait3A_134] : memref<4x8192x768xf32, #tpu.memory_space<hbm>> -> memref<1x64x768xf32, #tpu.memory_space<hbm>>
    %dma_wait3A_136 = tpu.memref_squeeze %dma_wait3A_135 : memref<1x64x768xf32, #tpu.memory_space<hbm>> -> memref<64x768xf32, #tpu.memory_space<hbm>>
    %dma_wait3A_137 = arith.constant 0 : i32
    %dma_wait3A_138 = tpu.memref_slice %arg3[%dma_wait3A_133, %add3A_97, %dma_wait3A_137] : memref<4x8192x768xf32, #tpu.memory_space<hbm>> -> memref<1x64x768xf32, #tpu.memory_space<hbm>>
    %dma_wait3A_139 = tpu.memref_squeeze %dma_wait3A_138 : memref<1x64x768xf32, #tpu.memory_space<hbm>> -> memref<64x768xf32, #tpu.memory_space<hbm>>
    tpu.wait_dma2 semaphore(%arg9 : memref<!tpu.dma_semaphore, #tpu.memory_space<semaphore_mem>>) src(%arg5 : memref<64x768xf32, #tpu.memory_space<vmem>>) dst(%dma_wait3A_139 : memref<64x768xf32, #tpu.memory_space<hbm>>)
    %dma_wait3A_140 = arith.constant 2 : i32
    %dma_wait3A_141 = arith.constant 0 : i32
    %dma_wait3A_142 = tpu.memref_slice %arg3[%dma_wait3A_140, %add3A_97, %dma_wait3A_141] : memref<4x8192x768xf32, #tpu.memory_space<hbm>> -> memref<1x64x768xf32, #tpu.memory_space<hbm>>
    %dma_wait3A_143 = tpu.memref_squeeze %dma_wait3A_142 : memref<1x64x768xf32, #tpu.memory_space<hbm>> -> memref<64x768xf32, #tpu.memory_space<hbm>>
    %dma_wait3A_144 = arith.constant 0 : i32
    %dma_wait3A_145 = tpu.memref_slice %arg3[%dma_wait3A_140, %add3A_97, %dma_wait3A_144] : memref<4x8192x768xf32, #tpu.memory_space<hbm>> -> memref<1x64x768xf32, #tpu.memory_space<hbm>>
    %dma_wait3A_146 = tpu.memref_squeeze %dma_wait3A_145 : memref<1x64x768xf32, #tpu.memory_space<hbm>> -> memref<64x768xf32, #tpu.memory_space<hbm>>
    tpu.wait_dma2 semaphore(%arg9 : memref<!tpu.dma_semaphore, #tpu.memory_space<semaphore_mem>>) src(%arg5 : memref<64x768xf32, #tpu.memory_space<vmem>>) dst(%dma_wait3A_146 : memref<64x768xf32, #tpu.memory_space<hbm>>)
    %dma_wait3A_147 = arith.constant 3 : i32
    %dma_wait3A_148 = arith.constant 0 : i32
    %dma_wait3A_149 = tpu.memref_slice %arg3[%dma_wait3A_147, %add3A_97, %dma_wait3A_148] : memref<4x8192x768xf32, #tpu.memory_space<hbm>> -> memref<1x64x768xf32, #tpu.memory_space<hbm>>
    %dma_wait3A_150 = tpu.memref_squeeze %dma_wait3A_149 : memref<1x64x768xf32, #tpu.memory_space<hbm>> -> memref<64x768xf32, #tpu.memory_space<hbm>>
    %dma_wait3A_151 = arith.constant 0 : i32
    %dma_wait3A_152 = tpu.memref_slice %arg3[%dma_wait3A_147, %add3A_97, %dma_wait3A_151] : memref<4x8192x768xf32, #tpu.memory_space<hbm>> -> memref<1x64x768xf32, #tpu.memory_space<hbm>>
    %dma_wait3A_153 = tpu.memref_squeeze %dma_wait3A_152 : memref<1x64x768xf32, #tpu.memory_space<hbm>> -> memref<64x768xf32, #tpu.memory_space<hbm>>
    tpu.wait_dma2 semaphore(%arg9 : memref<!tpu.dma_semaphore, #tpu.memory_space<semaphore_mem>>) src(%arg5 : memref<64x768xf32, #tpu.memory_space<vmem>>) dst(%dma_wait3A_153 : memref<64x768xf32, #tpu.memory_space<hbm>>)
    %add3A_154 = arith.constant 192 : i32
    %add3A_155 = arith.addi %mul3A_2, %add3A_154 : i32
    %dma_start3A_156 = arith.constant 0 : i32
    %dma_start3A_157 = tpu.memref_slice %arg2[%add3A_155, %dma_start3A_156] : memref<8192x768xf32, #tpu.memory_space<hbm>> -> memref<64x768xf32, #tpu.memory_space<hbm>>
    %dma_start3A_158 = arith.constant 0 : i32
    %dma_start3A_159 = tpu.memref_slice %arg2[%add3A_155, %dma_start3A_158] : memref<8192x768xf32, #tpu.memory_space<hbm>> -> memref<64x768xf32, #tpu.memory_space<hbm>>
    tpu.enqueue_dma source(%dma_start3A_159 : memref<64x768xf32, #tpu.memory_space<hbm>>) target(%arg5 : memref<64x768xf32, #tpu.memory_space<vmem>>) target_semaphore(%arg7 : memref<!tpu.dma_semaphore, #tpu.memory_space<semaphore_mem>>)
    %dma_wait3A_160 = arith.constant 0 : i32
    %dma_wait3A_161 = tpu.memref_slice %arg2[%add3A_80, %dma_wait3A_160] : memref<8192x768xf32, #tpu.memory_space<hbm>> -> memref<64x768xf32, #tpu.memory_space<hbm>>
    %dma_wait3A_162 = arith.constant 0 : i32
    %dma_wait3A_163 = tpu.memref_slice %arg2[%add3A_80, %dma_wait3A_162] : memref<8192x768xf32, #tpu.memory_space<hbm>> -> memref<64x768xf32, #tpu.memory_space<hbm>>
    tpu.wait_dma2 semaphore(%arg6 : memref<!tpu.dma_semaphore, #tpu.memory_space<semaphore_mem>>) src(%dma_wait3A_163 : memref<64x768xf32, #tpu.memory_space<hbm>>) dst(%arg4 : memref<64x768xf32, #tpu.memory_space<vmem>>)
    %scan3A_164 = arith.constant 0 : i32
    %scan3A_165 = arith.constant 0 : i32
    %scan3A_166 = arith.constant 64 : i32
    %scan3A_167 = arith.addi %scan3A_165, %scan3A_166 : i32
    %scan3A_168 = arith.constant 1 : i32
    %scan3A_169 = scf.for %scan3A_298 = %scan3A_165 to %scan3A_167 step %scan3A_168 iter_args(%scan3A_299 = %scan3A_164) -> (i32)  : i32 {
      %get3A = arith.index_cast %scan3A_298 : i32 to index
      %get3A_300 = arith.constant 0 : index
      %get3A_301 = tpu.vector_load %arg4[%get3A, %get3A_300] {strides = array<i32>} : memref<64x768xf32, #tpu.memory_space<vmem>>, vector<1x16xf32>,
      %get3A_302 = vector.shape_cast %get3A_301 : vector<1x16xf32> to vector<16xf32>
      %mul3A_303 = arith.constant 27.7128124 : f32
      %mul3A_304 = vector.broadcast %mul3A_303 : f32 to vector<16xf32>
      %mul3A_305 = arith.mulf %get3A_302, %mul3A_304 : vector<16xf32>
      %swap3A = arith.index_cast %scan3A_298 : i32 to index
      %swap3A_306 = arith.constant 0 : index
      %swap3A_307 = tpu.vector_load %arg4[%swap3A, %swap3A_306] {strides = array<i32>} : memref<64x768xf32, #tpu.memory_space<vmem>>, vector<1x16xf32>,
      %swap3A_308 = vector.shape_cast %swap3A_307 : vector<1x16xf32> to vector<16xf32>
      %swap3A_309 = vector.shape_cast %mul3A_305 : vector<16xf32> to vector<1x16xf32>
      tpu.vector_store %arg4[%swap3A, %swap3A_306], %swap3A_309 {strides = array<i32>} : memref<64x768xf32, #tpu.memory_space<vmem>>, vector<1x16xf32>,
      %get3A_310 = arith.index_cast %scan3A_298 : i32 to index
      %get3A_311 = arith.constant 16 : index
      %get3A_312 = tpu.vector_load %arg4[%get3A_310, %get3A_311] {strides = array<i32>} : memref<64x768xf32, #tpu.memory_space<vmem>>, vector<1x16xf32>,
      %get3A_313 = vector.shape_cast %get3A_312 : vector<1x16xf32> to vector<16xf32>
      %mul3A_314 = arith.constant 27.7128124 : f32
      %mul3A_315 = vector.broadcast %mul3A_314 : f32 to vector<16xf32>
      %mul3A_316 = arith.mulf %get3A_313, %mul3A_315 : vector<16xf32>
      %swap3A_317 = arith.index_cast %scan3A_298 : i32 to index
      %swap3A_318 = arith.constant 16 : index
      %swap3A_319 = tpu.vector_load %arg4[%swap3A_317, %swap3A_318] {strides = array<i32>} : memref<64x768xf32, #tpu.memory_space<vmem>>, vector<1x16xf32>,
      %swap3A_320 = vector.shape_cast %swap3A_319 : vector<1x16xf32> to vector<16xf32>
      %swap3A_321 = vector.shape_cast %mul3A_316 : vector<16xf32> to vector<1x16xf32>
      tpu.vector_store %arg4[%swap3A_317, %swap3A_318], %swap3A_321 {strides = array<i32>} : memref<64x768xf32, #tpu.memory_space<vmem>>, vector<1x16xf32>,
      %get3A_322 = arith.index_cast %scan3A_298 : i32 to index
      %get3A_323 = arith.constant 32 : index
      %get3A_324 = tpu.vector_load %arg4[%get3A_322, %get3A_323] {strides = array<i32>} : memref<64x768xf32, #tpu.memory_space<vmem>>, vector<1x16xf32>,
      %get3A_325 = vector.shape_cast %get3A_324 : vector<1x16xf32> to vector<16xf32>
      %mul3A_326 = arith.constant 27.7128124 : f32
      %mul3A_327 = vector.broadcast %mul3A_326 : f32 to vector<16xf32>
      %mul3A_328 = arith.mulf %get3A_325, %mul3A_327 : vector<16xf32>
      %swap3A_329 = arith.index_cast %scan3A_298 : i32 to index
      %swap3A_330 = arith.constant 32 : index
      %swap3A_331 = tpu.vector_load %arg4[%swap3A_329, %swap3A_330] {strides = array<i32>} : memref<64x768xf32, #tpu.memory_space<vmem>>, vector<1x16xf32>,
      %swap3A_332 = vector.shape_cast %swap3A_331 : vector<1x16xf32> to vector<16xf32>
      %swap3A_333 = vector.shape_cast %mul3A_328 : vector<16xf32> to vector<1x16xf32>
      tpu.vector_store %arg4[%swap3A_329, %swap3A_330], %swap3A_333 {strides = array<i32>} : memref<64x768xf32, #tpu.memory_space<vmem>>, vector<1x16xf32>,
      %get3A_334 = arith.index_cast %scan3A_298 : i32 to index
      %get3A_335 = arith.constant 48 : index
      %get3A_336 = tpu.vector_load %arg4[%get3A_334, %get3A_335] {strides = array<i32>} : memref<64x768xf32, #tpu.memory_space<vmem>>, vector<1x16xf32>,
      %get3A_337 = vector.shape_cast %get3A_336 : vector<1x16xf32> to vector<16xf32>
      %mul3A_338 = arith.constant 27.7128124 : f32
      %mul3A_339 = vector.broadcast %mul3A_338 : f32 to vector<16xf32>
      %mul3A_340 = arith.mulf %get3A_337, %mul3A_339 : vector<16xf32>
      %swap3A_341 = arith.index_cast %scan3A_298 : i32 to index
      %swap3A_342 = arith.constant 48 : index
      %swap3A_343 = tpu.vector_load %arg4[%swap3A_341, %swap3A_342] {strides = array<i32>} : memref<64x768xf32, #tpu.memory_space<vmem>>, vector<1x16xf32>,
      %swap3A_344 = vector.shape_cast %swap3A_343 : vector<1x16xf32> to vector<16xf32>
      %swap3A_345 = vector.shape_cast %mul3A_340 : vector<16xf32> to vector<1x16xf32>
      tpu.vector_store %arg4[%swap3A_341, %swap3A_342], %swap3A_345 {strides = array<i32>} : memref<64x768xf32, #tpu.memory_space<vmem>>, vector<1x16xf32>,
      %get3A_346 = arith.index_cast %scan3A_298 : i32 to index
      %get3A_347 = arith.constant 64 : index
      %get3A_348 = tpu.vector_load %arg4[%get3A_346, %get3A_347] {strides = array<i32>} : memref<64x768xf32, #tpu.memory_space<vmem>>, vector<1x16xf32>,
      %get3A_349 = vector.shape_cast %get3A_348 : vector<1x16xf32> to vector<16xf32>
      %mul3A_350 = arith.constant 27.7128124 : f32
      %mul3A_351 = vector.broadcast %mul3A_350 : f32 to vector<16xf32>
      %mul3A_352 = arith.mulf %get3A_349, %mul3A_351 : vector<16xf32>
      %swap3A_353 = arith.index_cast %scan3A_298 : i32 to index
      %swap3A_354 = arith.constant 64 : index
      %swap3A_355 = tpu.vector_load %arg4[%swap3A_353, %swap3A_354] {strides = array<i32>} : memref<64x768xf32, #tpu.memory_space<vmem>>, vector<1x16xf32>,
      %swap3A_356 = vector.shape_cast %swap3A_355 : vector<1x16xf32> to vector<16xf32>
      %swap3A_357 = vector.shape_cast %mul3A_352 : vector<16xf32> to vector<1x16xf32>
      tpu.vector_store %arg4[%swap3A_353, %swap3A_354], %swap3A_357 {strides = array<i32>} : memref<64x768xf32, #tpu.memory_space<vmem>>, vector<1x16xf32>,
      %get3A_358 = arith.index_cast %scan3A_298 : i32 to index
      %get3A_359 = arith.constant 80 : index
      %get3A_360 = tpu.vector_load %arg4[%get3A_358, %get3A_359] {strides = array<i32>} : memref<64x768xf32, #tpu.memory_space<vmem>>, vector<1x16xf32>,
      %get3A_361 = vector.shape_cast %get3A_360 : vector<1x16xf32> to vector<16xf32>
      %mul3A_362 = arith.constant 27.7128124 : f32
      %mul3A_363 = vector.broadcast %mul3A_362 : f32 to vector<16xf32>
      %mul3A_364 = arith.mulf %get3A_361, %mul3A_363 : vector<16xf32>
      %swap3A_365 = arith.index_cast %scan3A_298 : i32 to index
      %swap3A_366 = arith.constant 80 : index
      %swap3A_367 = tpu.vector_load %arg4[%swap3A_365, %swap3A_366] {strides = array<i32>} : memref<64x768xf32, #tpu.memory_space<vmem>>, vector<1x16xf32>,
      %swap3A_368 = vector.shape_cast %swap3A_367 : vector<1x16xf32> to vector<16xf32>
      %swap3A_369 = vector.shape_cast %mul3A_364 : vector<16xf32> to vector<1x16xf32>
      tpu.vector_store %arg4[%swap3A_365, %swap3A_366], %swap3A_369 {strides = array<i32>} : memref<64x768xf32, #tpu.memory_space<vmem>>, vector<1x16xf32>,
      %get3A_370 = arith.index_cast %scan3A_298 : i32 to index
      %get3A_371 = arith.constant 96 : index
      %get3A_372 = tpu.vector_load %arg4[%get3A_370, %get3A_371] {strides = array<i32>} : memref<64x768xf32, #tpu.memory_space<vmem>>, vector<1x16xf32>,
      %get3A_373 = vector.shape_cast %get3A_372 : vector<1x16xf32> to vector<16xf32>
      %mul3A_374 = arith.constant 27.7128124 : f32
      %mul3A_375 = vector.broadcast %mul3A_374 : f32 to vector<16xf32>
      %mul3A_376 = arith.mulf %get3A_373, %mul3A_375 : vector<16xf32>
      %swap3A_377 = arith.index_cast %scan3A_298 : i32 to index
      %swap3A_378 = arith.constant 96 : index
      %swap3A_379 = tpu.vector_load %arg4[%swap3A_377, %swap3A_378] {strides = array<i32>} : memref<64x768xf32, #tpu.memory_space<vmem>>, vector<1x16xf32>,
      %swap3A_380 = vector.shape_cast %swap3A_379 : vector<1x16xf32> to vector<16xf32>
      %swap3A_381 = vector.shape_cast %mul3A_376 : vector<16xf32> to vector<1x16xf32>
      tpu.vector_store %arg4[%swap3A_377, %swap3A_378], %swap3A_381 {strides = array<i32>} : memref<64x768xf32, #tpu.memory_space<vmem>>, vector<1x16xf32>,
      %get3A_382 = arith.index_cast %scan3A_298 : i32 to index
      %get3A_383 = arith.constant 112 : index
      %get3A_384 = tpu.vector_load %arg4[%get3A_382, %get3A_383] {strides = array<i32>} : memref<64x768xf32, #tpu.memory_space<vmem>>, vector<1x16xf32>,
      %get3A_385 = vector.shape_cast %get3A_384 : vector<1x16xf32> to vector<16xf32>
      %mul3A_386 = arith.constant 27.7128124 : f32
      %mul3A_387 = vector.broadcast %mul3A_386 : f32 to vector<16xf32>
      %mul3A_388 = arith.mulf %get3A_385, %mul3A_387 : vector<16xf32>
      %swap3A_389 = arith.index_cast %scan3A_298 : i32 to index
      %swap3A_390 = arith.constant 112 : index
      %swap3A_391 = tpu.vector_load %arg4[%swap3A_389, %swap3A_390] {strides = array<i32>} : memref<64x768xf32, #tpu.memory_space<vmem>>, vector<1x16xf32>,
      %swap3A_392 = vector.shape_cast %swap3A_391 : vector<1x16xf32> to vector<16xf32>
      %swap3A_393 = vector.shape_cast %mul3A_388 : vector<16xf32> to vector<1x16xf32>
      tpu.vector_store %arg4[%swap3A_389, %swap3A_390], %swap3A_393 {strides = array<i32>} : memref<64x768xf32, #tpu.memory_space<vmem>>, vector<1x16xf32>,
      %get3A_394 = arith.index_cast %scan3A_298 : i32 to index
      %get3A_395 = arith.constant 128 : index
      %get3A_396 = tpu.vector_load %arg4[%get3A_394, %get3A_395] {strides = array<i32>} : memref<64x768xf32, #tpu.memory_space<vmem>>, vector<1x16xf32>,
      %get3A_397 = vector.shape_cast %get3A_396 : vector<1x16xf32> to vector<16xf32>
      %mul3A_398 = arith.constant 27.7128124 : f32
      %mul3A_399 = vector.broadcast %mul3A_398 : f32 to vector<16xf32>
      %mul3A_400 = arith.mulf %get3A_397, %mul3A_399 : vector<16xf32>
      %swap3A_401 = arith.index_cast %scan3A_298 : i32 to index
      %swap3A_402 = arith.constant 128 : index
      %swap3A_403 = tpu.vector_load %arg4[%swap3A_401, %swap3A_402] {strides = array<i32>} : memref<64x768xf32, #tpu.memory_space<vmem>>, vector<1x16xf32>,
      %swap3A_404 = vector.shape_cast %swap3A_403 : vector<1x16xf32> to vector<16xf32>
      %swap3A_405 = vector.shape_cast %mul3A_400 : vector<16xf32> to vector<1x16xf32>
      tpu.vector_store %arg4[%swap3A_401, %swap3A_402], %swap3A_405 {strides = array<i32>} : memref<64x768xf32, #tpu.memory_space<vmem>>, vector<1x16xf32>,
      %get3A_406 = arith.index_cast %scan3A_298 : i32 to index
      %get3A_407 = arith.constant 144 : index
      %get3A_408 = tpu.vector_load %arg4[%get3A_406, %get3A_407] {strides = array<i32>} : memref<64x768xf32, #tpu.memory_space<vmem>>, vector<1x16xf32>,
      %get3A_409 = vector.shape_cast %get3A_408 : vector<1x16xf32> to vector<16xf32>
      %mul3A_410 = arith.constant 27.7128124 : f32
      %mul3A_411 = vector.broadcast %mul3A_410 : f32 to vector<16xf32>
      %mul3A_412 = arith.mulf %get3A_409, %mul3A_411 : vector<16xf32>
      %swap3A_413 = arith.index_cast %scan3A_298 : i32 to index
      %swap3A_414 = arith.constant 144 : index
      %swap3A_415 = tpu.vector_load %arg4[%swap3A_413, %swap3A_414] {strides = array<i32>} : memref<64x768xf32, #tpu.memory_space<vmem>>, vector<1x16xf32>,
      %swap3A_416 = vector.shape_cast %swap3A_415 : vector<1x16xf32> to vector<16xf32>
      %swap3A_417 = vector.shape_cast %mul3A_412 : vector<16xf32> to vector<1x16xf32>
      tpu.vector_store %arg4[%swap3A_413, %swap3A_414], %swap3A_417 {strides = array<i32>} : memref<64x768xf32, #tpu.memory_space<vmem>>, vector<1x16xf32>,
      %get3A_418 = arith.index_cast %scan3A_298 : i32 to index
      %get3A_419 = arith.constant 160 : index
      %get3A_420 = tpu.vector_load %arg4[%get3A_418, %get3A_419] {strides = array<i32>} : memref<64x768xf32, #tpu.memory_space<vmem>>, vector<1x16xf32>,
      %get3A_421 = vector.shape_cast %get3A_420 : vector<1x16xf32> to vector<16xf32>
      %mul3A_422 = arith.constant 27.7128124 : f32
      %mul3A_423 = vector.broadcast %mul3A_422 : f32 to vector<16xf32>
      %mul3A_424 = arith.mulf %get3A_421, %mul3A_423 : vector<16xf32>
      %swap3A_425 = arith.index_cast %scan3A_298 : i32 to index
      %swap3A_426 = arith.constant 160 : index
      %swap3A_427 = tpu.vector_load %arg4[%swap3A_425, %swap3A_426] {strides = array<i32>} : memref<64x768xf32, #tpu.memory_space<vmem>>, vector<1x16xf32>,
      %swap3A_428 = vector.shape_cast %swap3A_427 : vector<1x16xf32> to vector<16xf32>
      %swap3A_429 = vector.shape_cast %mul3A_424 : vector<16xf32> to vector<1x16xf32>
      tpu.vector_store %arg4[%swap3A_425, %swap3A_426], %swap3A_429 {strides = array<i32>} : memref<64x768xf32, #tpu.memory_space<vmem>>, vector<1x16xf32>,
      %get3A_430 = arith.index_cast %scan3A_298 : i32 to index
      %get3A_431 = arith.constant 176 : index
      %get3A_432 = tpu.vector_load %arg4[%get3A_430, %get3A_431] {strides = array<i32>} : memref<64x768xf32, #tpu.memory_space<vmem>>, vector<1x16xf32>,
      %get3A_433 = vector.shape_cast %get3A_432 : vector<1x16xf32> to vector<16xf32>
      %mul3A_434 = arith.constant 27.7128124 : f32
      %mul3A_435 = vector.broadcast %mul3A_434 : f32 to vector<16xf32>
      %mul3A_436 = arith.mulf %get3A_433, %mul3A_435 : vector<16xf32>
      %swap3A_437 = arith.index_cast %scan3A_298 : i32 to index
      %swap3A_438 = arith.constant 176 : index
      %swap3A_439 = tpu.vector_load %arg4[%swap3A_437, %swap3A_438] {strides = array<i32>} : memref<64x768xf32, #tpu.memory_space<vmem>>, vector<1x16xf32>,
      %swap3A_440 = vector.shape_cast %swap3A_439 : vector<1x16xf32> to vector<16xf32>
      %swap3A_441 = vector.shape_cast %mul3A_436 : vector<16xf32> to vector<1x16xf32>
      tpu.vector_store %arg4[%swap3A_437, %swap3A_438], %swap3A_441 {strides = array<i32>} : memref<64x768xf32, #tpu.memory_space<vmem>>, vector<1x16xf32>,
      %get3A_442 = arith.index_cast %scan3A_298 : i32 to index
      %get3A_443 = arith.constant 192 : index
      %get3A_444 = tpu.vector_load %arg4[%get3A_442, %get3A_443] {strides = array<i32>} : memref<64x768xf32, #tpu.memory_space<vmem>>, vector<1x16xf32>,
      %get3A_445 = vector.shape_cast %get3A_444 : vector<1x16xf32> to vector<16xf32>
      %mul3A_446 = arith.constant 27.7128124 : f32
      %mul3A_447 = vector.broadcast %mul3A_446 : f32 to vector<16xf32>
      %mul3A_448 = arith.mulf %get3A_445, %mul3A_447 : vector<16xf32>
      %swap3A_449 = arith.index_cast %scan3A_298 : i32 to index
      %swap3A_450 = arith.constant 192 : index
      %swap3A_451 = tpu.vector_load %arg4[%swap3A_449, %swap3A_450] {strides = array<i32>} : memref<64x768xf32, #tpu.memory_space<vmem>>, vector<1x16xf32>,
      %swap3A_452 = vector.shape_cast %swap3A_451 : vector<1x16xf32> to vector<16xf32>
      %swap3A_453 = vector.shape_cast %mul3A_448 : vector<16xf32> to vector<1x16xf32>
      tpu.vector_store %arg4[%swap3A_449, %swap3A_450], %swap3A_453 {strides = array<i32>} : memref<64x768xf32, #tpu.memory_space<vmem>>, vector<1x16xf32>,
      %get3A_454 = arith.index_cast %scan3A_298 : i32 to index
      %get3A_455 = arith.constant 208 : index
      %get3A_456 = tpu.vector_load %arg4[%get3A_454, %get3A_455] {strides = array<i32>} : memref<64x768xf32, #tpu.memory_space<vmem>>, vector<1x16xf32>,
      %get3A_457 = vector.shape_cast %get3A_456 : vector<1x16xf32> to vector<16xf32>
      %mul3A_458 = arith.constant 27.7128124 : f32
      %mul3A_459 = vector.broadcast %mul3A_458 : f32 to vector<16xf32>
      %mul3A_460 = arith.mulf %get3A_457, %mul3A_459 : vector<16xf32>
      %swap3A_461 = arith.index_cast %scan3A_298 : i32 to index
      %swap3A_462 = arith.constant 208 : index
      %swap3A_463 = tpu.vector_load %arg4[%swap3A_461, %swap3A_462] {strides = array<i32>} : memref<64x768xf32, #tpu.memory_space<vmem>>, vector<1x16xf32>,
      %swap3A_464 = vector.shape_cast %swap3A_463 : vector<1x16xf32> to vector<16xf32>
      %swap3A_465 = vector.shape_cast %mul3A_460 : vector<16xf32> to vector<1x16xf32>
      tpu.vector_store %arg4[%swap3A_461, %swap3A_462], %swap3A_465 {strides = array<i32>} : memref<64x768xf32, #tpu.memory_space<vmem>>, vector<1x16xf32>,
      %get3A_466 = arith.index_cast %scan3A_298 : i32 to index
      %get3A_467 = arith.constant 224 : index
      %get3A_468 = tpu.vector_load %arg4[%get3A_466, %get3A_467] {strides = array<i32>} : memref<64x768xf32, #tpu.memory_space<vmem>>, vector<1x16xf32>,
      %get3A_469 = vector.shape_cast %get3A_468 : vector<1x16xf32> to vector<16xf32>
      %mul3A_470 = arith.constant 27.7128124 : f32
      %mul3A_471 = vector.broadcast %mul3A_470 : f32 to vector<16xf32>
      %mul3A_472 = arith.mulf %get3A_469, %mul3A_471 : vector<16xf32>
      %swap3A_473 = arith.index_cast %scan3A_298 : i32 to index
      %swap3A_474 = arith.constant 224 : index
      %swap3A_475 = tpu.vector_load %arg4[%swap3A_473, %swap3A_474] {strides = array<i32>} : memref<64x768xf32, #tpu.memory_space<vmem>>, vector<1x16xf32>,
      %swap3A_476 = vector.shape_cast %swap3A_475 : vector<1x16xf32> to vector<16xf32>
      %swap3A_477 = vector.shape_cast %mul3A_472 : vector<16xf32> to vector<1x16xf32>
      tpu.vector_store %arg4[%swap3A_473, %swap3A_474], %swap3A_477 {strides = array<i32>} : memref<64x768xf32, #tpu.memory_space<vmem>>, vector<1x16xf32>,
      %get3A_478 = arith.index_cast %scan3A_298 : i32 to index
      %get3A_479 = arith.constant 240 : index
      %get3A_480 = tpu.vector_load %arg4[%get3A_478, %get3A_479] {strides = array<i32>} : memref<64x768xf32, #tpu.memory_space<vmem>>, vector<1x16xf32>,
      %get3A_481 = vector.shape_cast %get3A_480 : vector<1x16xf32> to vector<16xf32>
      %mul3A_482 = arith.constant 27.7128124 : f32
      %mul3A_483 = vector.broadcast %mul3A_482 : f32 to vector<16xf32>
      %mul3A_484 = arith.mulf %get3A_481, %mul3A_483 : vector<16xf32>
      %swap3A_485 = arith.index_cast %scan3A_298 : i32 to index
      %swap3A_486 = arith.constant 240 : index
      %swap3A_487 = tpu.vector_load %arg4[%swap3A_485, %swap3A_486] {strides = array<i32>} : memref<64x768xf32, #tpu.memory_space<vmem>>, vector<1x16xf32>,
      %swap3A_488 = vector.shape_cast %swap3A_487 : vector<1x16xf32> to vector<16xf32>
      %swap3A_489 = vector.shape_cast %mul3A_484 : vector<16xf32> to vector<1x16xf32>
      tpu.vector_store %arg4[%swap3A_485, %swap3A_486], %swap3A_489 {strides = array<i32>} : memref<64x768xf32, #tpu.memory_space<vmem>>, vector<1x16xf32>,
      %get3A_490 = arith.index_cast %scan3A_298 : i32 to index
      %get3A_491 = arith.constant 256 : index
      %get3A_492 = tpu.vector_load %arg4[%get3A_490, %get3A_491] {strides = array<i32>} : memref<64x768xf32, #tpu.memory_space<vmem>>, vector<1x16xf32>,
      %get3A_493 = vector.shape_cast %get3A_492 : vector<1x16xf32> to vector<16xf32>
      %mul3A_494 = arith.constant 27.7128124 : f32
      %mul3A_495 = vector.broadcast %mul3A_494 : f32 to vector<16xf32>
      %mul3A_496 = arith.mulf %get3A_493, %mul3A_495 : vector<16xf32>
      %swap3A_497 = arith.index_cast %scan3A_298 : i32 to index
      %swap3A_498 = arith.constant 256 : index
      %swap3A_499 = tpu.vector_load %arg4[%swap3A_497, %swap3A_498] {strides = array<i32>} : memref<64x768xf32, #tpu.memory_space<vmem>>, vector<1x16xf32>,
      %swap3A_500 = vector.shape_cast %swap3A_499 : vector<1x16xf32> to vector<16xf32>
      %swap3A_501 = vector.shape_cast %mul3A_496 : vector<16xf32> to vector<1x16xf32>
      tpu.vector_store %arg4[%swap3A_497, %swap3A_498], %swap3A_501 {strides = array<i32>} : memref<64x768xf32, #tpu.memory_space<vmem>>, vector<1x16xf32>,
      %get3A_502 = arith.index_cast %scan3A_298 : i32 to index
      %get3A_503 = arith.constant 272 : index
      %get3A_504 = tpu.vector_load %arg4[%get3A_502, %get3A_503] {strides = array<i32>} : memref<64x768xf32, #tpu.memory_space<vmem>>, vector<1x16xf32>,
      %get3A_505 = vector.shape_cast %get3A_504 : vector<1x16xf32> to vector<16xf32>
      %mul3A_506 = arith.constant 27.7128124 : f32
      %mul3A_507 = vector.broadcast %mul3A_506 : f32 to vector<16xf32>
      %mul3A_508 = arith.mulf %get3A_505, %mul3A_507 : vector<16xf32>
      %swap3A_509 = arith.index_cast %scan3A_298 : i32 to index
      %swap3A_510 = arith.constant 272 : index
      %swap3A_511 = tpu.vector_load %arg4[%swap3A_509, %swap3A_510] {strides = array<i32>} : memref<64x768xf32, #tpu.memory_space<vmem>>, vector<1x16xf32>,
      %swap3A_512 = vector.shape_cast %swap3A_511 : vector<1x16xf32> to vector<16xf32>
      %swap3A_513 = vector.shape_cast %mul3A_508 : vector<16xf32> to vector<1x16xf32>
      tpu.vector_store %arg4[%swap3A_509, %swap3A_510], %swap3A_513 {strides = array<i32>} : memref<64x768xf32, #tpu.memory_space<vmem>>, vector<1x16xf32>,
      %get3A_514 = arith.index_cast %scan3A_298 : i32 to index
      %get3A_515 = arith.constant 288 : index
      %get3A_516 = tpu.vector_load %arg4[%get3A_514, %get3A_515] {strides = array<i32>} : memref<64x768xf32, #tpu.memory_space<vmem>>, vector<1x16xf32>,
      %get3A_517 = vector.shape_cast %get3A_516 : vector<1x16xf32> to vector<16xf32>
      %mul3A_518 = arith.constant 27.7128124 : f32
      %mul3A_519 = vector.broadcast %mul3A_518 : f32 to vector<16xf32>
      %mul3A_520 = arith.mulf %get3A_517, %mul3A_519 : vector<16xf32>
      %swap3A_521 = arith.index_cast %scan3A_298 : i32 to index
      %swap3A_522 = arith.constant 288 : index
      %swap3A_523 = tpu.vector_load %arg4[%swap3A_521, %swap3A_522] {strides = array<i32>} : memref<64x768xf32, #tpu.memory_space<vmem>>, vector<1x16xf32>,
      %swap3A_524 = vector.shape_cast %swap3A_523 : vector<1x16xf32> to vector<16xf32>
      %swap3A_525 = vector.shape_cast %mul3A_520 : vector<16xf32> to vector<1x16xf32>
      tpu.vector_store %arg4[%swap3A_521, %swap3A_522], %swap3A_525 {strides = array<i32>} : memref<64x768xf32, #tpu.memory_space<vmem>>, vector<1x16xf32>,
      %get3A_526 = arith.index_cast %scan3A_298 : i32 to index
      %get3A_527 = arith.constant 304 : index
      %get3A_528 = tpu.vector_load %arg4[%get3A_526, %get3A_527] {strides = array<i32>} : memref<64x768xf32, #tpu.memory_space<vmem>>, vector<1x16xf32>,
      %get3A_529 = vector.shape_cast %get3A_528 : vector<1x16xf32> to vector<16xf32>
      %mul3A_530 = arith.constant 27.7128124 : f32
      %mul3A_531 = vector.broadcast %mul3A_530 : f32 to vector<16xf32>
      %mul3A_532 = arith.mulf %get3A_529, %mul3A_531 : vector<16xf32>
      %swap3A_533 = arith.index_cast %scan3A_298 : i32 to index
      %swap3A_534 = arith.constant 304 : index
      %swap3A_535 = tpu.vector_load %arg4[%swap3A_533, %swap3A_534] {strides = array<i32>} : memref<64x768xf32, #tpu.memory_space<vmem>>, vector<1x16xf32>,
      %swap3A_536 = vector.shape_cast %swap3A_535 : vector<1x16xf32> to vector<16xf32>
      %swap3A_537 = vector.shape_cast %mul3A_532 : vector<16xf32> to vector<1x16xf32>
      tpu.vector_store %arg4[%swap3A_533, %swap3A_534], %swap3A_537 {strides = array<i32>} : memref<64x768xf32, #tpu.memory_space<vmem>>, vector<1x16xf32>,
      %get3A_538 = arith.index_cast %scan3A_298 : i32 to index
      %get3A_539 = arith.constant 320 : index
      %get3A_540 = tpu.vector_load %arg4[%get3A_538, %get3A_539] {strides = array<i32>} : memref<64x768xf32, #tpu.memory_space<vmem>>, vector<1x16xf32>,
      %get3A_541 = vector.shape_cast %get3A_540 : vector<1x16xf32> to vector<16xf32>
      %mul3A_542 = arith.constant 27.7128124 : f32
      %mul3A_543 = vector.broadcast %mul3A_542 : f32 to vector<16xf32>
      %mul3A_544 = arith.mulf %get3A_541, %mul3A_543 : vector<16xf32>
      %swap3A_545 = arith.index_cast %scan3A_298 : i32 to index
      %swap3A_546 = arith.constant 320 : index
      %swap3A_547 = tpu.vector_load %arg4[%swap3A_545, %swap3A_546] {strides = array<i32>} : memref<64x768xf32, #tpu.memory_space<vmem>>, vector<1x16xf32>,
      %swap3A_548 = vector.shape_cast %swap3A_547 : vector<1x16xf32> to vector<16xf32>
      %swap3A_549 = vector.shape_cast %mul3A_544 : vector<16xf32> to vector<1x16xf32>
      tpu.vector_store %arg4[%swap3A_545, %swap3A_546], %swap3A_549 {strides = array<i32>} : memref<64x768xf32, #tpu.memory_space<vmem>>, vector<1x16xf32>,
      %get3A_550 = arith.index_cast %scan3A_298 : i32 to index
      %get3A_551 = arith.constant 336 : index
      %get3A_552 = tpu.vector_load %arg4[%get3A_550, %get3A_551] {strides = array<i32>} : memref<64x768xf32, #tpu.memory_space<vmem>>, vector<1x16xf32>,
      %get3A_553 = vector.shape_cast %get3A_552 : vector<1x16xf32> to vector<16xf32>
      %mul3A_554 = arith.constant 27.7128124 : f32
      %mul3A_555 = vector.broadcast %mul3A_554 : f32 to vector<16xf32>
      %mul3A_556 = arith.mulf %get3A_553, %mul3A_555 : vector<16xf32>
      %swap3A_557 = arith.index_cast %scan3A_298 : i32 to index
      %swap3A_558 = arith.constant 336 : index
      %swap3A_559 = tpu.vector_load %arg4[%swap3A_557, %swap3A_558] {strides = array<i32>} : memref<64x768xf32, #tpu.memory_space<vmem>>, vector<1x16xf32>,
      %swap3A_560 = vector.shape_cast %swap3A_559 : vector<1x16xf32> to vector<16xf32>
      %swap3A_561 = vector.shape_cast %mul3A_556 : vector<16xf32> to vector<1x16xf32>
      tpu.vector_store %arg4[%swap3A_557, %swap3A_558], %swap3A_561 {strides = array<i32>} : memref<64x768xf32, #tpu.memory_space<vmem>>, vector<1x16xf32>,
      %get3A_562 = arith.index_cast %scan3A_298 : i32 to index
      %get3A_563 = arith.constant 352 : index
      %get3A_564 = tpu.vector_load %arg4[%get3A_562, %get3A_563] {strides = array<i32>} : memref<64x768xf32, #tpu.memory_space<vmem>>, vector<1x16xf32>,
      %get3A_565 = vector.shape_cast %get3A_564 : vector<1x16xf32> to vector<16xf32>
      %mul3A_566 = arith.constant 27.7128124 : f32
      %mul3A_567 = vector.broadcast %mul3A_566 : f32 to vector<16xf32>
      %mul3A_568 = arith.mulf %get3A_565, %mul3A_567 : vector<16xf32>
      %swap3A_569 = arith.index_cast %scan3A_298 : i32 to index
      %swap3A_570 = arith.constant 352 : index
      %swap3A_571 = tpu.vector_load %arg4[%swap3A_569, %swap3A_570] {strides = array<i32>} : memref<64x768xf32, #tpu.memory_space<vmem>>, vector<1x16xf32>,
      %swap3A_572 = vector.shape_cast %swap3A_571 : vector<1x16xf32> to vector<16xf32>
      %swap3A_573 = vector.shape_cast %mul3A_568 : vector<16xf32> to vector<1x16xf32>
      tpu.vector_store %arg4[%swap3A_569, %swap3A_570], %swap3A_573 {strides = array<i32>} : memref<64x768xf32, #tpu.memory_space<vmem>>, vector<1x16xf32>,
      %get3A_574 = arith.index_cast %scan3A_298 : i32 to index
      %get3A_575 = arith.constant 368 : index
      %get3A_576 = tpu.vector_load %arg4[%get3A_574, %get3A_575] {strides = array<i32>} : memref<64x768xf32, #tpu.memory_space<vmem>>, vector<1x16xf32>,
      %get3A_577 = vector.shape_cast %get3A_576 : vector<1x16xf32> to vector<16xf32>
      %mul3A_578 = arith.constant 27.7128124 : f32
      %mul3A_579 = vector.broadcast %mul3A_578 : f32 to vector<16xf32>
      %mul3A_580 = arith.mulf %get3A_577, %mul3A_579 : vector<16xf32>
      %swap3A_581 = arith.index_cast %scan3A_298 : i32 to index
      %swap3A_582 = arith.constant 368 : index
      %swap3A_583 = tpu.vector_load %arg4[%swap3A_581, %swap3A_582] {strides = array<i32>} : memref<64x768xf32, #tpu.memory_space<vmem>>, vector<1x16xf32>,
      %swap3A_584 = vector.shape_cast %swap3A_583 : vector<1x16xf32> to vector<16xf32>
      %swap3A_585 = vector.shape_cast %mul3A_580 : vector<16xf32> to vector<1x16xf32>
      tpu.vector_store %arg4[%swap3A_581, %swap3A_582], %swap3A_585 {strides = array<i32>} : memref<64x768xf32, #tpu.memory_space<vmem>>, vector<1x16xf32>,
      %get3A_586 = arith.index_cast %scan3A_298 : i32 to index
      %get3A_587 = arith.constant 384 : index
      %get3A_588 = tpu.vector_load %arg4[%get3A_586, %get3A_587] {strides = array<i32>} : memref<64x768xf32, #tpu.memory_space<vmem>>, vector<1x16xf32>,
      %get3A_589 = vector.shape_cast %get3A_588 : vector<1x16xf32> to vector<16xf32>
      %mul3A_590 = arith.constant 27.7128124 : f32
      %mul3A_591 = vector.broadcast %mul3A_590 : f32 to vector<16xf32>
      %mul3A_592 = arith.mulf %get3A_589, %mul3A_591 : vector<16xf32>
      %swap3A_593 = arith.index_cast %scan3A_298 : i32 to index
      %swap3A_594 = arith.constant 384 : index
      %swap3A_595 = tpu.vector_load %arg4[%swap3A_593, %swap3A_594] {strides = array<i32>} : memref<64x768xf32, #tpu.memory_space<vmem>>, vector<1x16xf32>,
      %swap3A_596 = vector.shape_cast %swap3A_595 : vector<1x16xf32> to vector<16xf32>
      %swap3A_597 = vector.shape_cast %mul3A_592 : vector<16xf32> to vector<1x16xf32>
      tpu.vector_store %arg4[%swap3A_593, %swap3A_594], %swap3A_597 {strides = array<i32>} : memref<64x768xf32, #tpu.memory_space<vmem>>, vector<1x16xf32>,
      %get3A_598 = arith.index_cast %scan3A_298 : i32 to index
      %get3A_599 = arith.constant 400 : index
      %get3A_600 = tpu.vector_load %arg4[%get3A_598, %get3A_599] {strides = array<i32>} : memref<64x768xf32, #tpu.memory_space<vmem>>, vector<1x16xf32>,
      %get3A_601 = vector.shape_cast %get3A_600 : vector<1x16xf32> to vector<16xf32>
      %mul3A_602 = arith.constant 27.7128124 : f32
      %mul3A_603 = vector.broadcast %mul3A_602 : f32 to vector<16xf32>
      %mul3A_604 = arith.mulf %get3A_601, %mul3A_603 : vector<16xf32>
      %swap3A_605 = arith.index_cast %scan3A_298 : i32 to index
      %swap3A_606 = arith.constant 400 : index
      %swap3A_607 = tpu.vector_load %arg4[%swap3A_605, %swap3A_606] {strides = array<i32>} : memref<64x768xf32, #tpu.memory_space<vmem>>, vector<1x16xf32>,
      %swap3A_608 = vector.shape_cast %swap3A_607 : vector<1x16xf32> to vector<16xf32>
      %swap3A_609 = vector.shape_cast %mul3A_604 : vector<16xf32> to vector<1x16xf32>
      tpu.vector_store %arg4[%swap3A_605, %swap3A_606], %swap3A_609 {strides = array<i32>} : memref<64x768xf32, #tpu.memory_space<vmem>>, vector<1x16xf32>,
      %get3A_610 = arith.index_cast %scan3A_298 : i32 to index
      %get3A_611 = arith.constant 416 : index
      %get3A_612 = tpu.vector_load %arg4[%get3A_610, %get3A_611] {strides = array<i32>} : memref<64x768xf32, #tpu.memory_space<vmem>>, vector<1x16xf32>,
      %get3A_613 = vector.shape_cast %get3A_612 : vector<1x16xf32> to vector<16xf32>
      %mul3A_614 = arith.constant 27.7128124 : f32
      %mul3A_615 = vector.broadcast %mul3A_614 : f32 to vector<16xf32>
      %mul3A_616 = arith.mulf %get3A_613, %mul3A_615 : vector<16xf32>
      %swap3A_617 = arith.index_cast %scan3A_298 : i32 to index
      %swap3A_618 = arith.constant 416 : index
      %swap3A_619 = tpu.vector_load %arg4[%swap3A_617, %swap3A_618] {strides = array<i32>} : memref<64x768xf32, #tpu.memory_space<vmem>>, vector<1x16xf32>,
      %swap3A_620 = vector.shape_cast %swap3A_619 : vector<1x16xf32> to vector<16xf32>
      %swap3A_621 = vector.shape_cast %mul3A_616 : vector<16xf32> to vector<1x16xf32>
      tpu.vector_store %arg4[%swap3A_617, %swap3A_618], %swap3A_621 {strides = array<i32>} : memref<64x768xf32, #tpu.memory_space<vmem>>, vector<1x16xf32>,
      %get3A_622 = arith.index_cast %scan3A_298 : i32 to index
      %get3A_623 = arith.constant 432 : index
      %get3A_624 = tpu.vector_load %arg4[%get3A_622, %get3A_623] {strides = array<i32>} : memref<64x768xf32, #tpu.memory_space<vmem>>, vector<1x16xf32>,
      %get3A_625 = vector.shape_cast %get3A_624 : vector<1x16xf32> to vector<16xf32>
      %mul3A_626 = arith.constant 27.7128124 : f32
      %mul3A_627 = vector.broadcast %mul3A_626 : f32 to vector<16xf32>
      %mul3A_628 = arith.mulf %get3A_625, %mul3A_627 : vector<16xf32>
      %swap3A_629 = arith.index_cast %scan3A_298 : i32 to index
      %swap3A_630 = arith.constant 432 : index
      %swap3A_631 = tpu.vector_load %arg4[%swap3A_629, %swap3A_630] {strides = array<i32>} : memref<64x768xf32, #tpu.memory_space<vmem>>, vector<1x16xf32>,
      %swap3A_632 = vector.shape_cast %swap3A_631 : vector<1x16xf32> to vector<16xf32>
      %swap3A_633 = vector.shape_cast %mul3A_628 : vector<16xf32> to vector<1x16xf32>
      tpu.vector_store %arg4[%swap3A_629, %swap3A_630], %swap3A_633 {strides = array<i32>} : memref<64x768xf32, #tpu.memory_space<vmem>>, vector<1x16xf32>,
      %get3A_634 = arith.index_cast %scan3A_298 : i32 to index
      %get3A_635 = arith.constant 448 : index
      %get3A_636 = tpu.vector_load %arg4[%get3A_634, %get3A_635] {strides = array<i32>} : memref<64x768xf32, #tpu.memory_space<vmem>>, vector<1x16xf32>,
      %get3A_637 = vector.shape_cast %get3A_636 : vector<1x16xf32> to vector<16xf32>
      %mul3A_638 = arith.constant 27.7128124 : f32
      %mul3A_639 = vector.broadcast %mul3A_638 : f32 to vector<16xf32>
      %mul3A_640 = arith.mulf %get3A_637, %mul3A_639 : vector<16xf32>
      %swap3A_641 = arith.index_cast %scan3A_298 : i32 to index
      %swap3A_642 = arith.constant 448 : index
      %swap3A_643 = tpu.vector_load %arg4[%swap3A_641, %swap3A_642] {strides = array<i32>} : memref<64x768xf32, #tpu.memory_space<vmem>>, vector<1x16xf32>,
      %swap3A_644 = vector.shape_cast %swap3A_643 : vector<1x16xf32> to vector<16xf32>
      %swap3A_645 = vector.shape_cast %mul3A_640 : vector<16xf32> to vector<1x16xf32>
      tpu.vector_store %arg4[%swap3A_641, %swap3A_642], %swap3A_645 {strides = array<i32>} : memref<64x768xf32, #tpu.memory_space<vmem>>, vector<1x16xf32>,
      %get3A_646 = arith.index_cast %scan3A_298 : i32 to index
      %get3A_647 = arith.constant 464 : index
      %get3A_648 = tpu.vector_load %arg4[%get3A_646, %get3A_647] {strides = array<i32>} : memref<64x768xf32, #tpu.memory_space<vmem>>, vector<1x16xf32>,
      %get3A_649 = vector.shape_cast %get3A_648 : vector<1x16xf32> to vector<16xf32>
      %mul3A_650 = arith.constant 27.7128124 : f32
      %mul3A_651 = vector.broadcast %mul3A_650 : f32 to vector<16xf32>
      %mul3A_652 = arith.mulf %get3A_649, %mul3A_651 : vector<16xf32>
      %swap3A_653 = arith.index_cast %scan3A_298 : i32 to index
      %swap3A_654 = arith.constant 464 : index
      %swap3A_655 = tpu.vector_load %arg4[%swap3A_653, %swap3A_654] {strides = array<i32>} : memref<64x768xf32, #tpu.memory_space<vmem>>, vector<1x16xf32>,
      %swap3A_656 = vector.shape_cast %swap3A_655 : vector<1x16xf32> to vector<16xf32>
      %swap3A_657 = vector.shape_cast %mul3A_652 : vector<16xf32> to vector<1x16xf32>
      tpu.vector_store %arg4[%swap3A_653, %swap3A_654], %swap3A_657 {strides = array<i32>} : memref<64x768xf32, #tpu.memory_space<vmem>>, vector<1x16xf32>,
      %get3A_658 = arith.index_cast %scan3A_298 : i32 to index
      %get3A_659 = arith.constant 480 : index
      %get3A_660 = tpu.vector_load %arg4[%get3A_658, %get3A_659] {strides = array<i32>} : memref<64x768xf32, #tpu.memory_space<vmem>>, vector<1x16xf32>,
      %get3A_661 = vector.shape_cast %get3A_660 : vector<1x16xf32> to vector<16xf32>
      %mul3A_662 = arith.constant 27.7128124 : f32
      %mul3A_663 = vector.broadcast %mul3A_662 : f32 to vector<16xf32>
      %mul3A_664 = arith.mulf %get3A_661, %mul3A_663 : vector<16xf32>
      %swap3A_665 = arith.index_cast %scan3A_298 : i32 to index
      %swap3A_666 = arith.constant 480 : index
      %swap3A_667 = tpu.vector_load %arg4[%swap3A_665, %swap3A_666] {strides = array<i32>} : memref<64x768xf32, #tpu.memory_space<vmem>>, vector<1x16xf32>,
      %swap3A_668 = vector.shape_cast %swap3A_667 : vector<1x16xf32> to vector<16xf32>
      %swap3A_669 = vector.shape_cast %mul3A_664 : vector<16xf32> to vector<1x16xf32>
      tpu.vector_store %arg4[%swap3A_665, %swap3A_666], %swap3A_669 {strides = array<i32>} : memref<64x768xf32, #tpu.memory_space<vmem>>, vector<1x16xf32>,
      %get3A_670 = arith.index_cast %scan3A_298 : i32 to index
      %get3A_671 = arith.constant 496 : index
      %get3A_672 = tpu.vector_load %arg4[%get3A_670, %get3A_671] {strides = array<i32>} : memref<64x768xf32, #tpu.memory_space<vmem>>, vector<1x16xf32>,
      %get3A_673 = vector.shape_cast %get3A_672 : vector<1x16xf32> to vector<16xf32>
      %mul3A_674 = arith.constant 27.7128124 : f32
      %mul3A_675 = vector.broadcast %mul3A_674 : f32 to vector<16xf32>
      %mul3A_676 = arith.mulf %get3A_673, %mul3A_675 : vector<16xf32>
      %swap3A_677 = arith.index_cast %scan3A_298 : i32 to index
      %swap3A_678 = arith.constant 496 : index
      %swap3A_679 = tpu.vector_load %arg4[%swap3A_677, %swap3A_678] {strides = array<i32>} : memref<64x768xf32, #tpu.memory_space<vmem>>, vector<1x16xf32>,
      %swap3A_680 = vector.shape_cast %swap3A_679 : vector<1x16xf32> to vector<16xf32>
      %swap3A_681 = vector.shape_cast %mul3A_676 : vector<16xf32> to vector<1x16xf32>
      tpu.vector_store %arg4[%swap3A_677, %swap3A_678], %swap3A_681 {strides = array<i32>} : memref<64x768xf32, #tpu.memory_space<vmem>>, vector<1x16xf32>,
      %get3A_682 = arith.index_cast %scan3A_298 : i32 to index
      %get3A_683 = arith.constant 512 : index
      %get3A_684 = tpu.vector_load %arg4[%get3A_682, %get3A_683] {strides = array<i32>} : memref<64x768xf32, #tpu.memory_space<vmem>>, vector<1x16xf32>,
      %get3A_685 = vector.shape_cast %get3A_684 : vector<1x16xf32> to vector<16xf32>
      %mul3A_686 = arith.constant 27.7128124 : f32
      %mul3A_687 = vector.broadcast %mul3A_686 : f32 to vector<16xf32>
      %mul3A_688 = arith.mulf %get3A_685, %mul3A_687 : vector<16xf32>
      %swap3A_689 = arith.index_cast %scan3A_298 : i32 to index
      %swap3A_690 = arith.constant 512 : index
      %swap3A_691 = tpu.vector_load %arg4[%swap3A_689, %swap3A_690] {strides = array<i32>} : memref<64x768xf32, #tpu.memory_space<vmem>>, vector<1x16xf32>,
      %swap3A_692 = vector.shape_cast %swap3A_691 : vector<1x16xf32> to vector<16xf32>
      %swap3A_693 = vector.shape_cast %mul3A_688 : vector<16xf32> to vector<1x16xf32>
      tpu.vector_store %arg4[%swap3A_689, %swap3A_690], %swap3A_693 {strides = array<i32>} : memref<64x768xf32, #tpu.memory_space<vmem>>, vector<1x16xf32>,
      %get3A_694 = arith.index_cast %scan3A_298 : i32 to index
      %get3A_695 = arith.constant 528 : index
      %get3A_696 = tpu.vector_load %arg4[%get3A_694, %get3A_695] {strides = array<i32>} : memref<64x768xf32, #tpu.memory_space<vmem>>, vector<1x16xf32>,
      %get3A_697 = vector.shape_cast %get3A_696 : vector<1x16xf32> to vector<16xf32>
      %mul3A_698 = arith.constant 27.7128124 : f32
      %mul3A_699 = vector.broadcast %mul3A_698 : f32 to vector<16xf32>
      %mul3A_700 = arith.mulf %get3A_697, %mul3A_699 : vector<16xf32>
      %swap3A_701 = arith.index_cast %scan3A_298 : i32 to index
      %swap3A_702 = arith.constant 528 : index
      %swap3A_703 = tpu.vector_load %arg4[%swap3A_701, %swap3A_702] {strides = array<i32>} : memref<64x768xf32, #tpu.memory_space<vmem>>, vector<1x16xf32>,
      %swap3A_704 = vector.shape_cast %swap3A_703 : vector<1x16xf32> to vector<16xf32>
      %swap3A_705 = vector.shape_cast %mul3A_700 : vector<16xf32> to vector<1x16xf32>
      tpu.vector_store %arg4[%swap3A_701, %swap3A_702], %swap3A_705 {strides = array<i32>} : memref<64x768xf32, #tpu.memory_space<vmem>>, vector<1x16xf32>,
      %get3A_706 = arith.index_cast %scan3A_298 : i32 to index
      %get3A_707 = arith.constant 544 : index
      %get3A_708 = tpu.vector_load %arg4[%get3A_706, %get3A_707] {strides = array<i32>} : memref<64x768xf32, #tpu.memory_space<vmem>>, vector<1x16xf32>,
      %get3A_709 = vector.shape_cast %get3A_708 : vector<1x16xf32> to vector<16xf32>
      %mul3A_710 = arith.constant 27.7128124 : f32
      %mul3A_711 = vector.broadcast %mul3A_710 : f32 to vector<16xf32>
      %mul3A_712 = arith.mulf %get3A_709, %mul3A_711 : vector<16xf32>
      %swap3A_713 = arith.index_cast %scan3A_298 : i32 to index
      %swap3A_714 = arith.constant 544 : index
      %swap3A_715 = tpu.vector_load %arg4[%swap3A_713, %swap3A_714] {strides = array<i32>} : memref<64x768xf32, #tpu.memory_space<vmem>>, vector<1x16xf32>,
      %swap3A_716 = vector.shape_cast %swap3A_715 : vector<1x16xf32> to vector<16xf32>
      %swap3A_717 = vector.shape_cast %mul3A_712 : vector<16xf32> to vector<1x16xf32>
      tpu.vector_store %arg4[%swap3A_713, %swap3A_714], %swap3A_717 {strides = array<i32>} : memref<64x768xf32, #tpu.memory_space<vmem>>, vector<1x16xf32>,
      %get3A_718 = arith.index_cast %scan3A_298 : i32 to index
      %get3A_719 = arith.constant 560 : index
      %get3A_720 = tpu.vector_load %arg4[%get3A_718, %get3A_719] {strides = array<i32>} : memref<64x768xf32, #tpu.memory_space<vmem>>, vector<1x16xf32>,
      %get3A_721 = vector.shape_cast %get3A_720 : vector<1x16xf32> to vector<16xf32>
      %mul3A_722 = arith.constant 27.7128124 : f32
      %mul3A_723 = vector.broadcast %mul3A_722 : f32 to vector<16xf32>
      %mul3A_724 = arith.mulf %get3A_721, %mul3A_723 : vector<16xf32>
      %swap3A_725 = arith.index_cast %scan3A_298 : i32 to index
      %swap3A_726 = arith.constant 560 : index
      %swap3A_727 = tpu.vector_load %arg4[%swap3A_725, %swap3A_726] {strides = array<i32>} : memref<64x768xf32, #tpu.memory_space<vmem>>, vector<1x16xf32>,
      %swap3A_728 = vector.shape_cast %swap3A_727 : vector<1x16xf32> to vector<16xf32>
      %swap3A_729 = vector.shape_cast %mul3A_724 : vector<16xf32> to vector<1x16xf32>
      tpu.vector_store %arg4[%swap3A_725, %swap3A_726], %swap3A_729 {strides = array<i32>} : memref<64x768xf32, #tpu.memory_space<vmem>>, vector<1x16xf32>,
      %get3A_730 = arith.index_cast %scan3A_298 : i32 to index
      %get3A_731 = arith.constant 576 : index
      %get3A_732 = tpu.vector_load %arg4[%get3A_730, %get3A_731] {strides = array<i32>} : memref<64x768xf32, #tpu.memory_space<vmem>>, vector<1x16xf32>,
      %get3A_733 = vector.shape_cast %get3A_732 : vector<1x16xf32> to vector<16xf32>
      %mul3A_734 = arith.constant 27.7128124 : f32
      %mul3A_735 = vector.broadcast %mul3A_734 : f32 to vector<16xf32>
      %mul3A_736 = arith.mulf %get3A_733, %mul3A_735 : vector<16xf32>
      %swap3A_737 = arith.index_cast %scan3A_298 : i32 to index
      %swap3A_738 = arith.constant 576 : index
      %swap3A_739 = tpu.vector_load %arg4[%swap3A_737, %swap3A_738] {strides = array<i32>} : memref<64x768xf32, #tpu.memory_space<vmem>>, vector<1x16xf32>,
      %swap3A_740 = vector.shape_cast %swap3A_739 : vector<1x16xf32> to vector<16xf32>
      %swap3A_741 = vector.shape_cast %mul3A_736 : vector<16xf32> to vector<1x16xf32>
      tpu.vector_store %arg4[%swap3A_737, %swap3A_738], %swap3A_741 {strides = array<i32>} : memref<64x768xf32, #tpu.memory_space<vmem>>, vector<1x16xf32>,
      %get3A_742 = arith.index_cast %scan3A_298 : i32 to index
      %get3A_743 = arith.constant 592 : index
      %get3A_744 = tpu.vector_load %arg4[%get3A_742, %get3A_743] {strides = array<i32>} : memref<64x768xf32, #tpu.memory_space<vmem>>, vector<1x16xf32>,
      %get3A_745 = vector.shape_cast %get3A_744 : vector<1x16xf32> to vector<16xf32>
      %mul3A_746 = arith.constant 27.7128124 : f32
      %mul3A_747 = vector.broadcast %mul3A_746 : f32 to vector<16xf32>
      %mul3A_748 = arith.mulf %get3A_745, %mul3A_747 : vector<16xf32>
      %swap3A_749 = arith.index_cast %scan3A_298 : i32 to index
      %swap3A_750 = arith.constant 592 : index
      %swap3A_751 = tpu.vector_load %arg4[%swap3A_749, %swap3A_750] {strides = array<i32>} : memref<64x768xf32, #tpu.memory_space<vmem>>, vector<1x16xf32>,
      %swap3A_752 = vector.shape_cast %swap3A_751 : vector<1x16xf32> to vector<16xf32>
      %swap3A_753 = vector.shape_cast %mul3A_748 : vector<16xf32> to vector<1x16xf32>
      tpu.vector_store %arg4[%swap3A_749, %swap3A_750], %swap3A_753 {strides = array<i32>} : memref<64x768xf32, #tpu.memory_space<vmem>>, vector<1x16xf32>,
      %get3A_754 = arith.index_cast %scan3A_298 : i32 to index
      %get3A_755 = arith.constant 608 : index
      %get3A_756 = tpu.vector_load %arg4[%get3A_754, %get3A_755] {strides = array<i32>} : memref<64x768xf32, #tpu.memory_space<vmem>>, vector<1x16xf32>,
      %get3A_757 = vector.shape_cast %get3A_756 : vector<1x16xf32> to vector<16xf32>
      %mul3A_758 = arith.constant 27.7128124 : f32
      %mul3A_759 = vector.broadcast %mul3A_758 : f32 to vector<16xf32>
      %mul3A_760 = arith.mulf %get3A_757, %mul3A_759 : vector<16xf32>
      %swap3A_761 = arith.index_cast %scan3A_298 : i32 to index
      %swap3A_762 = arith.constant 608 : index
      %swap3A_763 = tpu.vector_load %arg4[%swap3A_761, %swap3A_762] {strides = array<i32>} : memref<64x768xf32, #tpu.memory_space<vmem>>, vector<1x16xf32>,
      %swap3A_764 = vector.shape_cast %swap3A_763 : vector<1x16xf32> to vector<16xf32>
      %swap3A_765 = vector.shape_cast %mul3A_760 : vector<16xf32> to vector<1x16xf32>
      tpu.vector_store %arg4[%swap3A_761, %swap3A_762], %swap3A_765 {strides = array<i32>} : memref<64x768xf32, #tpu.memory_space<vmem>>, vector<1x16xf32>,
      %get3A_766 = arith.index_cast %scan3A_298 : i32 to index
      %get3A_767 = arith.constant 624 : index
      %get3A_768 = tpu.vector_load %arg4[%get3A_766, %get3A_767] {strides = array<i32>} : memref<64x768xf32, #tpu.memory_space<vmem>>, vector<1x16xf32>,
      %get3A_769 = vector.shape_cast %get3A_768 : vector<1x16xf32> to vector<16xf32>
      %mul3A_770 = arith.constant 27.7128124 : f32
      %mul3A_771 = vector.broadcast %mul3A_770 : f32 to vector<16xf32>
      %mul3A_772 = arith.mulf %get3A_769, %mul3A_771 : vector<16xf32>
      %swap3A_773 = arith.index_cast %scan3A_298 : i32 to index
      %swap3A_774 = arith.constant 624 : index
      %swap3A_775 = tpu.vector_load %arg4[%swap3A_773, %swap3A_774] {strides = array<i32>} : memref<64x768xf32, #tpu.memory_space<vmem>>, vector<1x16xf32>,
      %swap3A_776 = vector.shape_cast %swap3A_775 : vector<1x16xf32> to vector<16xf32>
      %swap3A_777 = vector.shape_cast %mul3A_772 : vector<16xf32> to vector<1x16xf32>
      tpu.vector_store %arg4[%swap3A_773, %swap3A_774], %swap3A_777 {strides = array<i32>} : memref<64x768xf32, #tpu.memory_space<vmem>>, vector<1x16xf32>,
      %get3A_778 = arith.index_cast %scan3A_298 : i32 to index
      %get3A_779 = arith.constant 640 : index
      %get3A_780 = tpu.vector_load %arg4[%get3A_778, %get3A_779] {strides = array<i32>} : memref<64x768xf32, #tpu.memory_space<vmem>>, vector<1x16xf32>,
      %get3A_781 = vector.shape_cast %get3A_780 : vector<1x16xf32> to vector<16xf32>
      %mul3A_782 = arith.constant 27.7128124 : f32
      %mul3A_783 = vector.broadcast %mul3A_782 : f32 to vector<16xf32>
      %mul3A_784 = arith.mulf %get3A_781, %mul3A_783 : vector<16xf32>
      %swap3A_785 = arith.index_cast %scan3A_298 : i32 to index
      %swap3A_786 = arith.constant 640 : index
      %swap3A_787 = tpu.vector_load %arg4[%swap3A_785, %swap3A_786] {strides = array<i32>} : memref<64x768xf32, #tpu.memory_space<vmem>>, vector<1x16xf32>,
      %swap3A_788 = vector.shape_cast %swap3A_787 : vector<1x16xf32> to vector<16xf32>
      %swap3A_789 = vector.shape_cast %mul3A_784 : vector<16xf32> to vector<1x16xf32>
      tpu.vector_store %arg4[%swap3A_785, %swap3A_786], %swap3A_789 {strides = array<i32>} : memref<64x768xf32, #tpu.memory_space<vmem>>, vector<1x16xf32>,
      %get3A_790 = arith.index_cast %scan3A_298 : i32 to index
      %get3A_791 = arith.constant 656 : index
      %get3A_792 = tpu.vector_load %arg4[%get3A_790, %get3A_791] {strides = array<i32>} : memref<64x768xf32, #tpu.memory_space<vmem>>, vector<1x16xf32>,
      %get3A_793 = vector.shape_cast %get3A_792 : vector<1x16xf32> to vector<16xf32>
      %mul3A_794 = arith.constant 27.7128124 : f32
      %mul3A_795 = vector.broadcast %mul3A_794 : f32 to vector<16xf32>
      %mul3A_796 = arith.mulf %get3A_793, %mul3A_795 : vector<16xf32>
      %swap3A_797 = arith.index_cast %scan3A_298 : i32 to index
      %swap3A_798 = arith.constant 656 : index
      %swap3A_799 = tpu.vector_load %arg4[%swap3A_797, %swap3A_798] {strides = array<i32>} : memref<64x768xf32, #tpu.memory_space<vmem>>, vector<1x16xf32>,
      %swap3A_800 = vector.shape_cast %swap3A_799 : vector<1x16xf32> to vector<16xf32>
      %swap3A_801 = vector.shape_cast %mul3A_796 : vector<16xf32> to vector<1x16xf32>
      tpu.vector_store %arg4[%swap3A_797, %swap3A_798], %swap3A_801 {strides = array<i32>} : memref<64x768xf32, #tpu.memory_space<vmem>>, vector<1x16xf32>,
      %get3A_802 = arith.index_cast %scan3A_298 : i32 to index
      %get3A_803 = arith.constant 672 : index
      %get3A_804 = tpu.vector_load %arg4[%get3A_802, %get3A_803] {strides = array<i32>} : memref<64x768xf32, #tpu.memory_space<vmem>>, vector<1x16xf32>,
      %get3A_805 = vector.shape_cast %get3A_804 : vector<1x16xf32> to vector<16xf32>
      %mul3A_806 = arith.constant 27.7128124 : f32
      %mul3A_807 = vector.broadcast %mul3A_806 : f32 to vector<16xf32>
      %mul3A_808 = arith.mulf %get3A_805, %mul3A_807 : vector<16xf32>
      %swap3A_809 = arith.index_cast %scan3A_298 : i32 to index
      %swap3A_810 = arith.constant 672 : index
      %swap3A_811 = tpu.vector_load %arg4[%swap3A_809, %swap3A_810] {strides = array<i32>} : memref<64x768xf32, #tpu.memory_space<vmem>>, vector<1x16xf32>,
      %swap3A_812 = vector.shape_cast %swap3A_811 : vector<1x16xf32> to vector<16xf32>
      %swap3A_813 = vector.shape_cast %mul3A_808 : vector<16xf32> to vector<1x16xf32>
      tpu.vector_store %arg4[%swap3A_809, %swap3A_810], %swap3A_813 {strides = array<i32>} : memref<64x768xf32, #tpu.memory_space<vmem>>, vector<1x16xf32>,
      %get3A_814 = arith.index_cast %scan3A_298 : i32 to index
      %get3A_815 = arith.constant 688 : index
      %get3A_816 = tpu.vector_load %arg4[%get3A_814, %get3A_815] {strides = array<i32>} : memref<64x768xf32, #tpu.memory_space<vmem>>, vector<1x16xf32>,
      %get3A_817 = vector.shape_cast %get3A_816 : vector<1x16xf32> to vector<16xf32>
      %mul3A_818 = arith.constant 27.7128124 : f32
      %mul3A_819 = vector.broadcast %mul3A_818 : f32 to vector<16xf32>
      %mul3A_820 = arith.mulf %get3A_817, %mul3A_819 : vector<16xf32>
      %swap3A_821 = arith.index_cast %scan3A_298 : i32 to index
      %swap3A_822 = arith.constant 688 : index
      %swap3A_823 = tpu.vector_load %arg4[%swap3A_821, %swap3A_822] {strides = array<i32>} : memref<64x768xf32, #tpu.memory_space<vmem>>, vector<1x16xf32>,
      %swap3A_824 = vector.shape_cast %swap3A_823 : vector<1x16xf32> to vector<16xf32>
      %swap3A_825 = vector.shape_cast %mul3A_820 : vector<16xf32> to vector<1x16xf32>
      tpu.vector_store %arg4[%swap3A_821, %swap3A_822], %swap3A_825 {strides = array<i32>} : memref<64x768xf32, #tpu.memory_space<vmem>>, vector<1x16xf32>,
      %get3A_826 = arith.index_cast %scan3A_298 : i32 to index
      %get3A_827 = arith.constant 704 : index
      %get3A_828 = tpu.vector_load %arg4[%get3A_826, %get3A_827] {strides = array<i32>} : memref<64x768xf32, #tpu.memory_space<vmem>>, vector<1x16xf32>,
      %get3A_829 = vector.shape_cast %get3A_828 : vector<1x16xf32> to vector<16xf32>
      %mul3A_830 = arith.constant 27.7128124 : f32
      %mul3A_831 = vector.broadcast %mul3A_830 : f32 to vector<16xf32>
      %mul3A_832 = arith.mulf %get3A_829, %mul3A_831 : vector<16xf32>
      %swap3A_833 = arith.index_cast %scan3A_298 : i32 to index
      %swap3A_834 = arith.constant 704 : index
      %swap3A_835 = tpu.vector_load %arg4[%swap3A_833, %swap3A_834] {strides = array<i32>} : memref<64x768xf32, #tpu.memory_space<vmem>>, vector<1x16xf32>,
      %swap3A_836 = vector.shape_cast %swap3A_835 : vector<1x16xf32> to vector<16xf32>
      %swap3A_837 = vector.shape_cast %mul3A_832 : vector<16xf32> to vector<1x16xf32>
      tpu.vector_store %arg4[%swap3A_833, %swap3A_834], %swap3A_837 {strides = array<i32>} : memref<64x768xf32, #tpu.memory_space<vmem>>, vector<1x16xf32>,
      %get3A_838 = arith.index_cast %scan3A_298 : i32 to index
      %get3A_839 = arith.constant 720 : index
      %get3A_840 = tpu.vector_load %arg4[%get3A_838, %get3A_839] {strides = array<i32>} : memref<64x768xf32, #tpu.memory_space<vmem>>, vector<1x16xf32>,
      %get3A_841 = vector.shape_cast %get3A_840 : vector<1x16xf32> to vector<16xf32>
      %mul3A_842 = arith.constant 27.7128124 : f32
      %mul3A_843 = vector.broadcast %mul3A_842 : f32 to vector<16xf32>
      %mul3A_844 = arith.mulf %get3A_841, %mul3A_843 : vector<16xf32>
      %swap3A_845 = arith.index_cast %scan3A_298 : i32 to index
      %swap3A_846 = arith.constant 720 : index
      %swap3A_847 = tpu.vector_load %arg4[%swap3A_845, %swap3A_846] {strides = array<i32>} : memref<64x768xf32, #tpu.memory_space<vmem>>, vector<1x16xf32>,
      %swap3A_848 = vector.shape_cast %swap3A_847 : vector<1x16xf32> to vector<16xf32>
      %swap3A_849 = vector.shape_cast %mul3A_844 : vector<16xf32> to vector<1x16xf32>
      tpu.vector_store %arg4[%swap3A_845, %swap3A_846], %swap3A_849 {strides = array<i32>} : memref<64x768xf32, #tpu.memory_space<vmem>>, vector<1x16xf32>,
      %get3A_850 = arith.index_cast %scan3A_298 : i32 to index
      %get3A_851 = arith.constant 736 : index
      %get3A_852 = tpu.vector_load %arg4[%get3A_850, %get3A_851] {strides = array<i32>} : memref<64x768xf32, #tpu.memory_space<vmem>>, vector<1x16xf32>,
      %get3A_853 = vector.shape_cast %get3A_852 : vector<1x16xf32> to vector<16xf32>
      %mul3A_854 = arith.constant 27.7128124 : f32
      %mul3A_855 = vector.broadcast %mul3A_854 : f32 to vector<16xf32>
      %mul3A_856 = arith.mulf %get3A_853, %mul3A_855 : vector<16xf32>
      %swap3A_857 = arith.index_cast %scan3A_298 : i32 to index
      %swap3A_858 = arith.constant 736 : index
      %swap3A_859 = tpu.vector_load %arg4[%swap3A_857, %swap3A_858] {strides = array<i32>} : memref<64x768xf32, #tpu.memory_space<vmem>>, vector<1x16xf32>,
      %swap3A_860 = vector.shape_cast %swap3A_859 : vector<1x16xf32> to vector<16xf32>
      %swap3A_861 = vector.shape_cast %mul3A_856 : vector<16xf32> to vector<1x16xf32>
      tpu.vector_store %arg4[%swap3A_857, %swap3A_858], %swap3A_861 {strides = array<i32>} : memref<64x768xf32, #tpu.memory_space<vmem>>, vector<1x16xf32>,
      %get3A_862 = arith.index_cast %scan3A_298 : i32 to index
      %get3A_863 = arith.constant 752 : index
      %get3A_864 = tpu.vector_load %arg4[%get3A_862, %get3A_863] {strides = array<i32>} : memref<64x768xf32, #tpu.memory_space<vmem>>, vector<1x16xf32>,
      %get3A_865 = vector.shape_cast %get3A_864 : vector<1x16xf32> to vector<16xf32>
      %mul3A_866 = arith.constant 27.7128124 : f32
      %mul3A_867 = vector.broadcast %mul3A_866 : f32 to vector<16xf32>
      %mul3A_868 = arith.mulf %get3A_865, %mul3A_867 : vector<16xf32>
      %swap3A_869 = arith.index_cast %scan3A_298 : i32 to index
      %swap3A_870 = arith.constant 752 : index
      %swap3A_871 = tpu.vector_load %arg4[%swap3A_869, %swap3A_870] {strides = array<i32>} : memref<64x768xf32, #tpu.memory_space<vmem>>, vector<1x16xf32>,
      %swap3A_872 = vector.shape_cast %swap3A_871 : vector<1x16xf32> to vector<16xf32>
      %swap3A_873 = vector.shape_cast %mul3A_868 : vector<16xf32> to vector<1x16xf32>
      tpu.vector_store %arg4[%swap3A_869, %swap3A_870], %swap3A_873 {strides = array<i32>} : memref<64x768xf32, #tpu.memory_space<vmem>>, vector<1x16xf32>,
      %scan3A_874 = arith.constant 0 : i32
      scf.yield %scan3A_874 : i32
    }
    %scan3A_170 = arith.constant 64 : i32
    %add3A_171 = arith.constant 128 : i32
    %add3A_172 = arith.addi %mul3A_2, %add3A_171 : i32
    %dma_start3A_173 = arith.constant 0 : i32
    %dma_start3A_174 = arith.constant 0 : i32
    %dma_start3A_175 = tpu.memref_slice %arg3[%dma_start3A_173, %add3A_172, %dma_start3A_174] : memref<4x8192x768xf32, #tpu.memory_space<hbm>> -> memref<1x64x768xf32, #tpu.memory_space<hbm>>
    %dma_start3A_176 = tpu.memref_squeeze %dma_start3A_175 : memref<1x64x768xf32, #tpu.memory_space<hbm>> -> memref<64x768xf32, #tpu.memory_space<hbm>>
    %dma_start3A_177 = arith.constant 0 : i32
    %dma_start3A_178 = tpu.memref_slice %arg3[%dma_start3A_173, %add3A_172, %dma_start3A_177] : memref<4x8192x768xf32, #tpu.memory_space<hbm>> -> memref<1x64x768xf32, #tpu.memory_space<hbm>>
    %dma_start3A_179 = tpu.memref_squeeze %dma_start3A_178 : memref<1x64x768xf32, #tpu.memory_space<hbm>> -> memref<64x768xf32, #tpu.memory_space<hbm>>
    tpu.enqueue_dma source(%arg4 : memref<64x768xf32, #tpu.memory_space<vmem>>) target(%dma_start3A_179 : memref<64x768xf32, #tpu.memory_space<hbm>>) target_semaphore(%arg8 : memref<!tpu.dma_semaphore, #tpu.memory_space<semaphore_mem>>)
    %dma_start3A_180 = arith.constant 1 : i32
    %dma_start3A_181 = arith.constant 0 : i32
    %dma_start3A_182 = tpu.memref_slice %arg3[%dma_start3A_180, %add3A_172, %dma_start3A_181] : memref<4x8192x768xf32, #tpu.memory_space<hbm>> -> memref<1x64x768xf32, #tpu.memory_space<hbm>>
    %dma_start3A_183 = tpu.memref_squeeze %dma_start3A_182 : memref<1x64x768xf32, #tpu.memory_space<hbm>> -> memref<64x768xf32, #tpu.memory_space<hbm>>
    %dma_start3A_184 = arith.constant 0 : i32
    %dma_start3A_185 = tpu.memref_slice %arg3[%dma_start3A_180, %add3A_172, %dma_start3A_184] : memref<4x8192x768xf32, #tpu.memory_space<hbm>> -> memref<1x64x768xf32, #tpu.memory_space<hbm>>
    %dma_start3A_186 = tpu.memref_squeeze %dma_start3A_185 : memref<1x64x768xf32, #tpu.memory_space<hbm>> -> memref<64x768xf32, #tpu.memory_space<hbm>>
    tpu.enqueue_dma source(%arg4 : memref<64x768xf32, #tpu.memory_space<vmem>>) target(%dma_start3A_186 : memref<64x768xf32, #tpu.memory_space<hbm>>) target_semaphore(%arg8 : memref<!tpu.dma_semaphore, #tpu.memory_space<semaphore_mem>>)
    %dma_start3A_187 = arith.constant 2 : i32
    %dma_start3A_188 = arith.constant 0 : i32
    %dma_start3A_189 = tpu.memref_slice %arg3[%dma_start3A_187, %add3A_172, %dma_start3A_188] : memref<4x8192x768xf32, #tpu.memory_space<hbm>> -> memref<1x64x768xf32, #tpu.memory_space<hbm>>
    %dma_start3A_190 = tpu.memref_squeeze %dma_start3A_189 : memref<1x64x768xf32, #tpu.memory_space<hbm>> -> memref<64x768xf32, #tpu.memory_space<hbm>>
    %dma_start3A_191 = arith.constant 0 : i32
    %dma_start3A_192 = tpu.memref_slice %arg3[%dma_start3A_187, %add3A_172, %dma_start3A_191] : memref<4x8192x768xf32, #tpu.memory_space<hbm>> -> memref<1x64x768xf32, #tpu.memory_space<hbm>>
    %dma_start3A_193 = tpu.memref_squeeze %dma_start3A_192 : memref<1x64x768xf32, #tpu.memory_space<hbm>> -> memref<64x768xf32, #tpu.memory_space<hbm>>
    tpu.enqueue_dma source(%arg4 : memref<64x768xf32, #tpu.memory_space<vmem>>) target(%dma_start3A_193 : memref<64x768xf32, #tpu.memory_space<hbm>>) target_semaphore(%arg8 : memref<!tpu.dma_semaphore, #tpu.memory_space<semaphore_mem>>)
    %dma_start3A_194 = arith.constant 3 : i32
    %dma_start3A_195 = arith.constant 0 : i32
    %dma_start3A_196 = tpu.memref_slice %arg3[%dma_start3A_194, %add3A_172, %dma_start3A_195] : memref<4x8192x768xf32, #tpu.memory_space<hbm>> -> memref<1x64x768xf32, #tpu.memory_space<hbm>>
    %dma_start3A_197 = tpu.memref_squeeze %dma_start3A_196 : memref<1x64x768xf32, #tpu.memory_space<hbm>> -> memref<64x768xf32, #tpu.memory_space<hbm>>
    %dma_start3A_198 = arith.constant 0 : i32
    %dma_start3A_199 = tpu.memref_slice %arg3[%dma_start3A_194, %add3A_172, %dma_start3A_198] : memref<4x8192x768xf32, #tpu.memory_space<hbm>> -> memref<1x64x768xf32, #tpu.memory_space<hbm>>
    %dma_start3A_200 = tpu.memref_squeeze %dma_start3A_199 : memref<1x64x768xf32, #tpu.memory_space<hbm>> -> memref<64x768xf32, #tpu.memory_space<hbm>>
    tpu.enqueue_dma source(%arg4 : memref<64x768xf32, #tpu.memory_space<vmem>>) target(%dma_start3A_200 : memref<64x768xf32, #tpu.memory_space<hbm>>) target_semaphore(%arg8 : memref<!tpu.dma_semaphore, #tpu.memory_space<semaphore_mem>>)
    %dma_wait3A_201 = arith.constant 0 : i32
    %dma_wait3A_202 = tpu.memref_slice %arg2[%add3A_155, %dma_wait3A_201] : memref<8192x768xf32, #tpu.memory_space<hbm>> -> memref<64x768xf32, #tpu.memory_space<hbm>>
    %dma_wait3A_203 = arith.constant 0 : i32
    %dma_wait3A_204 = tpu.memref_slice %arg2[%add3A_155, %dma_wait3A_203] : memref<8192x768xf32, #tpu.memory_space<hbm>> -> memref<64x768xf32, #tpu.memory_space<hbm>>
    tpu.wait_dma2 semaphore(%arg7 : memref<!tpu.dma_semaphore, #tpu.memory_space<semaphore_mem>>) src(%dma_wait3A_204 : memref<64x768xf32, #tpu.memory_space<hbm>>) dst(%arg5 : memref<64x768xf32, #tpu.memory_space<vmem>>)
    %scan3A_205 = arith.constant 0 : i32
    %scan3A_206 = arith.constant 0 : i32
    %scan3A_207 = arith.constant 64 : i32
    %scan3A_208 = arith.addi %scan3A_206, %scan3A_207 : i32
    %scan3A_209 = arith.constant 1 : i32
    %scan3A_210 = scf.for %scan3A_298 = %scan3A_206 to %scan3A_208 step %scan3A_209 iter_args(%scan3A_299 = %scan3A_205) -> (i32)  : i32 {
      %get3A = arith.index_cast %scan3A_298 : i32 to index
      %get3A_300 = arith.constant 0 : index
      %get3A_301 = tpu.vector_load %arg5[%get3A, %get3A_300] {strides = array<i32>} : memref<64x768xf32, #tpu.memory_space<vmem>>, vector<1x16xf32>,
      %get3A_302 = vector.shape_cast %get3A_301 : vector<1x16xf32> to vector<16xf32>
      %mul3A_303 = arith.constant 27.7128124 : f32
      %mul3A_304 = vector.broadcast %mul3A_303 : f32 to vector<16xf32>
      %mul3A_305 = arith.mulf %get3A_302, %mul3A_304 : vector<16xf32>
      %swap3A = arith.index_cast %scan3A_298 : i32 to index
      %swap3A_306 = arith.constant 0 : index
      %swap3A_307 = tpu.vector_load %arg5[%swap3A, %swap3A_306] {strides = array<i32>} : memref<64x768xf32, #tpu.memory_space<vmem>>, vector<1x16xf32>,
      %swap3A_308 = vector.shape_cast %swap3A_307 : vector<1x16xf32> to vector<16xf32>
      %swap3A_309 = vector.shape_cast %mul3A_305 : vector<16xf32> to vector<1x16xf32>
      tpu.vector_store %arg5[%swap3A, %swap3A_306], %swap3A_309 {strides = array<i32>} : memref<64x768xf32, #tpu.memory_space<vmem>>, vector<1x16xf32>,
      %get3A_310 = arith.index_cast %scan3A_298 : i32 to index
      %get3A_311 = arith.constant 16 : index
      %get3A_312 = tpu.vector_load %arg5[%get3A_310, %get3A_311] {strides = array<i32>} : memref<64x768xf32, #tpu.memory_space<vmem>>, vector<1x16xf32>,
      %get3A_313 = vector.shape_cast %get3A_312 : vector<1x16xf32> to vector<16xf32>
      %mul3A_314 = arith.constant 27.7128124 : f32
      %mul3A_315 = vector.broadcast %mul3A_314 : f32 to vector<16xf32>
      %mul3A_316 = arith.mulf %get3A_313, %mul3A_315 : vector<16xf32>
      %swap3A_317 = arith.index_cast %scan3A_298 : i32 to index
      %swap3A_318 = arith.constant 16 : index
      %swap3A_319 = tpu.vector_load %arg5[%swap3A_317, %swap3A_318] {strides = array<i32>} : memref<64x768xf32, #tpu.memory_space<vmem>>, vector<1x16xf32>,
      %swap3A_320 = vector.shape_cast %swap3A_319 : vector<1x16xf32> to vector<16xf32>
      %swap3A_321 = vector.shape_cast %mul3A_316 : vector<16xf32> to vector<1x16xf32>
      tpu.vector_store %arg5[%swap3A_317, %swap3A_318], %swap3A_321 {strides = array<i32>} : memref<64x768xf32, #tpu.memory_space<vmem>>, vector<1x16xf32>,
      %get3A_322 = arith.index_cast %scan3A_298 : i32 to index
      %get3A_323 = arith.constant 32 : index
      %get3A_324 = tpu.vector_load %arg5[%get3A_322, %get3A_323] {strides = array<i32>} : memref<64x768xf32, #tpu.memory_space<vmem>>, vector<1x16xf32>,
      %get3A_325 = vector.shape_cast %get3A_324 : vector<1x16xf32> to vector<16xf32>
      %mul3A_326 = arith.constant 27.7128124 : f32
      %mul3A_327 = vector.broadcast %mul3A_326 : f32 to vector<16xf32>
      %mul3A_328 = arith.mulf %get3A_325, %mul3A_327 : vector<16xf32>
      %swap3A_329 = arith.index_cast %scan3A_298 : i32 to index
      %swap3A_330 = arith.constant 32 : index
      %swap3A_331 = tpu.vector_load %arg5[%swap3A_329, %swap3A_330] {strides = array<i32>} : memref<64x768xf32, #tpu.memory_space<vmem>>, vector<1x16xf32>,
      %swap3A_332 = vector.shape_cast %swap3A_331 : vector<1x16xf32> to vector<16xf32>
      %swap3A_333 = vector.shape_cast %mul3A_328 : vector<16xf32> to vector<1x16xf32>
      tpu.vector_store %arg5[%swap3A_329, %swap3A_330], %swap3A_333 {strides = array<i32>} : memref<64x768xf32, #tpu.memory_space<vmem>>, vector<1x16xf32>,
      %get3A_334 = arith.index_cast %scan3A_298 : i32 to index
      %get3A_335 = arith.constant 48 : index
      %get3A_336 = tpu.vector_load %arg5[%get3A_334, %get3A_335] {strides = array<i32>} : memref<64x768xf32, #tpu.memory_space<vmem>>, vector<1x16xf32>,
      %get3A_337 = vector.shape_cast %get3A_336 : vector<1x16xf32> to vector<16xf32>
      %mul3A_338 = arith.constant 27.7128124 : f32
      %mul3A_339 = vector.broadcast %mul3A_338 : f32 to vector<16xf32>
      %mul3A_340 = arith.mulf %get3A_337, %mul3A_339 : vector<16xf32>
      %swap3A_341 = arith.index_cast %scan3A_298 : i32 to index
      %swap3A_342 = arith.constant 48 : index
      %swap3A_343 = tpu.vector_load %arg5[%swap3A_341, %swap3A_342] {strides = array<i32>} : memref<64x768xf32, #tpu.memory_space<vmem>>, vector<1x16xf32>,
      %swap3A_344 = vector.shape_cast %swap3A_343 : vector<1x16xf32> to vector<16xf32>
      %swap3A_345 = vector.shape_cast %mul3A_340 : vector<16xf32> to vector<1x16xf32>
      tpu.vector_store %arg5[%swap3A_341, %swap3A_342], %swap3A_345 {strides = array<i32>} : memref<64x768xf32, #tpu.memory_space<vmem>>, vector<1x16xf32>,
      %get3A_346 = arith.index_cast %scan3A_298 : i32 to index
      %get3A_347 = arith.constant 64 : index
      %get3A_348 = tpu.vector_load %arg5[%get3A_346, %get3A_347] {strides = array<i32>} : memref<64x768xf32, #tpu.memory_space<vmem>>, vector<1x16xf32>,
      %get3A_349 = vector.shape_cast %get3A_348 : vector<1x16xf32> to vector<16xf32>
      %mul3A_350 = arith.constant 27.7128124 : f32
      %mul3A_351 = vector.broadcast %mul3A_350 : f32 to vector<16xf32>
      %mul3A_352 = arith.mulf %get3A_349, %mul3A_351 : vector<16xf32>
      %swap3A_353 = arith.index_cast %scan3A_298 : i32 to index
      %swap3A_354 = arith.constant 64 : index
      %swap3A_355 = tpu.vector_load %arg5[%swap3A_353, %swap3A_354] {strides = array<i32>} : memref<64x768xf32, #tpu.memory_space<vmem>>, vector<1x16xf32>,
      %swap3A_356 = vector.shape_cast %swap3A_355 : vector<1x16xf32> to vector<16xf32>
      %swap3A_357 = vector.shape_cast %mul3A_352 : vector<16xf32> to vector<1x16xf32>
      tpu.vector_store %arg5[%swap3A_353, %swap3A_354], %swap3A_357 {strides = array<i32>} : memref<64x768xf32, #tpu.memory_space<vmem>>, vector<1x16xf32>,
      %get3A_358 = arith.index_cast %scan3A_298 : i32 to index
      %get3A_359 = arith.constant 80 : index
      %get3A_360 = tpu.vector_load %arg5[%get3A_358, %get3A_359] {strides = array<i32>} : memref<64x768xf32, #tpu.memory_space<vmem>>, vector<1x16xf32>,
      %get3A_361 = vector.shape_cast %get3A_360 : vector<1x16xf32> to vector<16xf32>
      %mul3A_362 = arith.constant 27.7128124 : f32
      %mul3A_363 = vector.broadcast %mul3A_362 : f32 to vector<16xf32>
      %mul3A_364 = arith.mulf %get3A_361, %mul3A_363 : vector<16xf32>
      %swap3A_365 = arith.index_cast %scan3A_298 : i32 to index
      %swap3A_366 = arith.constant 80 : index
      %swap3A_367 = tpu.vector_load %arg5[%swap3A_365, %swap3A_366] {strides = array<i32>} : memref<64x768xf32, #tpu.memory_space<vmem>>, vector<1x16xf32>,
      %swap3A_368 = vector.shape_cast %swap3A_367 : vector<1x16xf32> to vector<16xf32>
      %swap3A_369 = vector.shape_cast %mul3A_364 : vector<16xf32> to vector<1x16xf32>
      tpu.vector_store %arg5[%swap3A_365, %swap3A_366], %swap3A_369 {strides = array<i32>} : memref<64x768xf32, #tpu.memory_space<vmem>>, vector<1x16xf32>,
      %get3A_370 = arith.index_cast %scan3A_298 : i32 to index
      %get3A_371 = arith.constant 96 : index
      %get3A_372 = tpu.vector_load %arg5[%get3A_370, %get3A_371] {strides = array<i32>} : memref<64x768xf32, #tpu.memory_space<vmem>>, vector<1x16xf32>,
      %get3A_373 = vector.shape_cast %get3A_372 : vector<1x16xf32> to vector<16xf32>
      %mul3A_374 = arith.constant 27.7128124 : f32
      %mul3A_375 = vector.broadcast %mul3A_374 : f32 to vector<16xf32>
      %mul3A_376 = arith.mulf %get3A_373, %mul3A_375 : vector<16xf32>
      %swap3A_377 = arith.index_cast %scan3A_298 : i32 to index
      %swap3A_378 = arith.constant 96 : index
      %swap3A_379 = tpu.vector_load %arg5[%swap3A_377, %swap3A_378] {strides = array<i32>} : memref<64x768xf32, #tpu.memory_space<vmem>>, vector<1x16xf32>,
      %swap3A_380 = vector.shape_cast %swap3A_379 : vector<1x16xf32> to vector<16xf32>
      %swap3A_381 = vector.shape_cast %mul3A_376 : vector<16xf32> to vector<1x16xf32>
      tpu.vector_store %arg5[%swap3A_377, %swap3A_378], %swap3A_381 {strides = array<i32>} : memref<64x768xf32, #tpu.memory_space<vmem>>, vector<1x16xf32>,
      %get3A_382 = arith.index_cast %scan3A_298 : i32 to index
      %get3A_383 = arith.constant 112 : index
      %get3A_384 = tpu.vector_load %arg5[%get3A_382, %get3A_383] {strides = array<i32>} : memref<64x768xf32, #tpu.memory_space<vmem>>, vector<1x16xf32>,
      %get3A_385 = vector.shape_cast %get3A_384 : vector<1x16xf32> to vector<16xf32>
      %mul3A_386 = arith.constant 27.7128124 : f32
      %mul3A_387 = vector.broadcast %mul3A_386 : f32 to vector<16xf32>
      %mul3A_388 = arith.mulf %get3A_385, %mul3A_387 : vector<16xf32>
      %swap3A_389 = arith.index_cast %scan3A_298 : i32 to index
      %swap3A_390 = arith.constant 112 : index
      %swap3A_391 = tpu.vector_load %arg5[%swap3A_389, %swap3A_390] {strides = array<i32>} : memref<64x768xf32, #tpu.memory_space<vmem>>, vector<1x16xf32>,
      %swap3A_392 = vector.shape_cast %swap3A_391 : vector<1x16xf32> to vector<16xf32>
      %swap3A_393 = vector.shape_cast %mul3A_388 : vector<16xf32> to vector<1x16xf32>
      tpu.vector_store %arg5[%swap3A_389, %swap3A_390], %swap3A_393 {strides = array<i32>} : memref<64x768xf32, #tpu.memory_space<vmem>>, vector<1x16xf32>,
      %get3A_394 = arith.index_cast %scan3A_298 : i32 to index
      %get3A_395 = arith.constant 128 : index
      %get3A_396 = tpu.vector_load %arg5[%get3A_394, %get3A_395] {strides = array<i32>} : memref<64x768xf32, #tpu.memory_space<vmem>>, vector<1x16xf32>,
      %get3A_397 = vector.shape_cast %get3A_396 : vector<1x16xf32> to vector<16xf32>
      %mul3A_398 = arith.constant 27.7128124 : f32
      %mul3A_399 = vector.broadcast %mul3A_398 : f32 to vector<16xf32>
      %mul3A_400 = arith.mulf %get3A_397, %mul3A_399 : vector<16xf32>
      %swap3A_401 = arith.index_cast %scan3A_298 : i32 to index
      %swap3A_402 = arith.constant 128 : index
      %swap3A_403 = tpu.vector_load %arg5[%swap3A_401, %swap3A_402] {strides = array<i32>} : memref<64x768xf32, #tpu.memory_space<vmem>>, vector<1x16xf32>,
      %swap3A_404 = vector.shape_cast %swap3A_403 : vector<1x16xf32> to vector<16xf32>
      %swap3A_405 = vector.shape_cast %mul3A_400 : vector<16xf32> to vector<1x16xf32>
      tpu.vector_store %arg5[%swap3A_401, %swap3A_402], %swap3A_405 {strides = array<i32>} : memref<64x768xf32, #tpu.memory_space<vmem>>, vector<1x16xf32>,
      %get3A_406 = arith.index_cast %scan3A_298 : i32 to index
      %get3A_407 = arith.constant 144 : index
      %get3A_408 = tpu.vector_load %arg5[%get3A_406, %get3A_407] {strides = array<i32>} : memref<64x768xf32, #tpu.memory_space<vmem>>, vector<1x16xf32>,
      %get3A_409 = vector.shape_cast %get3A_408 : vector<1x16xf32> to vector<16xf32>
      %mul3A_410 = arith.constant 27.7128124 : f32
      %mul3A_411 = vector.broadcast %mul3A_410 : f32 to vector<16xf32>
      %mul3A_412 = arith.mulf %get3A_409, %mul3A_411 : vector<16xf32>
      %swap3A_413 = arith.index_cast %scan3A_298 : i32 to index
      %swap3A_414 = arith.constant 144 : index
      %swap3A_415 = tpu.vector_load %arg5[%swap3A_413, %swap3A_414] {strides = array<i32>} : memref<64x768xf32, #tpu.memory_space<vmem>>, vector<1x16xf32>,
      %swap3A_416 = vector.shape_cast %swap3A_415 : vector<1x16xf32> to vector<16xf32>
      %swap3A_417 = vector.shape_cast %mul3A_412 : vector<16xf32> to vector<1x16xf32>
      tpu.vector_store %arg5[%swap3A_413, %swap3A_414], %swap3A_417 {strides = array<i32>} : memref<64x768xf32, #tpu.memory_space<vmem>>, vector<1x16xf32>,
      %get3A_418 = arith.index_cast %scan3A_298 : i32 to index
      %get3A_419 = arith.constant 160 : index
      %get3A_420 = tpu.vector_load %arg5[%get3A_418, %get3A_419] {strides = array<i32>} : memref<64x768xf32, #tpu.memory_space<vmem>>, vector<1x16xf32>,
      %get3A_421 = vector.shape_cast %get3A_420 : vector<1x16xf32> to vector<16xf32>
      %mul3A_422 = arith.constant 27.7128124 : f32
      %mul3A_423 = vector.broadcast %mul3A_422 : f32 to vector<16xf32>
      %mul3A_424 = arith.mulf %get3A_421, %mul3A_423 : vector<16xf32>
      %swap3A_425 = arith.index_cast %scan3A_298 : i32 to index
      %swap3A_426 = arith.constant 160 : index
      %swap3A_427 = tpu.vector_load %arg5[%swap3A_425, %swap3A_426] {strides = array<i32>} : memref<64x768xf32, #tpu.memory_space<vmem>>, vector<1x16xf32>,
      %swap3A_428 = vector.shape_cast %swap3A_427 : vector<1x16xf32> to vector<16xf32>
      %swap3A_429 = vector.shape_cast %mul3A_424 : vector<16xf32> to vector<1x16xf32>
      tpu.vector_store %arg5[%swap3A_425, %swap3A_426], %swap3A_429 {strides = array<i32>} : memref<64x768xf32, #tpu.memory_space<vmem>>, vector<1x16xf32>,
      %get3A_430 = arith.index_cast %scan3A_298 : i32 to index
      %get3A_431 = arith.constant 176 : index
      %get3A_432 = tpu.vector_load %arg5[%get3A_430, %get3A_431] {strides = array<i32>} : memref<64x768xf32, #tpu.memory_space<vmem>>, vector<1x16xf32>,
      %get3A_433 = vector.shape_cast %get3A_432 : vector<1x16xf32> to vector<16xf32>
      %mul3A_434 = arith.constant 27.7128124 : f32
      %mul3A_435 = vector.broadcast %mul3A_434 : f32 to vector<16xf32>
      %mul3A_436 = arith.mulf %get3A_433, %mul3A_435 : vector<16xf32>
      %swap3A_437 = arith.index_cast %scan3A_298 : i32 to index
      %swap3A_438 = arith.constant 176 : index
      %swap3A_439 = tpu.vector_load %arg5[%swap3A_437, %swap3A_438] {strides = array<i32>} : memref<64x768xf32, #tpu.memory_space<vmem>>, vector<1x16xf32>,
      %swap3A_440 = vector.shape_cast %swap3A_439 : vector<1x16xf32> to vector<16xf32>
      %swap3A_441 = vector.shape_cast %mul3A_436 : vector<16xf32> to vector<1x16xf32>
      tpu.vector_store %arg5[%swap3A_437, %swap3A_438], %swap3A_441 {strides = array<i32>} : memref<64x768xf32, #tpu.memory_space<vmem>>, vector<1x16xf32>,
      %get3A_442 = arith.index_cast %scan3A_298 : i32 to index
      %get3A_443 = arith.constant 192 : index
      %get3A_444 = tpu.vector_load %arg5[%get3A_442, %get3A_443] {strides = array<i32>} : memref<64x768xf32, #tpu.memory_space<vmem>>, vector<1x16xf32>,
      %get3A_445 = vector.shape_cast %get3A_444 : vector<1x16xf32> to vector<16xf32>
      %mul3A_446 = arith.constant 27.7128124 : f32
      %mul3A_447 = vector.broadcast %mul3A_446 : f32 to vector<16xf32>
      %mul3A_448 = arith.mulf %get3A_445, %mul3A_447 : vector<16xf32>
      %swap3A_449 = arith.index_cast %scan3A_298 : i32 to index
      %swap3A_450 = arith.constant 192 : index
      %swap3A_451 = tpu.vector_load %arg5[%swap3A_449, %swap3A_450] {strides = array<i32>} : memref<64x768xf32, #tpu.memory_space<vmem>>, vector<1x16xf32>,
      %swap3A_452 = vector.shape_cast %swap3A_451 : vector<1x16xf32> to vector<16xf32>
      %swap3A_453 = vector.shape_cast %mul3A_448 : vector<16xf32> to vector<1x16xf32>
      tpu.vector_store %arg5[%swap3A_449, %swap3A_450], %swap3A_453 {strides = array<i32>} : memref<64x768xf32, #tpu.memory_space<vmem>>, vector<1x16xf32>,
      %get3A_454 = arith.index_cast %scan3A_298 : i32 to index
      %get3A_455 = arith.constant 208 : index
      %get3A_456 = tpu.vector_load %arg5[%get3A_454, %get3A_455] {strides = array<i32>} : memref<64x768xf32, #tpu.memory_space<vmem>>, vector<1x16xf32>,
      %get3A_457 = vector.shape_cast %get3A_456 : vector<1x16xf32> to vector<16xf32>
      %mul3A_458 = arith.constant 27.7128124 : f32
      %mul3A_459 = vector.broadcast %mul3A_458 : f32 to vector<16xf32>
      %mul3A_460 = arith.mulf %get3A_457, %mul3A_459 : vector<16xf32>
      %swap3A_461 = arith.index_cast %scan3A_298 : i32 to index
      %swap3A_462 = arith.constant 208 : index
      %swap3A_463 = tpu.vector_load %arg5[%swap3A_461, %swap3A_462] {strides = array<i32>} : memref<64x768xf32, #tpu.memory_space<vmem>>, vector<1x16xf32>,
      %swap3A_464 = vector.shape_cast %swap3A_463 : vector<1x16xf32> to vector<16xf32>
      %swap3A_465 = vector.shape_cast %mul3A_460 : vector<16xf32> to vector<1x16xf32>
      tpu.vector_store %arg5[%swap3A_461, %swap3A_462], %swap3A_465 {strides = array<i32>} : memref<64x768xf32, #tpu.memory_space<vmem>>, vector<1x16xf32>,
      %get3A_466 = arith.index_cast %scan3A_298 : i32 to index
      %get3A_467 = arith.constant 224 : index
      %get3A_468 = tpu.vector_load %arg5[%get3A_466, %get3A_467] {strides = array<i32>} : memref<64x768xf32, #tpu.memory_space<vmem>>, vector<1x16xf32>,
      %get3A_469 = vector.shape_cast %get3A_468 : vector<1x16xf32> to vector<16xf32>
      %mul3A_470 = arith.constant 27.7128124 : f32
      %mul3A_471 = vector.broadcast %mul3A_470 : f32 to vector<16xf32>
      %mul3A_472 = arith.mulf %get3A_469, %mul3A_471 : vector<16xf32>
      %swap3A_473 = arith.index_cast %scan3A_298 : i32 to index
      %swap3A_474 = arith.constant 224 : index
      %swap3A_475 = tpu.vector_load %arg5[%swap3A_473, %swap3A_474] {strides = array<i32>} : memref<64x768xf32, #tpu.memory_space<vmem>>, vector<1x16xf32>,
      %swap3A_476 = vector.shape_cast %swap3A_475 : vector<1x16xf32> to vector<16xf32>
      %swap3A_477 = vector.shape_cast %mul3A_472 : vector<16xf32> to vector<1x16xf32>
      tpu.vector_store %arg5[%swap3A_473, %swap3A_474], %swap3A_477 {strides = array<i32>} : memref<64x768xf32, #tpu.memory_space<vmem>>, vector<1x16xf32>,
      %get3A_478 = arith.index_cast %scan3A_298 : i32 to index
      %get3A_479 = arith.constant 240 : index
      %get3A_480 = tpu.vector_load %arg5[%get3A_478, %get3A_479] {strides = array<i32>} : memref<64x768xf32, #tpu.memory_space<vmem>>, vector<1x16xf32>,
      %get3A_481 = vector.shape_cast %get3A_480 : vector<1x16xf32> to vector<16xf32>
      %mul3A_482 = arith.constant 27.7128124 : f32
      %mul3A_483 = vector.broadcast %mul3A_482 : f32 to vector<16xf32>
      %mul3A_484 = arith.mulf %get3A_481, %mul3A_483 : vector<16xf32>
      %swap3A_485 = arith.index_cast %scan3A_298 : i32 to index
      %swap3A_486 = arith.constant 240 : index
      %swap3A_487 = tpu.vector_load %arg5[%swap3A_485, %swap3A_486] {strides = array<i32>} : memref<64x768xf32, #tpu.memory_space<vmem>>, vector<1x16xf32>,
      %swap3A_488 = vector.shape_cast %swap3A_487 : vector<1x16xf32> to vector<16xf32>
      %swap3A_489 = vector.shape_cast %mul3A_484 : vector<16xf32> to vector<1x16xf32>
      tpu.vector_store %arg5[%swap3A_485, %swap3A_486], %swap3A_489 {strides = array<i32>} : memref<64x768xf32, #tpu.memory_space<vmem>>, vector<1x16xf32>,
      %get3A_490 = arith.index_cast %scan3A_298 : i32 to index
      %get3A_491 = arith.constant 256 : index
      %get3A_492 = tpu.vector_load %arg5[%get3A_490, %get3A_491] {strides = array<i32>} : memref<64x768xf32, #tpu.memory_space<vmem>>, vector<1x16xf32>,
      %get3A_493 = vector.shape_cast %get3A_492 : vector<1x16xf32> to vector<16xf32>
      %mul3A_494 = arith.constant 27.7128124 : f32
      %mul3A_495 = vector.broadcast %mul3A_494 : f32 to vector<16xf32>
      %mul3A_496 = arith.mulf %get3A_493, %mul3A_495 : vector<16xf32>
      %swap3A_497 = arith.index_cast %scan3A_298 : i32 to index
      %swap3A_498 = arith.constant 256 : index
      %swap3A_499 = tpu.vector_load %arg5[%swap3A_497, %swap3A_498] {strides = array<i32>} : memref<64x768xf32, #tpu.memory_space<vmem>>, vector<1x16xf32>,
      %swap3A_500 = vector.shape_cast %swap3A_499 : vector<1x16xf32> to vector<16xf32>
      %swap3A_501 = vector.shape_cast %mul3A_496 : vector<16xf32> to vector<1x16xf32>
      tpu.vector_store %arg5[%swap3A_497, %swap3A_498], %swap3A_501 {strides = array<i32>} : memref<64x768xf32, #tpu.memory_space<vmem>>, vector<1x16xf32>,
      %get3A_502 = arith.index_cast %scan3A_298 : i32 to index
      %get3A_503 = arith.constant 272 : index
      %get3A_504 = tpu.vector_load %arg5[%get3A_502, %get3A_503] {strides = array<i32>} : memref<64x768xf32, #tpu.memory_space<vmem>>, vector<1x16xf32>,
      %get3A_505 = vector.shape_cast %get3A_504 : vector<1x16xf32> to vector<16xf32>
      %mul3A_506 = arith.constant 27.7128124 : f32
      %mul3A_507 = vector.broadcast %mul3A_506 : f32 to vector<16xf32>
      %mul3A_508 = arith.mulf %get3A_505, %mul3A_507 : vector<16xf32>
      %swap3A_509 = arith.index_cast %scan3A_298 : i32 to index
      %swap3A_510 = arith.constant 272 : index
      %swap3A_511 = tpu.vector_load %arg5[%swap3A_509, %swap3A_510] {strides = array<i32>} : memref<64x768xf32, #tpu.memory_space<vmem>>, vector<1x16xf32>,
      %swap3A_512 = vector.shape_cast %swap3A_511 : vector<1x16xf32> to vector<16xf32>
      %swap3A_513 = vector.shape_cast %mul3A_508 : vector<16xf32> to vector<1x16xf32>
      tpu.vector_store %arg5[%swap3A_509, %swap3A_510], %swap3A_513 {strides = array<i32>} : memref<64x768xf32, #tpu.memory_space<vmem>>, vector<1x16xf32>,
      %get3A_514 = arith.index_cast %scan3A_298 : i32 to index
      %get3A_515 = arith.constant 288 : index
      %get3A_516 = tpu.vector_load %arg5[%get3A_514, %get3A_515] {strides = array<i32>} : memref<64x768xf32, #tpu.memory_space<vmem>>, vector<1x16xf32>,
      %get3A_517 = vector.shape_cast %get3A_516 : vector<1x16xf32> to vector<16xf32>
      %mul3A_518 = arith.constant 27.7128124 : f32
      %mul3A_519 = vector.broadcast %mul3A_518 : f32 to vector<16xf32>
      %mul3A_520 = arith.mulf %get3A_517, %mul3A_519 : vector<16xf32>
      %swap3A_521 = arith.index_cast %scan3A_298 : i32 to index
      %swap3A_522 = arith.constant 288 : index
      %swap3A_523 = tpu.vector_load %arg5[%swap3A_521, %swap3A_522] {strides = array<i32>} : memref<64x768xf32, #tpu.memory_space<vmem>>, vector<1x16xf32>,
      %swap3A_524 = vector.shape_cast %swap3A_523 : vector<1x16xf32> to vector<16xf32>
      %swap3A_525 = vector.shape_cast %mul3A_520 : vector<16xf32> to vector<1x16xf32>
      tpu.vector_store %arg5[%swap3A_521, %swap3A_522], %swap3A_525 {strides = array<i32>} : memref<64x768xf32, #tpu.memory_space<vmem>>, vector<1x16xf32>,
      %get3A_526 = arith.index_cast %scan3A_298 : i32 to index
      %get3A_527 = arith.constant 304 : index
      %get3A_528 = tpu.vector_load %arg5[%get3A_526, %get3A_527] {strides = array<i32>} : memref<64x768xf32, #tpu.memory_space<vmem>>, vector<1x16xf32>,
      %get3A_529 = vector.shape_cast %get3A_528 : vector<1x16xf32> to vector<16xf32>
      %mul3A_530 = arith.constant 27.7128124 : f32
      %mul3A_531 = vector.broadcast %mul3A_530 : f32 to vector<16xf32>
      %mul3A_532 = arith.mulf %get3A_529, %mul3A_531 : vector<16xf32>
      %swap3A_533 = arith.index_cast %scan3A_298 : i32 to index
      %swap3A_534 = arith.constant 304 : index
      %swap3A_535 = tpu.vector_load %arg5[%swap3A_533, %swap3A_534] {strides = array<i32>} : memref<64x768xf32, #tpu.memory_space<vmem>>, vector<1x16xf32>,
      %swap3A_536 = vector.shape_cast %swap3A_535 : vector<1x16xf32> to vector<16xf32>
      %swap3A_537 = vector.shape_cast %mul3A_532 : vector<16xf32> to vector<1x16xf32>
      tpu.vector_store %arg5[%swap3A_533, %swap3A_534], %swap3A_537 {strides = array<i32>} : memref<64x768xf32, #tpu.memory_space<vmem>>, vector<1x16xf32>,
      %get3A_538 = arith.index_cast %scan3A_298 : i32 to index
      %get3A_539 = arith.constant 320 : index
      %get3A_540 = tpu.vector_load %arg5[%get3A_538, %get3A_539] {strides = array<i32>} : memref<64x768xf32, #tpu.memory_space<vmem>>, vector<1x16xf32>,
      %get3A_541 = vector.shape_cast %get3A_540 : vector<1x16xf32> to vector<16xf32>
      %mul3A_542 = arith.constant 27.7128124 : f32
      %mul3A_543 = vector.broadcast %mul3A_542 : f32 to vector<16xf32>
      %mul3A_544 = arith.mulf %get3A_541, %mul3A_543 : vector<16xf32>
      %swap3A_545 = arith.index_cast %scan3A_298 : i32 to index
      %swap3A_546 = arith.constant 320 : index
      %swap3A_547 = tpu.vector_load %arg5[%swap3A_545, %swap3A_546] {strides = array<i32>} : memref<64x768xf32, #tpu.memory_space<vmem>>, vector<1x16xf32>,
      %swap3A_548 = vector.shape_cast %swap3A_547 : vector<1x16xf32> to vector<16xf32>
      %swap3A_549 = vector.shape_cast %mul3A_544 : vector<16xf32> to vector<1x16xf32>
      tpu.vector_store %arg5[%swap3A_545, %swap3A_546], %swap3A_549 {strides = array<i32>} : memref<64x768xf32, #tpu.memory_space<vmem>>, vector<1x16xf32>,
      %get3A_550 = arith.index_cast %scan3A_298 : i32 to index
      %get3A_551 = arith.constant 336 : index
      %get3A_552 = tpu.vector_load %arg5[%get3A_550, %get3A_551] {strides = array<i32>} : memref<64x768xf32, #tpu.memory_space<vmem>>, vector<1x16xf32>,
      %get3A_553 = vector.shape_cast %get3A_552 : vector<1x16xf32> to vector<16xf32>
      %mul3A_554 = arith.constant 27.7128124 : f32
      %mul3A_555 = vector.broadcast %mul3A_554 : f32 to vector<16xf32>
      %mul3A_556 = arith.mulf %get3A_553, %mul3A_555 : vector<16xf32>
      %swap3A_557 = arith.index_cast %scan3A_298 : i32 to index
      %swap3A_558 = arith.constant 336 : index
      %swap3A_559 = tpu.vector_load %arg5[%swap3A_557, %swap3A_558] {strides = array<i32>} : memref<64x768xf32, #tpu.memory_space<vmem>>, vector<1x16xf32>,
      %swap3A_560 = vector.shape_cast %swap3A_559 : vector<1x16xf32> to vector<16xf32>
      %swap3A_561 = vector.shape_cast %mul3A_556 : vector<16xf32> to vector<1x16xf32>
      tpu.vector_store %arg5[%swap3A_557, %swap3A_558], %swap3A_561 {strides = array<i32>} : memref<64x768xf32, #tpu.memory_space<vmem>>, vector<1x16xf32>,
      %get3A_562 = arith.index_cast %scan3A_298 : i32 to index
      %get3A_563 = arith.constant 352 : index
      %get3A_564 = tpu.vector_load %arg5[%get3A_562, %get3A_563] {strides = array<i32>} : memref<64x768xf32, #tpu.memory_space<vmem>>, vector<1x16xf32>,
      %get3A_565 = vector.shape_cast %get3A_564 : vector<1x16xf32> to vector<16xf32>
      %mul3A_566 = arith.constant 27.7128124 : f32
      %mul3A_567 = vector.broadcast %mul3A_566 : f32 to vector<16xf32>
      %mul3A_568 = arith.mulf %get3A_565, %mul3A_567 : vector<16xf32>
      %swap3A_569 = arith.index_cast %scan3A_298 : i32 to index
      %swap3A_570 = arith.constant 352 : index
      %swap3A_571 = tpu.vector_load %arg5[%swap3A_569, %swap3A_570] {strides = array<i32>} : memref<64x768xf32, #tpu.memory_space<vmem>>, vector<1x16xf32>,
      %swap3A_572 = vector.shape_cast %swap3A_571 : vector<1x16xf32> to vector<16xf32>
      %swap3A_573 = vector.shape_cast %mul3A_568 : vector<16xf32> to vector<1x16xf32>
      tpu.vector_store %arg5[%swap3A_569, %swap3A_570], %swap3A_573 {strides = array<i32>} : memref<64x768xf32, #tpu.memory_space<vmem>>, vector<1x16xf32>,
      %get3A_574 = arith.index_cast %scan3A_298 : i32 to index
      %get3A_575 = arith.constant 368 : index
      %get3A_576 = tpu.vector_load %arg5[%get3A_574, %get3A_575] {strides = array<i32>} : memref<64x768xf32, #tpu.memory_space<vmem>>, vector<1x16xf32>,
      %get3A_577 = vector.shape_cast %get3A_576 : vector<1x16xf32> to vector<16xf32>
      %mul3A_578 = arith.constant 27.7128124 : f32
      %mul3A_579 = vector.broadcast %mul3A_578 : f32 to vector<16xf32>
      %mul3A_580 = arith.mulf %get3A_577, %mul3A_579 : vector<16xf32>
      %swap3A_581 = arith.index_cast %scan3A_298 : i32 to index
      %swap3A_582 = arith.constant 368 : index
      %swap3A_583 = tpu.vector_load %arg5[%swap3A_581, %swap3A_582] {strides = array<i32>} : memref<64x768xf32, #tpu.memory_space<vmem>>, vector<1x16xf32>,
      %swap3A_584 = vector.shape_cast %swap3A_583 : vector<1x16xf32> to vector<16xf32>
      %swap3A_585 = vector.shape_cast %mul3A_580 : vector<16xf32> to vector<1x16xf32>
      tpu.vector_store %arg5[%swap3A_581, %swap3A_582], %swap3A_585 {strides = array<i32>} : memref<64x768xf32, #tpu.memory_space<vmem>>, vector<1x16xf32>,
      %get3A_586 = arith.index_cast %scan3A_298 : i32 to index
      %get3A_587 = arith.constant 384 : index
      %get3A_588 = tpu.vector_load %arg5[%get3A_586, %get3A_587] {strides = array<i32>} : memref<64x768xf32, #tpu.memory_space<vmem>>, vector<1x16xf32>,
      %get3A_589 = vector.shape_cast %get3A_588 : vector<1x16xf32> to vector<16xf32>
      %mul3A_590 = arith.constant 27.7128124 : f32
      %mul3A_591 = vector.broadcast %mul3A_590 : f32 to vector<16xf32>
      %mul3A_592 = arith.mulf %get3A_589, %mul3A_591 : vector<16xf32>
      %swap3A_593 = arith.index_cast %scan3A_298 : i32 to index
      %swap3A_594 = arith.constant 384 : index
      %swap3A_595 = tpu.vector_load %arg5[%swap3A_593, %swap3A_594] {strides = array<i32>} : memref<64x768xf32, #tpu.memory_space<vmem>>, vector<1x16xf32>,
      %swap3A_596 = vector.shape_cast %swap3A_595 : vector<1x16xf32> to vector<16xf32>
      %swap3A_597 = vector.shape_cast %mul3A_592 : vector<16xf32> to vector<1x16xf32>
      tpu.vector_store %arg5[%swap3A_593, %swap3A_594], %swap3A_597 {strides = array<i32>} : memref<64x768xf32, #tpu.memory_space<vmem>>, vector<1x16xf32>,
      %get3A_598 = arith.index_cast %scan3A_298 : i32 to index
      %get3A_599 = arith.constant 400 : index
      %get3A_600 = tpu.vector_load %arg5[%get3A_598, %get3A_599] {strides = array<i32>} : memref<64x768xf32, #tpu.memory_space<vmem>>, vector<1x16xf32>,
      %get3A_601 = vector.shape_cast %get3A_600 : vector<1x16xf32> to vector<16xf32>
      %mul3A_602 = arith.constant 27.7128124 : f32
      %mul3A_603 = vector.broadcast %mul3A_602 : f32 to vector<16xf32>
      %mul3A_604 = arith.mulf %get3A_601, %mul3A_603 : vector<16xf32>
      %swap3A_605 = arith.index_cast %scan3A_298 : i32 to index
      %swap3A_606 = arith.constant 400 : index
      %swap3A_607 = tpu.vector_load %arg5[%swap3A_605, %swap3A_606] {strides = array<i32>} : memref<64x768xf32, #tpu.memory_space<vmem>>, vector<1x16xf32>,
      %swap3A_608 = vector.shape_cast %swap3A_607 : vector<1x16xf32> to vector<16xf32>
      %swap3A_609 = vector.shape_cast %mul3A_604 : vector<16xf32> to vector<1x16xf32>
      tpu.vector_store %arg5[%swap3A_605, %swap3A_606], %swap3A_609 {strides = array<i32>} : memref<64x768xf32, #tpu.memory_space<vmem>>, vector<1x16xf32>,
      %get3A_610 = arith.index_cast %scan3A_298 : i32 to index
      %get3A_611 = arith.constant 416 : index
      %get3A_612 = tpu.vector_load %arg5[%get3A_610, %get3A_611] {strides = array<i32>} : memref<64x768xf32, #tpu.memory_space<vmem>>, vector<1x16xf32>,
      %get3A_613 = vector.shape_cast %get3A_612 : vector<1x16xf32> to vector<16xf32>
      %mul3A_614 = arith.constant 27.7128124 : f32
      %mul3A_615 = vector.broadcast %mul3A_614 : f32 to vector<16xf32>
      %mul3A_616 = arith.mulf %get3A_613, %mul3A_615 : vector<16xf32>
      %swap3A_617 = arith.index_cast %scan3A_298 : i32 to index
      %swap3A_618 = arith.constant 416 : index
      %swap3A_619 = tpu.vector_load %arg5[%swap3A_617, %swap3A_618] {strides = array<i32>} : memref<64x768xf32, #tpu.memory_space<vmem>>, vector<1x16xf32>,
      %swap3A_620 = vector.shape_cast %swap3A_619 : vector<1x16xf32> to vector<16xf32>
      %swap3A_621 = vector.shape_cast %mul3A_616 : vector<16xf32> to vector<1x16xf32>
      tpu.vector_store %arg5[%swap3A_617, %swap3A_618], %swap3A_621 {strides = array<i32>} : memref<64x768xf32, #tpu.memory_space<vmem>>, vector<1x16xf32>,
      %get3A_622 = arith.index_cast %scan3A_298 : i32 to index
      %get3A_623 = arith.constant 432 : index
      %get3A_624 = tpu.vector_load %arg5[%get3A_622, %get3A_623] {strides = array<i32>} : memref<64x768xf32, #tpu.memory_space<vmem>>, vector<1x16xf32>,
      %get3A_625 = vector.shape_cast %get3A_624 : vector<1x16xf32> to vector<16xf32>
      %mul3A_626 = arith.constant 27.7128124 : f32
      %mul3A_627 = vector.broadcast %mul3A_626 : f32 to vector<16xf32>
      %mul3A_628 = arith.mulf %get3A_625, %mul3A_627 : vector<16xf32>
      %swap3A_629 = arith.index_cast %scan3A_298 : i32 to index
      %swap3A_630 = arith.constant 432 : index
      %swap3A_631 = tpu.vector_load %arg5[%swap3A_629, %swap3A_630] {strides = array<i32>} : memref<64x768xf32, #tpu.memory_space<vmem>>, vector<1x16xf32>,
      %swap3A_632 = vector.shape_cast %swap3A_631 : vector<1x16xf32> to vector<16xf32>
      %swap3A_633 = vector.shape_cast %mul3A_628 : vector<16xf32> to vector<1x16xf32>
      tpu.vector_store %arg5[%swap3A_629, %swap3A_630], %swap3A_633 {strides = array<i32>} : memref<64x768xf32, #tpu.memory_space<vmem>>, vector<1x16xf32>,
      %get3A_634 = arith.index_cast %scan3A_298 : i32 to index
      %get3A_635 = arith.constant 448 : index
      %get3A_636 = tpu.vector_load %arg5[%get3A_634, %get3A_635] {strides = array<i32>} : memref<64x768xf32, #tpu.memory_space<vmem>>, vector<1x16xf32>,
      %get3A_637 = vector.shape_cast %get3A_636 : vector<1x16xf32> to vector<16xf32>
      %mul3A_638 = arith.constant 27.7128124 : f32
      %mul3A_639 = vector.broadcast %mul3A_638 : f32 to vector<16xf32>
      %mul3A_640 = arith.mulf %get3A_637, %mul3A_639 : vector<16xf32>
      %swap3A_641 = arith.index_cast %scan3A_298 : i32 to index
      %swap3A_642 = arith.constant 448 : index
      %swap3A_643 = tpu.vector_load %arg5[%swap3A_641, %swap3A_642] {strides = array<i32>} : memref<64x768xf32, #tpu.memory_space<vmem>>, vector<1x16xf32>,
      %swap3A_644 = vector.shape_cast %swap3A_643 : vector<1x16xf32> to vector<16xf32>
      %swap3A_645 = vector.shape_cast %mul3A_640 : vector<16xf32> to vector<1x16xf32>
      tpu.vector_store %arg5[%swap3A_641, %swap3A_642], %swap3A_645 {strides = array<i32>} : memref<64x768xf32, #tpu.memory_space<vmem>>, vector<1x16xf32>,
      %get3A_646 = arith.index_cast %scan3A_298 : i32 to index
      %get3A_647 = arith.constant 464 : index
      %get3A_648 = tpu.vector_load %arg5[%get3A_646, %get3A_647] {strides = array<i32>} : memref<64x768xf32, #tpu.memory_space<vmem>>, vector<1x16xf32>,
      %get3A_649 = vector.shape_cast %get3A_648 : vector<1x16xf32> to vector<16xf32>
      %mul3A_650 = arith.constant 27.7128124 : f32
      %mul3A_651 = vector.broadcast %mul3A_650 : f32 to vector<16xf32>
      %mul3A_652 = arith.mulf %get3A_649, %mul3A_651 : vector<16xf32>
      %swap3A_653 = arith.index_cast %scan3A_298 : i32 to index
      %swap3A_654 = arith.constant 464 : index
      %swap3A_655 = tpu.vector_load %arg5[%swap3A_653, %swap3A_654] {strides = array<i32>} : memref<64x768xf32, #tpu.memory_space<vmem>>, vector<1x16xf32>,
      %swap3A_656 = vector.shape_cast %swap3A_655 : vector<1x16xf32> to vector<16xf32>
      %swap3A_657 = vector.shape_cast %mul3A_652 : vector<16xf32> to vector<1x16xf32>
      tpu.vector_store %arg5[%swap3A_653, %swap3A_654], %swap3A_657 {strides = array<i32>} : memref<64x768xf32, #tpu.memory_space<vmem>>, vector<1x16xf32>,
      %get3A_658 = arith.index_cast %scan3A_298 : i32 to index
      %get3A_659 = arith.constant 480 : index
      %get3A_660 = tpu.vector_load %arg5[%get3A_658, %get3A_659] {strides = array<i32>} : memref<64x768xf32, #tpu.memory_space<vmem>>, vector<1x16xf32>,
      %get3A_661 = vector.shape_cast %get3A_660 : vector<1x16xf32> to vector<16xf32>
      %mul3A_662 = arith.constant 27.7128124 : f32
      %mul3A_663 = vector.broadcast %mul3A_662 : f32 to vector<16xf32>
      %mul3A_664 = arith.mulf %get3A_661, %mul3A_663 : vector<16xf32>
      %swap3A_665 = arith.index_cast %scan3A_298 : i32 to index
      %swap3A_666 = arith.constant 480 : index
      %swap3A_667 = tpu.vector_load %arg5[%swap3A_665, %swap3A_666] {strides = array<i32>} : memref<64x768xf32, #tpu.memory_space<vmem>>, vector<1x16xf32>,
      %swap3A_668 = vector.shape_cast %swap3A_667 : vector<1x16xf32> to vector<16xf32>
      %swap3A_669 = vector.shape_cast %mul3A_664 : vector<16xf32> to vector<1x16xf32>
      tpu.vector_store %arg5[%swap3A_665, %swap3A_666], %swap3A_669 {strides = array<i32>} : memref<64x768xf32, #tpu.memory_space<vmem>>, vector<1x16xf32>,
      %get3A_670 = arith.index_cast %scan3A_298 : i32 to index
      %get3A_671 = arith.constant 496 : index
      %get3A_672 = tpu.vector_load %arg5[%get3A_670, %get3A_671] {strides = array<i32>} : memref<64x768xf32, #tpu.memory_space<vmem>>, vector<1x16xf32>,
      %get3A_673 = vector.shape_cast %get3A_672 : vector<1x16xf32> to vector<16xf32>
      %mul3A_674 = arith.constant 27.7128124 : f32
      %mul3A_675 = vector.broadcast %mul3A_674 : f32 to vector<16xf32>
      %mul3A_676 = arith.mulf %get3A_673, %mul3A_675 : vector<16xf32>
      %swap3A_677 = arith.index_cast %scan3A_298 : i32 to index
      %swap3A_678 = arith.constant 496 : index
      %swap3A_679 = tpu.vector_load %arg5[%swap3A_677, %swap3A_678] {strides = array<i32>} : memref<64x768xf32, #tpu.memory_space<vmem>>, vector<1x16xf32>,
      %swap3A_680 = vector.shape_cast %swap3A_679 : vector<1x16xf32> to vector<16xf32>
      %swap3A_681 = vector.shape_cast %mul3A_676 : vector<16xf32> to vector<1x16xf32>
      tpu.vector_store %arg5[%swap3A_677, %swap3A_678], %swap3A_681 {strides = array<i32>} : memref<64x768xf32, #tpu.memory_space<vmem>>, vector<1x16xf32>,
      %get3A_682 = arith.index_cast %scan3A_298 : i32 to index
      %get3A_683 = arith.constant 512 : index
      %get3A_684 = tpu.vector_load %arg5[%get3A_682, %get3A_683] {strides = array<i32>} : memref<64x768xf32, #tpu.memory_space<vmem>>, vector<1x16xf32>,
      %get3A_685 = vector.shape_cast %get3A_684 : vector<1x16xf32> to vector<16xf32>
      %mul3A_686 = arith.constant 27.7128124 : f32
      %mul3A_687 = vector.broadcast %mul3A_686 : f32 to vector<16xf32>
      %mul3A_688 = arith.mulf %get3A_685, %mul3A_687 : vector<16xf32>
      %swap3A_689 = arith.index_cast %scan3A_298 : i32 to index
      %swap3A_690 = arith.constant 512 : index
      %swap3A_691 = tpu.vector_load %arg5[%swap3A_689, %swap3A_690] {strides = array<i32>} : memref<64x768xf32, #tpu.memory_space<vmem>>, vector<1x16xf32>,
      %swap3A_692 = vector.shape_cast %swap3A_691 : vector<1x16xf32> to vector<16xf32>
      %swap3A_693 = vector.shape_cast %mul3A_688 : vector<16xf32> to vector<1x16xf32>
      tpu.vector_store %arg5[%swap3A_689, %swap3A_690], %swap3A_693 {strides = array<i32>} : memref<64x768xf32, #tpu.memory_space<vmem>>, vector<1x16xf32>,
      %get3A_694 = arith.index_cast %scan3A_298 : i32 to index
      %get3A_695 = arith.constant 528 : index
      %get3A_696 = tpu.vector_load %arg5[%get3A_694, %get3A_695] {strides = array<i32>} : memref<64x768xf32, #tpu.memory_space<vmem>>, vector<1x16xf32>,
      %get3A_697 = vector.shape_cast %get3A_696 : vector<1x16xf32> to vector<16xf32>
      %mul3A_698 = arith.constant 27.7128124 : f32
      %mul3A_699 = vector.broadcast %mul3A_698 : f32 to vector<16xf32>
      %mul3A_700 = arith.mulf %get3A_697, %mul3A_699 : vector<16xf32>
      %swap3A_701 = arith.index_cast %scan3A_298 : i32 to index
      %swap3A_702 = arith.constant 528 : index
      %swap3A_703 = tpu.vector_load %arg5[%swap3A_701, %swap3A_702] {strides = array<i32>} : memref<64x768xf32, #tpu.memory_space<vmem>>, vector<1x16xf32>,
      %swap3A_704 = vector.shape_cast %swap3A_703 : vector<1x16xf32> to vector<16xf32>
      %swap3A_705 = vector.shape_cast %mul3A_700 : vector<16xf32> to vector<1x16xf32>
      tpu.vector_store %arg5[%swap3A_701, %swap3A_702], %swap3A_705 {strides = array<i32>} : memref<64x768xf32, #tpu.memory_space<vmem>>, vector<1x16xf32>,
      %get3A_706 = arith.index_cast %scan3A_298 : i32 to index
      %get3A_707 = arith.constant 544 : index
      %get3A_708 = tpu.vector_load %arg5[%get3A_706, %get3A_707] {strides = array<i32>} : memref<64x768xf32, #tpu.memory_space<vmem>>, vector<1x16xf32>,
      %get3A_709 = vector.shape_cast %get3A_708 : vector<1x16xf32> to vector<16xf32>
      %mul3A_710 = arith.constant 27.7128124 : f32
      %mul3A_711 = vector.broadcast %mul3A_710 : f32 to vector<16xf32>
      %mul3A_712 = arith.mulf %get3A_709, %mul3A_711 : vector<16xf32>
      %swap3A_713 = arith.index_cast %scan3A_298 : i32 to index
      %swap3A_714 = arith.constant 544 : index
      %swap3A_715 = tpu.vector_load %arg5[%swap3A_713, %swap3A_714] {strides = array<i32>} : memref<64x768xf32, #tpu.memory_space<vmem>>, vector<1x16xf32>,
      %swap3A_716 = vector.shape_cast %swap3A_715 : vector<1x16xf32> to vector<16xf32>
      %swap3A_717 = vector.shape_cast %mul3A_712 : vector<16xf32> to vector<1x16xf32>
      tpu.vector_store %arg5[%swap3A_713, %swap3A_714], %swap3A_717 {strides = array<i32>} : memref<64x768xf32, #tpu.memory_space<vmem>>, vector<1x16xf32>,
      %get3A_718 = arith.index_cast %scan3A_298 : i32 to index
      %get3A_719 = arith.constant 560 : index
      %get3A_720 = tpu.vector_load %arg5[%get3A_718, %get3A_719] {strides = array<i32>} : memref<64x768xf32, #tpu.memory_space<vmem>>, vector<1x16xf32>,
      %get3A_721 = vector.shape_cast %get3A_720 : vector<1x16xf32> to vector<16xf32>
      %mul3A_722 = arith.constant 27.7128124 : f32
      %mul3A_723 = vector.broadcast %mul3A_722 : f32 to vector<16xf32>
      %mul3A_724 = arith.mulf %get3A_721, %mul3A_723 : vector<16xf32>
      %swap3A_725 = arith.index_cast %scan3A_298 : i32 to index
      %swap3A_726 = arith.constant 560 : index
      %swap3A_727 = tpu.vector_load %arg5[%swap3A_725, %swap3A_726] {strides = array<i32>} : memref<64x768xf32, #tpu.memory_space<vmem>>, vector<1x16xf32>,
      %swap3A_728 = vector.shape_cast %swap3A_727 : vector<1x16xf32> to vector<16xf32>
      %swap3A_729 = vector.shape_cast %mul3A_724 : vector<16xf32> to vector<1x16xf32>
      tpu.vector_store %arg5[%swap3A_725, %swap3A_726], %swap3A_729 {strides = array<i32>} : memref<64x768xf32, #tpu.memory_space<vmem>>, vector<1x16xf32>,
      %get3A_730 = arith.index_cast %scan3A_298 : i32 to index
      %get3A_731 = arith.constant 576 : index
      %get3A_732 = tpu.vector_load %arg5[%get3A_730, %get3A_731] {strides = array<i32>} : memref<64x768xf32, #tpu.memory_space<vmem>>, vector<1x16xf32>,
      %get3A_733 = vector.shape_cast %get3A_732 : vector<1x16xf32> to vector<16xf32>
      %mul3A_734 = arith.constant 27.7128124 : f32
      %mul3A_735 = vector.broadcast %mul3A_734 : f32 to vector<16xf32>
      %mul3A_736 = arith.mulf %get3A_733, %mul3A_735 : vector<16xf32>
      %swap3A_737 = arith.index_cast %scan3A_298 : i32 to index
      %swap3A_738 = arith.constant 576 : index
      %swap3A_739 = tpu.vector_load %arg5[%swap3A_737, %swap3A_738] {strides = array<i32>} : memref<64x768xf32, #tpu.memory_space<vmem>>, vector<1x16xf32>,
      %swap3A_740 = vector.shape_cast %swap3A_739 : vector<1x16xf32> to vector<16xf32>
      %swap3A_741 = vector.shape_cast %mul3A_736 : vector<16xf32> to vector<1x16xf32>
      tpu.vector_store %arg5[%swap3A_737, %swap3A_738], %swap3A_741 {strides = array<i32>} : memref<64x768xf32, #tpu.memory_space<vmem>>, vector<1x16xf32>,
      %get3A_742 = arith.index_cast %scan3A_298 : i32 to index
      %get3A_743 = arith.constant 592 : index
      %get3A_744 = tpu.vector_load %arg5[%get3A_742, %get3A_743] {strides = array<i32>} : memref<64x768xf32, #tpu.memory_space<vmem>>, vector<1x16xf32>,
      %get3A_745 = vector.shape_cast %get3A_744 : vector<1x16xf32> to vector<16xf32>
      %mul3A_746 = arith.constant 27.7128124 : f32
      %mul3A_747 = vector.broadcast %mul3A_746 : f32 to vector<16xf32>
      %mul3A_748 = arith.mulf %get3A_745, %mul3A_747 : vector<16xf32>
      %swap3A_749 = arith.index_cast %scan3A_298 : i32 to index
      %swap3A_750 = arith.constant 592 : index
      %swap3A_751 = tpu.vector_load %arg5[%swap3A_749, %swap3A_750] {strides = array<i32>} : memref<64x768xf32, #tpu.memory_space<vmem>>, vector<1x16xf32>,
      %swap3A_752 = vector.shape_cast %swap3A_751 : vector<1x16xf32> to vector<16xf32>
      %swap3A_753 = vector.shape_cast %mul3A_748 : vector<16xf32> to vector<1x16xf32>
      tpu.vector_store %arg5[%swap3A_749, %swap3A_750], %swap3A_753 {strides = array<i32>} : memref<64x768xf32, #tpu.memory_space<vmem>>, vector<1x16xf32>,
      %get3A_754 = arith.index_cast %scan3A_298 : i32 to index
      %get3A_755 = arith.constant 608 : index
      %get3A_756 = tpu.vector_load %arg5[%get3A_754, %get3A_755] {strides = array<i32>} : memref<64x768xf32, #tpu.memory_space<vmem>>, vector<1x16xf32>,
      %get3A_757 = vector.shape_cast %get3A_756 : vector<1x16xf32> to vector<16xf32>
      %mul3A_758 = arith.constant 27.7128124 : f32
      %mul3A_759 = vector.broadcast %mul3A_758 : f32 to vector<16xf32>
      %mul3A_760 = arith.mulf %get3A_757, %mul3A_759 : vector<16xf32>
      %swap3A_761 = arith.index_cast %scan3A_298 : i32 to index
      %swap3A_762 = arith.constant 608 : index
      %swap3A_763 = tpu.vector_load %arg5[%swap3A_761, %swap3A_762] {strides = array<i32>} : memref<64x768xf32, #tpu.memory_space<vmem>>, vector<1x16xf32>,
      %swap3A_764 = vector.shape_cast %swap3A_763 : vector<1x16xf32> to vector<16xf32>
      %swap3A_765 = vector.shape_cast %mul3A_760 : vector<16xf32> to vector<1x16xf32>
      tpu.vector_store %arg5[%swap3A_761, %swap3A_762], %swap3A_765 {strides = array<i32>} : memref<64x768xf32, #tpu.memory_space<vmem>>, vector<1x16xf32>,
      %get3A_766 = arith.index_cast %scan3A_298 : i32 to index
      %get3A_767 = arith.constant 624 : index
      %get3A_768 = tpu.vector_load %arg5[%get3A_766, %get3A_767] {strides = array<i32>} : memref<64x768xf32, #tpu.memory_space<vmem>>, vector<1x16xf32>,
      %get3A_769 = vector.shape_cast %get3A_768 : vector<1x16xf32> to vector<16xf32>
      %mul3A_770 = arith.constant 27.7128124 : f32
      %mul3A_771 = vector.broadcast %mul3A_770 : f32 to vector<16xf32>
      %mul3A_772 = arith.mulf %get3A_769, %mul3A_771 : vector<16xf32>
      %swap3A_773 = arith.index_cast %scan3A_298 : i32 to index
      %swap3A_774 = arith.constant 624 : index
      %swap3A_775 = tpu.vector_load %arg5[%swap3A_773, %swap3A_774] {strides = array<i32>} : memref<64x768xf32, #tpu.memory_space<vmem>>, vector<1x16xf32>,
      %swap3A_776 = vector.shape_cast %swap3A_775 : vector<1x16xf32> to vector<16xf32>
      %swap3A_777 = vector.shape_cast %mul3A_772 : vector<16xf32> to vector<1x16xf32>
      tpu.vector_store %arg5[%swap3A_773, %swap3A_774], %swap3A_777 {strides = array<i32>} : memref<64x768xf32, #tpu.memory_space<vmem>>, vector<1x16xf32>,
      %get3A_778 = arith.index_cast %scan3A_298 : i32 to index
      %get3A_779 = arith.constant 640 : index
      %get3A_780 = tpu.vector_load %arg5[%get3A_778, %get3A_779] {strides = array<i32>} : memref<64x768xf32, #tpu.memory_space<vmem>>, vector<1x16xf32>,
      %get3A_781 = vector.shape_cast %get3A_780 : vector<1x16xf32> to vector<16xf32>
      %mul3A_782 = arith.constant 27.7128124 : f32
      %mul3A_783 = vector.broadcast %mul3A_782 : f32 to vector<16xf32>
      %mul3A_784 = arith.mulf %get3A_781, %mul3A_783 : vector<16xf32>
      %swap3A_785 = arith.index_cast %scan3A_298 : i32 to index
      %swap3A_786 = arith.constant 640 : index
      %swap3A_787 = tpu.vector_load %arg5[%swap3A_785, %swap3A_786] {strides = array<i32>} : memref<64x768xf32, #tpu.memory_space<vmem>>, vector<1x16xf32>,
      %swap3A_788 = vector.shape_cast %swap3A_787 : vector<1x16xf32> to vector<16xf32>
      %swap3A_789 = vector.shape_cast %mul3A_784 : vector<16xf32> to vector<1x16xf32>
      tpu.vector_store %arg5[%swap3A_785, %swap3A_786], %swap3A_789 {strides = array<i32>} : memref<64x768xf32, #tpu.memory_space<vmem>>, vector<1x16xf32>,
      %get3A_790 = arith.index_cast %scan3A_298 : i32 to index
      %get3A_791 = arith.constant 656 : index
      %get3A_792 = tpu.vector_load %arg5[%get3A_790, %get3A_791] {strides = array<i32>} : memref<64x768xf32, #tpu.memory_space<vmem>>, vector<1x16xf32>,
      %get3A_793 = vector.shape_cast %get3A_792 : vector<1x16xf32> to vector<16xf32>
      %mul3A_794 = arith.constant 27.7128124 : f32
      %mul3A_795 = vector.broadcast %mul3A_794 : f32 to vector<16xf32>
      %mul3A_796 = arith.mulf %get3A_793, %mul3A_795 : vector<16xf32>
      %swap3A_797 = arith.index_cast %scan3A_298 : i32 to index
      %swap3A_798 = arith.constant 656 : index
      %swap3A_799 = tpu.vector_load %arg5[%swap3A_797, %swap3A_798] {strides = array<i32>} : memref<64x768xf32, #tpu.memory_space<vmem>>, vector<1x16xf32>,
      %swap3A_800 = vector.shape_cast %swap3A_799 : vector<1x16xf32> to vector<16xf32>
      %swap3A_801 = vector.shape_cast %mul3A_796 : vector<16xf32> to vector<1x16xf32>
      tpu.vector_store %arg5[%swap3A_797, %swap3A_798], %swap3A_801 {strides = array<i32>} : memref<64x768xf32, #tpu.memory_space<vmem>>, vector<1x16xf32>,
      %get3A_802 = arith.index_cast %scan3A_298 : i32 to index
      %get3A_803 = arith.constant 672 : index
      %get3A_804 = tpu.vector_load %arg5[%get3A_802, %get3A_803] {strides = array<i32>} : memref<64x768xf32, #tpu.memory_space<vmem>>, vector<1x16xf32>,
      %get3A_805 = vector.shape_cast %get3A_804 : vector<1x16xf32> to vector<16xf32>
      %mul3A_806 = arith.constant 27.7128124 : f32
      %mul3A_807 = vector.broadcast %mul3A_806 : f32 to vector<16xf32>
      %mul3A_808 = arith.mulf %get3A_805, %mul3A_807 : vector<16xf32>
      %swap3A_809 = arith.index_cast %scan3A_298 : i32 to index
      %swap3A_810 = arith.constant 672 : index
      %swap3A_811 = tpu.vector_load %arg5[%swap3A_809, %swap3A_810] {strides = array<i32>} : memref<64x768xf32, #tpu.memory_space<vmem>>, vector<1x16xf32>,
      %swap3A_812 = vector.shape_cast %swap3A_811 : vector<1x16xf32> to vector<16xf32>
      %swap3A_813 = vector.shape_cast %mul3A_808 : vector<16xf32> to vector<1x16xf32>
      tpu.vector_store %arg5[%swap3A_809, %swap3A_810], %swap3A_813 {strides = array<i32>} : memref<64x768xf32, #tpu.memory_space<vmem>>, vector<1x16xf32>,
      %get3A_814 = arith.index_cast %scan3A_298 : i32 to index
      %get3A_815 = arith.constant 688 : index
      %get3A_816 = tpu.vector_load %arg5[%get3A_814, %get3A_815] {strides = array<i32>} : memref<64x768xf32, #tpu.memory_space<vmem>>, vector<1x16xf32>,
      %get3A_817 = vector.shape_cast %get3A_816 : vector<1x16xf32> to vector<16xf32>
      %mul3A_818 = arith.constant 27.7128124 : f32
      %mul3A_819 = vector.broadcast %mul3A_818 : f32 to vector<16xf32>
      %mul3A_820 = arith.mulf %get3A_817, %mul3A_819 : vector<16xf32>
      %swap3A_821 = arith.index_cast %scan3A_298 : i32 to index
      %swap3A_822 = arith.constant 688 : index
      %swap3A_823 = tpu.vector_load %arg5[%swap3A_821, %swap3A_822] {strides = array<i32>} : memref<64x768xf32, #tpu.memory_space<vmem>>, vector<1x16xf32>,
      %swap3A_824 = vector.shape_cast %swap3A_823 : vector<1x16xf32> to vector<16xf32>
      %swap3A_825 = vector.shape_cast %mul3A_820 : vector<16xf32> to vector<1x16xf32>
      tpu.vector_store %arg5[%swap3A_821, %swap3A_822], %swap3A_825 {strides = array<i32>} : memref<64x768xf32, #tpu.memory_space<vmem>>, vector<1x16xf32>,
      %get3A_826 = arith.index_cast %scan3A_298 : i32 to index
      %get3A_827 = arith.constant 704 : index
      %get3A_828 = tpu.vector_load %arg5[%get3A_826, %get3A_827] {strides = array<i32>} : memref<64x768xf32, #tpu.memory_space<vmem>>, vector<1x16xf32>,
      %get3A_829 = vector.shape_cast %get3A_828 : vector<1x16xf32> to vector<16xf32>
      %mul3A_830 = arith.constant 27.7128124 : f32
      %mul3A_831 = vector.broadcast %mul3A_830 : f32 to vector<16xf32>
      %mul3A_832 = arith.mulf %get3A_829, %mul3A_831 : vector<16xf32>
      %swap3A_833 = arith.index_cast %scan3A_298 : i32 to index
      %swap3A_834 = arith.constant 704 : index
      %swap3A_835 = tpu.vector_load %arg5[%swap3A_833, %swap3A_834] {strides = array<i32>} : memref<64x768xf32, #tpu.memory_space<vmem>>, vector<1x16xf32>,
      %swap3A_836 = vector.shape_cast %swap3A_835 : vector<1x16xf32> to vector<16xf32>
      %swap3A_837 = vector.shape_cast %mul3A_832 : vector<16xf32> to vector<1x16xf32>
      tpu.vector_store %arg5[%swap3A_833, %swap3A_834], %swap3A_837 {strides = array<i32>} : memref<64x768xf32, #tpu.memory_space<vmem>>, vector<1x16xf32>,
      %get3A_838 = arith.index_cast %scan3A_298 : i32 to index
      %get3A_839 = arith.constant 720 : index
      %get3A_840 = tpu.vector_load %arg5[%get3A_838, %get3A_839] {strides = array<i32>} : memref<64x768xf32, #tpu.memory_space<vmem>>, vector<1x16xf32>,
      %get3A_841 = vector.shape_cast %get3A_840 : vector<1x16xf32> to vector<16xf32>
      %mul3A_842 = arith.constant 27.7128124 : f32
      %mul3A_843 = vector.broadcast %mul3A_842 : f32 to vector<16xf32>
      %mul3A_844 = arith.mulf %get3A_841, %mul3A_843 : vector<16xf32>
      %swap3A_845 = arith.index_cast %scan3A_298 : i32 to index
      %swap3A_846 = arith.constant 720 : index
      %swap3A_847 = tpu.vector_load %arg5[%swap3A_845, %swap3A_846] {strides = array<i32>} : memref<64x768xf32, #tpu.memory_space<vmem>>, vector<1x16xf32>,
      %swap3A_848 = vector.shape_cast %swap3A_847 : vector<1x16xf32> to vector<16xf32>
      %swap3A_849 = vector.shape_cast %mul3A_844 : vector<16xf32> to vector<1x16xf32>
      tpu.vector_store %arg5[%swap3A_845, %swap3A_846], %swap3A_849 {strides = array<i32>} : memref<64x768xf32, #tpu.memory_space<vmem>>, vector<1x16xf32>,
      %get3A_850 = arith.index_cast %scan3A_298 : i32 to index
      %get3A_851 = arith.constant 736 : index
      %get3A_852 = tpu.vector_load %arg5[%get3A_850, %get3A_851] {strides = array<i32>} : memref<64x768xf32, #tpu.memory_space<vmem>>, vector<1x16xf32>,
      %get3A_853 = vector.shape_cast %get3A_852 : vector<1x16xf32> to vector<16xf32>
      %mul3A_854 = arith.constant 27.7128124 : f32
      %mul3A_855 = vector.broadcast %mul3A_854 : f32 to vector<16xf32>
      %mul3A_856 = arith.mulf %get3A_853, %mul3A_855 : vector<16xf32>
      %swap3A_857 = arith.index_cast %scan3A_298 : i32 to index
      %swap3A_858 = arith.constant 736 : index
      %swap3A_859 = tpu.vector_load %arg5[%swap3A_857, %swap3A_858] {strides = array<i32>} : memref<64x768xf32, #tpu.memory_space<vmem>>, vector<1x16xf32>,
      %swap3A_860 = vector.shape_cast %swap3A_859 : vector<1x16xf32> to vector<16xf32>
      %swap3A_861 = vector.shape_cast %mul3A_856 : vector<16xf32> to vector<1x16xf32>
      tpu.vector_store %arg5[%swap3A_857, %swap3A_858], %swap3A_861 {strides = array<i32>} : memref<64x768xf32, #tpu.memory_space<vmem>>, vector<1x16xf32>,
      %get3A_862 = arith.index_cast %scan3A_298 : i32 to index
      %get3A_863 = arith.constant 752 : index
      %get3A_864 = tpu.vector_load %arg5[%get3A_862, %get3A_863] {strides = array<i32>} : memref<64x768xf32, #tpu.memory_space<vmem>>, vector<1x16xf32>,
      %get3A_865 = vector.shape_cast %get3A_864 : vector<1x16xf32> to vector<16xf32>
      %mul3A_866 = arith.constant 27.7128124 : f32
      %mul3A_867 = vector.broadcast %mul3A_866 : f32 to vector<16xf32>
      %mul3A_868 = arith.mulf %get3A_865, %mul3A_867 : vector<16xf32>
      %swap3A_869 = arith.index_cast %scan3A_298 : i32 to index
      %swap3A_870 = arith.constant 752 : index
      %swap3A_871 = tpu.vector_load %arg5[%swap3A_869, %swap3A_870] {strides = array<i32>} : memref<64x768xf32, #tpu.memory_space<vmem>>, vector<1x16xf32>,
      %swap3A_872 = vector.shape_cast %swap3A_871 : vector<1x16xf32> to vector<16xf32>
      %swap3A_873 = vector.shape_cast %mul3A_868 : vector<16xf32> to vector<1x16xf32>
      tpu.vector_store %arg5[%swap3A_869, %swap3A_870], %swap3A_873 {strides = array<i32>} : memref<64x768xf32, #tpu.memory_space<vmem>>, vector<1x16xf32>,
      %scan3A_874 = arith.constant 0 : i32
      scf.yield %scan3A_874 : i32
    }
    %scan3A_211 = arith.constant 64 : i32
    %add3A_212 = arith.constant 192 : i32
    %add3A_213 = arith.addi %mul3A_2, %add3A_212 : i32
    %dma_start3A_214 = arith.constant 0 : i32
    %dma_start3A_215 = arith.constant 0 : i32
    %dma_start3A_216 = tpu.memref_slice %arg3[%dma_start3A_214, %add3A_213, %dma_start3A_215] : memref<4x8192x768xf32, #tpu.memory_space<hbm>> -> memref<1x64x768xf32, #tpu.memory_space<hbm>>
    %dma_start3A_217 = tpu.memref_squeeze %dma_start3A_216 : memref<1x64x768xf32, #tpu.memory_space<hbm>> -> memref<64x768xf32, #tpu.memory_space<hbm>>
    %dma_start3A_218 = arith.constant 0 : i32
    %dma_start3A_219 = tpu.memref_slice %arg3[%dma_start3A_214, %add3A_213, %dma_start3A_218] : memref<4x8192x768xf32, #tpu.memory_space<hbm>> -> memref<1x64x768xf32, #tpu.memory_space<hbm>>
    %dma_start3A_220 = tpu.memref_squeeze %dma_start3A_219 : memref<1x64x768xf32, #tpu.memory_space<hbm>> -> memref<64x768xf32, #tpu.memory_space<hbm>>
    tpu.enqueue_dma source(%arg5 : memref<64x768xf32, #tpu.memory_space<vmem>>) target(%dma_start3A_220 : memref<64x768xf32, #tpu.memory_space<hbm>>) target_semaphore(%arg9 : memref<!tpu.dma_semaphore, #tpu.memory_space<semaphore_mem>>)
    %dma_start3A_221 = arith.constant 1 : i32
    %dma_start3A_222 = arith.constant 0 : i32
    %dma_start3A_223 = tpu.memref_slice %arg3[%dma_start3A_221, %add3A_213, %dma_start3A_222] : memref<4x8192x768xf32, #tpu.memory_space<hbm>> -> memref<1x64x768xf32, #tpu.memory_space<hbm>>
    %dma_start3A_224 = tpu.memref_squeeze %dma_start3A_223 : memref<1x64x768xf32, #tpu.memory_space<hbm>> -> memref<64x768xf32, #tpu.memory_space<hbm>>
    %dma_start3A_225 = arith.constant 0 : i32
    %dma_start3A_226 = tpu.memref_slice %arg3[%dma_start3A_221, %add3A_213, %dma_start3A_225] : memref<4x8192x768xf32, #tpu.memory_space<hbm>> -> memref<1x64x768xf32, #tpu.memory_space<hbm>>
    %dma_start3A_227 = tpu.memref_squeeze %dma_start3A_226 : memref<1x64x768xf32, #tpu.memory_space<hbm>> -> memref<64x768xf32, #tpu.memory_space<hbm>>
    tpu.enqueue_dma source(%arg5 : memref<64x768xf32, #tpu.memory_space<vmem>>) target(%dma_start3A_227 : memref<64x768xf32, #tpu.memory_space<hbm>>) target_semaphore(%arg9 : memref<!tpu.dma_semaphore, #tpu.memory_space<semaphore_mem>>)
    %dma_start3A_228 = arith.constant 2 : i32
    %dma_start3A_229 = arith.constant 0 : i32
    %dma_start3A_230 = tpu.memref_slice %arg3[%dma_start3A_228, %add3A_213, %dma_start3A_229] : memref<4x8192x768xf32, #tpu.memory_space<hbm>> -> memref<1x64x768xf32, #tpu.memory_space<hbm>>
    %dma_start3A_231 = tpu.memref_squeeze %dma_start3A_230 : memref<1x64x768xf32, #tpu.memory_space<hbm>> -> memref<64x768xf32, #tpu.memory_space<hbm>>
    %dma_start3A_232 = arith.constant 0 : i32
    %dma_start3A_233 = tpu.memref_slice %arg3[%dma_start3A_228, %add3A_213, %dma_start3A_232] : memref<4x8192x768xf32, #tpu.memory_space<hbm>> -> memref<1x64x768xf32, #tpu.memory_space<hbm>>
    %dma_start3A_234 = tpu.memref_squeeze %dma_start3A_233 : memref<1x64x768xf32, #tpu.memory_space<hbm>> -> memref<64x768xf32, #tpu.memory_space<hbm>>
    tpu.enqueue_dma source(%arg5 : memref<64x768xf32, #tpu.memory_space<vmem>>) target(%dma_start3A_234 : memref<64x768xf32, #tpu.memory_space<hbm>>) target_semaphore(%arg9 : memref<!tpu.dma_semaphore, #tpu.memory_space<semaphore_mem>>)
    %dma_start3A_235 = arith.constant 3 : i32
    %dma_start3A_236 = arith.constant 0 : i32
    %dma_start3A_237 = tpu.memref_slice %arg3[%dma_start3A_235, %add3A_213, %dma_start3A_236] : memref<4x8192x768xf32, #tpu.memory_space<hbm>> -> memref<1x64x768xf32, #tpu.memory_space<hbm>>
    %dma_start3A_238 = tpu.memref_squeeze %dma_start3A_237 : memref<1x64x768xf32, #tpu.memory_space<hbm>> -> memref<64x768xf32, #tpu.memory_space<hbm>>
    %dma_start3A_239 = arith.constant 0 : i32
    %dma_start3A_240 = tpu.memref_slice %arg3[%dma_start3A_235, %add3A_213, %dma_start3A_239] : memref<4x8192x768xf32, #tpu.memory_space<hbm>> -> memref<1x64x768xf32, #tpu.memory_space<hbm>>
    %dma_start3A_241 = tpu.memref_squeeze %dma_start3A_240 : memref<1x64x768xf32, #tpu.memory_space<hbm>> -> memref<64x768xf32, #tpu.memory_space<hbm>>
    tpu.enqueue_dma source(%arg5 : memref<64x768xf32, #tpu.memory_space<vmem>>) target(%dma_start3A_241 : memref<64x768xf32, #tpu.memory_space<hbm>>) target_semaphore(%arg9 : memref<!tpu.dma_semaphore, #tpu.memory_space<semaphore_mem>>)
    %dma_wait3A_242 = arith.constant 0 : i32
    %dma_wait3A_243 = arith.constant 0 : i32
    %dma_wait3A_244 = tpu.memref_slice %arg3[%dma_wait3A_242, %add3A_172, %dma_wait3A_243] : memref<4x8192x768xf32, #tpu.memory_space<hbm>> -> memref<1x64x768xf32, #tpu.memory_space<hbm>>
    %dma_wait3A_245 = tpu.memref_squeeze %dma_wait3A_244 : memref<1x64x768xf32, #tpu.memory_space<hbm>> -> memref<64x768xf32, #tpu.memory_space<hbm>>
    %dma_wait3A_246 = arith.constant 0 : i32
    %dma_wait3A_247 = tpu.memref_slice %arg3[%dma_wait3A_242, %add3A_172, %dma_wait3A_246] : memref<4x8192x768xf32, #tpu.memory_space<hbm>> -> memref<1x64x768xf32, #tpu.memory_space<hbm>>
    %dma_wait3A_248 = tpu.memref_squeeze %dma_wait3A_247 : memref<1x64x768xf32, #tpu.memory_space<hbm>> -> memref<64x768xf32, #tpu.memory_space<hbm>>
    tpu.wait_dma2 semaphore(%arg8 : memref<!tpu.dma_semaphore, #tpu.memory_space<semaphore_mem>>) src(%arg4 : memref<64x768xf32, #tpu.memory_space<vmem>>) dst(%dma_wait3A_248 : memref<64x768xf32, #tpu.memory_space<hbm>>)
    %dma_wait3A_249 = arith.constant 1 : i32
    %dma_wait3A_250 = arith.constant 0 : i32
    %dma_wait3A_251 = tpu.memref_slice %arg3[%dma_wait3A_249, %add3A_172, %dma_wait3A_250] : memref<4x8192x768xf32, #tpu.memory_space<hbm>> -> memref<1x64x768xf32, #tpu.memory_space<hbm>>
    %dma_wait3A_252 = tpu.memref_squeeze %dma_wait3A_251 : memref<1x64x768xf32, #tpu.memory_space<hbm>> -> memref<64x768xf32, #tpu.memory_space<hbm>>
    %dma_wait3A_253 = arith.constant 0 : i32
    %dma_wait3A_254 = tpu.memref_slice %arg3[%dma_wait3A_249, %add3A_172, %dma_wait3A_253] : memref<4x8192x768xf32, #tpu.memory_space<hbm>> -> memref<1x64x768xf32, #tpu.memory_space<hbm>>
    %dma_wait3A_255 = tpu.memref_squeeze %dma_wait3A_254 : memref<1x64x768xf32, #tpu.memory_space<hbm>> -> memref<64x768xf32, #tpu.memory_space<hbm>>
    tpu.wait_dma2 semaphore(%arg8 : memref<!tpu.dma_semaphore, #tpu.memory_space<semaphore_mem>>) src(%arg4 : memref<64x768xf32, #tpu.memory_space<vmem>>) dst(%dma_wait3A_255 : memref<64x768xf32, #tpu.memory_space<hbm>>)
    %dma_wait3A_256 = arith.constant 2 : i32
    %dma_wait3A_257 = arith.constant 0 : i32
    %dma_wait3A_258 = tpu.memref_slice %arg3[%dma_wait3A_256, %add3A_172, %dma_wait3A_257] : memref<4x8192x768xf32, #tpu.memory_space<hbm>> -> memref<1x64x768xf32, #tpu.memory_space<hbm>>
    %dma_wait3A_259 = tpu.memref_squeeze %dma_wait3A_258 : memref<1x64x768xf32, #tpu.memory_space<hbm>> -> memref<64x768xf32, #tpu.memory_space<hbm>>
    %dma_wait3A_260 = arith.constant 0 : i32
    %dma_wait3A_261 = tpu.memref_slice %arg3[%dma_wait3A_256, %add3A_172, %dma_wait3A_260] : memref<4x8192x768xf32, #tpu.memory_space<hbm>> -> memref<1x64x768xf32, #tpu.memory_space<hbm>>
    %dma_wait3A_262 = tpu.memref_squeeze %dma_wait3A_261 : memref<1x64x768xf32, #tpu.memory_space<hbm>> -> memref<64x768xf32, #tpu.memory_space<hbm>>
    tpu.wait_dma2 semaphore(%arg8 : memref<!tpu.dma_semaphore, #tpu.memory_space<semaphore_mem>>) src(%arg4 : memref<64x768xf32, #tpu.memory_space<vmem>>) dst(%dma_wait3A_262 : memref<64x768xf32, #tpu.memory_space<hbm>>)
    %dma_wait3A_263 = arith.constant 3 : i32
    %dma_wait3A_264 = arith.constant 0 : i32
    %dma_wait3A_265 = tpu.memref_slice %arg3[%dma_wait3A_263, %add3A_172, %dma_wait3A_264] : memref<4x8192x768xf32, #tpu.memory_space<hbm>> -> memref<1x64x768xf32, #tpu.memory_space<hbm>>
    %dma_wait3A_266 = tpu.memref_squeeze %dma_wait3A_265 : memref<1x64x768xf32, #tpu.memory_space<hbm>> -> memref<64x768xf32, #tpu.memory_space<hbm>>
    %dma_wait3A_267 = arith.constant 0 : i32
    %dma_wait3A_268 = tpu.memref_slice %arg3[%dma_wait3A_263, %add3A_172, %dma_wait3A_267] : memref<4x8192x768xf32, #tpu.memory_space<hbm>> -> memref<1x64x768xf32, #tpu.memory_space<hbm>>
    %dma_wait3A_269 = tpu.memref_squeeze %dma_wait3A_268 : memref<1x64x768xf32, #tpu.memory_space<hbm>> -> memref<64x768xf32, #tpu.memory_space<hbm>>
    tpu.wait_dma2 semaphore(%arg8 : memref<!tpu.dma_semaphore, #tpu.memory_space<semaphore_mem>>) src(%arg4 : memref<64x768xf32, #tpu.memory_space<vmem>>) dst(%dma_wait3A_269 : memref<64x768xf32, #tpu.memory_space<hbm>>)
    %dma_wait3A_270 = arith.constant 0 : i32
    %dma_wait3A_271 = arith.constant 0 : i32
    %dma_wait3A_272 = tpu.memref_slice %arg3[%dma_wait3A_270, %add3A_213, %dma_wait3A_271] : memref<4x8192x768xf32, #tpu.memory_space<hbm>> -> memref<1x64x768xf32, #tpu.memory_space<hbm>>
    %dma_wait3A_273 = tpu.memref_squeeze %dma_wait3A_272 : memref<1x64x768xf32, #tpu.memory_space<hbm>> -> memref<64x768xf32, #tpu.memory_space<hbm>>
    %dma_wait3A_274 = arith.constant 0 : i32
    %dma_wait3A_275 = tpu.memref_slice %arg3[%dma_wait3A_270, %add3A_213, %dma_wait3A_274] : memref<4x8192x768xf32, #tpu.memory_space<hbm>> -> memref<1x64x768xf32, #tpu.memory_space<hbm>>
    %dma_wait3A_276 = tpu.memref_squeeze %dma_wait3A_275 : memref<1x64x768xf32, #tpu.memory_space<hbm>> -> memref<64x768xf32, #tpu.memory_space<hbm>>
    tpu.wait_dma2 semaphore(%arg9 : memref<!tpu.dma_semaphore, #tpu.memory_space<semaphore_mem>>) src(%arg5 : memref<64x768xf32, #tpu.memory_space<vmem>>) dst(%dma_wait3A_276 : memref<64x768xf32, #tpu.memory_space<hbm>>)
    %dma_wait3A_277 = arith.constant 1 : i32
    %dma_wait3A_278 = arith.constant 0 : i32
    %dma_wait3A_279 = tpu.memref_slice %arg3[%dma_wait3A_277, %add3A_213, %dma_wait3A_278] : memref<4x8192x768xf32, #tpu.memory_space<hbm>> -> memref<1x64x768xf32, #tpu.memory_space<hbm>>
    %dma_wait3A_280 = tpu.memref_squeeze %dma_wait3A_279 : memref<1x64x768xf32, #tpu.memory_space<hbm>> -> memref<64x768xf32, #tpu.memory_space<hbm>>
    %dma_wait3A_281 = arith.constant 0 : i32
    %dma_wait3A_282 = tpu.memref_slice %arg3[%dma_wait3A_277, %add3A_213, %dma_wait3A_281] : memref<4x8192x768xf32, #tpu.memory_space<hbm>> -> memref<1x64x768xf32, #tpu.memory_space<hbm>>
    %dma_wait3A_283 = tpu.memref_squeeze %dma_wait3A_282 : memref<1x64x768xf32, #tpu.memory_space<hbm>> -> memref<64x768xf32, #tpu.memory_space<hbm>>
    tpu.wait_dma2 semaphore(%arg9 : memref<!tpu.dma_semaphore, #tpu.memory_space<semaphore_mem>>) src(%arg5 : memref<64x768xf32, #tpu.memory_space<vmem>>) dst(%dma_wait3A_283 : memref<64x768xf32, #tpu.memory_space<hbm>>)
    %dma_wait3A_284 = arith.constant 2 : i32
    %dma_wait3A_285 = arith.constant 0 : i32
    %dma_wait3A_286 = tpu.memref_slice %arg3[%dma_wait3A_284, %add3A_213, %dma_wait3A_285] : memref<4x8192x768xf32, #tpu.memory_space<hbm>> -> memref<1x64x768xf32, #tpu.memory_space<hbm>>
    %dma_wait3A_287 = tpu.memref_squeeze %dma_wait3A_286 : memref<1x64x768xf32, #tpu.memory_space<hbm>> -> memref<64x768xf32, #tpu.memory_space<hbm>>
    %dma_wait3A_288 = arith.constant 0 : i32
    %dma_wait3A_289 = tpu.memref_slice %arg3[%dma_wait3A_284, %add3A_213, %dma_wait3A_288] : memref<4x8192x768xf32, #tpu.memory_space<hbm>> -> memref<1x64x768xf32, #tpu.memory_space<hbm>>
    %dma_wait3A_290 = tpu.memref_squeeze %dma_wait3A_289 : memref<1x64x768xf32, #tpu.memory_space<hbm>> -> memref<64x768xf32, #tpu.memory_space<hbm>>
    tpu.wait_dma2 semaphore(%arg9 : memref<!tpu.dma_semaphore, #tpu.memory_space<semaphore_mem>>) src(%arg5 : memref<64x768xf32, #tpu.memory_space<vmem>>) dst(%dma_wait3A_290 : memref<64x768xf32, #tpu.memory_space<hbm>>)
    %dma_wait3A_291 = arith.constant 3 : i32
    %dma_wait3A_292 = arith.constant 0 : i32
    %dma_wait3A_293 = tpu.memref_slice %arg3[%dma_wait3A_291, %add3A_213, %dma_wait3A_292] : memref<4x8192x768xf32, #tpu.memory_space<hbm>> -> memref<1x64x768xf32, #tpu.memory_space<hbm>>
    %dma_wait3A_294 = tpu.memref_squeeze %dma_wait3A_293 : memref<1x64x768xf32, #tpu.memory_space<hbm>> -> memref<64x768xf32, #tpu.memory_space<hbm>>
    %dma_wait3A_295 = arith.constant 0 : i32
    %dma_wait3A_296 = tpu.memref_slice %arg3[%dma_wait3A_291, %add3A_213, %dma_wait3A_295] : memref<4x8192x768xf32, #tpu.memory_space<hbm>> -> memref<1x64x768xf32, #tpu.memory_space<hbm>>
    %dma_wait3A_297 = tpu.memref_squeeze %dma_wait3A_296 : memref<1x64x768xf32, #tpu.memory_space<hbm>> -> memref<64x768xf32, #tpu.memory_space<hbm>>
    tpu.wait_dma2 semaphore(%arg9 : memref<!tpu.dma_semaphore, #tpu.memory_space<semaphore_mem>>) src(%arg5 : memref<64x768xf32, #tpu.memory_space<vmem>>) dst(%dma_wait3A_297 : memref<64x768xf32, #tpu.memory_space<hbm>>)
    return
  }
}

</mosaic_0001>

<sc_bundles>
// kernel: kernel.3.cloned.1.call-start
scs
__scs_entry_jumppad:
0x0: {  	(pc) =	sbr.rel $0x88, $3  }
0x1: {  	(tag) =	ssettag $0x0;
	lr =	simm.s32 $0x1  }
0x2: {  	[smem:$0x3FA0] =	sst lr;
	_ =	strace $0xD0000000  }
0x3: {  	_ = 	snop  }
0x4: {  	_ = 	snop  }
0x5: {  	_ = 	snop  }
0x6: {  	_ = 	snop  }
0x7: {  	_ = 	snop  }
__scs_overlays_trampoline_lowered:
0x8: {  	[smem:$0x3FAF] =	sst s0  }
0x9: {  	[smem:$0x3FB0] =	sst s1  }
0xa: {  	[smem:$0x3FB1] =	sst s2  }
0xb: {  	[smem:$0x3FB2] =	sst s3  }
0xc: {  	[smem:$0x3FB3] =	sst s4  }
0xd: {  	[smem:$0x3FB4] =	sst s5  }
0xe: {  	[smem:$0x3FB5] =	sst s6  }
0xf: {  	[smem:$0x3FB6] =	sst s7  }
0x10: {  	[smem:$0x3FB7] =	sst s8  }
0x11: {  	[smem:$0x3FB8] =	sst s9;
	s0 =	simm.s32 @!p0 $0x0  }
0x12: {  	s1 =	sld [smem:$0x3F9E];
	s0 =	simm.s32 @p0 $0x1  }
0x13: {  	[smem:$0x3FB9] =	sst s0;
	s0 =	simm.s32 @!p1 $0x0  }
0x14: {  	s2 =	sld [smem:$0x3F9D];
	s0 =	simm.s32 @p1 $0x1  }
0x15: {  	[smem:$0x3FBA] =	sst s0;
	s0 =	simm.s32 @!p2 $0x0  }
0x16: {  	s3 =	sld [smem:$0x3FDB];
	s0 =	simm.s32 @p2 $0x1  }
0x17: {  	s4 =	simm.s32 $0x1BF5;
	[smem:$0x3FBC] =	sst s0  }
0x18: {  	s0 =	sld [smem:$0x3F9F];
	_ =	swait.ge [sflag:s4], $0x0  }
0x19: {  	s7 =	sld [smem:$0x3FA0]  }
0x1a: {  	s8 =	sadd.s32 $0xFFFFE003, lr  }
0x1b: {  	s9 =	sadd.s32 $0xFFFFFEF7, lr;
	s5 =	simm.s32 $0xFFFFFFFF;
	p2 =	slt.u32 s8, $0xFFFFF086  }
0x1c: {  	p1 =	slt.u32 s9, $0xF7A;
	s5 =	simm.s32 @!p2 $0x0  }
0x1d: {  	s5 =	simm.s32 @p1 $0x1;
	p0 =	seq.s32 s7, s2  }
0x1e: {  	s7 =	smul.u32 @!p0 $0xF7A, s2;
	p2 =	seq.s32 @!p0 s5, $0x0  }
0x1f: {  	s9 =	smul.u32 $0xF7A, s1;
	s8 =	simm.s32 @!p0 $0x1BF5;
	p2 =	por !p2, p0  }
0x20: {  	[sflag:s8] =	ssyncset.s32 @!p0 $0xFFFFF086;
	s6 =	sadd.s32 @!p0 s3, s7;
	s7 =	simm.s32 @!p0 $0x108  }
0x21: {  	s3 =	sadd.s32 s3, s9;
	s6 =	sadd.s32 @!p0 $0x88, s6;
	s7 =	simm.s32 @p2 $0x1082  }
0x22: {  	[simem:s7], [sflag:s8] =	dma.local @!p0 [hbm:s6], $0xF7A  }
0x23: {  	s9 =	sor.u32 $0xD0000000, s2;
	s6 =	simm.s32 $0x108;
	_ =	swait.ge @!p0 [sflag:s8], $0x0  }
0x24: {  	s3 =	sadd.s32 $0x88, s3;
	s6 =	simm.s32 @!p1 $0x1082;
	[sflag:s4] =	ssyncset.s32 $0xFFFFF086  }
0x25: {  	[simem:s6], [sflag:s4] =	dma.local [hbm:s3], $0xF7A  }
0x26: {  	[smem:$0x3FA0] =	sst s1;
	(tag) =	ssettag s2;
	_ =	strace s9  }
0x27: {  	s1 =	sld [smem:$0x3FB0]  }
0x28: {  	s2 =	sld [smem:$0x3FB1]  }
0x29: {  	s4 =	sld [smem:$0x3FB3]  }
0x2a: {  	p0 =	seq.s32 s5, $0x0;
	s5 =	sld [smem:$0x3FB4]  }
0x2b: {  	s6 =	sld [smem:$0x3FB5]  }
0x2c: {  	s7 =	sld [smem:$0x3FB6]  }
0x2d: {  	s3 =	simm.s32 $0x108;
	s8 =	sld [smem:$0x3FB7]  }
0x2e: {  	s3 =	simm.s32 @!p0 $0x1082;
	s9 =	sld [smem:$0x3FB8]  }
0x2f: {  	lr =	sadd.s32 s0, s3;
	s0 =	sld [smem:$0x3FAF]  }
0x30: {  	s3 =	sld [smem:$0x3FB2]  }
0x31: {  	[smem:$0x3FBB] =	sst s10  }
0x32: {  	s10 =	sld [smem:$0x3FB9];
	_ =	sdelay $0x3  }
0x33: {  	p0 =	seq.s32 s10, $0x1;
	s10 =	sld [smem:$0x3FBB];
	_ =	sdelay $0x3  }
0x34: {  	[smem:$0x3FBB] =	sst s10  }
0x35: {  	s10 =	sld [smem:$0x3FBA];
	_ =	sdelay $0x3  }
0x36: {  	p1 =	seq.s32 s10, $0x1;
	s10 =	sld [smem:$0x3FBB];
	_ =	sdelay $0x3  }
0x37: {  	[smem:$0x3FBB] =	sst s10  }
0x38: {  	s10 =	sld [smem:$0x3FBC]  }
0x39: {  	_ = 	snop;
	(pc) =	sbr.ind lr, $3  }
0x3a: {  	_ = 	snop  }
0x3b: {  	_ = 	snop  }
0x3c: {  	p2 =	seq.s32 s10, $0x1;
	s10 =	sld [smem:$0x3FBB]  }
0x3d: {  	_ =	shalt  }
0x3e: {  	_ =	shalt  }
0x3f: {  	_ =	shalt  }
0x40: {  	_ =	shalt  }
0x41: {  	_ =	shalt  }
0x42: {  	_ =	shalt  }
0x43: {  	_ =	shalt  }
0x44: {  	_ =	shalt  }
0x45: {  	_ =	shalt  }
0x46: {  	_ =	shalt  }
0x47: {  	_ =	shalt  }
0x48: {  	_ =	shalt  }
0x49: {  	_ =	shalt  }
0x4a: {  	_ =	shalt  }
0x4b: {  	_ =	shalt  }
0x4c: {  	_ =	shalt  }
0x4d: {  	_ =	shalt  }
0x4e: {  	_ =	shalt  }
0x4f: {  	_ =	shalt  }
0x50: {  	_ =	shalt  }
0x51: {  	_ =	shalt  }
0x52: {  	_ =	shalt  }
0x53: {  	_ =	shalt  }
0x54: {  	_ =	shalt  }
0x55: {  	_ =	shalt  }
0x56: {  	_ =	shalt  }
0x57: {  	_ =	shalt  }
0x58: {  	_ =	shalt  }
0x59: {  	_ =	shalt  }
0x5a: {  	_ =	shalt  }
0x5b: {  	_ =	shalt  }
0x5c: {  	_ =	shalt  }
0x5d: {  	_ =	shalt  }
0x5e: {  	_ =	shalt  }
0x5f: {  	_ =	shalt  }
0x60: {  	_ =	shalt  }
0x61: {  	_ =	shalt  }
0x62: {  	_ =	shalt  }
0x63: {  	_ =	shalt  }
0x64: {  	_ =	shalt  }
0x65: {  	_ =	shalt  }
0x66: {  	_ =	shalt  }
0x67: {  	_ =	shalt  }
0x68: {  	_ =	shalt  }
0x69: {  	_ =	shalt  }
0x6a: {  	_ =	shalt  }
0x6b: {  	_ =	shalt  }
0x6c: {  	_ =	shalt  }
0x6d: {  	_ =	shalt  }
0x6e: {  	_ =	shalt  }
0x6f: {  	_ =	shalt  }
0x70: {  	_ =	shalt  }
0x71: {  	_ =	shalt  }
0x72: {  	_ =	shalt  }
0x73: {  	_ =	shalt  }
0x74: {  	_ =	shalt  }
0x75: {  	_ =	shalt  }
0x76: {  	_ =	shalt  }
0x77: {  	_ =	shalt  }
0x78: {  	_ =	shalt  }
0x79: {  	_ =	shalt  }
0x7a: {  	_ =	shalt  }
0x7b: {  	_ =	shalt  }
0x7c: {  	_ =	shalt  }
0x7d: {  	_ =	shalt  }
0x7e: {  	_ =	shalt  }
0x7f: {  	_ =	shalt  }
0x80: {  	_ =	shalt  }
0x81: {  	_ =	shalt  }
0x82: {  	_ =	shalt  }
0x83: {  	_ =	shalt  }
0x84: {  	_ =	shalt  }
0x85: {  	_ =	shalt  }
0x86: {  	_ =	shalt  }
0x87: {  	_ =	shalt  }
.Lfunc_end0:
.L_simem_size_0:
called_computation_lowered:
.L_overlay_start_0:
0x88: {  	s2 =	sld [smem:$0x3FD9]  }
0x89: {  	s3 =	sld [smem:$0x3FFE];
	_ =	sdelay $0x1  }
0x8a: {  	s1 =	srdreg.scid  }
0x8b: {  	s0 =	sand.u32 $0x1, s1  }
0x8c: {  	s18 =	sshll.u32 s0, $0xA;
	s2 =	sadd.s32 s3, s2  }
0x8d: {  	s2 =	sadd.s32 s2, s18  }
0x8e: {  	[smem:$0x3FC7] =	sst s2  }
0x8f: {  	_ = 	snop  }
0x90: {  	s2 =	sld [smem:$0x3FC9]  }
0x91: {  	s19 =	sld [smem:$0x3FD0];
	(tm) =	ssettm $0x1  }
0x92: {  	s4 =	sld [smem:$0x3FFB];
	_ =	sdelay $0x3  }
0x93: {  	_ =	strace s4  }
0x94: {  	s4 =	sld [smem:$0x3FFC];
	_ =	sdelay $0x3  }
0x95: {  	_ =	strace s4  }
0x96: {  	s4 =	sld [smem:$0x3FFD];
	_ =	sdelay $0x3  }
0x97: {  	_ =	strace s4  }
0x98: {  	_ =	strace $0x8FFFFFFF  }
0x99: {  	s20 =	sld [smem:$0x3FDB];
	_ =	sdelay $0x1  }
0x9a: {  	s5 =	simm.s32 $_scs_section_size  }
0x9b: {  	s6 =	simm.s32 $_size__tile_overlayer_lowered;
	s7 =	simm.s32 $_tile_overlayer_lowered  }
0x9c: {  	s23 =	simm.s32 $0x1BFF;
	s22 =	sshll.u32 s7, $0x1;
	s4 =	sadd.s32 s5, s20  }
0x9d: {  	s8 =	simm.s32 $0x0;
	s21 =	sshll.u32 s6, $0x1;
	s6 =	sadd.s32 s22, s4  }
0x9e: {  	[timem:s8], [sflag:s23] =	dma.local [hbm:s6], s21  }
0x9f: {  	_ =	swait.ge [sflag:s23], s21  }
0xa0: {  	s5 =	ssub.s32 $0x0, s21;
	[sflag:s23] =	ssyncset.done $0x0  }
0xa1: {  	[sflag:s23] =	ssyncadd.s32 s5;
	_ =	sdelay $0x1  }
0xa2: {  	s24 =	simm.s32 $0x1B8B  }
0xa3: {  	_ =	swait.ge [sflag:s24], $0x1  }
0xa4: {  	[sflag:s24] =	ssyncset.done $0x0  }
0xa5: {  	s25 =	simm.s32 $0x1B8E;
	[sflag:s24] =	ssyncadd.s32 $0xFFFFFFFF  }
0xa6: {  	s26 =	simm.s32 $execute0_lowered;
	[smem:$0x3FD2] =	sst s25  }
0xa7: {  	s5 =	sshll.u32 s26, $0x1;
	_ =	strace $0x80000046;
	[dreg:$0x1] =	wrdreg $0xFFFFFFFF  }
0xa8: {  	s28 =	simm.s32 $_size_execute0_lowered;
	s4 =	sadd.s32 s4, s5;
	[dreg:$0x0] =	wrdreg $0x0  }
0xa9: {  	s5 =	sshll.u32 s28, $0x1;
	[dreg:$0x2] =	wrdreg s4  }
0xaa: {  	[dreg:$0x3] =	wrdreg s5  }
0xab: {  	[dreg:$0x4] =	wrdreg $0xC0  }
0xac: {  	_ =	task [dreg:s8], $0x5FFFF  }
0xad: {  	[dreg:$0x1] =	wrdreg $0xFFFFFFFF  }
0xae: {  	[dreg:$0x0] =	wrdreg $0x60  }
0xaf: {  	[dreg:$0x2] =	wrdreg s2  }
0xb0: {  	[dreg:$0x3] =	wrdreg s19  }
0xb1: {  	[dreg:$0x4] =	wrdreg $0x9  }
0xb2: {  	_ =	task.clear_ibuf [dreg:s8], $0x5FFFF;
	_ =	strace $0x90000046  }
0xb3: {  	s29 =	simm.s32 $0x9;
	_ =	strace $0x80000048  }
0xb4: {  	_ =	swait.ge [sflag:s29], $0x1  }
0xb5: {  	[sflag:s29] =	ssyncadd.s32 $0xFFFFFFFF  }
0xb6: {  	_ =	strace $0x90000048  }
0xb7: {  	_ =	sfence  }
0xb8: {  	s30 =	sld [smem:$0x0];
	_ =	sdelay $0x2  }
0xb9: {  	s31 =	sshll.u32 s1, $0xD;
	s1 =	sshrl.u32 s1, $0x2  }
0xba: {  	s3 =	sand.u32 $0x4000, s31;
	s1 =	sadd.s32 s1, s30  }
0xbb: {  	s0 =	sor.u32 s3, s0;
	s1 =	sshll.u32 s1, $0x11  }
0xbc: {  	s0 =	sor.u32 s1, s0  }
0xbd: {  	s0 =	sadd.s32 $0x8F2B, s0  }
0xbe: {  	[sflag:s0] =	ssyncadd.remote.s32 $0x1  }
0xbf: {  	_ =	sfence.sel $0xFFFF  }
0xc0: {  	[dreg:$0x0] =	wrdreg $0xFFFFFFFF;
	(pc) =	sbr.abs _section_cstart, $3  }
0xc1: {  	[dreg:$0x1] =	wrdreg $0xFFFFFFFF  }
0xc2: {  	_ =	task.clear_ibuf [dreg:s8], $0x2FFFF;
	_ =	strace $0x9FFFFFFF  }
0xc3: {  	(tm) =	ssettm $0x7FFFFFFF  }
tec
execute0_lowered:
.L_overlay_start_1:
0x0: {  	(tag) =	ssettag $0x1  }
0x1: {  	s0 =	srdreg.scid  }
0x2: {  	s1 =	rddreg [dreg:$0x0];
	s2 =	stileid.u32  }
0x3: {  	s19 =	rddreg [dreg:$0x1];
	s24 =	simm.s32 $0xC000;
	s0 =	sand.u32 $0x1, s0  }
0x4: {  	s25 =	simm.s32 $0x1;
	s2 =	sshll.u32 s2, $0x6;
	s3 =	sshll.u32 s0, $0x5  }
0x5: {  	s26 =	simm.s32 $0x3;
	s28 =	simm.s32 $0x2;
	s3 =	sor.u32 s3, s2  }
0x6: {  	s29 =	simm.s32 $0x4;
	s0 =	ssub.s32 $0x2, s0;
	s3 =	smul.u32 $0x1800, s3  }
0x7: {  	s30 =	simm.s32 $0x0;
	s2 =	simm.s32 $0x0;
	s4 =	sshrl.u32 s0, $0x1  }
0x8: {  	[smem:$0x7FF] =	sst s2;
	s0 =	ssub.s32 s0, s4;
	s12 =	sshrl.u32 s3, $0x3  }
0x9: {  	_ =	strace $0x80000047;
	s23 =	smax.u32 s0, $0x1;
	s3 =	sadd.s32 s1, s12  }
0xa: {  	s10 =	sor.u32 $0x1800, s12;
	s4 =	sadd.s32 s19, s12;
	s15 =	sadd.s32 $0x3000, s12  }
0xb: {  	s20 =	sadd.s32 $0x4800, s12;
	[dreg:$0x3] =	wrdreg s3;
	s31 =	sadd.s32 s1, s10  }
0xc: {  	s6 =	sadd.s32 $0xC0000, s4;
	s7 =	sadd.s32 $0x180000, s4;
	s8 =	sadd.s32 $0x240000, s4  }
0xd: {  	s9 =	sadd.s32 s1, s15;
	s10 =	sadd.s32 s19, s10;
	s11 =	sadd.s32 $0xC1800, s4  }
0xe: {  	s12 =	sadd.s32 $0x181800, s4;
	s13 =	sadd.s32 $0x241800, s4;
	s14 =	sadd.s32 s1, s20  }
0xf: {  	s15 =	sadd.s32 s19, s15;
	s16 =	sadd.s32 $0xC3000, s4;
	s17 =	sadd.s32 $0x183000, s4  }
0x10: {  	s18 =	sadd.s32 $0x243000, s4;
	s19 =	sadd.s32 s19, s20;
	s20 =	sadd.s32 $0xC4800, s4  }
0x11: {  	s21 =	sadd.s32 $0x184800, s4;
	s22 =	sadd.s32 $0x244800, s4;
	[dreg:$0x4] =	wrdreg s31  }
.LBB2_1:
0x12: {  	s0 =	rddreg [dreg:$0x3];
	s5 =	simm.s32 $0x0  }
0x13: {  	[tilespmem:s2], [sflag:$0x1] =	stream.linear.gather [hbm4b:s0+s2], $0xC000, $0x38;
	[tilespmem:$0x18000] =	vst v63  }
0x14: {  	s3 =	rddreg [dreg:$0x4];
	s0 =	smul.u32 $0x6000, s5  }
0x15: {  	[tilespmem:s24], [sflag:$0x2] =	stream.linear.gather [hbm4b:s3+s2], $0xC000, $0x38;
	[tilespmem:$0x18000] =	vst v63  }
0x16: {  	_ =	swait.ge [sflag:s25], $0xC000  }
0x17: {  	s1 =	sand.u32 $0x380, s2;
	s0 =	sshra.s32 s0, $0x2;
	[sflag:s25] =	ssyncset.done $0x0  }
0x18: {  	s31 =	sor.u32 s1, s0;
	[sflag:s25] =	ssyncadd.s32 $0xFFFF4000  }
0x19: {  	v0 =	vld [tilespmem:s31+$0x0]  }
0x1a: {  	v1 =	vld [tilespmem:s31+$0x10]  }
0x1b: {  	v2 =	vld [tilespmem:s31+$0x20]  }
0x1c: {  	v3 =	vld [tilespmem:s31+$0x30]  }
0x1d: {  	v4 =	vld [tilespmem:s31+$0x40]  }
0x1e: {  	v5 =	vld [tilespmem:s31+$0x50];
	v0 =	vmul.f32 $2.771281240e+01, v0  }
0x1f: {  	v6 =	vld [tilespmem:s31+$0x60];
	v1 =	vmul.f32 $2.771281240e+01, v1  }
0x20: {  	[tilespmem:s31+$0x0] =	vst v0;
	v0 =	vmul.f32 $2.771281240e+01, v2;
	v2 =	vld [tilespmem:s31+$0x70]  }
0x21: {  	[tilespmem:s31+$0x10] =	vst v1;
	v1 =	vmul.f32 $2.771281240e+01, v3;
	v3 =	vld [tilespmem:s31+$0x400]  }
0x22: {  	[tilespmem:s31+$0x20] =	vst v0;
	v0 =	vmul.f32 $2.771281240e+01, v4;
	v4 =	vld [tilespmem:s31+$0x410]  }
0x23: {  	[tilespmem:s31+$0x30] =	vst v1;
	v1 =	vmul.f32 $2.771281240e+01, v5;
	v5 =	vld [tilespmem:s31+$0x420];
	_ =	sdelay $0x1  }
0x24: {  	[tilespmem:s31+$0x40] =	vst v0;
	v0 =	vmul.f32 $2.771281240e+01, v6;
	v6 =	vld [tilespmem:s31+$0x470]  }
0x25: {  	[tilespmem:s31+$0x50] =	vst v1;
	v1 =	vmul.f32 $2.771281240e+01, v2;
	v2 =	vld [tilespmem:s31+$0x430]  }
0x26: {  	[tilespmem:s31+$0x60] =	vst v0;
	v0 =	vmul.f32 $2.771281240e+01, v3;
	v3 =	vld [tilespmem:s31+$0x440]  }
0x27: {  	[tilespmem:s31+$0x70] =	vst v1;
	v1 =	vmul.f32 $2.771281240e+01, v4;
	v4 =	vmul.f32 $2.771281240e+01, v5;
	v5 =	vld [tilespmem:s31+$0x460]  }
0x28: {  	[tilespmem:s31+$0x400] =	vst v0;
	v0 =	vld [tilespmem:s31+$0x450]  }
0x29: {  	[tilespmem:s31+$0x410] =	vst v1;
	v1 =	vld [tilespmem:s31+$0x800];
	v6 =	vmul.f32 $2.771281240e+01, v6  }
0x2a: {  	[tilespmem:s31+$0x420] =	vst v4;
	v4 =	vld [tilespmem:s31+$0x810];
	v2 =	vmul.f32 $2.771281240e+01, v2  }
0x2b: {  	v3 =	vmul.f32 $2.771281240e+01, v3;
	[tilespmem:s31+$0x470] =	vst v6  }
0x2c: {  	[tilespmem:s31+$0x430] =	vst v2;
	v2 =	vld [tilespmem:s31+$0x820];
	v5 =	vmul.f32 $2.771281240e+01, v5  }
0x2d: {  	v0 =	vmul.f32 $2.771281240e+01, v0;
	[tilespmem:s31+$0x440] =	vst v3;
	v3 =	vld [tilespmem:s31+$0x830]  }
0x2e: {  	v6 =	vld [tilespmem:s31+$0x870];
	[tilespmem:s31+$0x460] =	vst v5;
	v1 =	vmul.f32 $2.771281240e+01, v1  }
0x2f: {  	v4 =	vmul.f32 $2.771281240e+01, v4;
	[tilespmem:s31+$0x450] =	vst v0;
	v0 =	vld [tilespmem:s31+$0x840]  }
0x30: {  	v5 =	vld [tilespmem:s31+$0x850];
	[tilespmem:s31+$0x800] =	vst v1  }
0x31: {  	[tilespmem:s31+$0x810] =	vst v4;
	v4 =	vld [tilespmem:s31+$0x860];
	v1 =	vmul.f32 $2.771281240e+01, v2  }
0x32: {  	v2 =	vld [tilespmem:s31+$0xC00];
	v3 =	vmul.f32 $2.771281240e+01, v3  }
0x33: {  	[tilespmem:s31+$0x820] =	vst v1;
	v1 =	vld [tilespmem:s31+$0xC10]  }
0x34: {  	v0 =	vmul.f32 $2.771281240e+01, v0;
	[tilespmem:s31+$0x830] =	vst v3;
	v3 =	vld [tilespmem:s31+$0xC20]  }
0x35: {  	v5 =	vmul.f32 $2.771281240e+01, v5  }
0x36: {  	v4 =	vmul.f32 $2.771281240e+01, v4;
	[tilespmem:s31+$0x840] =	vst v0;
	v0 =	vld [tilespmem:s31+$0xC30]  }
0x37: {  	[tilespmem:s31+$0x850] =	vst v5;
	v5 =	vld [tilespmem:s31+$0xC40];
	v2 =	vmul.f32 $2.771281240e+01, v2  }
0x38: {  	v6 =	vmul.f32 $2.771281240e+01, v6;
	[tilespmem:s31+$0x860] =	vst v4;
	v4 =	vld [tilespmem:s31+$0xC50]  }
0x39: {  	v1 =	vmul.f32 $2.771281240e+01, v1;
	[tilespmem:s31+$0xC00] =	vst v2;
	v2 =	vmul.f32 $2.771281240e+01, v3;
	v3 =	vld [tilespmem:s31+$0xC60]  }
0x3a: {  	[tilespmem:s31+$0x870] =	vst v6;
	v6 =	vld [tilespmem:s31+$0xC70]  }
0x3b: {  	[tilespmem:s31+$0xC10] =	vst v1;
	v1 =	vld [tilespmem:s31+$0x1000];
	v0 =	vmul.f32 $2.771281240e+01, v0  }
0x3c: {  	v5 =	vmul.f32 $2.771281240e+01, v5;
	[tilespmem:s31+$0xC20] =	vst v2;
	v2 =	vld [tilespmem:s31+$0x1010]  }
0x3d: {  	v4 =	vmul.f32 $2.771281240e+01, v4;
	[tilespmem:s31+$0xC30] =	vst v0;
	v0 =	vld [tilespmem:s31+$0x1020]  }
0x3e: {  	[tilespmem:s31+$0xC40] =	vst v5;
	v5 =	vld [tilespmem:s31+$0x1030];
	v3 =	vmul.f32 $2.771281240e+01, v3  }
0x3f: {  	v7 =	vld [tilespmem:s31+$0x1040];
	[tilespmem:s31+$0xC50] =	vst v4;
	v4 =	vmul.f32 $2.771281240e+01, v6  }
0x40: {  	v8 =	vld [tilespmem:s31+$0x1050];
	v1 =	vmul.f32 $2.771281240e+01, v1;
	[tilespmem:s31+$0xC60] =	vst v3  }
0x41: {  	[tilespmem:s31+$0xC70] =	vst v4;
	v2 =	vmul.f32 $2.771281240e+01, v2;
	v3 =	vld [tilespmem:s31+$0x1060]  }
0x42: {  	v4 =	vld [tilespmem:s31+$0x1070];
	[tilespmem:s31+$0x1000] =	vst v1;
	v0 =	vmul.f32 $2.771281240e+01, v0  }
0x43: {  	v1 =	vld [tilespmem:s31+$0x1400];
	[tilespmem:s31+$0x1010] =	vst v2;
	v2 =	vmul.f32 $2.771281240e+01, v5  }
0x44: {  	v6 =	vmul.f32 $2.771281240e+01, v7;
	[tilespmem:s31+$0x1020] =	vst v0;
	v0 =	vld [tilespmem:s31+$0x1410]  }
0x45: {  	s1 =	simm.s32 $0x1;
	s0 =	simm.s32 $0x0;
	v5 =	vmul.f32 $2.771281240e+01, v8;
	[tilespmem:s31+$0x1030] =	vst v2;
	v2 =	vld [tilespmem:s31+$0x1420]  }
.LBB2_2:
0x46: {  	s3 =	sshrl.u32 s1, $0x3;
	p0 =	sne.s32 s1, $0x3F;
	[tilespmem:s31+$0x1040] =	vst v6;
	v3 =	vmul.f32 $2.771281240e+01, v3;
	v6 =	vld [tilespmem:s31+$0x1430]  }
0x47: {  	s3 =	smul.u32 $0x6000, s3;
	[tilespmem:s31+$0x1050] =	vst v5;
	v4 =	vmul.f32 $2.771281240e+01, v4;
	v5 =	vld [tilespmem:s31+$0x1440]  }
0x48: {  	s0 =	sadd.s32 $0x80, s0;
	[tilespmem:s31+$0x1060] =	vst v3;
	v1 =	vmul.f32 $2.771281240e+01, v1;
	v3 =	vld [tilespmem:s31+$0x1450]  }
0x49: {  	s5 =	sand.u32 $0x380, s0;
	s3 =	sshra.s32 s3, $0x2;
	[tilespmem:s31+$0x1070] =	vst v4;
	v0 =	vmul.f32 $2.771281240e+01, v0;
	v4 =	vld [tilespmem:s31+$0x1460]  }
0x4a: {  	s3 =	sor.u32 s5, s3;
	[tilespmem:s31+$0x1400] =	vst v1;
	v1 =	vmul.f32 $2.771281240e+01, v2;
	v2 =	vld [tilespmem:s31+$0x1470]  }
0x4b: {  	v7 =	vld [tilespmem:s3+$0x0];
	[tilespmem:s31+$0x1410] =	vst v0;
	v0 =	vmul.f32 $2.771281240e+01, v6  }
0x4c: {  	v6 =	vld [tilespmem:s3+$0x10];
	[tilespmem:s31+$0x1420] =	vst v1;
	v1 =	vmul.f32 $2.771281240e+01, v5  }
0x4d: {  	v5 =	vld [tilespmem:s3+$0x20];
	[tilespmem:s31+$0x1430] =	vst v0;
	v0 =	vmul.f32 $2.771281240e+01, v3  }
0x4e: {  	v3 =	vld [tilespmem:s3+$0x30];
	[tilespmem:s31+$0x1440] =	vst v1;
	v1 =	vmul.f32 $2.771281240e+01, v4  }
0x4f: {  	v4 =	vld [tilespmem:s3+$0x40];
	[tilespmem:s31+$0x1450] =	vst v0;
	v0 =	vmul.f32 $2.771281240e+01, v2  }
0x50: {  	v2 =	vmul.f32 $2.771281240e+01, v7;
	v7 =	vld [tilespmem:s3+$0x50];
	[tilespmem:s31+$0x1460] =	vst v1  }
0x51: {  	v1 =	vmul.f32 $2.771281240e+01, v6;
	v6 =	vld [tilespmem:s3+$0x60];
	[tilespmem:s31+$0x1470] =	vst v0;
	s31 =	smov.u32 s3  }
0x52: {  	[tilespmem:s31+$0x0] =	vst v2;
	v0 =	vmul.f32 $2.771281240e+01, v5;
	v2 =	vld [tilespmem:s31+$0x70]  }
0x53: {  	[tilespmem:s31+$0x10] =	vst v1;
	v1 =	vmul.f32 $2.771281240e+01, v3;
	v3 =	vld [tilespmem:s31+$0x400]  }
0x54: {  	[tilespmem:s31+$0x20] =	vst v0;
	v0 =	vmul.f32 $2.771281240e+01, v4;
	v4 =	vld [tilespmem:s31+$0x410]  }
0x55: {  	[tilespmem:s31+$0x30] =	vst v1;
	v1 =	vmul.f32 $2.771281240e+01, v7;
	v5 =	vld [tilespmem:s31+$0x420]  }
0x56: {  	[tilespmem:s31+$0x40] =	vst v0;
	v0 =	vmul.f32 $2.771281240e+01, v6;
	v6 =	vld [tilespmem:s31+$0x430]  }
0x57: {  	[tilespmem:s31+$0x50] =	vst v1;
	v1 =	vmul.f32 $2.771281240e+01, v2;
	v2 =	vld [tilespmem:s31+$0x440]  }
0x58: {  	[tilespmem:s31+$0x60] =	vst v0;
	v0 =	vmul.f32 $2.771281240e+01, v3;
	v3 =	vld [tilespmem:s31+$0x450]  }
0x59: {  	[tilespmem:s31+$0x70] =	vst v1;
	v1 =	vmul.f32 $2.771281240e+01, v4;
	v4 =	vld [tilespmem:s31+$0x460]  }
0x5a: {  	[tilespmem:s31+$0x400] =	vst v0;
	v0 =	vmul.f32 $2.771281240e+01, v5;
	v5 =	vld [tilespmem:s31+$0x470]  }
0x5b: {  	[tilespmem:s31+$0x410] =	vst v1;
	v1 =	vmul.f32 $2.771281240e+01, v6;
	v6 =	vld [tilespmem:s31+$0x800]  }
0x5c: {  	[tilespmem:s31+$0x420] =	vst v0;
	v0 =	vmul.f32 $2.771281240e+01, v2;
	v2 =	vld [tilespmem:s31+$0x810]  }
0x5d: {  	[tilespmem:s31+$0x430] =	vst v1;
	v1 =	vmul.f32 $2.771281240e+01, v3;
	v3 =	vld [tilespmem:s31+$0x820]  }
0x5e: {  	[tilespmem:s31+$0x440] =	vst v0;
	v0 =	vmul.f32 $2.771281240e+01, v4;
	v4 =	vld [tilespmem:s31+$0x830]  }
0x5f: {  	[tilespmem:s31+$0x450] =	vst v1;
	v1 =	vmul.f32 $2.771281240e+01, v5;
	v5 =	vld [tilespmem:s31+$0x840]  }
0x60: {  	[tilespmem:s31+$0x460] =	vst v0;
	v0 =	vmul.f32 $2.771281240e+01, v6;
	v6 =	vld [tilespmem:s31+$0x850]  }
0x61: {  	[tilespmem:s31+$0x470] =	vst v1;
	v1 =	vmul.f32 $2.771281240e+01, v2;
	v2 =	vld [tilespmem:s31+$0x860]  }
0x62: {  	[tilespmem:s31+$0x800] =	vst v0;
	v0 =	vmul.f32 $2.771281240e+01, v3;
	v3 =	vld [tilespmem:s31+$0x870]  }
0x63: {  	[tilespmem:s31+$0x810] =	vst v1;
	v1 =	vmul.f32 $2.771281240e+01, v4;
	v4 =	vld [tilespmem:s31+$0xC00]  }
0x64: {  	[tilespmem:s31+$0x820] =	vst v0;
	v0 =	vmul.f32 $2.771281240e+01, v5;
	v5 =	vld [tilespmem:s31+$0xC10]  }
0x65: {  	[tilespmem:s31+$0x830] =	vst v1;
	v1 =	vmul.f32 $2.771281240e+01, v6;
	v6 =	vld [tilespmem:s31+$0xC20]  }
0x66: {  	[tilespmem:s31+$0x840] =	vst v0;
	v0 =	vmul.f32 $2.771281240e+01, v2;
	v2 =	vld [tilespmem:s31+$0xC30]  }
0x67: {  	[tilespmem:s31+$0x850] =	vst v1;
	v1 =	vmul.f32 $2.771281240e+01, v3;
	v3 =	vld [tilespmem:s31+$0xC40]  }
0x68: {  	[tilespmem:s31+$0x860] =	vst v0;
	v0 =	vmul.f32 $2.771281240e+01, v4;
	v4 =	vld [tilespmem:s31+$0xC50]  }
0x69: {  	[tilespmem:s31+$0x870] =	vst v1;
	v1 =	vmul.f32 $2.771281240e+01, v5;
	v5 =	vld [tilespmem:s31+$0xC60]  }
0x6a: {  	[tilespmem:s31+$0xC00] =	vst v0;
	v0 =	vmul.f32 $2.771281240e+01, v6;
	v6 =	vld [tilespmem:s31+$0xC70]  }
0x6b: {  	[tilespmem:s31+$0xC10] =	vst v1;
	v1 =	vmul.f32 $2.771281240e+01, v2;
	v2 =	vld [tilespmem:s31+$0x1000]  }
0x6c: {  	[tilespmem:s31+$0xC20] =	vst v0;
	v0 =	vmul.f32 $2.771281240e+01, v3;
	v3 =	vld [tilespmem:s31+$0x1010]  }
0x6d: {  	[tilespmem:s31+$0xC30] =	vst v1;
	v1 =	vmul.f32 $2.771281240e+01, v4;
	v4 =	vld [tilespmem:s31+$0x1020]  }
0x6e: {  	[tilespmem:s31+$0xC40] =	vst v0;
	v0 =	vmul.f32 $2.771281240e+01, v5;
	v5 =	vld [tilespmem:s31+$0x1030]  }
0x6f: {  	[tilespmem:s31+$0xC50] =	vst v1;
	v1 =	vmul.f32 $2.771281240e+01, v6;
	v6 =	vld [tilespmem:s31+$0x1040]  }
0x70: {  	[tilespmem:s31+$0xC60] =	vst v0;
	v0 =	vmul.f32 $2.771281240e+01, v2;
	v2 =	vld [tilespmem:s31+$0x1050]  }
.Ltmp0:
0x71: {  	[tilespmem:s31+$0xC70] =	vst v1;
	v1 =	vmul.f32 $2.771281240e+01, v3;
	v3 =	vld [tilespmem:s31+$0x1060];
	(pc) =	sbr.rel @p0 .LBB2_2-.Ltmp0, $4  }
0x72: {  	[tilespmem:s31+$0x1000] =	vst v0;
	v0 =	vmul.f32 $2.771281240e+01, v4;
	v4 =	vld [tilespmem:s31+$0x1070]  }
0x73: {  	[tilespmem:s31+$0x1010] =	vst v1;
	v5 =	vmul.f32 $2.771281240e+01, v5;
	v1 =	vld [tilespmem:s31+$0x1400]  }
0x74: {  	[tilespmem:s31+$0x1020] =	vst v0;
	v6 =	vmul.f32 $2.771281240e+01, v6;
	v0 =	vld [tilespmem:s31+$0x1410]  }
0x75: {  	s1 =	sadd.s32 $0x1, s1;
	[tilespmem:s31+$0x1030] =	vst v5;
	v5 =	vmul.f32 $2.771281240e+01, v2;
	v2 =	vld [tilespmem:s31+$0x1420]  }
0x76: {  	[tilespmem:s31+$0x1040] =	vst v6;
	v6 =	vld [tilespmem:s31+$0x1430];
	v3 =	vmul.f32 $2.771281240e+01, v3  }
0x77: {  	[tilespmem:s31+$0x1050] =	vst v5;
	v5 =	vld [tilespmem:s31+$0x1440];
	v4 =	vmul.f32 $2.771281240e+01, v4  }
0x78: {  	[tilespmem:s31+$0x1060] =	vst v3;
	v3 =	vld [tilespmem:s31+$0x1450];
	v1 =	vmul.f32 $2.771281240e+01, v1  }
0x79: {  	[tilespmem:s31+$0x1070] =	vst v4;
	v0 =	vmul.f32 $2.771281240e+01, v0;
	v4 =	vld [tilespmem:s31+$0x1460]  }
0x7a: {  	[tilespmem:s31+$0x1400] =	vst v1;
	v1 =	vmul.f32 $2.771281240e+01, v2;
	v2 =	vld [tilespmem:s31+$0x1470]  }
0x7b: {  	[tilespmem:s31+$0x1410] =	vst v0;
	v0 =	vmul.f32 $2.771281240e+01, v6  }
0x7c: {  	[tilespmem:s31+$0x1420] =	vst v1;
	v1 =	vmul.f32 $2.771281240e+01, v5  }
0x7d: {  	[tilespmem:s31+$0x1430] =	vst v0;
	v0 =	vmul.f32 $2.771281240e+01, v3  }
0x7e: {  	[tilespmem:s31+$0x1440] =	vst v1;
	v1 =	vmul.f32 $2.771281240e+01, v4  }
0x7f: {  	[tilespmem:s31+$0x1450] =	vst v0;
	v0 =	vmul.f32 $2.771281240e+01, v2  }
0x80: {  	[tilespmem:s31+$0x1460] =	vst v1  }
0x81: {  	s1 =	simm.s32 $0x0;
	[tilespmem:s31+$0x1470] =	vst v0  }
0x82: {  	[hbm4b:s4+s1] =	stream.linear.scatter [tilespmem:s1], [sflag:$0x3], $0xC000, $0x38;
	[tilespmem:$0x18000] =	vst v63  }
0x83: {  	_ = 	snop  }
0x84: {  	[hbm4b:s6+s1] =	stream.linear.scatter [tilespmem:s1], [sflag:$0x3], $0xC000, $0x38;
	[tilespmem:$0x18000] =	vst v63  }
0x85: {  	_ = 	snop  }
0x86: {  	[hbm4b:s7+s1] =	stream.linear.scatter [tilespmem:s1], [sflag:$0x3], $0xC000, $0x38;
	[tilespmem:$0x18000] =	vst v63  }
0x87: {  	_ = 	snop  }
0x88: {  	[hbm4b:s8+s1] =	stream.linear.scatter [tilespmem:s1], [sflag:$0x3], $0xC000, $0x38;
	[tilespmem:$0x18000] =	vst v63  }
0x89: {  	_ =	swait.ge [sflag:s26], $0xC000  }
0x8a: {  	[sflag:s26] =	ssyncset.done $0x0  }
0x8b: {  	[sflag:s26] =	ssyncadd.s32 $0xFFFF4000  }
0x8c: {  	_ =	swait.ge [sflag:s26], $0xC000  }
0x8d: {  	[sflag:s26] =	ssyncset.done $0x0  }
0x8e: {  	[sflag:s26] =	ssyncadd.s32 $0xFFFF4000  }
0x8f: {  	_ =	swait.ge [sflag:s26], $0xC000  }
0x90: {  	[sflag:s26] =	ssyncset.done $0x0  }
0x91: {  	[sflag:s26] =	ssyncadd.s32 $0xFFFF4000  }
0x92: {  	_ =	swait.ge [sflag:s26], $0xC000  }
0x93: {  	s0 =	simm.s32 $0x0;
	[sflag:s26] =	ssyncset.done $0x0  }
0x94: {  	s0 =	smul.u32 $0x6000, s0;
	[sflag:s26] =	ssyncadd.s32 $0xFFFF4000  }
0x95: {  	[tilespmem:s1], [sflag:$0x1] =	stream.linear.gather [hbm4b:s9+s1], $0xC000, $0x38;
	[tilespmem:$0x18000] =	vst v63  }
0x96: {  	_ =	swait.ge [sflag:s28], $0xC000  }
0x97: {  	s3 =	sand.u32 $0x380, s1;
	s0 =	sshra.s32 s0, $0x2;
	[sflag:s28] =	ssyncset.done $0x0  }
0x98: {  	s31 =	sor.u32 s3, s0;
	[sflag:s28] =	ssyncadd.s32 $0xFFFF4000  }
0x99: {  	v0 =	vld [tilespmem:s31+$0xC000]  }
0x9a: {  	v1 =	vld [tilespmem:s31+$0xC010]  }
0x9b: {  	v2 =	vld [tilespmem:s31+$0xC020]  }
0x9c: {  	v3 =	vld [tilespmem:s31+$0xC030]  }
0x9d: {  	v4 =	vld [tilespmem:s31+$0xC040]  }
0x9e: {  	v5 =	vld [tilespmem:s31+$0xC050];
	v0 =	vmul.f32 $2.771281240e+01, v0  }
0x9f: {  	v6 =	vld [tilespmem:s31+$0xC060];
	v1 =	vmul.f32 $2.771281240e+01, v1  }
0xa0: {  	[tilespmem:s31+$0xC000] =	vst v0;
	v0 =	vmul.f32 $2.771281240e+01, v2;
	v2 =	vld [tilespmem:s31+$0xC070]  }
0xa1: {  	[tilespmem:s31+$0xC010] =	vst v1;
	v1 =	vmul.f32 $2.771281240e+01, v3;
	v3 =	vld [tilespmem:s31+$0xC400]  }
0xa2: {  	[tilespmem:s31+$0xC020] =	vst v0;
	v0 =	vmul.f32 $2.771281240e+01, v4;
	v4 =	vld [tilespmem:s31+$0xC410]  }
0xa3: {  	[tilespmem:s31+$0xC030] =	vst v1;
	v1 =	vmul.f32 $2.771281240e+01, v5;
	v5 =	vld [tilespmem:s31+$0xC420];
	_ =	sdelay $0x1  }
0xa4: {  	[tilespmem:s31+$0xC040] =	vst v0;
	v0 =	vmul.f32 $2.771281240e+01, v6;
	v6 =	vld [tilespmem:s31+$0xC470]  }
0xa5: {  	[tilespmem:s31+$0xC050] =	vst v1;
	v1 =	vmul.f32 $2.771281240e+01, v2;
	v2 =	vld [tilespmem:s31+$0xC430]  }
0xa6: {  	[tilespmem:s31+$0xC060] =	vst v0;
	v0 =	vmul.f32 $2.771281240e+01, v3;
	v3 =	vld [tilespmem:s31+$0xC440]  }
0xa7: {  	[tilespmem:s31+$0xC070] =	vst v1;
	v1 =	vmul.f32 $2.771281240e+01, v4;
	v4 =	vmul.f32 $2.771281240e+01, v5;
	v5 =	vld [tilespmem:s31+$0xC460]  }
0xa8: {  	[tilespmem:s31+$0xC400] =	vst v0;
	v0 =	vld [tilespmem:s31+$0xC450]  }
0xa9: {  	[tilespmem:s31+$0xC410] =	vst v1;
	v1 =	vld [tilespmem:s31+$0xC800];
	v6 =	vmul.f32 $2.771281240e+01, v6  }
0xaa: {  	[tilespmem:s31+$0xC420] =	vst v4;
	v4 =	vld [tilespmem:s31+$0xC810];
	v2 =	vmul.f32 $2.771281240e+01, v2  }
0xab: {  	v3 =	vmul.f32 $2.771281240e+01, v3;
	[tilespmem:s31+$0xC470] =	vst v6  }
0xac: {  	[tilespmem:s31+$0xC430] =	vst v2;
	v2 =	vld [tilespmem:s31+$0xC820];
	v5 =	vmul.f32 $2.771281240e+01, v5  }
0xad: {  	v0 =	vmul.f32 $2.771281240e+01, v0;
	[tilespmem:s31+$0xC440] =	vst v3;
	v3 =	vld [tilespmem:s31+$0xC830]  }
0xae: {  	v6 =	vld [tilespmem:s31+$0xC870];
	[tilespmem:s31+$0xC460] =	vst v5;
	v1 =	vmul.f32 $2.771281240e+01, v1  }
0xaf: {  	v4 =	vmul.f32 $2.771281240e+01, v4;
	[tilespmem:s31+$0xC450] =	vst v0;
	v0 =	vld [tilespmem:s31+$0xC840]  }
0xb0: {  	v5 =	vld [tilespmem:s31+$0xC850];
	[tilespmem:s31+$0xC800] =	vst v1  }
0xb1: {  	[tilespmem:s31+$0xC810] =	vst v4;
	v4 =	vld [tilespmem:s31+$0xC860];
	v1 =	vmul.f32 $2.771281240e+01, v2  }
0xb2: {  	v2 =	vld [tilespmem:s31+$0xCC00];
	v3 =	vmul.f32 $2.771281240e+01, v3  }
0xb3: {  	[tilespmem:s31+$0xC820] =	vst v1;
	v1 =	vld [tilespmem:s31+$0xCC10]  }
0xb4: {  	v0 =	vmul.f32 $2.771281240e+01, v0;
	[tilespmem:s31+$0xC830] =	vst v3;
	v3 =	vld [tilespmem:s31+$0xCC20]  }
0xb5: {  	v5 =	vmul.f32 $2.771281240e+01, v5  }
0xb6: {  	v4 =	vmul.f32 $2.771281240e+01, v4;
	[tilespmem:s31+$0xC840] =	vst v0;
	v0 =	vld [tilespmem:s31+$0xCC30]  }
0xb7: {  	[tilespmem:s31+$0xC850] =	vst v5;
	v5 =	vld [tilespmem:s31+$0xCC40];
	v2 =	vmul.f32 $2.771281240e+01, v2  }
0xb8: {  	v6 =	vmul.f32 $2.771281240e+01, v6;
	[tilespmem:s31+$0xC860] =	vst v4;
	v4 =	vld [tilespmem:s31+$0xCC50]  }
0xb9: {  	v1 =	vmul.f32 $2.771281240e+01, v1;
	[tilespmem:s31+$0xCC00] =	vst v2;
	v2 =	vmul.f32 $2.771281240e+01, v3;
	v3 =	vld [tilespmem:s31+$0xCC60]  }
0xba: {  	[tilespmem:s31+$0xC870] =	vst v6;
	v6 =	vld [tilespmem:s31+$0xCC70]  }
0xbb: {  	[tilespmem:s31+$0xCC10] =	vst v1;
	v1 =	vld [tilespmem:s31+$0xD000];
	v0 =	vmul.f32 $2.771281240e+01, v0  }
0xbc: {  	v5 =	vmul.f32 $2.771281240e+01, v5;
	[tilespmem:s31+$0xCC20] =	vst v2;
	v2 =	vld [tilespmem:s31+$0xD010]  }
0xbd: {  	v4 =	vmul.f32 $2.771281240e+01, v4;
	[tilespmem:s31+$0xCC30] =	vst v0;
	v0 =	vld [tilespmem:s31+$0xD020]  }
0xbe: {  	[tilespmem:s31+$0xCC40] =	vst v5;
	v5 =	vld [tilespmem:s31+$0xD030];
	v3 =	vmul.f32 $2.771281240e+01, v3  }
0xbf: {  	v7 =	vld [tilespmem:s31+$0xD040];
	[tilespmem:s31+$0xCC50] =	vst v4;
	v4 =	vmul.f32 $2.771281240e+01, v6  }
0xc0: {  	v8 =	vld [tilespmem:s31+$0xD050];
	v1 =	vmul.f32 $2.771281240e+01, v1;
	[tilespmem:s31+$0xCC60] =	vst v3  }
0xc1: {  	[tilespmem:s31+$0xCC70] =	vst v4;
	v2 =	vmul.f32 $2.771281240e+01, v2;
	v3 =	vld [tilespmem:s31+$0xD060]  }
0xc2: {  	v4 =	vld [tilespmem:s31+$0xD070];
	[tilespmem:s31+$0xD000] =	vst v1;
	v0 =	vmul.f32 $2.771281240e+01, v0  }
0xc3: {  	v1 =	vld [tilespmem:s31+$0xD400];
	[tilespmem:s31+$0xD010] =	vst v2;
	v2 =	vmul.f32 $2.771281240e+01, v5  }
0xc4: {  	v6 =	vmul.f32 $2.771281240e+01, v7;
	[tilespmem:s31+$0xD020] =	vst v0;
	v0 =	vld [tilespmem:s31+$0xD410]  }
0xc5: {  	s0 =	simm.s32 $0x1;
	v5 =	vmul.f32 $2.771281240e+01, v8;
	[tilespmem:s31+$0xD030] =	vst v2;
	v2 =	vld [tilespmem:s31+$0xD420]  }
.LBB2_4:
0xc6: {  	s3 =	sshrl.u32 s0, $0x3;
	p0 =	sne.s32 s0, $0x3F;
	[tilespmem:s31+$0xD040] =	vst v6;
	v3 =	vmul.f32 $2.771281240e+01, v3;
	v6 =	vld [tilespmem:s31+$0xD430]  }
0xc7: {  	s3 =	smul.u32 $0x6000, s3;
	[tilespmem:s31+$0xD050] =	vst v5;
	v4 =	vmul.f32 $2.771281240e+01, v4;
	v5 =	vld [tilespmem:s31+$0xD440]  }
0xc8: {  	s1 =	sadd.s32 $0x80, s1;
	[tilespmem:s31+$0xD060] =	vst v3;
	v1 =	vmul.f32 $2.771281240e+01, v1;
	v3 =	vld [tilespmem:s31+$0xD450]  }
0xc9: {  	s5 =	sand.u32 $0x380, s1;
	s3 =	sshra.s32 s3, $0x2;
	[tilespmem:s31+$0xD070] =	vst v4;
	v0 =	vmul.f32 $2.771281240e+01, v0;
	v4 =	vld [tilespmem:s31+$0xD460]  }
0xca: {  	s3 =	sor.u32 s5, s3;
	[tilespmem:s31+$0xD400] =	vst v1;
	v1 =	vmul.f32 $2.771281240e+01, v2;
	v2 =	vld [tilespmem:s31+$0xD470]  }
0xcb: {  	v7 =	vld [tilespmem:s3+$0xC000];
	[tilespmem:s31+$0xD410] =	vst v0;
	v0 =	vmul.f32 $2.771281240e+01, v6  }
0xcc: {  	v6 =	vld [tilespmem:s3+$0xC010];
	[tilespmem:s31+$0xD420] =	vst v1;
	v1 =	vmul.f32 $2.771281240e+01, v5  }
0xcd: {  	v5 =	vld [tilespmem:s3+$0xC020];
	[tilespmem:s31+$0xD430] =	vst v0;
	v0 =	vmul.f32 $2.771281240e+01, v3  }
0xce: {  	v3 =	vld [tilespmem:s3+$0xC030];
	[tilespmem:s31+$0xD440] =	vst v1;
	v1 =	vmul.f32 $2.771281240e+01, v4  }
0xcf: {  	v4 =	vld [tilespmem:s3+$0xC040];
	[tilespmem:s31+$0xD450] =	vst v0;
	v0 =	vmul.f32 $2.771281240e+01, v2  }
0xd0: {  	v2 =	vmul.f32 $2.771281240e+01, v7;
	v7 =	vld [tilespmem:s3+$0xC050];
	[tilespmem:s31+$0xD460] =	vst v1  }
0xd1: {  	v1 =	vmul.f32 $2.771281240e+01, v6;
	v6 =	vld [tilespmem:s3+$0xC060];
	[tilespmem:s31+$0xD470] =	vst v0;
	s31 =	smov.u32 s3  }
0xd2: {  	[tilespmem:s31+$0xC000] =	vst v2;
	v0 =	vmul.f32 $2.771281240e+01, v5;
	v2 =	vld [tilespmem:s31+$0xC070]  }
0xd3: {  	[tilespmem:s31+$0xC010] =	vst v1;
	v1 =	vmul.f32 $2.771281240e+01, v3;
	v3 =	vld [tilespmem:s31+$0xC400]  }
0xd4: {  	[tilespmem:s31+$0xC020] =	vst v0;
	v0 =	vmul.f32 $2.771281240e+01, v4;
	v4 =	vld [tilespmem:s31+$0xC410]  }
0xd5: {  	[tilespmem:s31+$0xC030] =	vst v1;
	v1 =	vmul.f32 $2.771281240e+01, v7;
	v5 =	vld [tilespmem:s31+$0xC420]  }
0xd6: {  	[tilespmem:s31+$0xC040] =	vst v0;
	v0 =	vmul.f32 $2.771281240e+01, v6;
	v6 =	vld [tilespmem:s31+$0xC430]  }
0xd7: {  	[tilespmem:s31+$0xC050] =	vst v1;
	v1 =	vmul.f32 $2.771281240e+01, v2;
	v2 =	vld [tilespmem:s31+$0xC440]  }
0xd8: {  	[tilespmem:s31+$0xC060] =	vst v0;
	v0 =	vmul.f32 $2.771281240e+01, v3;
	v3 =	vld [tilespmem:s31+$0xC450]  }
0xd9: {  	[tilespmem:s31+$0xC070] =	vst v1;
	v1 =	vmul.f32 $2.771281240e+01, v4;
	v4 =	vld [tilespmem:s31+$0xC460]  }
0xda: {  	[tilespmem:s31+$0xC400] =	vst v0;
	v0 =	vmul.f32 $2.771281240e+01, v5;
	v5 =	vld [tilespmem:s31+$0xC470]  }
0xdb: {  	[tilespmem:s31+$0xC410] =	vst v1;
	v1 =	vmul.f32 $2.771281240e+01, v6;
	v6 =	vld [tilespmem:s31+$0xC800]  }
0xdc: {  	[tilespmem:s31+$0xC420] =	vst v0;
	v0 =	vmul.f32 $2.771281240e+01, v2;
	v2 =	vld [tilespmem:s31+$0xC810]  }
0xdd: {  	[tilespmem:s31+$0xC430] =	vst v1;
	v1 =	vmul.f32 $2.771281240e+01, v3;
	v3 =	vld [tilespmem:s31+$0xC820]  }
0xde: {  	[tilespmem:s31+$0xC440] =	vst v0;
	v0 =	vmul.f32 $2.771281240e+01, v4;
	v4 =	vld [tilespmem:s31+$0xC830]  }
0xdf: {  	[tilespmem:s31+$0xC450] =	vst v1;
	v1 =	vmul.f32 $2.771281240e+01, v5;
	v5 =	vld [tilespmem:s31+$0xC840]  }
0xe0: {  	[tilespmem:s31+$0xC460] =	vst v0;
	v0 =	vmul.f32 $2.771281240e+01, v6;
	v6 =	vld [tilespmem:s31+$0xC850]  }
0xe1: {  	[tilespmem:s31+$0xC470] =	vst v1;
	v1 =	vmul.f32 $2.771281240e+01, v2;
	v2 =	vld [tilespmem:s31+$0xC860]  }
0xe2: {  	[tilespmem:s31+$0xC800] =	vst v0;
	v0 =	vmul.f32 $2.771281240e+01, v3;
	v3 =	vld [tilespmem:s31+$0xC870]  }
0xe3: {  	[tilespmem:s31+$0xC810] =	vst v1;
	v1 =	vmul.f32 $2.771281240e+01, v4;
	v4 =	vld [tilespmem:s31+$0xCC00]  }
0xe4: {  	[tilespmem:s31+$0xC820] =	vst v0;
	v0 =	vmul.f32 $2.771281240e+01, v5;
	v5 =	vld [tilespmem:s31+$0xCC10]  }
0xe5: {  	[tilespmem:s31+$0xC830] =	vst v1;
	v1 =	vmul.f32 $2.771281240e+01, v6;
	v6 =	vld [tilespmem:s31+$0xCC20]  }
0xe6: {  	[tilespmem:s31+$0xC840] =	vst v0;
	v0 =	vmul.f32 $2.771281240e+01, v2;
	v2 =	vld [tilespmem:s31+$0xCC30]  }
0xe7: {  	[tilespmem:s31+$0xC850] =	vst v1;
	v1 =	vmul.f32 $2.771281240e+01, v3;
	v3 =	vld [tilespmem:s31+$0xCC40]  }
0xe8: {  	[tilespmem:s31+$0xC860] =	vst v0;
	v0 =	vmul.f32 $2.771281240e+01, v4;
	v4 =	vld [tilespmem:s31+$0xCC50]  }
0xe9: {  	[tilespmem:s31+$0xC870] =	vst v1;
	v1 =	vmul.f32 $2.771281240e+01, v5;
	v5 =	vld [tilespmem:s31+$0xCC60]  }
0xea: {  	[tilespmem:s31+$0xCC00] =	vst v0;
	v0 =	vmul.f32 $2.771281240e+01, v6;
	v6 =	vld [tilespmem:s31+$0xCC70]  }
0xeb: {  	[tilespmem:s31+$0xCC10] =	vst v1;
	v1 =	vmul.f32 $2.771281240e+01, v2;
	v2 =	vld [tilespmem:s31+$0xD000]  }
0xec: {  	[tilespmem:s31+$0xCC20] =	vst v0;
	v0 =	vmul.f32 $2.771281240e+01, v3;
	v3 =	vld [tilespmem:s31+$0xD010]  }
0xed: {  	[tilespmem:s31+$0xCC30] =	vst v1;
	v1 =	vmul.f32 $2.771281240e+01, v4;
	v4 =	vld [tilespmem:s31+$0xD020]  }
0xee: {  	[tilespmem:s31+$0xCC40] =	vst v0;
	v0 =	vmul.f32 $2.771281240e+01, v5;
	v5 =	vld [tilespmem:s31+$0xD030]  }
0xef: {  	[tilespmem:s31+$0xCC50] =	vst v1;
	v1 =	vmul.f32 $2.771281240e+01, v6;
	v6 =	vld [tilespmem:s31+$0xD040]  }
0xf0: {  	[tilespmem:s31+$0xCC60] =	vst v0;
	v0 =	vmul.f32 $2.771281240e+01, v2;
	v2 =	vld [tilespmem:s31+$0xD050]  }
.Ltmp1:
0xf1: {  	[tilespmem:s31+$0xCC70] =	vst v1;
	v1 =	vmul.f32 $2.771281240e+01, v3;
	v3 =	vld [tilespmem:s31+$0xD060];
	(pc) =	sbr.rel @p0 .LBB2_4-.Ltmp1, $4  }
0xf2: {  	[tilespmem:s31+$0xD000] =	vst v0;
	v0 =	vmul.f32 $2.771281240e+01, v4;
	v4 =	vld [tilespmem:s31+$0xD070]  }
0xf3: {  	[tilespmem:s31+$0xD010] =	vst v1;
	v5 =	vmul.f32 $2.771281240e+01, v5;
	v1 =	vld [tilespmem:s31+$0xD400]  }
0xf4: {  	[tilespmem:s31+$0xD020] =	vst v0;
	v6 =	vmul.f32 $2.771281240e+01, v6;
	v0 =	vld [tilespmem:s31+$0xD410]  }
0xf5: {  	s0 =	sadd.s32 $0x1, s0;
	[tilespmem:s31+$0xD030] =	vst v5;
	v5 =	vmul.f32 $2.771281240e+01, v2;
	v2 =	vld [tilespmem:s31+$0xD420]  }
0xf6: {  	[tilespmem:s31+$0xD040] =	vst v6;
	v6 =	vld [tilespmem:s31+$0xD430];
	v3 =	vmul.f32 $2.771281240e+01, v3  }
0xf7: {  	[tilespmem:s31+$0xD050] =	vst v5;
	v5 =	vld [tilespmem:s31+$0xD440];
	v4 =	vmul.f32 $2.771281240e+01, v4  }
0xf8: {  	[tilespmem:s31+$0xD060] =	vst v3;
	v3 =	vld [tilespmem:s31+$0xD450];
	v1 =	vmul.f32 $2.771281240e+01, v1  }
0xf9: {  	[tilespmem:s31+$0xD070] =	vst v4;
	v0 =	vmul.f32 $2.771281240e+01, v0;
	v4 =	vld [tilespmem:s31+$0xD460]  }
0xfa: {  	[tilespmem:s31+$0xD400] =	vst v1;
	v1 =	vmul.f32 $2.771281240e+01, v2;
	v2 =	vld [tilespmem:s31+$0xD470]  }
0xfb: {  	[tilespmem:s31+$0xD410] =	vst v0;
	v0 =	vmul.f32 $2.771281240e+01, v6  }
0xfc: {  	[tilespmem:s31+$0xD420] =	vst v1;
	v1 =	vmul.f32 $2.771281240e+01, v5  }
0xfd: {  	[tilespmem:s31+$0xD430] =	vst v0;
	v0 =	vmul.f32 $2.771281240e+01, v3  }
0xfe: {  	[tilespmem:s31+$0xD440] =	vst v1;
	v1 =	vmul.f32 $2.771281240e+01, v4  }
0xff: {  	[tilespmem:s31+$0xD450] =	vst v0;
	v0 =	vmul.f32 $2.771281240e+01, v2  }
0x100: {  	[tilespmem:s31+$0xD460] =	vst v1  }
0x101: {  	s1 =	simm.s32 $0x0;
	[tilespmem:s31+$0xD470] =	vst v0  }
0x102: {  	[hbm4b:s10+s1] =	stream.linear.scatter [tilespmem:s24], [sflag:$0x4], $0xC000, $0x38;
	[tilespmem:$0x18000] =	vst v63  }
0x103: {  	_ = 	snop  }
0x104: {  	[hbm4b:s11+s1] =	stream.linear.scatter [tilespmem:s24], [sflag:$0x4], $0xC000, $0x38;
	[tilespmem:$0x18000] =	vst v63  }
0x105: {  	_ = 	snop  }
0x106: {  	[hbm4b:s12+s1] =	stream.linear.scatter [tilespmem:s24], [sflag:$0x4], $0xC000, $0x38;
	[tilespmem:$0x18000] =	vst v63  }
0x107: {  	_ = 	snop  }
0x108: {  	[hbm4b:s13+s1] =	stream.linear.scatter [tilespmem:s24], [sflag:$0x4], $0xC000, $0x38;
	[tilespmem:$0x18000] =	vst v63  }
0x109: {  	_ =	swait.ge [sflag:s29], $0xC000  }
0x10a: {  	[sflag:s29] =	ssyncset.done $0x0  }
0x10b: {  	[sflag:s29] =	ssyncadd.s32 $0xFFFF4000  }
0x10c: {  	_ =	swait.ge [sflag:s29], $0xC000  }
0x10d: {  	[sflag:s29] =	ssyncset.done $0x0  }
0x10e: {  	[sflag:s29] =	ssyncadd.s32 $0xFFFF4000  }
0x10f: {  	_ =	swait.ge [sflag:s29], $0xC000  }
0x110: {  	[sflag:s29] =	ssyncset.done $0x0  }
0x111: {  	[sflag:s29] =	ssyncadd.s32 $0xFFFF4000  }
0x112: {  	_ =	swait.ge [sflag:s29], $0xC000  }
0x113: {  	s0 =	simm.s32 $0x0;
	[sflag:s29] =	ssyncset.done $0x0  }
0x114: {  	s0 =	smul.u32 $0x6000, s0;
	[sflag:s29] =	ssyncadd.s32 $0xFFFF4000  }
0x115: {  	[tilespmem:s24], [sflag:$0x2] =	stream.linear.gather [hbm4b:s14+s1], $0xC000, $0x38;
	[tilespmem:$0x18000] =	vst v63  }
0x116: {  	_ =	swait.ge [sflag:s25], $0xC000  }
0x117: {  	s3 =	sand.u32 $0x380, s1;
	s0 =	sshra.s32 s0, $0x2;
	[sflag:s25] =	ssyncset.done $0x0  }
0x118: {  	s31 =	sor.u32 s3, s0;
	[sflag:s25] =	ssyncadd.s32 $0xFFFF4000  }
0x119: {  	v0 =	vld [tilespmem:s31+$0x0]  }
0x11a: {  	v1 =	vld [tilespmem:s31+$0x10]  }
0x11b: {  	v2 =	vld [tilespmem:s31+$0x20]  }
0x11c: {  	v3 =	vld [tilespmem:s31+$0x30]  }
0x11d: {  	v4 =	vld [tilespmem:s31+$0x40]  }
0x11e: {  	v5 =	vld [tilespmem:s31+$0x50];
	v0 =	vmul.f32 $2.771281240e+01, v0  }
0x11f: {  	v6 =	vld [tilespmem:s31+$0x60];
	v1 =	vmul.f32 $2.771281240e+01, v1  }
0x120: {  	[tilespmem:s31+$0x0] =	vst v0;
	v0 =	vmul.f32 $2.771281240e+01, v2;
	v2 =	vld [tilespmem:s31+$0x70]  }
0x121: {  	[tilespmem:s31+$0x10] =	vst v1;
	v1 =	vmul.f32 $2.771281240e+01, v3;
	v3 =	vld [tilespmem:s31+$0x400]  }
0x122: {  	[tilespmem:s31+$0x20] =	vst v0;
	v0 =	vmul.f32 $2.771281240e+01, v4;
	v4 =	vld [tilespmem:s31+$0x410]  }
0x123: {  	[tilespmem:s31+$0x30] =	vst v1;
	v1 =	vmul.f32 $2.771281240e+01, v5;
	v5 =	vld [tilespmem:s31+$0x420];
	_ =	sdelay $0x1  }
0x124: {  	[tilespmem:s31+$0x40] =	vst v0;
	v0 =	vmul.f32 $2.771281240e+01, v6;
	v6 =	vld [tilespmem:s31+$0x470]  }
0x125: {  	[tilespmem:s31+$0x50] =	vst v1;
	v1 =	vmul.f32 $2.771281240e+01, v2;
	v2 =	vld [tilespmem:s31+$0x430]  }
0x126: {  	[tilespmem:s31+$0x60] =	vst v0;
	v0 =	vmul.f32 $2.771281240e+01, v3;
	v3 =	vld [tilespmem:s31+$0x440]  }
0x127: {  	[tilespmem:s31+$0x70] =	vst v1;
	v1 =	vmul.f32 $2.771281240e+01, v4;
	v4 =	vmul.f32 $2.771281240e+01, v5;
	v5 =	vld [tilespmem:s31+$0x460]  }
0x128: {  	[tilespmem:s31+$0x400] =	vst v0;
	v0 =	vld [tilespmem:s31+$0x450]  }
0x129: {  	[tilespmem:s31+$0x410] =	vst v1;
	v1 =	vld [tilespmem:s31+$0x800];
	v6 =	vmul.f32 $2.771281240e+01, v6  }
0x12a: {  	[tilespmem:s31+$0x420] =	vst v4;
	v4 =	vld [tilespmem:s31+$0x810];
	v2 =	vmul.f32 $2.771281240e+01, v2  }
0x12b: {  	v3 =	vmul.f32 $2.771281240e+01, v3;
	[tilespmem:s31+$0x470] =	vst v6  }
0x12c: {  	[tilespmem:s31+$0x430] =	vst v2;
	v2 =	vld [tilespmem:s31+$0x820];
	v5 =	vmul.f32 $2.771281240e+01, v5  }
0x12d: {  	v0 =	vmul.f32 $2.771281240e+01, v0;
	[tilespmem:s31+$0x440] =	vst v3;
	v3 =	vld [tilespmem:s31+$0x830]  }
0x12e: {  	v6 =	vld [tilespmem:s31+$0x870];
	[tilespmem:s31+$0x460] =	vst v5;
	v1 =	vmul.f32 $2.771281240e+01, v1  }
0x12f: {  	v4 =	vmul.f32 $2.771281240e+01, v4;
	[tilespmem:s31+$0x450] =	vst v0;
	v0 =	vld [tilespmem:s31+$0x840]  }
0x130: {  	v5 =	vld [tilespmem:s31+$0x850];
	[tilespmem:s31+$0x800] =	vst v1  }
0x131: {  	[tilespmem:s31+$0x810] =	vst v4;
	v4 =	vld [tilespmem:s31+$0x860];
	v1 =	vmul.f32 $2.771281240e+01, v2  }
0x132: {  	v2 =	vld [tilespmem:s31+$0xC00];
	v3 =	vmul.f32 $2.771281240e+01, v3  }
0x133: {  	[tilespmem:s31+$0x820] =	vst v1;
	v1 =	vld [tilespmem:s31+$0xC10]  }
0x134: {  	v0 =	vmul.f32 $2.771281240e+01, v0;
	[tilespmem:s31+$0x830] =	vst v3;
	v3 =	vld [tilespmem:s31+$0xC20]  }
0x135: {  	v5 =	vmul.f32 $2.771281240e+01, v5  }
0x136: {  	v4 =	vmul.f32 $2.771281240e+01, v4;
	[tilespmem:s31+$0x840] =	vst v0;
	v0 =	vld [tilespmem:s31+$0xC30]  }
0x137: {  	[tilespmem:s31+$0x850] =	vst v5;
	v5 =	vld [tilespmem:s31+$0xC40];
	v2 =	vmul.f32 $2.771281240e+01, v2  }
0x138: {  	v6 =	vmul.f32 $2.771281240e+01, v6;
	[tilespmem:s31+$0x860] =	vst v4;
	v4 =	vld [tilespmem:s31+$0xC50]  }
0x139: {  	v1 =	vmul.f32 $2.771281240e+01, v1;
	[tilespmem:s31+$0xC00] =	vst v2;
	v2 =	vmul.f32 $2.771281240e+01, v3;
	v3 =	vld [tilespmem:s31+$0xC60]  }
0x13a: {  	[tilespmem:s31+$0x870] =	vst v6;
	v6 =	vld [tilespmem:s31+$0xC70]  }
0x13b: {  	[tilespmem:s31+$0xC10] =	vst v1;
	v1 =	vld [tilespmem:s31+$0x1000];
	v0 =	vmul.f32 $2.771281240e+01, v0  }
0x13c: {  	v5 =	vmul.f32 $2.771281240e+01, v5;
	[tilespmem:s31+$0xC20] =	vst v2;
	v2 =	vld [tilespmem:s31+$0x1010]  }
0x13d: {  	v4 =	vmul.f32 $2.771281240e+01, v4;
	[tilespmem:s31+$0xC30] =	vst v0;
	v0 =	vld [tilespmem:s31+$0x1020]  }
0x13e: {  	[tilespmem:s31+$0xC40] =	vst v5;
	v5 =	vld [tilespmem:s31+$0x1030];
	v3 =	vmul.f32 $2.771281240e+01, v3  }
0x13f: {  	v7 =	vld [tilespmem:s31+$0x1040];
	[tilespmem:s31+$0xC50] =	vst v4;
	v4 =	vmul.f32 $2.771281240e+01, v6  }
0x140: {  	v8 =	vld [tilespmem:s31+$0x1050];
	v1 =	vmul.f32 $2.771281240e+01, v1;
	[tilespmem:s31+$0xC60] =	vst v3  }
0x141: {  	[tilespmem:s31+$0xC70] =	vst v4;
	v2 =	vmul.f32 $2.771281240e+01, v2;
	v3 =	vld [tilespmem:s31+$0x1060]  }
0x142: {  	v4 =	vld [tilespmem:s31+$0x1070];
	[tilespmem:s31+$0x1000] =	vst v1;
	v0 =	vmul.f32 $2.771281240e+01, v0  }
0x143: {  	v1 =	vld [tilespmem:s31+$0x1400];
	[tilespmem:s31+$0x1010] =	vst v2;
	v2 =	vmul.f32 $2.771281240e+01, v5  }
0x144: {  	v6 =	vmul.f32 $2.771281240e+01, v7;
	[tilespmem:s31+$0x1020] =	vst v0;
	v0 =	vld [tilespmem:s31+$0x1410]  }
0x145: {  	s0 =	simm.s32 $0x1;
	v5 =	vmul.f32 $2.771281240e+01, v8;
	[tilespmem:s31+$0x1030] =	vst v2;
	v2 =	vld [tilespmem:s31+$0x1420]  }
.LBB2_6:
0x146: {  	s3 =	sshrl.u32 s0, $0x3;
	p0 =	sne.s32 s0, $0x3F;
	[tilespmem:s31+$0x1040] =	vst v6;
	v3 =	vmul.f32 $2.771281240e+01, v3;
	v6 =	vld [tilespmem:s31+$0x1430]  }
0x147: {  	s3 =	smul.u32 $0x6000, s3;
	[tilespmem:s31+$0x1050] =	vst v5;
	v4 =	vmul.f32 $2.771281240e+01, v4;
	v5 =	vld [tilespmem:s31+$0x1440]  }
0x148: {  	s1 =	sadd.s32 $0x80, s1;
	[tilespmem:s31+$0x1060] =	vst v3;
	v1 =	vmul.f32 $2.771281240e+01, v1;
	v3 =	vld [tilespmem:s31+$0x1450]  }
0x149: {  	s5 =	sand.u32 $0x380, s1;
	s3 =	sshra.s32 s3, $0x2;
	[tilespmem:s31+$0x1070] =	vst v4;
	v0 =	vmul.f32 $2.771281240e+01, v0;
	v4 =	vld [tilespmem:s31+$0x1460]  }
0x14a: {  	s3 =	sor.u32 s5, s3;
	[tilespmem:s31+$0x1400] =	vst v1;
	v1 =	vmul.f32 $2.771281240e+01, v2;
	v2 =	vld [tilespmem:s31+$0x1470]  }
0x14b: {  	v7 =	vld [tilespmem:s3+$0x0];
	[tilespmem:s31+$0x1410] =	vst v0;
	v0 =	vmul.f32 $2.771281240e+01, v6  }
0x14c: {  	v6 =	vld [tilespmem:s3+$0x10];
	[tilespmem:s31+$0x1420] =	vst v1;
	v1 =	vmul.f32 $2.771281240e+01, v5  }
0x14d: {  	v5 =	vld [tilespmem:s3+$0x20];
	[tilespmem:s31+$0x1430] =	vst v0;
	v0 =	vmul.f32 $2.771281240e+01, v3  }
0x14e: {  	v3 =	vld [tilespmem:s3+$0x30];
	[tilespmem:s31+$0x1440] =	vst v1;
	v1 =	vmul.f32 $2.771281240e+01, v4  }
0x14f: {  	v4 =	vld [tilespmem:s3+$0x40];
	[tilespmem:s31+$0x1450] =	vst v0;
	v0 =	vmul.f32 $2.771281240e+01, v2  }
0x150: {  	v2 =	vmul.f32 $2.771281240e+01, v7;
	v7 =	vld [tilespmem:s3+$0x50];
	[tilespmem:s31+$0x1460] =	vst v1  }
0x151: {  	v1 =	vmul.f32 $2.771281240e+01, v6;
	v6 =	vld [tilespmem:s3+$0x60];
	[tilespmem:s31+$0x1470] =	vst v0;
	s31 =	smov.u32 s3  }
0x152: {  	[tilespmem:s31+$0x0] =	vst v2;
	v0 =	vmul.f32 $2.771281240e+01, v5;
	v2 =	vld [tilespmem:s31+$0x70]  }
0x153: {  	[tilespmem:s31+$0x10] =	vst v1;
	v1 =	vmul.f32 $2.771281240e+01, v3;
	v3 =	vld [tilespmem:s31+$0x400]  }
0x154: {  	[tilespmem:s31+$0x20] =	vst v0;
	v0 =	vmul.f32 $2.771281240e+01, v4;
	v4 =	vld [tilespmem:s31+$0x410]  }
0x155: {  	[tilespmem:s31+$0x30] =	vst v1;
	v1 =	vmul.f32 $2.771281240e+01, v7;
	v5 =	vld [tilespmem:s31+$0x420]  }
0x156: {  	[tilespmem:s31+$0x40] =	vst v0;
	v0 =	vmul.f32 $2.771281240e+01, v6;
	v6 =	vld [tilespmem:s31+$0x430]  }
0x157: {  	[tilespmem:s31+$0x50] =	vst v1;
	v1 =	vmul.f32 $2.771281240e+01, v2;
	v2 =	vld [tilespmem:s31+$0x440]  }
0x158: {  	[tilespmem:s31+$0x60] =	vst v0;
	v0 =	vmul.f32 $2.771281240e+01, v3;
	v3 =	vld [tilespmem:s31+$0x450]  }
0x159: {  	[tilespmem:s31+$0x70] =	vst v1;
	v1 =	vmul.f32 $2.771281240e+01, v4;
	v4 =	vld [tilespmem:s31+$0x460]  }
0x15a: {  	[tilespmem:s31+$0x400] =	vst v0;
	v0 =	vmul.f32 $2.771281240e+01, v5;
	v5 =	vld [tilespmem:s31+$0x470]  }
0x15b: {  	[tilespmem:s31+$0x410] =	vst v1;
	v1 =	vmul.f32 $2.771281240e+01, v6;
	v6 =	vld [tilespmem:s31+$0x800]  }
0x15c: {  	[tilespmem:s31+$0x420] =	vst v0;
	v0 =	vmul.f32 $2.771281240e+01, v2;
	v2 =	vld [tilespmem:s31+$0x810]  }
0x15d: {  	[tilespmem:s31+$0x430] =	vst v1;
	v1 =	vmul.f32 $2.771281240e+01, v3;
	v3 =	vld [tilespmem:s31+$0x820]  }
0x15e: {  	[tilespmem:s31+$0x440] =	vst v0;
	v0 =	vmul.f32 $2.771281240e+01, v4;
	v4 =	vld [tilespmem:s31+$0x830]  }
0x15f: {  	[tilespmem:s31+$0x450] =	vst v1;
	v1 =	vmul.f32 $2.771281240e+01, v5;
	v5 =	vld [tilespmem:s31+$0x840]  }
0x160: {  	[tilespmem:s31+$0x460] =	vst v0;
	v0 =	vmul.f32 $2.771281240e+01, v6;
	v6 =	vld [tilespmem:s31+$0x850]  }
0x161: {  	[tilespmem:s31+$0x470] =	vst v1;
	v1 =	vmul.f32 $2.771281240e+01, v2;
	v2 =	vld [tilespmem:s31+$0x860]  }
0x162: {  	[tilespmem:s31+$0x800] =	vst v0;
	v0 =	vmul.f32 $2.771281240e+01, v3;
	v3 =	vld [tilespmem:s31+$0x870]  }
0x163: {  	[tilespmem:s31+$0x810] =	vst v1;
	v1 =	vmul.f32 $2.771281240e+01, v4;
	v4 =	vld [tilespmem:s31+$0xC00]  }
0x164: {  	[tilespmem:s31+$0x820] =	vst v0;
	v0 =	vmul.f32 $2.771281240e+01, v5;
	v5 =	vld [tilespmem:s31+$0xC10]  }
0x165: {  	[tilespmem:s31+$0x830] =	vst v1;
	v1 =	vmul.f32 $2.771281240e+01, v6;
	v6 =	vld [tilespmem:s31+$0xC20]  }
0x166: {  	[tilespmem:s31+$0x840] =	vst v0;
	v0 =	vmul.f32 $2.771281240e+01, v2;
	v2 =	vld [tilespmem:s31+$0xC30]  }
0x167: {  	[tilespmem:s31+$0x850] =	vst v1;
	v1 =	vmul.f32 $2.771281240e+01, v3;
	v3 =	vld [tilespmem:s31+$0xC40]  }
0x168: {  	[tilespmem:s31+$0x860] =	vst v0;
	v0 =	vmul.f32 $2.771281240e+01, v4;
	v4 =	vld [tilespmem:s31+$0xC50]  }
0x169: {  	[tilespmem:s31+$0x870] =	vst v1;
	v1 =	vmul.f32 $2.771281240e+01, v5;
	v5 =	vld [tilespmem:s31+$0xC60]  }
0x16a: {  	[tilespmem:s31+$0xC00] =	vst v0;
	v0 =	vmul.f32 $2.771281240e+01, v6;
	v6 =	vld [tilespmem:s31+$0xC70]  }
0x16b: {  	[tilespmem:s31+$0xC10] =	vst v1;
	v1 =	vmul.f32 $2.771281240e+01, v2;
	v2 =	vld [tilespmem:s31+$0x1000]  }
0x16c: {  	[tilespmem:s31+$0xC20] =	vst v0;
	v0 =	vmul.f32 $2.771281240e+01, v3;
	v3 =	vld [tilespmem:s31+$0x1010]  }
0x16d: {  	[tilespmem:s31+$0xC30] =	vst v1;
	v1 =	vmul.f32 $2.771281240e+01, v4;
	v4 =	vld [tilespmem:s31+$0x1020]  }
0x16e: {  	[tilespmem:s31+$0xC40] =	vst v0;
	v0 =	vmul.f32 $2.771281240e+01, v5;
	v5 =	vld [tilespmem:s31+$0x1030]  }
0x16f: {  	[tilespmem:s31+$0xC50] =	vst v1;
	v1 =	vmul.f32 $2.771281240e+01, v6;
	v6 =	vld [tilespmem:s31+$0x1040]  }
0x170: {  	[tilespmem:s31+$0xC60] =	vst v0;
	v0 =	vmul.f32 $2.771281240e+01, v2;
	v2 =	vld [tilespmem:s31+$0x1050]  }
.Ltmp2:
0x171: {  	[tilespmem:s31+$0xC70] =	vst v1;
	v1 =	vmul.f32 $2.771281240e+01, v3;
	v3 =	vld [tilespmem:s31+$0x1060];
	(pc) =	sbr.rel @p0 .LBB2_6-.Ltmp2, $4  }
0x172: {  	[tilespmem:s31+$0x1000] =	vst v0;
	v0 =	vmul.f32 $2.771281240e+01, v4;
	v4 =	vld [tilespmem:s31+$0x1070]  }
0x173: {  	[tilespmem:s31+$0x1010] =	vst v1;
	v5 =	vmul.f32 $2.771281240e+01, v5;
	v1 =	vld [tilespmem:s31+$0x1400]  }
0x174: {  	[tilespmem:s31+$0x1020] =	vst v0;
	v6 =	vmul.f32 $2.771281240e+01, v6;
	v0 =	vld [tilespmem:s31+$0x1410]  }
0x175: {  	s0 =	sadd.s32 $0x1, s0;
	[tilespmem:s31+$0x1030] =	vst v5;
	v5 =	vmul.f32 $2.771281240e+01, v2;
	v2 =	vld [tilespmem:s31+$0x1420]  }
0x176: {  	[tilespmem:s31+$0x1040] =	vst v6;
	v6 =	vld [tilespmem:s31+$0x1430];
	v3 =	vmul.f32 $2.771281240e+01, v3  }
0x177: {  	[tilespmem:s31+$0x1050] =	vst v5;
	v5 =	vld [tilespmem:s31+$0x1440];
	v4 =	vmul.f32 $2.771281240e+01, v4  }
0x178: {  	[tilespmem:s31+$0x1060] =	vst v3;
	v3 =	vld [tilespmem:s31+$0x1450];
	v1 =	vmul.f32 $2.771281240e+01, v1  }
0x179: {  	[tilespmem:s31+$0x1070] =	vst v4;
	v0 =	vmul.f32 $2.771281240e+01, v0;
	v4 =	vld [tilespmem:s31+$0x1460]  }
0x17a: {  	[tilespmem:s31+$0x1400] =	vst v1;
	v1 =	vmul.f32 $2.771281240e+01, v2;
	v2 =	vld [tilespmem:s31+$0x1470]  }
0x17b: {  	[tilespmem:s31+$0x1410] =	vst v0;
	v0 =	vmul.f32 $2.771281240e+01, v6  }
0x17c: {  	[tilespmem:s31+$0x1420] =	vst v1;
	v1 =	vmul.f32 $2.771281240e+01, v5  }
0x17d: {  	[tilespmem:s31+$0x1430] =	vst v0;
	v0 =	vmul.f32 $2.771281240e+01, v3  }
0x17e: {  	[tilespmem:s31+$0x1440] =	vst v1;
	v1 =	vmul.f32 $2.771281240e+01, v4  }
0x17f: {  	[tilespmem:s31+$0x1450] =	vst v0;
	v0 =	vmul.f32 $2.771281240e+01, v2  }
0x180: {  	[tilespmem:s31+$0x1460] =	vst v1  }
0x181: {  	s1 =	simm.s32 $0x0;
	[tilespmem:s31+$0x1470] =	vst v0  }
0x182: {  	[hbm4b:s15+s1] =	stream.linear.scatter [tilespmem:s1], [sflag:$0x3], $0xC000, $0x38;
	[tilespmem:$0x18000] =	vst v63  }
0x183: {  	_ = 	snop  }
0x184: {  	[hbm4b:s16+s1] =	stream.linear.scatter [tilespmem:s1], [sflag:$0x3], $0xC000, $0x38;
	[tilespmem:$0x18000] =	vst v63  }
0x185: {  	s0 =	simm.s32 $0x0  }
0x186: {  	[hbm4b:s17+s1] =	stream.linear.scatter [tilespmem:s1], [sflag:$0x3], $0xC000, $0x38;
	[tilespmem:$0x18000] =	vst v63  }
0x187: {  	s0 =	smul.u32 $0x6000, s0  }
0x188: {  	[hbm4b:s18+s1] =	stream.linear.scatter [tilespmem:s1], [sflag:$0x3], $0xC000, $0x38;
	[tilespmem:$0x18000] =	vst v63  }
0x189: {  	_ =	swait.ge [sflag:s28], $0xC000  }
0x18a: {  	s3 =	sand.u32 $0x380, s1;
	s0 =	sshra.s32 s0, $0x2;
	[sflag:s28] =	ssyncset.done $0x0  }
0x18b: {  	s31 =	sor.u32 s3, s0;
	[sflag:s28] =	ssyncadd.s32 $0xFFFF4000  }
0x18c: {  	v0 =	vld [tilespmem:s31+$0xC000]  }
0x18d: {  	v1 =	vld [tilespmem:s31+$0xC010]  }
0x18e: {  	v2 =	vld [tilespmem:s31+$0xC020]  }
0x18f: {  	v3 =	vld [tilespmem:s31+$0xC030]  }
0x190: {  	v4 =	vld [tilespmem:s31+$0xC040]  }
0x191: {  	v5 =	vld [tilespmem:s31+$0xC050];
	v0 =	vmul.f32 $2.771281240e+01, v0  }
0x192: {  	v6 =	vld [tilespmem:s31+$0xC060];
	v1 =	vmul.f32 $2.771281240e+01, v1  }
0x193: {  	[tilespmem:s31+$0xC000] =	vst v0;
	v0 =	vmul.f32 $2.771281240e+01, v2;
	v2 =	vld [tilespmem:s31+$0xC070]  }
0x194: {  	[tilespmem:s31+$0xC010] =	vst v1;
	v1 =	vmul.f32 $2.771281240e+01, v3;
	v3 =	vld [tilespmem:s31+$0xC400]  }
0x195: {  	[tilespmem:s31+$0xC020] =	vst v0;
	v0 =	vmul.f32 $2.771281240e+01, v4;
	v4 =	vld [tilespmem:s31+$0xC410]  }
0x196: {  	[tilespmem:s31+$0xC030] =	vst v1;
	v1 =	vmul.f32 $2.771281240e+01, v5;
	v5 =	vld [tilespmem:s31+$0xC420];
	_ =	sdelay $0x1  }
0x197: {  	[tilespmem:s31+$0xC040] =	vst v0;
	v0 =	vmul.f32 $2.771281240e+01, v6;
	v6 =	vld [tilespmem:s31+$0xC470]  }
0x198: {  	[tilespmem:s31+$0xC050] =	vst v1;
	v1 =	vmul.f32 $2.771281240e+01, v2;
	v2 =	vld [tilespmem:s31+$0xC430]  }
0x199: {  	[tilespmem:s31+$0xC060] =	vst v0;
	v0 =	vmul.f32 $2.771281240e+01, v3;
	v3 =	vld [tilespmem:s31+$0xC440]  }
0x19a: {  	[tilespmem:s31+$0xC070] =	vst v1;
	v1 =	vmul.f32 $2.771281240e+01, v4;
	v4 =	vmul.f32 $2.771281240e+01, v5;
	v5 =	vld [tilespmem:s31+$0xC460]  }
0x19b: {  	[tilespmem:s31+$0xC400] =	vst v0;
	v0 =	vld [tilespmem:s31+$0xC450]  }
0x19c: {  	[tilespmem:s31+$0xC410] =	vst v1;
	v1 =	vld [tilespmem:s31+$0xC800];
	v6 =	vmul.f32 $2.771281240e+01, v6  }
0x19d: {  	[tilespmem:s31+$0xC420] =	vst v4;
	v4 =	vld [tilespmem:s31+$0xC810];
	v2 =	vmul.f32 $2.771281240e+01, v2  }
0x19e: {  	v3 =	vmul.f32 $2.771281240e+01, v3;
	[tilespmem:s31+$0xC470] =	vst v6  }
0x19f: {  	[tilespmem:s31+$0xC430] =	vst v2;
	v2 =	vld [tilespmem:s31+$0xC820];
	v5 =	vmul.f32 $2.771281240e+01, v5  }
0x1a0: {  	v0 =	vmul.f32 $2.771281240e+01, v0;
	[tilespmem:s31+$0xC440] =	vst v3;
	v3 =	vld [tilespmem:s31+$0xC830]  }
0x1a1: {  	v6 =	vld [tilespmem:s31+$0xC870];
	[tilespmem:s31+$0xC460] =	vst v5;
	v1 =	vmul.f32 $2.771281240e+01, v1  }
0x1a2: {  	v4 =	vmul.f32 $2.771281240e+01, v4;
	[tilespmem:s31+$0xC450] =	vst v0;
	v0 =	vld [tilespmem:s31+$0xC840]  }
0x1a3: {  	v5 =	vld [tilespmem:s31+$0xC850];
	[tilespmem:s31+$0xC800] =	vst v1  }
0x1a4: {  	[tilespmem:s31+$0xC810] =	vst v4;
	v4 =	vld [tilespmem:s31+$0xC860];
	v1 =	vmul.f32 $2.771281240e+01, v2  }
0x1a5: {  	v2 =	vld [tilespmem:s31+$0xCC00];
	v3 =	vmul.f32 $2.771281240e+01, v3  }
0x1a6: {  	[tilespmem:s31+$0xC820] =	vst v1;
	v1 =	vld [tilespmem:s31+$0xCC10]  }
0x1a7: {  	v0 =	vmul.f32 $2.771281240e+01, v0;
	[tilespmem:s31+$0xC830] =	vst v3;
	v3 =	vld [tilespmem:s31+$0xCC20]  }
0x1a8: {  	v5 =	vmul.f32 $2.771281240e+01, v5  }
0x1a9: {  	v4 =	vmul.f32 $2.771281240e+01, v4;
	[tilespmem:s31+$0xC840] =	vst v0;
	v0 =	vld [tilespmem:s31+$0xCC30]  }
0x1aa: {  	[tilespmem:s31+$0xC850] =	vst v5;
	v5 =	vld [tilespmem:s31+$0xCC40];
	v2 =	vmul.f32 $2.771281240e+01, v2  }
0x1ab: {  	v6 =	vmul.f32 $2.771281240e+01, v6;
	[tilespmem:s31+$0xC860] =	vst v4;
	v4 =	vld [tilespmem:s31+$0xCC50]  }
0x1ac: {  	v1 =	vmul.f32 $2.771281240e+01, v1;
	[tilespmem:s31+$0xCC00] =	vst v2;
	v2 =	vmul.f32 $2.771281240e+01, v3;
	v3 =	vld [tilespmem:s31+$0xCC60]  }
0x1ad: {  	[tilespmem:s31+$0xC870] =	vst v6;
	v6 =	vld [tilespmem:s31+$0xCC70]  }
0x1ae: {  	[tilespmem:s31+$0xCC10] =	vst v1;
	v1 =	vld [tilespmem:s31+$0xD000];
	v0 =	vmul.f32 $2.771281240e+01, v0  }
0x1af: {  	v5 =	vmul.f32 $2.771281240e+01, v5;
	[tilespmem:s31+$0xCC20] =	vst v2;
	v2 =	vld [tilespmem:s31+$0xD010]  }
0x1b0: {  	v4 =	vmul.f32 $2.771281240e+01, v4;
	[tilespmem:s31+$0xCC30] =	vst v0;
	v0 =	vld [tilespmem:s31+$0xD020]  }
0x1b1: {  	[tilespmem:s31+$0xCC40] =	vst v5;
	v5 =	vld [tilespmem:s31+$0xD030];
	v3 =	vmul.f32 $2.771281240e+01, v3  }
0x1b2: {  	v7 =	vld [tilespmem:s31+$0xD040];
	[tilespmem:s31+$0xCC50] =	vst v4;
	v4 =	vmul.f32 $2.771281240e+01, v6  }
0x1b3: {  	v8 =	vld [tilespmem:s31+$0xD050];
	v1 =	vmul.f32 $2.771281240e+01, v1;
	[tilespmem:s31+$0xCC60] =	vst v3  }
0x1b4: {  	[tilespmem:s31+$0xCC70] =	vst v4;
	v2 =	vmul.f32 $2.771281240e+01, v2;
	v3 =	vld [tilespmem:s31+$0xD060]  }
0x1b5: {  	v4 =	vld [tilespmem:s31+$0xD070];
	[tilespmem:s31+$0xD000] =	vst v1;
	v0 =	vmul.f32 $2.771281240e+01, v0  }
0x1b6: {  	v1 =	vld [tilespmem:s31+$0xD400];
	[tilespmem:s31+$0xD010] =	vst v2;
	v2 =	vmul.f32 $2.771281240e+01, v5  }
0x1b7: {  	v6 =	vmul.f32 $2.771281240e+01, v7;
	[tilespmem:s31+$0xD020] =	vst v0;
	v0 =	vld [tilespmem:s31+$0xD410]  }
0x1b8: {  	s0 =	simm.s32 $0x1;
	v5 =	vmul.f32 $2.771281240e+01, v8;
	[tilespmem:s31+$0xD030] =	vst v2;
	v2 =	vld [tilespmem:s31+$0xD420]  }
.LBB2_8:
0x1b9: {  	s3 =	sshrl.u32 s0, $0x3;
	p0 =	sne.s32 s0, $0x3F;
	[tilespmem:s31+$0xD040] =	vst v6;
	v3 =	vmul.f32 $2.771281240e+01, v3;
	v6 =	vld [tilespmem:s31+$0xD430]  }
0x1ba: {  	s3 =	smul.u32 $0x6000, s3;
	[tilespmem:s31+$0xD050] =	vst v5;
	v4 =	vmul.f32 $2.771281240e+01, v4;
	v5 =	vld [tilespmem:s31+$0xD440]  }
0x1bb: {  	s1 =	sadd.s32 $0x80, s1;
	[tilespmem:s31+$0xD060] =	vst v3;
	v1 =	vmul.f32 $2.771281240e+01, v1;
	v3 =	vld [tilespmem:s31+$0xD450]  }
0x1bc: {  	s5 =	sand.u32 $0x380, s1;
	s3 =	sshra.s32 s3, $0x2;
	[tilespmem:s31+$0xD070] =	vst v4;
	v0 =	vmul.f32 $2.771281240e+01, v0;
	v4 =	vld [tilespmem:s31+$0xD460]  }
0x1bd: {  	s3 =	sor.u32 s5, s3;
	[tilespmem:s31+$0xD400] =	vst v1;
	v1 =	vmul.f32 $2.771281240e+01, v2;
	v2 =	vld [tilespmem:s31+$0xD470]  }
0x1be: {  	v7 =	vld [tilespmem:s3+$0xC000];
	[tilespmem:s31+$0xD410] =	vst v0;
	v0 =	vmul.f32 $2.771281240e+01, v6  }
0x1bf: {  	v6 =	vld [tilespmem:s3+$0xC010];
	[tilespmem:s31+$0xD420] =	vst v1;
	v1 =	vmul.f32 $2.771281240e+01, v5  }
0x1c0: {  	v5 =	vld [tilespmem:s3+$0xC020];
	[tilespmem:s31+$0xD430] =	vst v0;
	v0 =	vmul.f32 $2.771281240e+01, v3  }
0x1c1: {  	v3 =	vld [tilespmem:s3+$0xC030];
	[tilespmem:s31+$0xD440] =	vst v1;
	v1 =	vmul.f32 $2.771281240e+01, v4  }
0x1c2: {  	v4 =	vld [tilespmem:s3+$0xC040];
	[tilespmem:s31+$0xD450] =	vst v0;
	v0 =	vmul.f32 $2.771281240e+01, v2  }
0x1c3: {  	v2 =	vmul.f32 $2.771281240e+01, v7;
	v7 =	vld [tilespmem:s3+$0xC050];
	[tilespmem:s31+$0xD460] =	vst v1  }
0x1c4: {  	v1 =	vmul.f32 $2.771281240e+01, v6;
	v6 =	vld [tilespmem:s3+$0xC060];
	[tilespmem:s31+$0xD470] =	vst v0;
	s31 =	smov.u32 s3  }
0x1c5: {  	[tilespmem:s31+$0xC000] =	vst v2;
	v0 =	vmul.f32 $2.771281240e+01, v5;
	v2 =	vld [tilespmem:s31+$0xC070]  }
0x1c6: {  	[tilespmem:s31+$0xC010] =	vst v1;
	v1 =	vmul.f32 $2.771281240e+01, v3;
	v3 =	vld [tilespmem:s31+$0xC400]  }
0x1c7: {  	[tilespmem:s31+$0xC020] =	vst v0;
	v0 =	vmul.f32 $2.771281240e+01, v4;
	v4 =	vld [tilespmem:s31+$0xC410]  }
0x1c8: {  	[tilespmem:s31+$0xC030] =	vst v1;
	v1 =	vmul.f32 $2.771281240e+01, v7;
	v5 =	vld [tilespmem:s31+$0xC420]  }
0x1c9: {  	[tilespmem:s31+$0xC040] =	vst v0;
	v0 =	vmul.f32 $2.771281240e+01, v6;
	v6 =	vld [tilespmem:s31+$0xC430]  }
0x1ca: {  	[tilespmem:s31+$0xC050] =	vst v1;
	v1 =	vmul.f32 $2.771281240e+01, v2;
	v2 =	vld [tilespmem:s31+$0xC440]  }
0x1cb: {  	[tilespmem:s31+$0xC060] =	vst v0;
	v0 =	vmul.f32 $2.771281240e+01, v3;
	v3 =	vld [tilespmem:s31+$0xC450]  }
0x1cc: {  	[tilespmem:s31+$0xC070] =	vst v1;
	v1 =	vmul.f32 $2.771281240e+01, v4;
	v4 =	vld [tilespmem:s31+$0xC460]  }
0x1cd: {  	[tilespmem:s31+$0xC400] =	vst v0;
	v0 =	vmul.f32 $2.771281240e+01, v5;
	v5 =	vld [tilespmem:s31+$0xC470]  }
0x1ce: {  	[tilespmem:s31+$0xC410] =	vst v1;
	v1 =	vmul.f32 $2.771281240e+01, v6;
	v6 =	vld [tilespmem:s31+$0xC800]  }
0x1cf: {  	[tilespmem:s31+$0xC420] =	vst v0;
	v0 =	vmul.f32 $2.771281240e+01, v2;
	v2 =	vld [tilespmem:s31+$0xC810]  }
0x1d0: {  	[tilespmem:s31+$0xC430] =	vst v1;
	v1 =	vmul.f32 $2.771281240e+01, v3;
	v3 =	vld [tilespmem:s31+$0xC820]  }
0x1d1: {  	[tilespmem:s31+$0xC440] =	vst v0;
	v0 =	vmul.f32 $2.771281240e+01, v4;
	v4 =	vld [tilespmem:s31+$0xC830]  }
0x1d2: {  	[tilespmem:s31+$0xC450] =	vst v1;
	v1 =	vmul.f32 $2.771281240e+01, v5;
	v5 =	vld [tilespmem:s31+$0xC840]  }
0x1d3: {  	[tilespmem:s31+$0xC460] =	vst v0;
	v0 =	vmul.f32 $2.771281240e+01, v6;
	v6 =	vld [tilespmem:s31+$0xC850]  }
0x1d4: {  	[tilespmem:s31+$0xC470] =	vst v1;
	v1 =	vmul.f32 $2.771281240e+01, v2;
	v2 =	vld [tilespmem:s31+$0xC860]  }
0x1d5: {  	[tilespmem:s31+$0xC800] =	vst v0;
	v0 =	vmul.f32 $2.771281240e+01, v3;
	v3 =	vld [tilespmem:s31+$0xC870]  }
0x1d6: {  	[tilespmem:s31+$0xC810] =	vst v1;
	v1 =	vmul.f32 $2.771281240e+01, v4;
	v4 =	vld [tilespmem:s31+$0xCC00]  }
0x1d7: {  	[tilespmem:s31+$0xC820] =	vst v0;
	v0 =	vmul.f32 $2.771281240e+01, v5;
	v5 =	vld [tilespmem:s31+$0xCC10]  }
0x1d8: {  	[tilespmem:s31+$0xC830] =	vst v1;
	v1 =	vmul.f32 $2.771281240e+01, v6;
	v6 =	vld [tilespmem:s31+$0xCC20]  }
0x1d9: {  	[tilespmem:s31+$0xC840] =	vst v0;
	v0 =	vmul.f32 $2.771281240e+01, v2;
	v2 =	vld [tilespmem:s31+$0xCC30]  }
0x1da: {  	[tilespmem:s31+$0xC850] =	vst v1;
	v1 =	vmul.f32 $2.771281240e+01, v3;
	v3 =	vld [tilespmem:s31+$0xCC40]  }
0x1db: {  	[tilespmem:s31+$0xC860] =	vst v0;
	v0 =	vmul.f32 $2.771281240e+01, v4;
	v4 =	vld [tilespmem:s31+$0xCC50]  }
0x1dc: {  	[tilespmem:s31+$0xC870] =	vst v1;
	v1 =	vmul.f32 $2.771281240e+01, v5;
	v5 =	vld [tilespmem:s31+$0xCC60]  }
0x1dd: {  	[tilespmem:s31+$0xCC00] =	vst v0;
	v0 =	vmul.f32 $2.771281240e+01, v6;
	v6 =	vld [tilespmem:s31+$0xCC70]  }
0x1de: {  	[tilespmem:s31+$0xCC10] =	vst v1;
	v1 =	vmul.f32 $2.771281240e+01, v2;
	v2 =	vld [tilespmem:s31+$0xD000]  }
0x1df: {  	[tilespmem:s31+$0xCC20] =	vst v0;
	v0 =	vmul.f32 $2.771281240e+01, v3;
	v3 =	vld [tilespmem:s31+$0xD010]  }
0x1e0: {  	[tilespmem:s31+$0xCC30] =	vst v1;
	v1 =	vmul.f32 $2.771281240e+01, v4;
	v4 =	vld [tilespmem:s31+$0xD020]  }
0x1e1: {  	[tilespmem:s31+$0xCC40] =	vst v0;
	v0 =	vmul.f32 $2.771281240e+01, v5;
	v5 =	vld [tilespmem:s31+$0xD030]  }
0x1e2: {  	[tilespmem:s31+$0xCC50] =	vst v1;
	v1 =	vmul.f32 $2.771281240e+01, v6;
	v6 =	vld [tilespmem:s31+$0xD040]  }
0x1e3: {  	[tilespmem:s31+$0xCC60] =	vst v0;
	v0 =	vmul.f32 $2.771281240e+01, v2;
	v2 =	vld [tilespmem:s31+$0xD050]  }
.Ltmp3:
0x1e4: {  	[tilespmem:s31+$0xCC70] =	vst v1;
	v1 =	vmul.f32 $2.771281240e+01, v3;
	v3 =	vld [tilespmem:s31+$0xD060];
	(pc) =	sbr.rel @p0 .LBB2_8-.Ltmp3, $4  }
0x1e5: {  	[tilespmem:s31+$0xD000] =	vst v0;
	v0 =	vmul.f32 $2.771281240e+01, v4;
	v4 =	vld [tilespmem:s31+$0xD070]  }
0x1e6: {  	[tilespmem:s31+$0xD010] =	vst v1;
	v5 =	vmul.f32 $2.771281240e+01, v5;
	v1 =	vld [tilespmem:s31+$0xD400]  }
0x1e7: {  	[tilespmem:s31+$0xD020] =	vst v0;
	v6 =	vmul.f32 $2.771281240e+01, v6;
	v0 =	vld [tilespmem:s31+$0xD410]  }
0x1e8: {  	s0 =	sadd.s32 $0x1, s0;
	[tilespmem:s31+$0xD030] =	vst v5;
	v5 =	vmul.f32 $2.771281240e+01, v2;
	v2 =	vld [tilespmem:s31+$0xD420]  }
0x1e9: {  	[tilespmem:s31+$0xD040] =	vst v6;
	v53 =	vld [tilespmem:s31+$0xD430];
	v3 =	vmul.f32 $2.771281240e+01, v3  }
0x1ea: {  	v54 =	vld [tilespmem:s31+$0xD440];
	[tilespmem:s31+$0xD050] =	vst v5;
	v4 =	vmul.f32 $2.771281240e+01, v4  }
0x1eb: {  	v55 =	vld [tilespmem:s31+$0xD450];
	[tilespmem:s31+$0xD060] =	vst v3;
	v1 =	vmul.f32 $2.771281240e+01, v1  }
0x1ec: {  	v56 =	vld [tilespmem:s31+$0xD460];
	[tilespmem:s31+$0xD070] =	vst v4;
	v0 =	vmul.f32 $2.771281240e+01, v0  }
0x1ed: {  	v58 =	vld [tilespmem:s31+$0xD470];
	[tilespmem:s31+$0xD400] =	vst v1;
	v57 =	vmul.f32 $2.771281240e+01, v2  }
0x1ee: {  	[tilespmem:s31+$0xD410] =	vst v0;
	v59 =	vmul.f32 $2.771281240e+01, v53  }
0x1ef: {  	v60 =	vmul.f32 $2.771281240e+01, v54;
	[tilespmem:s31+$0xD420] =	vst v57  }
0x1f0: {  	v61 =	vmul.f32 $2.771281240e+01, v55;
	[tilespmem:s31+$0xD430] =	vst v59  }
0x1f1: {  	v62 =	vmul.f32 $2.771281240e+01, v56;
	[tilespmem:s31+$0xD440] =	vst v60  }
0x1f2: {  	v63 =	vmul.f32 $2.771281240e+01, v58;
	[tilespmem:s31+$0xD450] =	vst v61  }
0x1f3: {  	[tilespmem:s31+$0xD460] =	vst v62  }
0x1f4: {  	[tilespmem:s31+$0xD470] =	vst v63  }
0x1f5: {  	[hbm4b:s19+s2] =	stream.linear.scatter [tilespmem:s24], [sflag:$0x4], $0xC000, $0x38;
	[tilespmem:$0x18000] =	vst v63  }
0x1f6: {  	_ = 	snop  }
0x1f7: {  	[hbm4b:s20+s2] =	stream.linear.scatter [tilespmem:s24], [sflag:$0x4], $0xC000, $0x38;
	[tilespmem:$0x18000] =	vst v63  }
0x1f8: {  	_ = 	snop  }
0x1f9: {  	[hbm4b:s21+s2] =	stream.linear.scatter [tilespmem:s24], [sflag:$0x4], $0xC000, $0x38;
	[tilespmem:$0x18000] =	vst v63  }
0x1fa: {  	_ = 	snop  }
0x1fb: {  	[hbm4b:s22+s2] =	stream.linear.scatter [tilespmem:s24], [sflag:$0x4], $0xC000, $0x38;
	[tilespmem:$0x18000] =	vst v63  }
0x1fc: {  	_ =	swait.ge [sflag:s26], $0xC000  }
0x1fd: {  	[sflag:s26] =	ssyncset.done $0x0  }
0x1fe: {  	[sflag:s26] =	ssyncadd.s32 $0xFFFF4000  }
0x1ff: {  	_ =	swait.ge [sflag:s26], $0xC000  }
0x200: {  	[sflag:s26] =	ssyncset.done $0x0  }
0x201: {  	[sflag:s26] =	ssyncadd.s32 $0xFFFF4000  }
0x202: {  	_ =	swait.ge [sflag:s26], $0xC000  }
0x203: {  	[sflag:s26] =	ssyncset.done $0x0  }
0x204: {  	[sflag:s26] =	ssyncadd.s32 $0xFFFF4000  }
0x205: {  	_ =	swait.ge [sflag:s26], $0xC000  }
0x206: {  	[sflag:s26] =	ssyncset.done $0x0  }
0x207: {  	[sflag:s26] =	ssyncadd.s32 $0xFFFF4000  }
0x208: {  	_ =	swait.ge [sflag:s29], $0xC000  }
0x209: {  	[sflag:s29] =	ssyncset.done $0x0  }
0x20a: {  	[sflag:s29] =	ssyncadd.s32 $0xFFFF4000  }
0x20b: {  	_ =	swait.ge [sflag:s29], $0xC000  }
0x20c: {  	[sflag:s29] =	ssyncset.done $0x0  }
0x20d: {  	s30 =	sadd.s32 $0x1, s30;
	[sflag:s29] =	ssyncadd.s32 $0xFFFF4000  }
0x20e: {  	p0 =	sne.s32 s30, s23;
	_ =	swait.ge [sflag:s29], $0xC000  }
.Ltmp4:
0x20f: {  	[sflag:s29] =	ssyncset.done $0x0;
	(pc) =	sbr.rel @p0 .LBB2_1-.Ltmp4, $4  }
0x210: {  	[sflag:s29] =	ssyncadd.s32 $0xFFFF4000  }
0x211: {  	_ =	swait.ge [sflag:s29], $0xC000  }
0x212: {  	[sflag:s29] =	ssyncset.done $0x0  }
0x213: {  	[sflag:s29] =	ssyncadd.s32 $0xFFFF4000  }
0x214: {  	_ =	sfence.sel $0x180000  }
0x215: {  	[bflag:$0x0] =	sbarrier.arrive $0xFFFF  }
0x216: {  	_ =	strace $0x90000047  }
0x217: {  	s0 =	stileid.u32;
	[bflag:$0x2] =	sbarrier.arrive $0xFFFF  }
0x218: {  	p0 =	sne.s32 s0, $0x0;
	s0 =	rddreg [dreg:$0x2]  }
0x219: {  	s0 =	sadd.s32 @!p0 $0x100000, s0  }
0x21a: {  	[sflag:s0] =	ssyncadd.tile.s32 @!p0 $0x1;
	_ =	shalt  }
.Lfunc_end2:
_tile_overlayer_lowered:
.L_overlay_start_2:
0x21b: {  	(tag) =	ssettag $0x2  }
0x21c: {  	s0 =	rddreg [dreg:$0x0];
	s2 =	stileid.u32  }
0x21d: {  	s1 =	rddreg [dreg:$0x1];
	p0 =	sne.s32 s2, $0x0  }
0x21e: {  	s3 =	rddreg [dreg:$0x2];
	[bflag:$0x3] =	sbarrier.arrive $0xFFFF;
	s2 =	simm.s32 @!p0 $0x1C05  }
0x21f: {  	[timem:s3], [sflag:s2] =	dma.local @!p0 [hbm:s0], s1  }
0x220: {  	s0 =	simm.s32 @!p0 $0x5  }
0x221: {  	_ =	swait.ge @!p0 [sflag:s0], s1  }
0x222: {  	s1 =	ssub.s32 @!p0 $0x0, s1;
	[sflag:s0] =	ssyncset.done @!p0 $0x0  }
0x223: {  	[sflag:s0] =	ssyncadd.s32 @!p0 s1  }
0x224: {  	[bflag:$0x3] =	sbarrier.arrive $0xFFFF  }
0x225: {  	_ =	shalt  }

</sc_bundles>
